<compile_context>
chip_gen: v7x
topology: tpu7x:2x2x1
jax: 0.10.2.dev20260603
libtpu: 0.0.44.dev20260713+nightly
codegen_flags: <defaults>
</compile_context>

<pallas_src>
import functools
import jax
import jax.numpy as jnp
from jax import lax
from jax.experimental import pallas as pl
from jax.experimental.pallas import tpu as pltpu
from jax.experimental.pallas import tpu_sc as plsc

_NC = 2
_NS = 16
_C = 80


def _edge_mlp(ea, We1, be1, We2, be2):
    E, F = ea.shape
    D = We1.shape[1]
    BE = 2000
    assert E % BE == 0

    def body(ea_ref, w1_ref, b1_ref, w2_ref, b2_ref, o_ref):
        u = (jnp.dot(ea_ref[...], w1_ref[...],
                     preferred_element_type=jnp.float32) + b1_ref[...])
        h = jnp.maximum(u, 0.0)
        o_ref[...] = (
            jnp.dot(h, w2_ref[...], preferred_element_type=jnp.float32)
            + b2_ref[...]
        )

    return pl.pallas_call(
        body,
        grid=(E // BE,),
        in_specs=[
            pl.BlockSpec((BE, F), lambda i: (i, 0)),
            pl.BlockSpec((F, D), lambda i: (0, 0)),
            pl.BlockSpec((1, D), lambda i: (0, 0)),
            pl.BlockSpec((D, D), lambda i: (0, 0)),
            pl.BlockSpec((1, D), lambda i: (0, 0)),
        ],
        out_specs=pl.BlockSpec((BE, D), lambda i: (i, 0)),
        out_shape=jax.ShapeDtypeStruct((E, D), jnp.float32),
    )(ea, We1, be1.reshape(1, D), We2, be2.reshape(1, D))


def _sc_message_pass(out_nodes, m_edges, iiv, jjv):
    N, D = out_nodes.shape
    C = _C
    NCH = iiv.shape[0] // C
    NW = _NC * _NS
    CHW = NCH // NW
    EW = CHW * C
    NPAD = ((N + 2048 - 1) // 2048) * 2048
    stripe = NPAD // _NS
    assert stripe % C == 0
    mesh = plsc.VectorSubcoreMesh(core_axis_name="c", subcore_axis_name="s")

    @functools.partial(
        pl.kernel,
        out_type=jax.ShapeDtypeStruct((_NC * NPAD, D), jnp.float32),
        mesh=mesh,
        scratch_types=[
            pltpu.VMEM((C,), jnp.int32),
            pltpu.VMEM((C,), jnp.int32),
            pltpu.VMEM((C,), jnp.int32),
            pltpu.VMEM((C,), jnp.int32),
            pltpu.VMEM((C,), jnp.int32),
            pltpu.VMEM((C,), jnp.int32),
            pltpu.VMEM((C,), jnp.int32),
            pltpu.VMEM((C,), jnp.int32),
            pltpu.VMEM((C, D), jnp.float32),
            pltpu.VMEM((C, D), jnp.float32),
            pltpu.VMEM((C, D), jnp.float32),
            pltpu.VMEM((C, D), jnp.float32),
            pltpu.VMEM_SHARED((NPAD, D), jnp.float32),
        ] + [pltpu.SemaphoreType.DMA] * 12,
    )
    def k(out_hbm, m_hbm, ii_hbm, jj_hbm, part_hbm,
          bi0, bi1, bi2, bi3, bj0, bj1, bj2, bj3, g0, g1, m0, m1, acc,
          si0, si1, si2, si3, sg0, sg1, sm0, sm1, tg0, tg1, tm0, tm1):
        cid = lax.axis_index("c")
        sid = lax.axis_index("s")
        wid = sid * _NC + cid
        bi = [bi0, bi1, bi2, bi3]
        bj = [bj0, bj1, bj2, bj3]
        g = [g0, g1]
        m = [m0, m1]
        si = [si0, si1, si2, si3]
        sg = [sg0, sg1]
        sm = [sm0, sm1]
        tg = [tg0, tg1]
        tm = [tm0, tm1]

        def zrow(r, carry):
            for kk in range(D // 16):
                g0[r, pl.ds(kk * 16, 16)] = jnp.zeros((16,), jnp.float32)
            return carry
        lax.fori_loop(0, C, zrow, 0)
        for q in range(stripe // C):
            pltpu.sync_copy(g0, acc.at[pl.ds(sid * stripe + q * C, C)])
        plsc.subcore_barrier()

        def stage_idx(t, ir):
            pltpu.async_copy(ii_hbm.at[pl.ds(wid * EW + t * C, C)],
                             bi[ir], si[ir])
            pltpu.async_copy(jj_hbm.at[pl.ds(wid * EW + t * C, C)],
                             bj[ir], si[ir])

        def wait_idx(ir):
            for _ in range(2):
                pltpu.make_async_copy(ii_hbm.at[pl.ds(0, C)], bi[ir],
                                      si[ir]).wait()

        def stage_data(t, sl, ir):
            pltpu.async_copy(out_hbm.at[bj[ir]], g[sl], sg[sl])
            pltpu.async_copy(m_hbm.at[pl.ds(wid * EW + t * C, C)],
                             m[sl], sm[sl])

        def wait_data(sl):
            pltpu.make_async_copy(m_hbm.at[pl.ds(0, C)], g[sl],
                                  sg[sl]).wait()
            pltpu.make_async_copy(m_hbm.at[pl.ds(0, C)], m[sl],
                                  sm[sl]).wait()

        def scat(sl, ir):
            pltpu.async_copy(g[sl], acc.at[bi[ir]], tg[sl], add=True)
            pltpu.async_copy(m[sl], acc.at[bi[ir]], tm[sl], add=True)

        def wait_scat(sl):
            pltpu.make_async_copy(m_hbm.at[pl.ds(0, C)], g[sl],
                                  tg[sl]).wait()
            pltpu.make_async_copy(m_hbm.at[pl.ds(0, C)], m[sl],
                                  tm[sl]).wait()

        for r in range(4):
            stage_idx(r, r)
        wait_idx(0)
        stage_data(0, 0, 0)
        wait_idx(1)
        stage_data(1, 1, 1)

        def proc(t, sl, ir, nxt_idx, nxt_data):
            wait_data(sl)
            scat(sl, ir)
            wait_scat(sl)
            if nxt_idx:
                stage_idx(t + 4, ir)
            if nxt_data:
                wait_idx((ir + 2) % 4)
                stage_data(t + 2, sl, (ir + 2) % 4)

        def body(k4, carry):
            t0 = 4 * k4
            for u in range(4):
                proc(t0 + u, u % 2, u, True, True)
            return carry
        K = (CHW - 4) // 4
        lax.fori_loop(0, K, body, 0)

        for t in range(4 * K, CHW):
            proc(t, t % 2, t % 4, t + 4 < CHW, t + 2 < CHW)
        plsc.subcore_barrier()

        for q in range(stripe // C):
            base = sid * stripe + q * C
            pltpu.sync_copy(acc.at[pl.ds(base, C)],
                            part_hbm.at[pl.ds(cid * NPAD + base, C)])

    return k(out_nodes, m_edges, iiv, jjv)


def _node_mlp(out_nodes, part, NPAD, W1a, W1b, b1, W2, b2):
    N, D = out_nodes.shape
    BN = 1024
    assert NPAD % BN == 0
    nb = NPAD // BN
    grid = (N + BN - 1) // BN

    def body(o_ref, p0_ref, p1_ref, w1a_ref, w1b_ref, b1_ref, w2_ref,
             b2_ref, y_ref):
        x = o_ref[...]
        aggr = p0_ref[...] + p1_ref[...]
        h = jnp.maximum(
            jnp.dot(x, w1a_ref[...], preferred_element_type=jnp.float32)
            + jnp.dot(aggr, w1b_ref[...], preferred_element_type=jnp.float32)
            + b1_ref[...], 0.0)
        y_ref[...] = (
            x + jnp.dot(h, w2_ref[...], preferred_element_type=jnp.float32)
            + b2_ref[...]
        )

    return pl.pallas_call(
        body,
        grid=(grid,),
        in_specs=[
            pl.BlockSpec((BN, D), lambda i: (i, 0)),
            pl.BlockSpec((BN, D), lambda i: (i, 0)),
            pl.BlockSpec((BN, D), lambda i: (nb + i, 0)),
            pl.BlockSpec((D, D), lambda i: (0, 0)),
            pl.BlockSpec((D, D), lambda i: (0, 0)),
            pl.BlockSpec((1, D), lambda i: (0, 0)),
            pl.BlockSpec((D, D), lambda i: (0, 0)),
            pl.BlockSpec((1, D), lambda i: (0, 0)),
        ],
        out_specs=pl.BlockSpec((BN, D), lambda i: (i, 0)),
        out_shape=jax.ShapeDtypeStruct((N, D), jnp.float32),
    )(out_nodes, part, part, W1a, W1b, b1.reshape(1, D), W2,
      b2.reshape(1, D))


def kernel(z, edge_index, edge_attr,
           W1_0, b1_0, W2_0, b2_0, We1_0, be1_0, We2_0, be2_0,
           W1_1, b1_1, W2_1, b2_1, We1_1, be1_1, We2_1, be2_1):
    N, D = z.shape
    E = edge_index.shape[1]
    NW = _NC * _NS
    assert E % (NW * _C) == 0
    iiv = edge_index[0]
    jjv = edge_index[1]

    params = [
        (W1_0, b1_0, W2_0, b2_0, We1_0, be1_0, We2_0, be2_0),
        (W1_1, b1_1, W2_1, b2_1, We1_1, be1_1, We2_1, be2_1),
    ]
    msgs = [_edge_mlp(edge_attr, p[4], p[5], p[6], p[7]) for p in params]

    NPAD = ((N + 2048 - 1) // 2048) * 2048
    out = z
    for l, (W1, b1, W2, b2, _, _, _, _) in enumerate(params):
        part = _sc_message_pass(out, msgs[l], iiv, jjv)
        out = _node_mlp(out, part, NPAD, W1[:D], W1[D:], b1, W2, b2)
    return out

# --- scband reference (transcript-rebuilt; emitter-appended) ---
"""Pipeline reference for scband-gnn-9062380995258 (READ-ONLY COPY).

The authoritative reference and input builder live on the scoring server;
editing this copy changes nothing except your own understanding.
"""

import jax, jax.numpy as jnp
import numpy as np

N = 10000
E = 320000
D = 128
DE = 4
H = 128
NUM_LAYERS = 2


def _linear_init(key, fan_in, fan_out):
    bound = 1.0 / np.sqrt(fan_in)
    kw, kb = jax.random.split(key)
    W = jax.random.uniform(kw, (fan_in, fan_out), minval=-bound, maxval=bound, dtype=jnp.float32)
    b = jax.random.uniform(kb, (fan_out,), minval=-bound, maxval=bound, dtype=jnp.float32)
    return W, b


def setup_inputs(seed: int = 0) -> dict:
    key = jax.random.key(seed)
    ks = jax.random.split(key, 3 + 4 * NUM_LAYERS)
    inp = {}
    inp["z"] = jax.random.normal(ks[0], (N, D), dtype=jnp.float32)
    inp["edge_index"] = jax.random.randint(ks[1], (2, E), 0, N, dtype=jnp.int32)
    inp["edge_attr"] = jax.random.normal(ks[2], (E, DE), dtype=jnp.float32)
    for l in range(NUM_LAYERS):
        base = 3 + 4 * l
        W1, b1 = _linear_init(ks[base + 0], 2 * D, H)
        W2, b2 = _linear_init(ks[base + 1], H, H)
        We1, be1 = _linear_init(ks[base + 2], DE, H)
        We2, be2 = _linear_init(ks[base + 3], H, H)
        inp[f"W1_{l}"] = W1
        inp[f"b1_{l}"] = b1
        inp[f"W2_{l}"] = W2
        inp[f"b2_{l}"] = b2
        inp[f"We1_{l}"] = We1
        inp[f"be1_{l}"] = be1
        inp[f"We2_{l}"] = We2
        inp[f"be2_{l}"] = be2
    return inp


def _mlp2(x, Wa, ba, Wb, bb):
    return jax.nn.relu(x @ Wa + ba) @ Wb + bb


def reference(z, edge_index, edge_attr,
              W1_0, b1_0, W2_0, b2_0, We1_0, be1_0, We2_0, be2_0,
              W1_1, b1_1, W2_1, b2_1, We1_1, be1_1, We2_1, be2_1):
    params = [
        (W1_0, b1_0, W2_0, b2_0, We1_0, be1_0, We2_0, be2_0),
        (W1_1, b1_1, W2_1, b2_1, We1_1, be1_1, We2_1, be2_1),
    ]
    # flow='target_to_source': edge_index[0] is the node receiving the aggregation (i),
    # edge_index[1] is the neighbor supplying the message (j)
    idx_i = edge_index[0]
    idx_j = edge_index[1]
    out = z
    for (W1, b1, W2, b2, We1, be1, We2, be2) in params:
        # message: edge_proj(edge_attr) + x_j
        msg = _mlp2(edge_attr, We1, be1, We2, be2) + out[idx_j]
        # aggr='add': scatter-add at destination nodes
        aggr = jnp.zeros((out.shape[0], H), dtype=out.dtype).at[idx_i].add(msg)
        # update: network(cat([x, aggr]))
        tmp = jnp.concatenate([out, aggr], axis=-1)
        layer_out = _mlp2(tmp, W1, b1, W2, b2)
        # GNN.forward residual accumulation: out += dropout(layer_out) (p=0.0)
        out = out + layer_out
    return out

if __name__ == "__main__":
    import jax
    _d = setup_inputs()
    print(jax.jit(kernel)(*tuple(_d.values())))

</pallas_src>

<mosaic_0001>
#map = affine_map<(d0, d1) -> (0, 0)>
#map1 = affine_map<(d0, d1) -> (0)>
module attributes {stable_mosaic.version = 14 : i64} {
  func.func @k(%arg0: i32, %arg1: i32, %arg2: memref<10000x128xf32, #tpu.memory_space<hbm>>, %arg3: memref<320000x128xf32, #tpu.memory_space<hbm>>, %arg4: memref<320000xi32, #tpu.memory_space<hbm>>, %arg5: memref<320000xi32, #tpu.memory_space<hbm>>, %arg6: memref<20480x128xf32, #tpu.memory_space<hbm>>, %arg7: memref<80xi32, #tpu.memory_space<vmem>>, %arg8: memref<80xi32, #tpu.memory_space<vmem>>, %arg9: memref<80xi32, #tpu.memory_space<vmem>>, %arg10: memref<80xi32, #tpu.memory_space<vmem>>, %arg11: memref<80xi32, #tpu.memory_space<vmem>>, %arg12: memref<80xi32, #tpu.memory_space<vmem>>, %arg13: memref<80xi32, #tpu.memory_space<vmem>>, %arg14: memref<80xi32, #tpu.memory_space<vmem>>, %arg15: memref<80x128xf32, #tpu.memory_space<vmem>>, %arg16: memref<80x128xf32, #tpu.memory_space<vmem>>, %arg17: memref<80x128xf32, #tpu.memory_space<vmem>>, %arg18: memref<80x128xf32, #tpu.memory_space<vmem>>, %arg19: memref<10240x128xf32, #tpu.memory_space<vmem_shared>>, %arg20: memref<!tpu.dma_semaphore, #tpu.memory_space<semaphore_mem>>, %arg21: memref<!tpu.dma_semaphore, #tpu.memory_space<semaphore_mem>>, %arg22: memref<!tpu.dma_semaphore, #tpu.memory_space<semaphore_mem>>, %arg23: memref<!tpu.dma_semaphore, #tpu.memory_space<semaphore_mem>>, %arg24: memref<!tpu.dma_semaphore, #tpu.memory_space<semaphore_mem>>, %arg25: memref<!tpu.dma_semaphore, #tpu.memory_space<semaphore_mem>>, %arg26: memref<!tpu.dma_semaphore, #tpu.memory_space<semaphore_mem>>, %arg27: memref<!tpu.dma_semaphore, #tpu.memory_space<semaphore_mem>>, %arg28: memref<!tpu.dma_semaphore, #tpu.memory_space<semaphore_mem>>, %arg29: memref<!tpu.dma_semaphore, #tpu.memory_space<semaphore_mem>>, %arg30: memref<!tpu.dma_semaphore, #tpu.memory_space<semaphore_mem>>, %arg31: memref<!tpu.dma_semaphore, #tpu.memory_space<semaphore_mem>>) attributes {dimension_semantics = [#tpu.dimension_semantics<core_parallel>, #tpu.dimension_semantics<subcore_parallel>], iteration_bounds = array<i64: 2, 16>, scalar_prefetch = 0 : i64, scratch_operands = 25 : i64, tpu.core_type = #tpu.core_type<sc_vector_subcore>, window_params = [{transform_indices = #map}, {transform_indices = #map}, {transform_indices = #map1}, {transform_indices = #map1}, {transform_indices = #map}]} {
    %mul3A = arith.constant 2 : i32
    %mul3A_0 = arith.muli %arg1, %mul3A : i32
    %add3A = arith.addi %mul3A_0, %arg0 : i32
    %scan3A = arith.constant 0 : i32
    %scan3A_1 = arith.constant 0 : i32
    %scan3A_2 = arith.constant 80 : i32
    %scan3A_3 = arith.addi %scan3A_1, %scan3A_2 : i32
    %scan3A_4 = arith.constant 1 : i32
    scf.for %scan3A_404 = %scan3A_1 to %scan3A_3 step %scan3A_4  : i32 {
      %broadcast_in_dim3A = arith.constant 0.000000e+00 : f32
      %broadcast_in_dim3A_405 = vector.broadcast %broadcast_in_dim3A : f32 to vector<16xf32>
      %swap3A = arith.index_cast %scan3A_404 : i32 to index
      %swap3A_406 = arith.constant 0 : index
      %swap3A_407 = tpu.vector_load %arg15[%swap3A, %swap3A_406] {strides = array<i32>} : memref<80x128xf32, #tpu.memory_space<vmem>>, vector<1x16xf32>,
      %swap3A_408 = vector.shape_cast %swap3A_407 : vector<1x16xf32> to vector<16xf32>
      %swap3A_409 = vector.shape_cast %broadcast_in_dim3A_405 : vector<16xf32> to vector<1x16xf32>
      tpu.vector_store %arg15[%swap3A, %swap3A_406], %swap3A_409 {strides = array<i32>} : memref<80x128xf32, #tpu.memory_space<vmem>>, vector<1x16xf32>,
      %broadcast_in_dim3A_410 = arith.constant 0.000000e+00 : f32
      %broadcast_in_dim3A_411 = vector.broadcast %broadcast_in_dim3A_410 : f32 to vector<16xf32>
      %swap3A_412 = arith.index_cast %scan3A_404 : i32 to index
      %swap3A_413 = arith.constant 16 : index
      %swap3A_414 = tpu.vector_load %arg15[%swap3A_412, %swap3A_413] {strides = array<i32>} : memref<80x128xf32, #tpu.memory_space<vmem>>, vector<1x16xf32>,
      %swap3A_415 = vector.shape_cast %swap3A_414 : vector<1x16xf32> to vector<16xf32>
      %swap3A_416 = vector.shape_cast %broadcast_in_dim3A_411 : vector<16xf32> to vector<1x16xf32>
      tpu.vector_store %arg15[%swap3A_412, %swap3A_413], %swap3A_416 {strides = array<i32>} : memref<80x128xf32, #tpu.memory_space<vmem>>, vector<1x16xf32>,
      %broadcast_in_dim3A_417 = arith.constant 0.000000e+00 : f32
      %broadcast_in_dim3A_418 = vector.broadcast %broadcast_in_dim3A_417 : f32 to vector<16xf32>
      %swap3A_419 = arith.index_cast %scan3A_404 : i32 to index
      %swap3A_420 = arith.constant 32 : index
      %swap3A_421 = tpu.vector_load %arg15[%swap3A_419, %swap3A_420] {strides = array<i32>} : memref<80x128xf32, #tpu.memory_space<vmem>>, vector<1x16xf32>,
      %swap3A_422 = vector.shape_cast %swap3A_421 : vector<1x16xf32> to vector<16xf32>
      %swap3A_423 = vector.shape_cast %broadcast_in_dim3A_418 : vector<16xf32> to vector<1x16xf32>
      tpu.vector_store %arg15[%swap3A_419, %swap3A_420], %swap3A_423 {strides = array<i32>} : memref<80x128xf32, #tpu.memory_space<vmem>>, vector<1x16xf32>,
      %broadcast_in_dim3A_424 = arith.constant 0.000000e+00 : f32
      %broadcast_in_dim3A_425 = vector.broadcast %broadcast_in_dim3A_424 : f32 to vector<16xf32>
      %swap3A_426 = arith.index_cast %scan3A_404 : i32 to index
      %swap3A_427 = arith.constant 48 : index
      %swap3A_428 = tpu.vector_load %arg15[%swap3A_426, %swap3A_427] {strides = array<i32>} : memref<80x128xf32, #tpu.memory_space<vmem>>, vector<1x16xf32>,
      %swap3A_429 = vector.shape_cast %swap3A_428 : vector<1x16xf32> to vector<16xf32>
      %swap3A_430 = vector.shape_cast %broadcast_in_dim3A_425 : vector<16xf32> to vector<1x16xf32>
      tpu.vector_store %arg15[%swap3A_426, %swap3A_427], %swap3A_430 {strides = array<i32>} : memref<80x128xf32, #tpu.memory_space<vmem>>, vector<1x16xf32>,
      %broadcast_in_dim3A_431 = arith.constant 0.000000e+00 : f32
      %broadcast_in_dim3A_432 = vector.broadcast %broadcast_in_dim3A_431 : f32 to vector<16xf32>
      %swap3A_433 = arith.index_cast %scan3A_404 : i32 to index
      %swap3A_434 = arith.constant 64 : index
      %swap3A_435 = tpu.vector_load %arg15[%swap3A_433, %swap3A_434] {strides = array<i32>} : memref<80x128xf32, #tpu.memory_space<vmem>>, vector<1x16xf32>,
      %swap3A_436 = vector.shape_cast %swap3A_435 : vector<1x16xf32> to vector<16xf32>
      %swap3A_437 = vector.shape_cast %broadcast_in_dim3A_432 : vector<16xf32> to vector<1x16xf32>
      tpu.vector_store %arg15[%swap3A_433, %swap3A_434], %swap3A_437 {strides = array<i32>} : memref<80x128xf32, #tpu.memory_space<vmem>>, vector<1x16xf32>,
      %broadcast_in_dim3A_438 = arith.constant 0.000000e+00 : f32
      %broadcast_in_dim3A_439 = vector.broadcast %broadcast_in_dim3A_438 : f32 to vector<16xf32>
      %swap3A_440 = arith.index_cast %scan3A_404 : i32 to index
      %swap3A_441 = arith.constant 80 : index
      %swap3A_442 = tpu.vector_load %arg15[%swap3A_440, %swap3A_441] {strides = array<i32>} : memref<80x128xf32, #tpu.memory_space<vmem>>, vector<1x16xf32>,
      %swap3A_443 = vector.shape_cast %swap3A_442 : vector<1x16xf32> to vector<16xf32>
      %swap3A_444 = vector.shape_cast %broadcast_in_dim3A_439 : vector<16xf32> to vector<1x16xf32>
      tpu.vector_store %arg15[%swap3A_440, %swap3A_441], %swap3A_444 {strides = array<i32>} : memref<80x128xf32, #tpu.memory_space<vmem>>, vector<1x16xf32>,
      %broadcast_in_dim3A_445 = arith.constant 0.000000e+00 : f32
      %broadcast_in_dim3A_446 = vector.broadcast %broadcast_in_dim3A_445 : f32 to vector<16xf32>
      %swap3A_447 = arith.index_cast %scan3A_404 : i32 to index
      %swap3A_448 = arith.constant 96 : index
      %swap3A_449 = tpu.vector_load %arg15[%swap3A_447, %swap3A_448] {strides = array<i32>} : memref<80x128xf32, #tpu.memory_space<vmem>>, vector<1x16xf32>,
      %swap3A_450 = vector.shape_cast %swap3A_449 : vector<1x16xf32> to vector<16xf32>
      %swap3A_451 = vector.shape_cast %broadcast_in_dim3A_446 : vector<16xf32> to vector<1x16xf32>
      tpu.vector_store %arg15[%swap3A_447, %swap3A_448], %swap3A_451 {strides = array<i32>} : memref<80x128xf32, #tpu.memory_space<vmem>>, vector<1x16xf32>,
      %broadcast_in_dim3A_452 = arith.constant 0.000000e+00 : f32
      %broadcast_in_dim3A_453 = vector.broadcast %broadcast_in_dim3A_452 : f32 to vector<16xf32>
      %swap3A_454 = arith.index_cast %scan3A_404 : i32 to index
      %swap3A_455 = arith.constant 112 : index
      %swap3A_456 = tpu.vector_load %arg15[%swap3A_454, %swap3A_455] {strides = array<i32>} : memref<80x128xf32, #tpu.memory_space<vmem>>, vector<1x16xf32>,
      %swap3A_457 = vector.shape_cast %swap3A_456 : vector<1x16xf32> to vector<16xf32>
      %swap3A_458 = vector.shape_cast %broadcast_in_dim3A_453 : vector<16xf32> to vector<1x16xf32>
      tpu.vector_store %arg15[%swap3A_454, %swap3A_455], %swap3A_458 {strides = array<i32>} : memref<80x128xf32, #tpu.memory_space<vmem>>, vector<1x16xf32>,
    }
    %scan3A_5 = arith.constant 80 : i32
    %mul3A_6 = arith.constant 640 : i32
    %mul3A_7 = arith.muli %arg1, %mul3A_6 : i32
    %add3A_8 = arith.constant 0 : i32
    %add3A_9 = arith.addi %mul3A_7, %add3A_8 : i32
    "tpu.region"() ({
      %run_scoped3A = tpu.sem_alloc : memref<!tpu.dma_semaphore, #tpu.memory_space<semaphore_mem>>
      %dma_start3A_404 = arith.constant 0 : i32
      %dma_start3A_405 = tpu.memref_slice %arg19[%add3A_9, %dma_start3A_404] : memref<10240x128xf32, #tpu.memory_space<vmem_shared>> -> memref<80x128xf32, #tpu.memory_space<vmem_shared>>
      %dma_start3A_406 = arith.constant 0 : i32
      %dma_start3A_407 = tpu.memref_slice %arg19[%add3A_9, %dma_start3A_406] : memref<10240x128xf32, #tpu.memory_space<vmem_shared>> -> memref<80x128xf32, #tpu.memory_space<vmem_shared>>
      tpu.enqueue_dma source(%arg15 : memref<80x128xf32, #tpu.memory_space<vmem>>) target(%dma_start3A_407 : memref<80x128xf32, #tpu.memory_space<vmem_shared>>) target_semaphore(%run_scoped3A : memref<!tpu.dma_semaphore, #tpu.memory_space<semaphore_mem>>)
      %dma_wait3A_408 = arith.constant 0 : i32
      %dma_wait3A_409 = tpu.memref_slice %arg19[%add3A_9, %dma_wait3A_408] : memref<10240x128xf32, #tpu.memory_space<vmem_shared>> -> memref<80x128xf32, #tpu.memory_space<vmem_shared>>
      %dma_wait3A_410 = arith.constant 0 : i32
      %dma_wait3A_411 = tpu.memref_slice %arg19[%add3A_9, %dma_wait3A_410] : memref<10240x128xf32, #tpu.memory_space<vmem_shared>> -> memref<80x128xf32, #tpu.memory_space<vmem_shared>>
      tpu.wait_dma2 semaphore(%run_scoped3A : memref<!tpu.dma_semaphore, #tpu.memory_space<semaphore_mem>>) src(%arg15 : memref<80x128xf32, #tpu.memory_space<vmem>>) dst(%dma_wait3A_411 : memref<80x128xf32, #tpu.memory_space<vmem_shared>>)
      tpu.yield
    }) : () -> ()
    %mul3A_10 = arith.constant 640 : i32
    %mul3A_11 = arith.muli %arg1, %mul3A_10 : i32
    %add3A_12 = arith.constant 80 : i32
    %add3A_13 = arith.addi %mul3A_11, %add3A_12 : i32
    "tpu.region"() ({
      %run_scoped3A = tpu.sem_alloc : memref<!tpu.dma_semaphore, #tpu.memory_space<semaphore_mem>>
      %dma_start3A_404 = arith.constant 0 : i32
      %dma_start3A_405 = tpu.memref_slice %arg19[%add3A_13, %dma_start3A_404] : memref<10240x128xf32, #tpu.memory_space<vmem_shared>> -> memref<80x128xf32, #tpu.memory_space<vmem_shared>>
      %dma_start3A_406 = arith.constant 0 : i32
      %dma_start3A_407 = tpu.memref_slice %arg19[%add3A_13, %dma_start3A_406] : memref<10240x128xf32, #tpu.memory_space<vmem_shared>> -> memref<80x128xf32, #tpu.memory_space<vmem_shared>>
      tpu.enqueue_dma source(%arg15 : memref<80x128xf32, #tpu.memory_space<vmem>>) target(%dma_start3A_407 : memref<80x128xf32, #tpu.memory_space<vmem_shared>>) target_semaphore(%run_scoped3A : memref<!tpu.dma_semaphore, #tpu.memory_space<semaphore_mem>>)
      %dma_wait3A_408 = arith.constant 0 : i32
      %dma_wait3A_409 = tpu.memref_slice %arg19[%add3A_13, %dma_wait3A_408] : memref<10240x128xf32, #tpu.memory_space<vmem_shared>> -> memref<80x128xf32, #tpu.memory_space<vmem_shared>>
      %dma_wait3A_410 = arith.constant 0 : i32
      %dma_wait3A_411 = tpu.memref_slice %arg19[%add3A_13, %dma_wait3A_410] : memref<10240x128xf32, #tpu.memory_space<vmem_shared>> -> memref<80x128xf32, #tpu.memory_space<vmem_shared>>
      tpu.wait_dma2 semaphore(%run_scoped3A : memref<!tpu.dma_semaphore, #tpu.memory_space<semaphore_mem>>) src(%arg15 : memref<80x128xf32, #tpu.memory_space<vmem>>) dst(%dma_wait3A_411 : memref<80x128xf32, #tpu.memory_space<vmem_shared>>)
      tpu.yield
    }) : () -> ()
    %mul3A_14 = arith.constant 640 : i32
    %mul3A_15 = arith.muli %arg1, %mul3A_14 : i32
    %add3A_16 = arith.constant 160 : i32
    %add3A_17 = arith.addi %mul3A_15, %add3A_16 : i32
    "tpu.region"() ({
      %run_scoped3A = tpu.sem_alloc : memref<!tpu.dma_semaphore, #tpu.memory_space<semaphore_mem>>
      %dma_start3A_404 = arith.constant 0 : i32
      %dma_start3A_405 = tpu.memref_slice %arg19[%add3A_17, %dma_start3A_404] : memref<10240x128xf32, #tpu.memory_space<vmem_shared>> -> memref<80x128xf32, #tpu.memory_space<vmem_shared>>
      %dma_start3A_406 = arith.constant 0 : i32
      %dma_start3A_407 = tpu.memref_slice %arg19[%add3A_17, %dma_start3A_406] : memref<10240x128xf32, #tpu.memory_space<vmem_shared>> -> memref<80x128xf32, #tpu.memory_space<vmem_shared>>
      tpu.enqueue_dma source(%arg15 : memref<80x128xf32, #tpu.memory_space<vmem>>) target(%dma_start3A_407 : memref<80x128xf32, #tpu.memory_space<vmem_shared>>) target_semaphore(%run_scoped3A : memref<!tpu.dma_semaphore, #tpu.memory_space<semaphore_mem>>)
      %dma_wait3A_408 = arith.constant 0 : i32
      %dma_wait3A_409 = tpu.memref_slice %arg19[%add3A_17, %dma_wait3A_408] : memref<10240x128xf32, #tpu.memory_space<vmem_shared>> -> memref<80x128xf32, #tpu.memory_space<vmem_shared>>
      %dma_wait3A_410 = arith.constant 0 : i32
      %dma_wait3A_411 = tpu.memref_slice %arg19[%add3A_17, %dma_wait3A_410] : memref<10240x128xf32, #tpu.memory_space<vmem_shared>> -> memref<80x128xf32, #tpu.memory_space<vmem_shared>>
      tpu.wait_dma2 semaphore(%run_scoped3A : memref<!tpu.dma_semaphore, #tpu.memory_space<semaphore_mem>>) src(%arg15 : memref<80x128xf32, #tpu.memory_space<vmem>>) dst(%dma_wait3A_411 : memref<80x128xf32, #tpu.memory_space<vmem_shared>>)
      tpu.yield
    }) : () -> ()
    %mul3A_18 = arith.constant 640 : i32
    %mul3A_19 = arith.muli %arg1, %mul3A_18 : i32
    %add3A_20 = arith.constant 240 : i32
    %add3A_21 = arith.addi %mul3A_19, %add3A_20 : i32
    "tpu.region"() ({
      %run_scoped3A = tpu.sem_alloc : memref<!tpu.dma_semaphore, #tpu.memory_space<semaphore_mem>>
      %dma_start3A_404 = arith.constant 0 : i32
      %dma_start3A_405 = tpu.memref_slice %arg19[%add3A_21, %dma_start3A_404] : memref<10240x128xf32, #tpu.memory_space<vmem_shared>> -> memref<80x128xf32, #tpu.memory_space<vmem_shared>>
      %dma_start3A_406 = arith.constant 0 : i32
      %dma_start3A_407 = tpu.memref_slice %arg19[%add3A_21, %dma_start3A_406] : memref<10240x128xf32, #tpu.memory_space<vmem_shared>> -> memref<80x128xf32, #tpu.memory_space<vmem_shared>>
      tpu.enqueue_dma source(%arg15 : memref<80x128xf32, #tpu.memory_space<vmem>>) target(%dma_start3A_407 : memref<80x128xf32, #tpu.memory_space<vmem_shared>>) target_semaphore(%run_scoped3A : memref<!tpu.dma_semaphore, #tpu.memory_space<semaphore_mem>>)
      %dma_wait3A_408 = arith.constant 0 : i32
      %dma_wait3A_409 = tpu.memref_slice %arg19[%add3A_21, %dma_wait3A_408] : memref<10240x128xf32, #tpu.memory_space<vmem_shared>> -> memref<80x128xf32, #tpu.memory_space<vmem_shared>>
      %dma_wait3A_410 = arith.constant 0 : i32
      %dma_wait3A_411 = tpu.memref_slice %arg19[%add3A_21, %dma_wait3A_410] : memref<10240x128xf32, #tpu.memory_space<vmem_shared>> -> memref<80x128xf32, #tpu.memory_space<vmem_shared>>
      tpu.wait_dma2 semaphore(%run_scoped3A : memref<!tpu.dma_semaphore, #tpu.memory_space<semaphore_mem>>) src(%arg15 : memref<80x128xf32, #tpu.memory_space<vmem>>) dst(%dma_wait3A_411 : memref<80x128xf32, #tpu.memory_space<vmem_shared>>)
      tpu.yield
    }) : () -> ()
    %mul3A_22 = arith.constant 640 : i32
    %mul3A_23 = arith.muli %arg1, %mul3A_22 : i32
    %add3A_24 = arith.constant 320 : i32
    %add3A_25 = arith.addi %mul3A_23, %add3A_24 : i32
    "tpu.region"() ({
      %run_scoped3A = tpu.sem_alloc : memref<!tpu.dma_semaphore, #tpu.memory_space<semaphore_mem>>
      %dma_start3A_404 = arith.constant 0 : i32
      %dma_start3A_405 = tpu.memref_slice %arg19[%add3A_25, %dma_start3A_404] : memref<10240x128xf32, #tpu.memory_space<vmem_shared>> -> memref<80x128xf32, #tpu.memory_space<vmem_shared>>
      %dma_start3A_406 = arith.constant 0 : i32
      %dma_start3A_407 = tpu.memref_slice %arg19[%add3A_25, %dma_start3A_406] : memref<10240x128xf32, #tpu.memory_space<vmem_shared>> -> memref<80x128xf32, #tpu.memory_space<vmem_shared>>
      tpu.enqueue_dma source(%arg15 : memref<80x128xf32, #tpu.memory_space<vmem>>) target(%dma_start3A_407 : memref<80x128xf32, #tpu.memory_space<vmem_shared>>) target_semaphore(%run_scoped3A : memref<!tpu.dma_semaphore, #tpu.memory_space<semaphore_mem>>)
      %dma_wait3A_408 = arith.constant 0 : i32
      %dma_wait3A_409 = tpu.memref_slice %arg19[%add3A_25, %dma_wait3A_408] : memref<10240x128xf32, #tpu.memory_space<vmem_shared>> -> memref<80x128xf32, #tpu.memory_space<vmem_shared>>
      %dma_wait3A_410 = arith.constant 0 : i32
      %dma_wait3A_411 = tpu.memref_slice %arg19[%add3A_25, %dma_wait3A_410] : memref<10240x128xf32, #tpu.memory_space<vmem_shared>> -> memref<80x128xf32, #tpu.memory_space<vmem_shared>>
      tpu.wait_dma2 semaphore(%run_scoped3A : memref<!tpu.dma_semaphore, #tpu.memory_space<semaphore_mem>>) src(%arg15 : memref<80x128xf32, #tpu.memory_space<vmem>>) dst(%dma_wait3A_411 : memref<80x128xf32, #tpu.memory_space<vmem_shared>>)
      tpu.yield
    }) : () -> ()
    %mul3A_26 = arith.constant 640 : i32
    %mul3A_27 = arith.muli %arg1, %mul3A_26 : i32
    %add3A_28 = arith.constant 400 : i32
    %add3A_29 = arith.addi %mul3A_27, %add3A_28 : i32
    "tpu.region"() ({
      %run_scoped3A = tpu.sem_alloc : memref<!tpu.dma_semaphore, #tpu.memory_space<semaphore_mem>>
      %dma_start3A_404 = arith.constant 0 : i32
      %dma_start3A_405 = tpu.memref_slice %arg19[%add3A_29, %dma_start3A_404] : memref<10240x128xf32, #tpu.memory_space<vmem_shared>> -> memref<80x128xf32, #tpu.memory_space<vmem_shared>>
      %dma_start3A_406 = arith.constant 0 : i32
      %dma_start3A_407 = tpu.memref_slice %arg19[%add3A_29, %dma_start3A_406] : memref<10240x128xf32, #tpu.memory_space<vmem_shared>> -> memref<80x128xf32, #tpu.memory_space<vmem_shared>>
      tpu.enqueue_dma source(%arg15 : memref<80x128xf32, #tpu.memory_space<vmem>>) target(%dma_start3A_407 : memref<80x128xf32, #tpu.memory_space<vmem_shared>>) target_semaphore(%run_scoped3A : memref<!tpu.dma_semaphore, #tpu.memory_space<semaphore_mem>>)
      %dma_wait3A_408 = arith.constant 0 : i32
      %dma_wait3A_409 = tpu.memref_slice %arg19[%add3A_29, %dma_wait3A_408] : memref<10240x128xf32, #tpu.memory_space<vmem_shared>> -> memref<80x128xf32, #tpu.memory_space<vmem_shared>>
      %dma_wait3A_410 = arith.constant 0 : i32
      %dma_wait3A_411 = tpu.memref_slice %arg19[%add3A_29, %dma_wait3A_410] : memref<10240x128xf32, #tpu.memory_space<vmem_shared>> -> memref<80x128xf32, #tpu.memory_space<vmem_shared>>
      tpu.wait_dma2 semaphore(%run_scoped3A : memref<!tpu.dma_semaphore, #tpu.memory_space<semaphore_mem>>) src(%arg15 : memref<80x128xf32, #tpu.memory_space<vmem>>) dst(%dma_wait3A_411 : memref<80x128xf32, #tpu.memory_space<vmem_shared>>)
      tpu.yield
    }) : () -> ()
    %mul3A_30 = arith.constant 640 : i32
    %mul3A_31 = arith.muli %arg1, %mul3A_30 : i32
    %add3A_32 = arith.constant 480 : i32
    %add3A_33 = arith.addi %mul3A_31, %add3A_32 : i32
    "tpu.region"() ({
      %run_scoped3A = tpu.sem_alloc : memref<!tpu.dma_semaphore, #tpu.memory_space<semaphore_mem>>
      %dma_start3A_404 = arith.constant 0 : i32
      %dma_start3A_405 = tpu.memref_slice %arg19[%add3A_33, %dma_start3A_404] : memref<10240x128xf32, #tpu.memory_space<vmem_shared>> -> memref<80x128xf32, #tpu.memory_space<vmem_shared>>
      %dma_start3A_406 = arith.constant 0 : i32
      %dma_start3A_407 = tpu.memref_slice %arg19[%add3A_33, %dma_start3A_406] : memref<10240x128xf32, #tpu.memory_space<vmem_shared>> -> memref<80x128xf32, #tpu.memory_space<vmem_shared>>
      tpu.enqueue_dma source(%arg15 : memref<80x128xf32, #tpu.memory_space<vmem>>) target(%dma_start3A_407 : memref<80x128xf32, #tpu.memory_space<vmem_shared>>) target_semaphore(%run_scoped3A : memref<!tpu.dma_semaphore, #tpu.memory_space<semaphore_mem>>)
      %dma_wait3A_408 = arith.constant 0 : i32
      %dma_wait3A_409 = tpu.memref_slice %arg19[%add3A_33, %dma_wait3A_408] : memref<10240x128xf32, #tpu.memory_space<vmem_shared>> -> memref<80x128xf32, #tpu.memory_space<vmem_shared>>
      %dma_wait3A_410 = arith.constant 0 : i32
      %dma_wait3A_411 = tpu.memref_slice %arg19[%add3A_33, %dma_wait3A_410] : memref<10240x128xf32, #tpu.memory_space<vmem_shared>> -> memref<80x128xf32, #tpu.memory_space<vmem_shared>>
      tpu.wait_dma2 semaphore(%run_scoped3A : memref<!tpu.dma_semaphore, #tpu.memory_space<semaphore_mem>>) src(%arg15 : memref<80x128xf32, #tpu.memory_space<vmem>>) dst(%dma_wait3A_411 : memref<80x128xf32, #tpu.memory_space<vmem_shared>>)
      tpu.yield
    }) : () -> ()
    %mul3A_34 = arith.constant 640 : i32
    %mul3A_35 = arith.muli %arg1, %mul3A_34 : i32
    %add3A_36 = arith.constant 560 : i32
    %add3A_37 = arith.addi %mul3A_35, %add3A_36 : i32
    "tpu.region"() ({
      %run_scoped3A = tpu.sem_alloc : memref<!tpu.dma_semaphore, #tpu.memory_space<semaphore_mem>>
      %dma_start3A_404 = arith.constant 0 : i32
      %dma_start3A_405 = tpu.memref_slice %arg19[%add3A_37, %dma_start3A_404] : memref<10240x128xf32, #tpu.memory_space<vmem_shared>> -> memref<80x128xf32, #tpu.memory_space<vmem_shared>>
      %dma_start3A_406 = arith.constant 0 : i32
      %dma_start3A_407 = tpu.memref_slice %arg19[%add3A_37, %dma_start3A_406] : memref<10240x128xf32, #tpu.memory_space<vmem_shared>> -> memref<80x128xf32, #tpu.memory_space<vmem_shared>>
      tpu.enqueue_dma source(%arg15 : memref<80x128xf32, #tpu.memory_space<vmem>>) target(%dma_start3A_407 : memref<80x128xf32, #tpu.memory_space<vmem_shared>>) target_semaphore(%run_scoped3A : memref<!tpu.dma_semaphore, #tpu.memory_space<semaphore_mem>>)
      %dma_wait3A_408 = arith.constant 0 : i32
      %dma_wait3A_409 = tpu.memref_slice %arg19[%add3A_37, %dma_wait3A_408] : memref<10240x128xf32, #tpu.memory_space<vmem_shared>> -> memref<80x128xf32, #tpu.memory_space<vmem_shared>>
      %dma_wait3A_410 = arith.constant 0 : i32
      %dma_wait3A_411 = tpu.memref_slice %arg19[%add3A_37, %dma_wait3A_410] : memref<10240x128xf32, #tpu.memory_space<vmem_shared>> -> memref<80x128xf32, #tpu.memory_space<vmem_shared>>
      tpu.wait_dma2 semaphore(%run_scoped3A : memref<!tpu.dma_semaphore, #tpu.memory_space<semaphore_mem>>) src(%arg15 : memref<80x128xf32, #tpu.memory_space<vmem>>) dst(%dma_wait3A_411 : memref<80x128xf32, #tpu.memory_space<vmem_shared>>)
      tpu.yield
    }) : () -> ()
    %barrier3A = arith.constant 0 : index
    tpu.barrier barrier_id(%barrier3A)
    %mul3A_38 = arith.constant 10000 : i32
    %mul3A_39 = arith.muli %add3A, %mul3A_38 : i32
    %add3A_40 = arith.constant 0 : i32
    %add3A_41 = arith.addi %mul3A_39, %add3A_40 : i32
    %dma_start3A = tpu.memref_slice %arg4[%add3A_41] : memref<320000xi32, #tpu.memory_space<hbm>> -> memref<80xi32, #tpu.memory_space<hbm>>
    %dma_start3A_42 = tpu.memref_slice %arg4[%add3A_41] : memref<320000xi32, #tpu.memory_space<hbm>> -> memref<80xi32, #tpu.memory_space<hbm>>
    tpu.enqueue_dma source(%dma_start3A_42 : memref<80xi32, #tpu.memory_space<hbm>>) target(%arg7 : memref<80xi32, #tpu.memory_space<vmem>>) target_semaphore(%arg20 : memref<!tpu.dma_semaphore, #tpu.memory_space<semaphore_mem>>)
    %mul3A_43 = arith.constant 10000 : i32
    %mul3A_44 = arith.muli %add3A, %mul3A_43 : i32
    %add3A_45 = arith.constant 0 : i32
    %add3A_46 = arith.addi %mul3A_44, %add3A_45 : i32
    %dma_start3A_47 = tpu.memref_slice %arg5[%add3A_46] : memref<320000xi32, #tpu.memory_space<hbm>> -> memref<80xi32, #tpu.memory_space<hbm>>
    %dma_start3A_48 = tpu.memref_slice %arg5[%add3A_46] : memref<320000xi32, #tpu.memory_space<hbm>> -> memref<80xi32, #tpu.memory_space<hbm>>
    tpu.enqueue_dma source(%dma_start3A_48 : memref<80xi32, #tpu.memory_space<hbm>>) target(%arg11 : memref<80xi32, #tpu.memory_space<vmem>>) target_semaphore(%arg20 : memref<!tpu.dma_semaphore, #tpu.memory_space<semaphore_mem>>)
    %mul3A_49 = arith.constant 10000 : i32
    %mul3A_50 = arith.muli %add3A, %mul3A_49 : i32
    %add3A_51 = arith.constant 80 : i32
    %add3A_52 = arith.addi %mul3A_50, %add3A_51 : i32
    %dma_start3A_53 = tpu.memref_slice %arg4[%add3A_52] : memref<320000xi32, #tpu.memory_space<hbm>> -> memref<80xi32, #tpu.memory_space<hbm>>
    %dma_start3A_54 = tpu.memref_slice %arg4[%add3A_52] : memref<320000xi32, #tpu.memory_space<hbm>> -> memref<80xi32, #tpu.memory_space<hbm>>
    tpu.enqueue_dma source(%dma_start3A_54 : memref<80xi32, #tpu.memory_space<hbm>>) target(%arg8 : memref<80xi32, #tpu.memory_space<vmem>>) target_semaphore(%arg21 : memref<!tpu.dma_semaphore, #tpu.memory_space<semaphore_mem>>)
    %mul3A_55 = arith.constant 10000 : i32
    %mul3A_56 = arith.muli %add3A, %mul3A_55 : i32
    %add3A_57 = arith.constant 80 : i32
    %add3A_58 = arith.addi %mul3A_56, %add3A_57 : i32
    %dma_start3A_59 = tpu.memref_slice %arg5[%add3A_58] : memref<320000xi32, #tpu.memory_space<hbm>> -> memref<80xi32, #tpu.memory_space<hbm>>
    %dma_start3A_60 = tpu.memref_slice %arg5[%add3A_58] : memref<320000xi32, #tpu.memory_space<hbm>> -> memref<80xi32, #tpu.memory_space<hbm>>
    tpu.enqueue_dma source(%dma_start3A_60 : memref<80xi32, #tpu.memory_space<hbm>>) target(%arg12 : memref<80xi32, #tpu.memory_space<vmem>>) target_semaphore(%arg21 : memref<!tpu.dma_semaphore, #tpu.memory_space<semaphore_mem>>)
    %mul3A_61 = arith.constant 10000 : i32
    %mul3A_62 = arith.muli %add3A, %mul3A_61 : i32
    %add3A_63 = arith.constant 160 : i32
    %add3A_64 = arith.addi %mul3A_62, %add3A_63 : i32
    %dma_start3A_65 = tpu.memref_slice %arg4[%add3A_64] : memref<320000xi32, #tpu.memory_space<hbm>> -> memref<80xi32, #tpu.memory_space<hbm>>
    %dma_start3A_66 = tpu.memref_slice %arg4[%add3A_64] : memref<320000xi32, #tpu.memory_space<hbm>> -> memref<80xi32, #tpu.memory_space<hbm>>
    tpu.enqueue_dma source(%dma_start3A_66 : memref<80xi32, #tpu.memory_space<hbm>>) target(%arg9 : memref<80xi32, #tpu.memory_space<vmem>>) target_semaphore(%arg22 : memref<!tpu.dma_semaphore, #tpu.memory_space<semaphore_mem>>)
    %mul3A_67 = arith.constant 10000 : i32
    %mul3A_68 = arith.muli %add3A, %mul3A_67 : i32
    %add3A_69 = arith.constant 160 : i32
    %add3A_70 = arith.addi %mul3A_68, %add3A_69 : i32
    %dma_start3A_71 = tpu.memref_slice %arg5[%add3A_70] : memref<320000xi32, #tpu.memory_space<hbm>> -> memref<80xi32, #tpu.memory_space<hbm>>
    %dma_start3A_72 = tpu.memref_slice %arg5[%add3A_70] : memref<320000xi32, #tpu.memory_space<hbm>> -> memref<80xi32, #tpu.memory_space<hbm>>
    tpu.enqueue_dma source(%dma_start3A_72 : memref<80xi32, #tpu.memory_space<hbm>>) target(%arg13 : memref<80xi32, #tpu.memory_space<vmem>>) target_semaphore(%arg22 : memref<!tpu.dma_semaphore, #tpu.memory_space<semaphore_mem>>)
    %mul3A_73 = arith.constant 10000 : i32
    %mul3A_74 = arith.muli %add3A, %mul3A_73 : i32
    %add3A_75 = arith.constant 240 : i32
    %add3A_76 = arith.addi %mul3A_74, %add3A_75 : i32
    %dma_start3A_77 = tpu.memref_slice %arg4[%add3A_76] : memref<320000xi32, #tpu.memory_space<hbm>> -> memref<80xi32, #tpu.memory_space<hbm>>
    %dma_start3A_78 = tpu.memref_slice %arg4[%add3A_76] : memref<320000xi32, #tpu.memory_space<hbm>> -> memref<80xi32, #tpu.memory_space<hbm>>
    tpu.enqueue_dma source(%dma_start3A_78 : memref<80xi32, #tpu.memory_space<hbm>>) target(%arg10 : memref<80xi32, #tpu.memory_space<vmem>>) target_semaphore(%arg23 : memref<!tpu.dma_semaphore, #tpu.memory_space<semaphore_mem>>)
    %mul3A_79 = arith.constant 10000 : i32
    %mul3A_80 = arith.muli %add3A, %mul3A_79 : i32
    %add3A_81 = arith.constant 240 : i32
    %add3A_82 = arith.addi %mul3A_80, %add3A_81 : i32
    %dma_start3A_83 = tpu.memref_slice %arg5[%add3A_82] : memref<320000xi32, #tpu.memory_space<hbm>> -> memref<80xi32, #tpu.memory_space<hbm>>
    %dma_start3A_84 = tpu.memref_slice %arg5[%add3A_82] : memref<320000xi32, #tpu.memory_space<hbm>> -> memref<80xi32, #tpu.memory_space<hbm>>
    tpu.enqueue_dma source(%dma_start3A_84 : memref<80xi32, #tpu.memory_space<hbm>>) target(%arg14 : memref<80xi32, #tpu.memory_space<vmem>>) target_semaphore(%arg23 : memref<!tpu.dma_semaphore, #tpu.memory_space<semaphore_mem>>)
    %dma_wait3A = arith.constant 0 : i32
    %dma_wait3A_85 = tpu.memref_slice %arg4[%dma_wait3A] : memref<320000xi32, #tpu.memory_space<hbm>> -> memref<80xi32, #tpu.memory_space<hbm>>
    %dma_wait3A_86 = arith.constant 0 : i32
    %dma_wait3A_87 = tpu.memref_slice %arg4[%dma_wait3A_86] : memref<320000xi32, #tpu.memory_space<hbm>> -> memref<80xi32, #tpu.memory_space<hbm>>
    tpu.wait_dma2 semaphore(%arg20 : memref<!tpu.dma_semaphore, #tpu.memory_space<semaphore_mem>>) src(%dma_wait3A_87 : memref<80xi32, #tpu.memory_space<hbm>>) dst(%arg7 : memref<80xi32, #tpu.memory_space<vmem>>)
    %dma_wait3A_88 = arith.constant 0 : i32
    %dma_wait3A_89 = tpu.memref_slice %arg4[%dma_wait3A_88] : memref<320000xi32, #tpu.memory_space<hbm>> -> memref<80xi32, #tpu.memory_space<hbm>>
    %dma_wait3A_90 = arith.constant 0 : i32
    %dma_wait3A_91 = tpu.memref_slice %arg4[%dma_wait3A_90] : memref<320000xi32, #tpu.memory_space<hbm>> -> memref<80xi32, #tpu.memory_space<hbm>>
    tpu.wait_dma2 semaphore(%arg20 : memref<!tpu.dma_semaphore, #tpu.memory_space<semaphore_mem>>) src(%dma_wait3A_91 : memref<80xi32, #tpu.memory_space<hbm>>) dst(%arg7 : memref<80xi32, #tpu.memory_space<vmem>>)
    %dma_start3A_92 = arith.constant 0 : i32
    %dma_start3A_93 = arith.constant 0 : i32
    %dma_start3A_94 = tpu.memref_slice %arg2[%dma_start3A_92, %dma_start3A_93] : memref<10000x128xf32, #tpu.memory_space<hbm>> -> memref<10000x128xf32, #tpu.memory_space<hbm>>
    tpu.enqueue_indirect_dma source(%dma_start3A_94 : memref<10000x128xf32, #tpu.memory_space<hbm>>) target(%arg15 : memref<80x128xf32, #tpu.memory_space<vmem>>) offsets(%arg11 : memref<80xi32, #tpu.memory_space<vmem>>) semaphore(%arg24 : memref<!tpu.dma_semaphore, #tpu.memory_space<semaphore_mem>>)
    %mul3A_95 = arith.constant 10000 : i32
    %mul3A_96 = arith.muli %add3A, %mul3A_95 : i32
    %add3A_97 = arith.constant 0 : i32
    %add3A_98 = arith.addi %mul3A_96, %add3A_97 : i32
    %dma_start3A_99 = arith.constant 0 : i32
    %dma_start3A_100 = tpu.memref_slice %arg3[%add3A_98, %dma_start3A_99] : memref<320000x128xf32, #tpu.memory_space<hbm>> -> memref<80x128xf32, #tpu.memory_space<hbm>>
    %dma_start3A_101 = arith.constant 0 : i32
    %dma_start3A_102 = tpu.memref_slice %arg3[%add3A_98, %dma_start3A_101] : memref<320000x128xf32, #tpu.memory_space<hbm>> -> memref<80x128xf32, #tpu.memory_space<hbm>>
    tpu.enqueue_dma source(%dma_start3A_102 : memref<80x128xf32, #tpu.memory_space<hbm>>) target(%arg17 : memref<80x128xf32, #tpu.memory_space<vmem>>) target_semaphore(%arg26 : memref<!tpu.dma_semaphore, #tpu.memory_space<semaphore_mem>>)
    %dma_wait3A_103 = arith.constant 0 : i32
    %dma_wait3A_104 = tpu.memref_slice %arg4[%dma_wait3A_103] : memref<320000xi32, #tpu.memory_space<hbm>> -> memref<80xi32, #tpu.memory_space<hbm>>
    %dma_wait3A_105 = arith.constant 0 : i32
    %dma_wait3A_106 = tpu.memref_slice %arg4[%dma_wait3A_105] : memref<320000xi32, #tpu.memory_space<hbm>> -> memref<80xi32, #tpu.memory_space<hbm>>
    tpu.wait_dma2 semaphore(%arg21 : memref<!tpu.dma_semaphore, #tpu.memory_space<semaphore_mem>>) src(%dma_wait3A_106 : memref<80xi32, #tpu.memory_space<hbm>>) dst(%arg8 : memref<80xi32, #tpu.memory_space<vmem>>)
    %dma_wait3A_107 = arith.constant 0 : i32
    %dma_wait3A_108 = tpu.memref_slice %arg4[%dma_wait3A_107] : memref<320000xi32, #tpu.memory_space<hbm>> -> memref<80xi32, #tpu.memory_space<hbm>>
    %dma_wait3A_109 = arith.constant 0 : i32
    %dma_wait3A_110 = tpu.memref_slice %arg4[%dma_wait3A_109] : memref<320000xi32, #tpu.memory_space<hbm>> -> memref<80xi32, #tpu.memory_space<hbm>>
    tpu.wait_dma2 semaphore(%arg21 : memref<!tpu.dma_semaphore, #tpu.memory_space<semaphore_mem>>) src(%dma_wait3A_110 : memref<80xi32, #tpu.memory_space<hbm>>) dst(%arg8 : memref<80xi32, #tpu.memory_space<vmem>>)
    %dma_start3A_111 = arith.constant 0 : i32
    %dma_start3A_112 = arith.constant 0 : i32
    %dma_start3A_113 = tpu.memref_slice %arg2[%dma_start3A_111, %dma_start3A_112] : memref<10000x128xf32, #tpu.memory_space<hbm>> -> memref<10000x128xf32, #tpu.memory_space<hbm>>
    tpu.enqueue_indirect_dma source(%dma_start3A_113 : memref<10000x128xf32, #tpu.memory_space<hbm>>) target(%arg16 : memref<80x128xf32, #tpu.memory_space<vmem>>) offsets(%arg12 : memref<80xi32, #tpu.memory_space<vmem>>) semaphore(%arg25 : memref<!tpu.dma_semaphore, #tpu.memory_space<semaphore_mem>>)
    %mul3A_114 = arith.constant 10000 : i32
    %mul3A_115 = arith.muli %add3A, %mul3A_114 : i32
    %add3A_116 = arith.constant 80 : i32
    %add3A_117 = arith.addi %mul3A_115, %add3A_116 : i32
    %dma_start3A_118 = arith.constant 0 : i32
    %dma_start3A_119 = tpu.memref_slice %arg3[%add3A_117, %dma_start3A_118] : memref<320000x128xf32, #tpu.memory_space<hbm>> -> memref<80x128xf32, #tpu.memory_space<hbm>>
    %dma_start3A_120 = arith.constant 0 : i32
    %dma_start3A_121 = tpu.memref_slice %arg3[%add3A_117, %dma_start3A_120] : memref<320000x128xf32, #tpu.memory_space<hbm>> -> memref<80x128xf32, #tpu.memory_space<hbm>>
    tpu.enqueue_dma source(%dma_start3A_121 : memref<80x128xf32, #tpu.memory_space<hbm>>) target(%arg18 : memref<80x128xf32, #tpu.memory_space<vmem>>) target_semaphore(%arg27 : memref<!tpu.dma_semaphore, #tpu.memory_space<semaphore_mem>>)
    %scan3A_122 = arith.constant 0 : i32
    %scan3A_123 = arith.constant 0 : i32
    %scan3A_124 = arith.constant 30 : i32
    %scan3A_125 = arith.addi %scan3A_123, %scan3A_124 : i32
    %scan3A_126 = arith.constant 1 : i32
    scf.for %scan3A_404 = %scan3A_123 to %scan3A_125 step %scan3A_126  : i32 {
      %mul3A_405 = arith.constant 4 : i32
      %mul3A_406 = arith.muli %mul3A_405, %scan3A_404 : i32
      %add3A_407 = arith.constant 0 : i32
      %add3A_408 = arith.addi %mul3A_406, %add3A_407 : i32
      %dma_wait3A_409 = arith.constant 0 : i32
      %dma_wait3A_410 = arith.constant 0 : i32
      %dma_wait3A_411 = tpu.memref_slice %arg3[%dma_wait3A_409, %dma_wait3A_410] : memref<320000x128xf32, #tpu.memory_space<hbm>> -> memref<80x128xf32, #tpu.memory_space<hbm>>
      %dma_wait3A_412 = arith.constant 0 : i32
      %dma_wait3A_413 = arith.constant 0 : i32
      %dma_wait3A_414 = tpu.memref_slice %arg3[%dma_wait3A_412, %dma_wait3A_413] : memref<320000x128xf32, #tpu.memory_space<hbm>> -> memref<80x128xf32, #tpu.memory_space<hbm>>
      tpu.wait_dma2 semaphore(%arg24 : memref<!tpu.dma_semaphore, #tpu.memory_space<semaphore_mem>>) src(%dma_wait3A_414 : memref<80x128xf32, #tpu.memory_space<hbm>>) dst(%arg15 : memref<80x128xf32, #tpu.memory_space<vmem>>)
      %dma_wait3A_415 = arith.constant 0 : i32
      %dma_wait3A_416 = arith.constant 0 : i32
      %dma_wait3A_417 = tpu.memref_slice %arg3[%dma_wait3A_415, %dma_wait3A_416] : memref<320000x128xf32, #tpu.memory_space<hbm>> -> memref<80x128xf32, #tpu.memory_space<hbm>>
      %dma_wait3A_418 = arith.constant 0 : i32
      %dma_wait3A_419 = arith.constant 0 : i32
      %dma_wait3A_420 = tpu.memref_slice %arg3[%dma_wait3A_418, %dma_wait3A_419] : memref<320000x128xf32, #tpu.memory_space<hbm>> -> memref<80x128xf32, #tpu.memory_space<hbm>>
      tpu.wait_dma2 semaphore(%arg26 : memref<!tpu.dma_semaphore, #tpu.memory_space<semaphore_mem>>) src(%dma_wait3A_420 : memref<80x128xf32, #tpu.memory_space<hbm>>) dst(%arg17 : memref<80x128xf32, #tpu.memory_space<vmem>>)
      %dma_start3A_421 = arith.constant 0 : i32
      %dma_start3A_422 = arith.constant 0 : i32
      %dma_start3A_423 = tpu.memref_slice %arg19[%dma_start3A_421, %dma_start3A_422] : memref<10240x128xf32, #tpu.memory_space<vmem_shared>> -> memref<10240x128xf32, #tpu.memory_space<vmem_shared>>
      tpu.enqueue_indirect_dma source(%arg15 : memref<80x128xf32, #tpu.memory_space<vmem>>) target(%dma_start3A_423 : memref<10240x128xf32, #tpu.memory_space<vmem_shared>>) offsets(%arg7 : memref<80xi32, #tpu.memory_space<vmem>>) semaphore(%arg28 : memref<!tpu.dma_semaphore, #tpu.memory_space<semaphore_mem>>) {add = true}
      %dma_start3A_424 = arith.constant 0 : i32
      %dma_start3A_425 = arith.constant 0 : i32
      %dma_start3A_426 = tpu.memref_slice %arg19[%dma_start3A_424, %dma_start3A_425] : memref<10240x128xf32, #tpu.memory_space<vmem_shared>> -> memref<10240x128xf32, #tpu.memory_space<vmem_shared>>
      tpu.enqueue_indirect_dma source(%arg17 : memref<80x128xf32, #tpu.memory_space<vmem>>) target(%dma_start3A_426 : memref<10240x128xf32, #tpu.memory_space<vmem_shared>>) offsets(%arg7 : memref<80xi32, #tpu.memory_space<vmem>>) semaphore(%arg30 : memref<!tpu.dma_semaphore, #tpu.memory_space<semaphore_mem>>) {add = true}
      %dma_wait3A_427 = arith.constant 0 : i32
      %dma_wait3A_428 = arith.constant 0 : i32
      %dma_wait3A_429 = tpu.memref_slice %arg3[%dma_wait3A_427, %dma_wait3A_428] : memref<320000x128xf32, #tpu.memory_space<hbm>> -> memref<80x128xf32, #tpu.memory_space<hbm>>
      %dma_wait3A_430 = arith.constant 0 : i32
      %dma_wait3A_431 = arith.constant 0 : i32
      %dma_wait3A_432 = tpu.memref_slice %arg3[%dma_wait3A_430, %dma_wait3A_431] : memref<320000x128xf32, #tpu.memory_space<hbm>> -> memref<80x128xf32, #tpu.memory_space<hbm>>
      tpu.wait_dma2 semaphore(%arg28 : memref<!tpu.dma_semaphore, #tpu.memory_space<semaphore_mem>>) src(%dma_wait3A_432 : memref<80x128xf32, #tpu.memory_space<hbm>>) dst(%arg15 : memref<80x128xf32, #tpu.memory_space<vmem>>)
      %dma_wait3A_433 = arith.constant 0 : i32
      %dma_wait3A_434 = arith.constant 0 : i32
      %dma_wait3A_435 = tpu.memref_slice %arg3[%dma_wait3A_433, %dma_wait3A_434] : memref<320000x128xf32, #tpu.memory_space<hbm>> -> memref<80x128xf32, #tpu.memory_space<hbm>>
      %dma_wait3A_436 = arith.constant 0 : i32
      %dma_wait3A_437 = arith.constant 0 : i32
      %dma_wait3A_438 = tpu.memref_slice %arg3[%dma_wait3A_436, %dma_wait3A_437] : memref<320000x128xf32, #tpu.memory_space<hbm>> -> memref<80x128xf32, #tpu.memory_space<hbm>>
      tpu.wait_dma2 semaphore(%arg30 : memref<!tpu.dma_semaphore, #tpu.memory_space<semaphore_mem>>) src(%dma_wait3A_438 : memref<80x128xf32, #tpu.memory_space<hbm>>) dst(%arg17 : memref<80x128xf32, #tpu.memory_space<vmem>>)
      %add3A_439 = arith.constant 4 : i32
      %add3A_440 = arith.addi %add3A_408, %add3A_439 : i32
      %mul3A_441 = arith.constant 10000 : i32
      %mul3A_442 = arith.muli %add3A, %mul3A_441 : i32
      %mul3A_443 = arith.constant 80 : i32
      %mul3A_444 = arith.muli %add3A_440, %mul3A_443 : i32
      %add3A_445 = arith.addi %mul3A_442, %mul3A_444 : i32
      %dma_start3A_446 = tpu.memref_slice %arg4[%add3A_445] : memref<320000xi32, #tpu.memory_space<hbm>> -> memref<80xi32, #tpu.memory_space<hbm>>
      %dma_start3A_447 = tpu.memref_slice %arg4[%add3A_445] : memref<320000xi32, #tpu.memory_space<hbm>> -> memref<80xi32, #tpu.memory_space<hbm>>
      tpu.enqueue_dma source(%dma_start3A_447 : memref<80xi32, #tpu.memory_space<hbm>>) target(%arg7 : memref<80xi32, #tpu.memory_space<vmem>>) target_semaphore(%arg20 : memref<!tpu.dma_semaphore, #tpu.memory_space<semaphore_mem>>)
      %mul3A_448 = arith.constant 10000 : i32
      %mul3A_449 = arith.muli %add3A, %mul3A_448 : i32
      %mul3A_450 = arith.constant 80 : i32
      %mul3A_451 = arith.muli %add3A_440, %mul3A_450 : i32
      %add3A_452 = arith.addi %mul3A_449, %mul3A_451 : i32
      %dma_start3A_453 = tpu.memref_slice %arg5[%add3A_452] : memref<320000xi32, #tpu.memory_space<hbm>> -> memref<80xi32, #tpu.memory_space<hbm>>
      %dma_start3A_454 = tpu.memref_slice %arg5[%add3A_452] : memref<320000xi32, #tpu.memory_space<hbm>> -> memref<80xi32, #tpu.memory_space<hbm>>
      tpu.enqueue_dma source(%dma_start3A_454 : memref<80xi32, #tpu.memory_space<hbm>>) target(%arg11 : memref<80xi32, #tpu.memory_space<vmem>>) target_semaphore(%arg20 : memref<!tpu.dma_semaphore, #tpu.memory_space<semaphore_mem>>)
      %dma_wait3A_455 = arith.constant 0 : i32
      %dma_wait3A_456 = tpu.memref_slice %arg4[%dma_wait3A_455] : memref<320000xi32, #tpu.memory_space<hbm>> -> memref<80xi32, #tpu.memory_space<hbm>>
      %dma_wait3A_457 = arith.constant 0 : i32
      %dma_wait3A_458 = tpu.memref_slice %arg4[%dma_wait3A_457] : memref<320000xi32, #tpu.memory_space<hbm>> -> memref<80xi32, #tpu.memory_space<hbm>>
      tpu.wait_dma2 semaphore(%arg22 : memref<!tpu.dma_semaphore, #tpu.memory_space<semaphore_mem>>) src(%dma_wait3A_458 : memref<80xi32, #tpu.memory_space<hbm>>) dst(%arg9 : memref<80xi32, #tpu.memory_space<vmem>>)
      %dma_wait3A_459 = arith.constant 0 : i32
      %dma_wait3A_460 = tpu.memref_slice %arg4[%dma_wait3A_459] : memref<320000xi32, #tpu.memory_space<hbm>> -> memref<80xi32, #tpu.memory_space<hbm>>
      %dma_wait3A_461 = arith.constant 0 : i32
      %dma_wait3A_462 = tpu.memref_slice %arg4[%dma_wait3A_461] : memref<320000xi32, #tpu.memory_space<hbm>> -> memref<80xi32, #tpu.memory_space<hbm>>
      tpu.wait_dma2 semaphore(%arg22 : memref<!tpu.dma_semaphore, #tpu.memory_space<semaphore_mem>>) src(%dma_wait3A_462 : memref<80xi32, #tpu.memory_space<hbm>>) dst(%arg9 : memref<80xi32, #tpu.memory_space<vmem>>)
      %add3A_463 = arith.constant 2 : i32
      %add3A_464 = arith.addi %add3A_408, %add3A_463 : i32
      %dma_start3A_465 = arith.constant 0 : i32
      %dma_start3A_466 = arith.constant 0 : i32
      %dma_start3A_467 = tpu.memref_slice %arg2[%dma_start3A_465, %dma_start3A_466] : memref<10000x128xf32, #tpu.memory_space<hbm>> -> memref<10000x128xf32, #tpu.memory_space<hbm>>
      tpu.enqueue_indirect_dma source(%dma_start3A_467 : memref<10000x128xf32, #tpu.memory_space<hbm>>) target(%arg15 : memref<80x128xf32, #tpu.memory_space<vmem>>) offsets(%arg13 : memref<80xi32, #tpu.memory_space<vmem>>) semaphore(%arg24 : memref<!tpu.dma_semaphore, #tpu.memory_space<semaphore_mem>>)
      %mul3A_468 = arith.constant 10000 : i32
      %mul3A_469 = arith.muli %add3A, %mul3A_468 : i32
      %mul3A_470 = arith.constant 80 : i32
      %mul3A_471 = arith.muli %add3A_464, %mul3A_470 : i32
      %add3A_472 = arith.addi %mul3A_469, %mul3A_471 : i32
      %dma_start3A_473 = arith.constant 0 : i32
      %dma_start3A_474 = tpu.memref_slice %arg3[%add3A_472, %dma_start3A_473] : memref<320000x128xf32, #tpu.memory_space<hbm>> -> memref<80x128xf32, #tpu.memory_space<hbm>>
      %dma_start3A_475 = arith.constant 0 : i32
      %dma_start3A_476 = tpu.memref_slice %arg3[%add3A_472, %dma_start3A_475] : memref<320000x128xf32, #tpu.memory_space<hbm>> -> memref<80x128xf32, #tpu.memory_space<hbm>>
      tpu.enqueue_dma source(%dma_start3A_476 : memref<80x128xf32, #tpu.memory_space<hbm>>) target(%arg17 : memref<80x128xf32, #tpu.memory_space<vmem>>) target_semaphore(%arg26 : memref<!tpu.dma_semaphore, #tpu.memory_space<semaphore_mem>>)
      %add3A_477 = arith.constant 1 : i32
      %add3A_478 = arith.addi %mul3A_406, %add3A_477 : i32
      %dma_wait3A_479 = arith.constant 0 : i32
      %dma_wait3A_480 = arith.constant 0 : i32
      %dma_wait3A_481 = tpu.memref_slice %arg3[%dma_wait3A_479, %dma_wait3A_480] : memref<320000x128xf32, #tpu.memory_space<hbm>> -> memref<80x128xf32, #tpu.memory_space<hbm>>
      %dma_wait3A_482 = arith.constant 0 : i32
      %dma_wait3A_483 = arith.constant 0 : i32
      %dma_wait3A_484 = tpu.memref_slice %arg3[%dma_wait3A_482, %dma_wait3A_483] : memref<320000x128xf32, #tpu.memory_space<hbm>> -> memref<80x128xf32, #tpu.memory_space<hbm>>
      tpu.wait_dma2 semaphore(%arg25 : memref<!tpu.dma_semaphore, #tpu.memory_space<semaphore_mem>>) src(%dma_wait3A_484 : memref<80x128xf32, #tpu.memory_space<hbm>>) dst(%arg16 : memref<80x128xf32, #tpu.memory_space<vmem>>)
      %dma_wait3A_485 = arith.constant 0 : i32
      %dma_wait3A_486 = arith.constant 0 : i32
      %dma_wait3A_487 = tpu.memref_slice %arg3[%dma_wait3A_485, %dma_wait3A_486] : memref<320000x128xf32, #tpu.memory_space<hbm>> -> memref<80x128xf32, #tpu.memory_space<hbm>>
      %dma_wait3A_488 = arith.constant 0 : i32
      %dma_wait3A_489 = arith.constant 0 : i32
      %dma_wait3A_490 = tpu.memref_slice %arg3[%dma_wait3A_488, %dma_wait3A_489] : memref<320000x128xf32, #tpu.memory_space<hbm>> -> memref<80x128xf32, #tpu.memory_space<hbm>>
      tpu.wait_dma2 semaphore(%arg27 : memref<!tpu.dma_semaphore, #tpu.memory_space<semaphore_mem>>) src(%dma_wait3A_490 : memref<80x128xf32, #tpu.memory_space<hbm>>) dst(%arg18 : memref<80x128xf32, #tpu.memory_space<vmem>>)
      %dma_start3A_491 = arith.constant 0 : i32
      %dma_start3A_492 = arith.constant 0 : i32
      %dma_start3A_493 = tpu.memref_slice %arg19[%dma_start3A_491, %dma_start3A_492] : memref<10240x128xf32, #tpu.memory_space<vmem_shared>> -> memref<10240x128xf32, #tpu.memory_space<vmem_shared>>
      tpu.enqueue_indirect_dma source(%arg16 : memref<80x128xf32, #tpu.memory_space<vmem>>) target(%dma_start3A_493 : memref<10240x128xf32, #tpu.memory_space<vmem_shared>>) offsets(%arg8 : memref<80xi32, #tpu.memory_space<vmem>>) semaphore(%arg29 : memref<!tpu.dma_semaphore, #tpu.memory_space<semaphore_mem>>) {add = true}
      %dma_start3A_494 = arith.constant 0 : i32
      %dma_start3A_495 = arith.constant 0 : i32
      %dma_start3A_496 = tpu.memref_slice %arg19[%dma_start3A_494, %dma_start3A_495] : memref<10240x128xf32, #tpu.memory_space<vmem_shared>> -> memref<10240x128xf32, #tpu.memory_space<vmem_shared>>
      tpu.enqueue_indirect_dma source(%arg18 : memref<80x128xf32, #tpu.memory_space<vmem>>) target(%dma_start3A_496 : memref<10240x128xf32, #tpu.memory_space<vmem_shared>>) offsets(%arg8 : memref<80xi32, #tpu.memory_space<vmem>>) semaphore(%arg31 : memref<!tpu.dma_semaphore, #tpu.memory_space<semaphore_mem>>) {add = true}
      %dma_wait3A_497 = arith.constant 0 : i32
      %dma_wait3A_498 = arith.constant 0 : i32
      %dma_wait3A_499 = tpu.memref_slice %arg3[%dma_wait3A_497, %dma_wait3A_498] : memref<320000x128xf32, #tpu.memory_space<hbm>> -> memref<80x128xf32, #tpu.memory_space<hbm>>
      %dma_wait3A_500 = arith.constant 0 : i32
      %dma_wait3A_501 = arith.constant 0 : i32
      %dma_wait3A_502 = tpu.memref_slice %arg3[%dma_wait3A_500, %dma_wait3A_501] : memref<320000x128xf32, #tpu.memory_space<hbm>> -> memref<80x128xf32, #tpu.memory_space<hbm>>
      tpu.wait_dma2 semaphore(%arg29 : memref<!tpu.dma_semaphore, #tpu.memory_space<semaphore_mem>>) src(%dma_wait3A_502 : memref<80x128xf32, #tpu.memory_space<hbm>>) dst(%arg16 : memref<80x128xf32, #tpu.memory_space<vmem>>)
      %dma_wait3A_503 = arith.constant 0 : i32
      %dma_wait3A_504 = arith.constant 0 : i32
      %dma_wait3A_505 = tpu.memref_slice %arg3[%dma_wait3A_503, %dma_wait3A_504] : memref<320000x128xf32, #tpu.memory_space<hbm>> -> memref<80x128xf32, #tpu.memory_space<hbm>>
      %dma_wait3A_506 = arith.constant 0 : i32
      %dma_wait3A_507 = arith.constant 0 : i32
      %dma_wait3A_508 = tpu.memref_slice %arg3[%dma_wait3A_506, %dma_wait3A_507] : memref<320000x128xf32, #tpu.memory_space<hbm>> -> memref<80x128xf32, #tpu.memory_space<hbm>>
      tpu.wait_dma2 semaphore(%arg31 : memref<!tpu.dma_semaphore, #tpu.memory_space<semaphore_mem>>) src(%dma_wait3A_508 : memref<80x128xf32, #tpu.memory_space<hbm>>) dst(%arg18 : memref<80x128xf32, #tpu.memory_space<vmem>>)
      %add3A_509 = arith.constant 4 : i32
      %add3A_510 = arith.addi %add3A_478, %add3A_509 : i32
      %mul3A_511 = arith.constant 10000 : i32
      %mul3A_512 = arith.muli %add3A, %mul3A_511 : i32
      %mul3A_513 = arith.constant 80 : i32
      %mul3A_514 = arith.muli %add3A_510, %mul3A_513 : i32
      %add3A_515 = arith.addi %mul3A_512, %mul3A_514 : i32
      %dma_start3A_516 = tpu.memref_slice %arg4[%add3A_515] : memref<320000xi32, #tpu.memory_space<hbm>> -> memref<80xi32, #tpu.memory_space<hbm>>
      %dma_start3A_517 = tpu.memref_slice %arg4[%add3A_515] : memref<320000xi32, #tpu.memory_space<hbm>> -> memref<80xi32, #tpu.memory_space<hbm>>
      tpu.enqueue_dma source(%dma_start3A_517 : memref<80xi32, #tpu.memory_space<hbm>>) target(%arg8 : memref<80xi32, #tpu.memory_space<vmem>>) target_semaphore(%arg21 : memref<!tpu.dma_semaphore, #tpu.memory_space<semaphore_mem>>)
      %mul3A_518 = arith.constant 10000 : i32
      %mul3A_519 = arith.muli %add3A, %mul3A_518 : i32
      %mul3A_520 = arith.constant 80 : i32
      %mul3A_521 = arith.muli %add3A_510, %mul3A_520 : i32
      %add3A_522 = arith.addi %mul3A_519, %mul3A_521 : i32
      %dma_start3A_523 = tpu.memref_slice %arg5[%add3A_522] : memref<320000xi32, #tpu.memory_space<hbm>> -> memref<80xi32, #tpu.memory_space<hbm>>
      %dma_start3A_524 = tpu.memref_slice %arg5[%add3A_522] : memref<320000xi32, #tpu.memory_space<hbm>> -> memref<80xi32, #tpu.memory_space<hbm>>
      tpu.enqueue_dma source(%dma_start3A_524 : memref<80xi32, #tpu.memory_space<hbm>>) target(%arg12 : memref<80xi32, #tpu.memory_space<vmem>>) target_semaphore(%arg21 : memref<!tpu.dma_semaphore, #tpu.memory_space<semaphore_mem>>)
      %dma_wait3A_525 = arith.constant 0 : i32
      %dma_wait3A_526 = tpu.memref_slice %arg4[%dma_wait3A_525] : memref<320000xi32, #tpu.memory_space<hbm>> -> memref<80xi32, #tpu.memory_space<hbm>>
      %dma_wait3A_527 = arith.constant 0 : i32
      %dma_wait3A_528 = tpu.memref_slice %arg4[%dma_wait3A_527] : memref<320000xi32, #tpu.memory_space<hbm>> -> memref<80xi32, #tpu.memory_space<hbm>>
      tpu.wait_dma2 semaphore(%arg23 : memref<!tpu.dma_semaphore, #tpu.memory_space<semaphore_mem>>) src(%dma_wait3A_528 : memref<80xi32, #tpu.memory_space<hbm>>) dst(%arg10 : memref<80xi32, #tpu.memory_space<vmem>>)
      %dma_wait3A_529 = arith.constant 0 : i32
      %dma_wait3A_530 = tpu.memref_slice %arg4[%dma_wait3A_529] : memref<320000xi32, #tpu.memory_space<hbm>> -> memref<80xi32, #tpu.memory_space<hbm>>
      %dma_wait3A_531 = arith.constant 0 : i32
      %dma_wait3A_532 = tpu.memref_slice %arg4[%dma_wait3A_531] : memref<320000xi32, #tpu.memory_space<hbm>> -> memref<80xi32, #tpu.memory_space<hbm>>
      tpu.wait_dma2 semaphore(%arg23 : memref<!tpu.dma_semaphore, #tpu.memory_space<semaphore_mem>>) src(%dma_wait3A_532 : memref<80xi32, #tpu.memory_space<hbm>>) dst(%arg10 : memref<80xi32, #tpu.memory_space<vmem>>)
      %add3A_533 = arith.constant 2 : i32
      %add3A_534 = arith.addi %add3A_478, %add3A_533 : i32
      %dma_start3A_535 = arith.constant 0 : i32
      %dma_start3A_536 = arith.constant 0 : i32
      %dma_start3A_537 = tpu.memref_slice %arg2[%dma_start3A_535, %dma_start3A_536] : memref<10000x128xf32, #tpu.memory_space<hbm>> -> memref<10000x128xf32, #tpu.memory_space<hbm>>
      tpu.enqueue_indirect_dma source(%dma_start3A_537 : memref<10000x128xf32, #tpu.memory_space<hbm>>) target(%arg16 : memref<80x128xf32, #tpu.memory_space<vmem>>) offsets(%arg14 : memref<80xi32, #tpu.memory_space<vmem>>) semaphore(%arg25 : memref<!tpu.dma_semaphore, #tpu.memory_space<semaphore_mem>>)
      %mul3A_538 = arith.constant 10000 : i32
      %mul3A_539 = arith.muli %add3A, %mul3A_538 : i32
      %mul3A_540 = arith.constant 80 : i32
      %mul3A_541 = arith.muli %add3A_534, %mul3A_540 : i32
      %add3A_542 = arith.addi %mul3A_539, %mul3A_541 : i32
      %dma_start3A_543 = arith.constant 0 : i32
      %dma_start3A_544 = tpu.memref_slice %arg3[%add3A_542, %dma_start3A_543] : memref<320000x128xf32, #tpu.memory_space<hbm>> -> memref<80x128xf32, #tpu.memory_space<hbm>>
      %dma_start3A_545 = arith.constant 0 : i32
      %dma_start3A_546 = tpu.memref_slice %arg3[%add3A_542, %dma_start3A_545] : memref<320000x128xf32, #tpu.memory_space<hbm>> -> memref<80x128xf32, #tpu.memory_space<hbm>>
      tpu.enqueue_dma source(%dma_start3A_546 : memref<80x128xf32, #tpu.memory_space<hbm>>) target(%arg18 : memref<80x128xf32, #tpu.memory_space<vmem>>) target_semaphore(%arg27 : memref<!tpu.dma_semaphore, #tpu.memory_space<semaphore_mem>>)
      %add3A_547 = arith.constant 2 : i32
      %add3A_548 = arith.addi %mul3A_406, %add3A_547 : i32
      %dma_wait3A_549 = arith.constant 0 : i32
      %dma_wait3A_550 = arith.constant 0 : i32
      %dma_wait3A_551 = tpu.memref_slice %arg3[%dma_wait3A_549, %dma_wait3A_550] : memref<320000x128xf32, #tpu.memory_space<hbm>> -> memref<80x128xf32, #tpu.memory_space<hbm>>
      %dma_wait3A_552 = arith.constant 0 : i32
      %dma_wait3A_553 = arith.constant 0 : i32
      %dma_wait3A_554 = tpu.memref_slice %arg3[%dma_wait3A_552, %dma_wait3A_553] : memref<320000x128xf32, #tpu.memory_space<hbm>> -> memref<80x128xf32, #tpu.memory_space<hbm>>
      tpu.wait_dma2 semaphore(%arg24 : memref<!tpu.dma_semaphore, #tpu.memory_space<semaphore_mem>>) src(%dma_wait3A_554 : memref<80x128xf32, #tpu.memory_space<hbm>>) dst(%arg15 : memref<80x128xf32, #tpu.memory_space<vmem>>)
      %dma_wait3A_555 = arith.constant 0 : i32
      %dma_wait3A_556 = arith.constant 0 : i32
      %dma_wait3A_557 = tpu.memref_slice %arg3[%dma_wait3A_555, %dma_wait3A_556] : memref<320000x128xf32, #tpu.memory_space<hbm>> -> memref<80x128xf32, #tpu.memory_space<hbm>>
      %dma_wait3A_558 = arith.constant 0 : i32
      %dma_wait3A_559 = arith.constant 0 : i32
      %dma_wait3A_560 = tpu.memref_slice %arg3[%dma_wait3A_558, %dma_wait3A_559] : memref<320000x128xf32, #tpu.memory_space<hbm>> -> memref<80x128xf32, #tpu.memory_space<hbm>>
      tpu.wait_dma2 semaphore(%arg26 : memref<!tpu.dma_semaphore, #tpu.memory_space<semaphore_mem>>) src(%dma_wait3A_560 : memref<80x128xf32, #tpu.memory_space<hbm>>) dst(%arg17 : memref<80x128xf32, #tpu.memory_space<vmem>>)
      %dma_start3A_561 = arith.constant 0 : i32
      %dma_start3A_562 = arith.constant 0 : i32
      %dma_start3A_563 = tpu.memref_slice %arg19[%dma_start3A_561, %dma_start3A_562] : memref<10240x128xf32, #tpu.memory_space<vmem_shared>> -> memref<10240x128xf32, #tpu.memory_space<vmem_shared>>
      tpu.enqueue_indirect_dma source(%arg15 : memref<80x128xf32, #tpu.memory_space<vmem>>) target(%dma_start3A_563 : memref<10240x128xf32, #tpu.memory_space<vmem_shared>>) offsets(%arg9 : memref<80xi32, #tpu.memory_space<vmem>>) semaphore(%arg28 : memref<!tpu.dma_semaphore, #tpu.memory_space<semaphore_mem>>) {add = true}
      %dma_start3A_564 = arith.constant 0 : i32
      %dma_start3A_565 = arith.constant 0 : i32
      %dma_start3A_566 = tpu.memref_slice %arg19[%dma_start3A_564, %dma_start3A_565] : memref<10240x128xf32, #tpu.memory_space<vmem_shared>> -> memref<10240x128xf32, #tpu.memory_space<vmem_shared>>
      tpu.enqueue_indirect_dma source(%arg17 : memref<80x128xf32, #tpu.memory_space<vmem>>) target(%dma_start3A_566 : memref<10240x128xf32, #tpu.memory_space<vmem_shared>>) offsets(%arg9 : memref<80xi32, #tpu.memory_space<vmem>>) semaphore(%arg30 : memref<!tpu.dma_semaphore, #tpu.memory_space<semaphore_mem>>) {add = true}
      %dma_wait3A_567 = arith.constant 0 : i32
      %dma_wait3A_568 = arith.constant 0 : i32
      %dma_wait3A_569 = tpu.memref_slice %arg3[%dma_wait3A_567, %dma_wait3A_568] : memref<320000x128xf32, #tpu.memory_space<hbm>> -> memref<80x128xf32, #tpu.memory_space<hbm>>
      %dma_wait3A_570 = arith.constant 0 : i32
      %dma_wait3A_571 = arith.constant 0 : i32
      %dma_wait3A_572 = tpu.memref_slice %arg3[%dma_wait3A_570, %dma_wait3A_571] : memref<320000x128xf32, #tpu.memory_space<hbm>> -> memref<80x128xf32, #tpu.memory_space<hbm>>
      tpu.wait_dma2 semaphore(%arg28 : memref<!tpu.dma_semaphore, #tpu.memory_space<semaphore_mem>>) src(%dma_wait3A_572 : memref<80x128xf32, #tpu.memory_space<hbm>>) dst(%arg15 : memref<80x128xf32, #tpu.memory_space<vmem>>)
      %dma_wait3A_573 = arith.constant 0 : i32
      %dma_wait3A_574 = arith.constant 0 : i32
      %dma_wait3A_575 = tpu.memref_slice %arg3[%dma_wait3A_573, %dma_wait3A_574] : memref<320000x128xf32, #tpu.memory_space<hbm>> -> memref<80x128xf32, #tpu.memory_space<hbm>>
      %dma_wait3A_576 = arith.constant 0 : i32
      %dma_wait3A_577 = arith.constant 0 : i32
      %dma_wait3A_578 = tpu.memref_slice %arg3[%dma_wait3A_576, %dma_wait3A_577] : memref<320000x128xf32, #tpu.memory_space<hbm>> -> memref<80x128xf32, #tpu.memory_space<hbm>>
      tpu.wait_dma2 semaphore(%arg30 : memref<!tpu.dma_semaphore, #tpu.memory_space<semaphore_mem>>) src(%dma_wait3A_578 : memref<80x128xf32, #tpu.memory_space<hbm>>) dst(%arg17 : memref<80x128xf32, #tpu.memory_space<vmem>>)
      %add3A_579 = arith.constant 4 : i32
      %add3A_580 = arith.addi %add3A_548, %add3A_579 : i32
      %mul3A_581 = arith.constant 10000 : i32
      %mul3A_582 = arith.muli %add3A, %mul3A_581 : i32
      %mul3A_583 = arith.constant 80 : i32
      %mul3A_584 = arith.muli %add3A_580, %mul3A_583 : i32
      %add3A_585 = arith.addi %mul3A_582, %mul3A_584 : i32
      %dma_start3A_586 = tpu.memref_slice %arg4[%add3A_585] : memref<320000xi32, #tpu.memory_space<hbm>> -> memref<80xi32, #tpu.memory_space<hbm>>
      %dma_start3A_587 = tpu.memref_slice %arg4[%add3A_585] : memref<320000xi32, #tpu.memory_space<hbm>> -> memref<80xi32, #tpu.memory_space<hbm>>
      tpu.enqueue_dma source(%dma_start3A_587 : memref<80xi32, #tpu.memory_space<hbm>>) target(%arg9 : memref<80xi32, #tpu.memory_space<vmem>>) target_semaphore(%arg22 : memref<!tpu.dma_semaphore, #tpu.memory_space<semaphore_mem>>)
      %mul3A_588 = arith.constant 10000 : i32
      %mul3A_589 = arith.muli %add3A, %mul3A_588 : i32
      %mul3A_590 = arith.constant 80 : i32
      %mul3A_591 = arith.muli %add3A_580, %mul3A_590 : i32
      %add3A_592 = arith.addi %mul3A_589, %mul3A_591 : i32
      %dma_start3A_593 = tpu.memref_slice %arg5[%add3A_592] : memref<320000xi32, #tpu.memory_space<hbm>> -> memref<80xi32, #tpu.memory_space<hbm>>
      %dma_start3A_594 = tpu.memref_slice %arg5[%add3A_592] : memref<320000xi32, #tpu.memory_space<hbm>> -> memref<80xi32, #tpu.memory_space<hbm>>
      tpu.enqueue_dma source(%dma_start3A_594 : memref<80xi32, #tpu.memory_space<hbm>>) target(%arg13 : memref<80xi32, #tpu.memory_space<vmem>>) target_semaphore(%arg22 : memref<!tpu.dma_semaphore, #tpu.memory_space<semaphore_mem>>)
      %dma_wait3A_595 = arith.constant 0 : i32
      %dma_wait3A_596 = tpu.memref_slice %arg4[%dma_wait3A_595] : memref<320000xi32, #tpu.memory_space<hbm>> -> memref<80xi32, #tpu.memory_space<hbm>>
      %dma_wait3A_597 = arith.constant 0 : i32
      %dma_wait3A_598 = tpu.memref_slice %arg4[%dma_wait3A_597] : memref<320000xi32, #tpu.memory_space<hbm>> -> memref<80xi32, #tpu.memory_space<hbm>>
      tpu.wait_dma2 semaphore(%arg20 : memref<!tpu.dma_semaphore, #tpu.memory_space<semaphore_mem>>) src(%dma_wait3A_598 : memref<80xi32, #tpu.memory_space<hbm>>) dst(%arg7 : memref<80xi32, #tpu.memory_space<vmem>>)
      %dma_wait3A_599 = arith.constant 0 : i32
      %dma_wait3A_600 = tpu.memref_slice %arg4[%dma_wait3A_599] : memref<320000xi32, #tpu.memory_space<hbm>> -> memref<80xi32, #tpu.memory_space<hbm>>
      %dma_wait3A_601 = arith.constant 0 : i32
      %dma_wait3A_602 = tpu.memref_slice %arg4[%dma_wait3A_601] : memref<320000xi32, #tpu.memory_space<hbm>> -> memref<80xi32, #tpu.memory_space<hbm>>
      tpu.wait_dma2 semaphore(%arg20 : memref<!tpu.dma_semaphore, #tpu.memory_space<semaphore_mem>>) src(%dma_wait3A_602 : memref<80xi32, #tpu.memory_space<hbm>>) dst(%arg7 : memref<80xi32, #tpu.memory_space<vmem>>)
      %add3A_603 = arith.constant 2 : i32
      %add3A_604 = arith.addi %add3A_548, %add3A_603 : i32
      %dma_start3A_605 = arith.constant 0 : i32
      %dma_start3A_606 = arith.constant 0 : i32
      %dma_start3A_607 = tpu.memref_slice %arg2[%dma_start3A_605, %dma_start3A_606] : memref<10000x128xf32, #tpu.memory_space<hbm>> -> memref<10000x128xf32, #tpu.memory_space<hbm>>
      tpu.enqueue_indirect_dma source(%dma_start3A_607 : memref<10000x128xf32, #tpu.memory_space<hbm>>) target(%arg15 : memref<80x128xf32, #tpu.memory_space<vmem>>) offsets(%arg11 : memref<80xi32, #tpu.memory_space<vmem>>) semaphore(%arg24 : memref<!tpu.dma_semaphore, #tpu.memory_space<semaphore_mem>>)
      %mul3A_608 = arith.constant 10000 : i32
      %mul3A_609 = arith.muli %add3A, %mul3A_608 : i32
      %mul3A_610 = arith.constant 80 : i32
      %mul3A_611 = arith.muli %add3A_604, %mul3A_610 : i32
      %add3A_612 = arith.addi %mul3A_609, %mul3A_611 : i32
      %dma_start3A_613 = arith.constant 0 : i32
      %dma_start3A_614 = tpu.memref_slice %arg3[%add3A_612, %dma_start3A_613] : memref<320000x128xf32, #tpu.memory_space<hbm>> -> memref<80x128xf32, #tpu.memory_space<hbm>>
      %dma_start3A_615 = arith.constant 0 : i32
      %dma_start3A_616 = tpu.memref_slice %arg3[%add3A_612, %dma_start3A_615] : memref<320000x128xf32, #tpu.memory_space<hbm>> -> memref<80x128xf32, #tpu.memory_space<hbm>>
      tpu.enqueue_dma source(%dma_start3A_616 : memref<80x128xf32, #tpu.memory_space<hbm>>) target(%arg17 : memref<80x128xf32, #tpu.memory_space<vmem>>) target_semaphore(%arg26 : memref<!tpu.dma_semaphore, #tpu.memory_space<semaphore_mem>>)
      %add3A_617 = arith.constant 3 : i32
      %add3A_618 = arith.addi %mul3A_406, %add3A_617 : i32
      %dma_wait3A_619 = arith.constant 0 : i32
      %dma_wait3A_620 = arith.constant 0 : i32
      %dma_wait3A_621 = tpu.memref_slice %arg3[%dma_wait3A_619, %dma_wait3A_620] : memref<320000x128xf32, #tpu.memory_space<hbm>> -> memref<80x128xf32, #tpu.memory_space<hbm>>
      %dma_wait3A_622 = arith.constant 0 : i32
      %dma_wait3A_623 = arith.constant 0 : i32
      %dma_wait3A_624 = tpu.memref_slice %arg3[%dma_wait3A_622, %dma_wait3A_623] : memref<320000x128xf32, #tpu.memory_space<hbm>> -> memref<80x128xf32, #tpu.memory_space<hbm>>
      tpu.wait_dma2 semaphore(%arg25 : memref<!tpu.dma_semaphore, #tpu.memory_space<semaphore_mem>>) src(%dma_wait3A_624 : memref<80x128xf32, #tpu.memory_space<hbm>>) dst(%arg16 : memref<80x128xf32, #tpu.memory_space<vmem>>)
      %dma_wait3A_625 = arith.constant 0 : i32
      %dma_wait3A_626 = arith.constant 0 : i32
      %dma_wait3A_627 = tpu.memref_slice %arg3[%dma_wait3A_625, %dma_wait3A_626] : memref<320000x128xf32, #tpu.memory_space<hbm>> -> memref<80x128xf32, #tpu.memory_space<hbm>>
      %dma_wait3A_628 = arith.constant 0 : i32
      %dma_wait3A_629 = arith.constant 0 : i32
      %dma_wait3A_630 = tpu.memref_slice %arg3[%dma_wait3A_628, %dma_wait3A_629] : memref<320000x128xf32, #tpu.memory_space<hbm>> -> memref<80x128xf32, #tpu.memory_space<hbm>>
      tpu.wait_dma2 semaphore(%arg27 : memref<!tpu.dma_semaphore, #tpu.memory_space<semaphore_mem>>) src(%dma_wait3A_630 : memref<80x128xf32, #tpu.memory_space<hbm>>) dst(%arg18 : memref<80x128xf32, #tpu.memory_space<vmem>>)
      %dma_start3A_631 = arith.constant 0 : i32
      %dma_start3A_632 = arith.constant 0 : i32
      %dma_start3A_633 = tpu.memref_slice %arg19[%dma_start3A_631, %dma_start3A_632] : memref<10240x128xf32, #tpu.memory_space<vmem_shared>> -> memref<10240x128xf32, #tpu.memory_space<vmem_shared>>
      tpu.enqueue_indirect_dma source(%arg16 : memref<80x128xf32, #tpu.memory_space<vmem>>) target(%dma_start3A_633 : memref<10240x128xf32, #tpu.memory_space<vmem_shared>>) offsets(%arg10 : memref<80xi32, #tpu.memory_space<vmem>>) semaphore(%arg29 : memref<!tpu.dma_semaphore, #tpu.memory_space<semaphore_mem>>) {add = true}
      %dma_start3A_634 = arith.constant 0 : i32
      %dma_start3A_635 = arith.constant 0 : i32
      %dma_start3A_636 = tpu.memref_slice %arg19[%dma_start3A_634, %dma_start3A_635] : memref<10240x128xf32, #tpu.memory_space<vmem_shared>> -> memref<10240x128xf32, #tpu.memory_space<vmem_shared>>
      tpu.enqueue_indirect_dma source(%arg18 : memref<80x128xf32, #tpu.memory_space<vmem>>) target(%dma_start3A_636 : memref<10240x128xf32, #tpu.memory_space<vmem_shared>>) offsets(%arg10 : memref<80xi32, #tpu.memory_space<vmem>>) semaphore(%arg31 : memref<!tpu.dma_semaphore, #tpu.memory_space<semaphore_mem>>) {add = true}
      %dma_wait3A_637 = arith.constant 0 : i32
      %dma_wait3A_638 = arith.constant 0 : i32
      %dma_wait3A_639 = tpu.memref_slice %arg3[%dma_wait3A_637, %dma_wait3A_638] : memref<320000x128xf32, #tpu.memory_space<hbm>> -> memref<80x128xf32, #tpu.memory_space<hbm>>
      %dma_wait3A_640 = arith.constant 0 : i32
      %dma_wait3A_641 = arith.constant 0 : i32
      %dma_wait3A_642 = tpu.memref_slice %arg3[%dma_wait3A_640, %dma_wait3A_641] : memref<320000x128xf32, #tpu.memory_space<hbm>> -> memref<80x128xf32, #tpu.memory_space<hbm>>
      tpu.wait_dma2 semaphore(%arg29 : memref<!tpu.dma_semaphore, #tpu.memory_space<semaphore_mem>>) src(%dma_wait3A_642 : memref<80x128xf32, #tpu.memory_space<hbm>>) dst(%arg16 : memref<80x128xf32, #tpu.memory_space<vmem>>)
      %dma_wait3A_643 = arith.constant 0 : i32
      %dma_wait3A_644 = arith.constant 0 : i32
      %dma_wait3A_645 = tpu.memref_slice %arg3[%dma_wait3A_643, %dma_wait3A_644] : memref<320000x128xf32, #tpu.memory_space<hbm>> -> memref<80x128xf32, #tpu.memory_space<hbm>>
      %dma_wait3A_646 = arith.constant 0 : i32
      %dma_wait3A_647 = arith.constant 0 : i32
      %dma_wait3A_648 = tpu.memref_slice %arg3[%dma_wait3A_646, %dma_wait3A_647] : memref<320000x128xf32, #tpu.memory_space<hbm>> -> memref<80x128xf32, #tpu.memory_space<hbm>>
      tpu.wait_dma2 semaphore(%arg31 : memref<!tpu.dma_semaphore, #tpu.memory_space<semaphore_mem>>) src(%dma_wait3A_648 : memref<80x128xf32, #tpu.memory_space<hbm>>) dst(%arg18 : memref<80x128xf32, #tpu.memory_space<vmem>>)
      %add3A_649 = arith.constant 4 : i32
      %add3A_650 = arith.addi %add3A_618, %add3A_649 : i32
      %mul3A_651 = arith.constant 10000 : i32
      %mul3A_652 = arith.muli %add3A, %mul3A_651 : i32
      %mul3A_653 = arith.constant 80 : i32
      %mul3A_654 = arith.muli %add3A_650, %mul3A_653 : i32
      %add3A_655 = arith.addi %mul3A_652, %mul3A_654 : i32
      %dma_start3A_656 = tpu.memref_slice %arg4[%add3A_655] : memref<320000xi32, #tpu.memory_space<hbm>> -> memref<80xi32, #tpu.memory_space<hbm>>
      %dma_start3A_657 = tpu.memref_slice %arg4[%add3A_655] : memref<320000xi32, #tpu.memory_space<hbm>> -> memref<80xi32, #tpu.memory_space<hbm>>
      tpu.enqueue_dma source(%dma_start3A_657 : memref<80xi32, #tpu.memory_space<hbm>>) target(%arg10 : memref<80xi32, #tpu.memory_space<vmem>>) target_semaphore(%arg23 : memref<!tpu.dma_semaphore, #tpu.memory_space<semaphore_mem>>)
      %mul3A_658 = arith.constant 10000 : i32
      %mul3A_659 = arith.muli %add3A, %mul3A_658 : i32
      %mul3A_660 = arith.constant 80 : i32
      %mul3A_661 = arith.muli %add3A_650, %mul3A_660 : i32
      %add3A_662 = arith.addi %mul3A_659, %mul3A_661 : i32
      %dma_start3A_663 = tpu.memref_slice %arg5[%add3A_662] : memref<320000xi32, #tpu.memory_space<hbm>> -> memref<80xi32, #tpu.memory_space<hbm>>
      %dma_start3A_664 = tpu.memref_slice %arg5[%add3A_662] : memref<320000xi32, #tpu.memory_space<hbm>> -> memref<80xi32, #tpu.memory_space<hbm>>
      tpu.enqueue_dma source(%dma_start3A_664 : memref<80xi32, #tpu.memory_space<hbm>>) target(%arg14 : memref<80xi32, #tpu.memory_space<vmem>>) target_semaphore(%arg23 : memref<!tpu.dma_semaphore, #tpu.memory_space<semaphore_mem>>)
      %dma_wait3A_665 = arith.constant 0 : i32
      %dma_wait3A_666 = tpu.memref_slice %arg4[%dma_wait3A_665] : memref<320000xi32, #tpu.memory_space<hbm>> -> memref<80xi32, #tpu.memory_space<hbm>>
      %dma_wait3A_667 = arith.constant 0 : i32
      %dma_wait3A_668 = tpu.memref_slice %arg4[%dma_wait3A_667] : memref<320000xi32, #tpu.memory_space<hbm>> -> memref<80xi32, #tpu.memory_space<hbm>>
      tpu.wait_dma2 semaphore(%arg21 : memref<!tpu.dma_semaphore, #tpu.memory_space<semaphore_mem>>) src(%dma_wait3A_668 : memref<80xi32, #tpu.memory_space<hbm>>) dst(%arg8 : memref<80xi32, #tpu.memory_space<vmem>>)
      %dma_wait3A_669 = arith.constant 0 : i32
      %dma_wait3A_670 = tpu.memref_slice %arg4[%dma_wait3A_669] : memref<320000xi32, #tpu.memory_space<hbm>> -> memref<80xi32, #tpu.memory_space<hbm>>
      %dma_wait3A_671 = arith.constant 0 : i32
      %dma_wait3A_672 = tpu.memref_slice %arg4[%dma_wait3A_671] : memref<320000xi32, #tpu.memory_space<hbm>> -> memref<80xi32, #tpu.memory_space<hbm>>
      tpu.wait_dma2 semaphore(%arg21 : memref<!tpu.dma_semaphore, #tpu.memory_space<semaphore_mem>>) src(%dma_wait3A_672 : memref<80xi32, #tpu.memory_space<hbm>>) dst(%arg8 : memref<80xi32, #tpu.memory_space<vmem>>)
      %add3A_673 = arith.constant 2 : i32
      %add3A_674 = arith.addi %add3A_618, %add3A_673 : i32
      %dma_start3A_675 = arith.constant 0 : i32
      %dma_start3A_676 = arith.constant 0 : i32
      %dma_start3A_677 = tpu.memref_slice %arg2[%dma_start3A_675, %dma_start3A_676] : memref<10000x128xf32, #tpu.memory_space<hbm>> -> memref<10000x128xf32, #tpu.memory_space<hbm>>
      tpu.enqueue_indirect_dma source(%dma_start3A_677 : memref<10000x128xf32, #tpu.memory_space<hbm>>) target(%arg16 : memref<80x128xf32, #tpu.memory_space<vmem>>) offsets(%arg12 : memref<80xi32, #tpu.memory_space<vmem>>) semaphore(%arg25 : memref<!tpu.dma_semaphore, #tpu.memory_space<semaphore_mem>>)
      %mul3A_678 = arith.constant 10000 : i32
      %mul3A_679 = arith.muli %add3A, %mul3A_678 : i32
      %mul3A_680 = arith.constant 80 : i32
      %mul3A_681 = arith.muli %add3A_674, %mul3A_680 : i32
      %add3A_682 = arith.addi %mul3A_679, %mul3A_681 : i32
      %dma_start3A_683 = arith.constant 0 : i32
      %dma_start3A_684 = tpu.memref_slice %arg3[%add3A_682, %dma_start3A_683] : memref<320000x128xf32, #tpu.memory_space<hbm>> -> memref<80x128xf32, #tpu.memory_space<hbm>>
      %dma_start3A_685 = arith.constant 0 : i32
      %dma_start3A_686 = tpu.memref_slice %arg3[%add3A_682, %dma_start3A_685] : memref<320000x128xf32, #tpu.memory_space<hbm>> -> memref<80x128xf32, #tpu.memory_space<hbm>>
      tpu.enqueue_dma source(%dma_start3A_686 : memref<80x128xf32, #tpu.memory_space<hbm>>) target(%arg18 : memref<80x128xf32, #tpu.memory_space<vmem>>) target_semaphore(%arg27 : memref<!tpu.dma_semaphore, #tpu.memory_space<semaphore_mem>>)
    }
    %scan3A_127 = arith.constant 30 : i32
    %dma_wait3A_128 = arith.constant 0 : i32
    %dma_wait3A_129 = arith.constant 0 : i32
    %dma_wait3A_130 = tpu.memref_slice %arg3[%dma_wait3A_128, %dma_wait3A_129] : memref<320000x128xf32, #tpu.memory_space<hbm>> -> memref<80x128xf32, #tpu.memory_space<hbm>>
    %dma_wait3A_131 = arith.constant 0 : i32
    %dma_wait3A_132 = arith.constant 0 : i32
    %dma_wait3A_133 = tpu.memref_slice %arg3[%dma_wait3A_131, %dma_wait3A_132] : memref<320000x128xf32, #tpu.memory_space<hbm>> -> memref<80x128xf32, #tpu.memory_space<hbm>>
    tpu.wait_dma2 semaphore(%arg24 : memref<!tpu.dma_semaphore, #tpu.memory_space<semaphore_mem>>) src(%dma_wait3A_133 : memref<80x128xf32, #tpu.memory_space<hbm>>) dst(%arg15 : memref<80x128xf32, #tpu.memory_space<vmem>>)
    %dma_wait3A_134 = arith.constant 0 : i32
    %dma_wait3A_135 = arith.constant 0 : i32
    %dma_wait3A_136 = tpu.memref_slice %arg3[%dma_wait3A_134, %dma_wait3A_135] : memref<320000x128xf32, #tpu.memory_space<hbm>> -> memref<80x128xf32, #tpu.memory_space<hbm>>
    %dma_wait3A_137 = arith.constant 0 : i32
    %dma_wait3A_138 = arith.constant 0 : i32
    %dma_wait3A_139 = tpu.memref_slice %arg3[%dma_wait3A_137, %dma_wait3A_138] : memref<320000x128xf32, #tpu.memory_space<hbm>> -> memref<80x128xf32, #tpu.memory_space<hbm>>
    tpu.wait_dma2 semaphore(%arg26 : memref<!tpu.dma_semaphore, #tpu.memory_space<semaphore_mem>>) src(%dma_wait3A_139 : memref<80x128xf32, #tpu.memory_space<hbm>>) dst(%arg17 : memref<80x128xf32, #tpu.memory_space<vmem>>)
    %dma_start3A_140 = arith.constant 0 : i32
    %dma_start3A_141 = arith.constant 0 : i32
    %dma_start3A_142 = tpu.memref_slice %arg19[%dma_start3A_140, %dma_start3A_141] : memref<10240x128xf32, #tpu.memory_space<vmem_shared>> -> memref<10240x128xf32, #tpu.memory_space<vmem_shared>>
    tpu.enqueue_indirect_dma source(%arg15 : memref<80x128xf32, #tpu.memory_space<vmem>>) target(%dma_start3A_142 : memref<10240x128xf32, #tpu.memory_space<vmem_shared>>) offsets(%arg7 : memref<80xi32, #tpu.memory_space<vmem>>) semaphore(%arg28 : memref<!tpu.dma_semaphore, #tpu.memory_space<semaphore_mem>>) {add = true}
    %dma_start3A_143 = arith.constant 0 : i32
    %dma_start3A_144 = arith.constant 0 : i32
    %dma_start3A_145 = tpu.memref_slice %arg19[%dma_start3A_143, %dma_start3A_144] : memref<10240x128xf32, #tpu.memory_space<vmem_shared>> -> memref<10240x128xf32, #tpu.memory_space<vmem_shared>>
    tpu.enqueue_indirect_dma source(%arg17 : memref<80x128xf32, #tpu.memory_space<vmem>>) target(%dma_start3A_145 : memref<10240x128xf32, #tpu.memory_space<vmem_shared>>) offsets(%arg7 : memref<80xi32, #tpu.memory_space<vmem>>) semaphore(%arg30 : memref<!tpu.dma_semaphore, #tpu.memory_space<semaphore_mem>>) {add = true}
    %dma_wait3A_146 = arith.constant 0 : i32
    %dma_wait3A_147 = arith.constant 0 : i32
    %dma_wait3A_148 = tpu.memref_slice %arg3[%dma_wait3A_146, %dma_wait3A_147] : memref<320000x128xf32, #tpu.memory_space<hbm>> -> memref<80x128xf32, #tpu.memory_space<hbm>>
    %dma_wait3A_149 = arith.constant 0 : i32
    %dma_wait3A_150 = arith.constant 0 : i32
    %dma_wait3A_151 = tpu.memref_slice %arg3[%dma_wait3A_149, %dma_wait3A_150] : memref<320000x128xf32, #tpu.memory_space<hbm>> -> memref<80x128xf32, #tpu.memory_space<hbm>>
    tpu.wait_dma2 semaphore(%arg28 : memref<!tpu.dma_semaphore, #tpu.memory_space<semaphore_mem>>) src(%dma_wait3A_151 : memref<80x128xf32, #tpu.memory_space<hbm>>) dst(%arg15 : memref<80x128xf32, #tpu.memory_space<vmem>>)
    %dma_wait3A_152 = arith.constant 0 : i32
    %dma_wait3A_153 = arith.constant 0 : i32
    %dma_wait3A_154 = tpu.memref_slice %arg3[%dma_wait3A_152, %dma_wait3A_153] : memref<320000x128xf32, #tpu.memory_space<hbm>> -> memref<80x128xf32, #tpu.memory_space<hbm>>
    %dma_wait3A_155 = arith.constant 0 : i32
    %dma_wait3A_156 = arith.constant 0 : i32
    %dma_wait3A_157 = tpu.memref_slice %arg3[%dma_wait3A_155, %dma_wait3A_156] : memref<320000x128xf32, #tpu.memory_space<hbm>> -> memref<80x128xf32, #tpu.memory_space<hbm>>
    tpu.wait_dma2 semaphore(%arg30 : memref<!tpu.dma_semaphore, #tpu.memory_space<semaphore_mem>>) src(%dma_wait3A_157 : memref<80x128xf32, #tpu.memory_space<hbm>>) dst(%arg17 : memref<80x128xf32, #tpu.memory_space<vmem>>)
    %mul3A_158 = arith.constant 10000 : i32
    %mul3A_159 = arith.muli %add3A, %mul3A_158 : i32
    %add3A_160 = arith.constant 9920 : i32
    %add3A_161 = arith.addi %mul3A_159, %add3A_160 : i32
    %dma_start3A_162 = tpu.memref_slice %arg4[%add3A_161] : memref<320000xi32, #tpu.memory_space<hbm>> -> memref<80xi32, #tpu.memory_space<hbm>>
    %dma_start3A_163 = tpu.memref_slice %arg4[%add3A_161] : memref<320000xi32, #tpu.memory_space<hbm>> -> memref<80xi32, #tpu.memory_space<hbm>>
    tpu.enqueue_dma source(%dma_start3A_163 : memref<80xi32, #tpu.memory_space<hbm>>) target(%arg7 : memref<80xi32, #tpu.memory_space<vmem>>) target_semaphore(%arg20 : memref<!tpu.dma_semaphore, #tpu.memory_space<semaphore_mem>>)
    %mul3A_164 = arith.constant 10000 : i32
    %mul3A_165 = arith.muli %add3A, %mul3A_164 : i32
    %add3A_166 = arith.constant 9920 : i32
    %add3A_167 = arith.addi %mul3A_165, %add3A_166 : i32
    %dma_start3A_168 = tpu.memref_slice %arg5[%add3A_167] : memref<320000xi32, #tpu.memory_space<hbm>> -> memref<80xi32, #tpu.memory_space<hbm>>
    %dma_start3A_169 = tpu.memref_slice %arg5[%add3A_167] : memref<320000xi32, #tpu.memory_space<hbm>> -> memref<80xi32, #tpu.memory_space<hbm>>
    tpu.enqueue_dma source(%dma_start3A_169 : memref<80xi32, #tpu.memory_space<hbm>>) target(%arg11 : memref<80xi32, #tpu.memory_space<vmem>>) target_semaphore(%arg20 : memref<!tpu.dma_semaphore, #tpu.memory_space<semaphore_mem>>)
    %dma_wait3A_170 = arith.constant 0 : i32
    %dma_wait3A_171 = tpu.memref_slice %arg4[%dma_wait3A_170] : memref<320000xi32, #tpu.memory_space<hbm>> -> memref<80xi32, #tpu.memory_space<hbm>>
    %dma_wait3A_172 = arith.constant 0 : i32
    %dma_wait3A_173 = tpu.memref_slice %arg4[%dma_wait3A_172] : memref<320000xi32, #tpu.memory_space<hbm>> -> memref<80xi32, #tpu.memory_space<hbm>>
    tpu.wait_dma2 semaphore(%arg22 : memref<!tpu.dma_semaphore, #tpu.memory_space<semaphore_mem>>) src(%dma_wait3A_173 : memref<80xi32, #tpu.memory_space<hbm>>) dst(%arg9 : memref<80xi32, #tpu.memory_space<vmem>>)
    %dma_wait3A_174 = arith.constant 0 : i32
    %dma_wait3A_175 = tpu.memref_slice %arg4[%dma_wait3A_174] : memref<320000xi32, #tpu.memory_space<hbm>> -> memref<80xi32, #tpu.memory_space<hbm>>
    %dma_wait3A_176 = arith.constant 0 : i32
    %dma_wait3A_177 = tpu.memref_slice %arg4[%dma_wait3A_176] : memref<320000xi32, #tpu.memory_space<hbm>> -> memref<80xi32, #tpu.memory_space<hbm>>
    tpu.wait_dma2 semaphore(%arg22 : memref<!tpu.dma_semaphore, #tpu.memory_space<semaphore_mem>>) src(%dma_wait3A_177 : memref<80xi32, #tpu.memory_space<hbm>>) dst(%arg9 : memref<80xi32, #tpu.memory_space<vmem>>)
    %dma_start3A_178 = arith.constant 0 : i32
    %dma_start3A_179 = arith.constant 0 : i32
    %dma_start3A_180 = tpu.memref_slice %arg2[%dma_start3A_178, %dma_start3A_179] : memref<10000x128xf32, #tpu.memory_space<hbm>> -> memref<10000x128xf32, #tpu.memory_space<hbm>>
    tpu.enqueue_indirect_dma source(%dma_start3A_180 : memref<10000x128xf32, #tpu.memory_space<hbm>>) target(%arg15 : memref<80x128xf32, #tpu.memory_space<vmem>>) offsets(%arg13 : memref<80xi32, #tpu.memory_space<vmem>>) semaphore(%arg24 : memref<!tpu.dma_semaphore, #tpu.memory_space<semaphore_mem>>)
    %mul3A_181 = arith.constant 10000 : i32
    %mul3A_182 = arith.muli %add3A, %mul3A_181 : i32
    %add3A_183 = arith.constant 9760 : i32
    %add3A_184 = arith.addi %mul3A_182, %add3A_183 : i32
    %dma_start3A_185 = arith.constant 0 : i32
    %dma_start3A_186 = tpu.memref_slice %arg3[%add3A_184, %dma_start3A_185] : memref<320000x128xf32, #tpu.memory_space<hbm>> -> memref<80x128xf32, #tpu.memory_space<hbm>>
    %dma_start3A_187 = arith.constant 0 : i32
    %dma_start3A_188 = tpu.memref_slice %arg3[%add3A_184, %dma_start3A_187] : memref<320000x128xf32, #tpu.memory_space<hbm>> -> memref<80x128xf32, #tpu.memory_space<hbm>>
    tpu.enqueue_dma source(%dma_start3A_188 : memref<80x128xf32, #tpu.memory_space<hbm>>) target(%arg17 : memref<80x128xf32, #tpu.memory_space<vmem>>) target_semaphore(%arg26 : memref<!tpu.dma_semaphore, #tpu.memory_space<semaphore_mem>>)
    %dma_wait3A_189 = arith.constant 0 : i32
    %dma_wait3A_190 = arith.constant 0 : i32
    %dma_wait3A_191 = tpu.memref_slice %arg3[%dma_wait3A_189, %dma_wait3A_190] : memref<320000x128xf32, #tpu.memory_space<hbm>> -> memref<80x128xf32, #tpu.memory_space<hbm>>
    %dma_wait3A_192 = arith.constant 0 : i32
    %dma_wait3A_193 = arith.constant 0 : i32
    %dma_wait3A_194 = tpu.memref_slice %arg3[%dma_wait3A_192, %dma_wait3A_193] : memref<320000x128xf32, #tpu.memory_space<hbm>> -> memref<80x128xf32, #tpu.memory_space<hbm>>
    tpu.wait_dma2 semaphore(%arg25 : memref<!tpu.dma_semaphore, #tpu.memory_space<semaphore_mem>>) src(%dma_wait3A_194 : memref<80x128xf32, #tpu.memory_space<hbm>>) dst(%arg16 : memref<80x128xf32, #tpu.memory_space<vmem>>)
    %dma_wait3A_195 = arith.constant 0 : i32
    %dma_wait3A_196 = arith.constant 0 : i32
    %dma_wait3A_197 = tpu.memref_slice %arg3[%dma_wait3A_195, %dma_wait3A_196] : memref<320000x128xf32, #tpu.memory_space<hbm>> -> memref<80x128xf32, #tpu.memory_space<hbm>>
    %dma_wait3A_198 = arith.constant 0 : i32
    %dma_wait3A_199 = arith.constant 0 : i32
    %dma_wait3A_200 = tpu.memref_slice %arg3[%dma_wait3A_198, %dma_wait3A_199] : memref<320000x128xf32, #tpu.memory_space<hbm>> -> memref<80x128xf32, #tpu.memory_space<hbm>>
    tpu.wait_dma2 semaphore(%arg27 : memref<!tpu.dma_semaphore, #tpu.memory_space<semaphore_mem>>) src(%dma_wait3A_200 : memref<80x128xf32, #tpu.memory_space<hbm>>) dst(%arg18 : memref<80x128xf32, #tpu.memory_space<vmem>>)
    %dma_start3A_201 = arith.constant 0 : i32
    %dma_start3A_202 = arith.constant 0 : i32
    %dma_start3A_203 = tpu.memref_slice %arg19[%dma_start3A_201, %dma_start3A_202] : memref<10240x128xf32, #tpu.memory_space<vmem_shared>> -> memref<10240x128xf32, #tpu.memory_space<vmem_shared>>
    tpu.enqueue_indirect_dma source(%arg16 : memref<80x128xf32, #tpu.memory_space<vmem>>) target(%dma_start3A_203 : memref<10240x128xf32, #tpu.memory_space<vmem_shared>>) offsets(%arg8 : memref<80xi32, #tpu.memory_space<vmem>>) semaphore(%arg29 : memref<!tpu.dma_semaphore, #tpu.memory_space<semaphore_mem>>) {add = true}
    %dma_start3A_204 = arith.constant 0 : i32
    %dma_start3A_205 = arith.constant 0 : i32
    %dma_start3A_206 = tpu.memref_slice %arg19[%dma_start3A_204, %dma_start3A_205] : memref<10240x128xf32, #tpu.memory_space<vmem_shared>> -> memref<10240x128xf32, #tpu.memory_space<vmem_shared>>
    tpu.enqueue_indirect_dma source(%arg18 : memref<80x128xf32, #tpu.memory_space<vmem>>) target(%dma_start3A_206 : memref<10240x128xf32, #tpu.memory_space<vmem_shared>>) offsets(%arg8 : memref<80xi32, #tpu.memory_space<vmem>>) semaphore(%arg31 : memref<!tpu.dma_semaphore, #tpu.memory_space<semaphore_mem>>) {add = true}
    %dma_wait3A_207 = arith.constant 0 : i32
    %dma_wait3A_208 = arith.constant 0 : i32
    %dma_wait3A_209 = tpu.memref_slice %arg3[%dma_wait3A_207, %dma_wait3A_208] : memref<320000x128xf32, #tpu.memory_space<hbm>> -> memref<80x128xf32, #tpu.memory_space<hbm>>
    %dma_wait3A_210 = arith.constant 0 : i32
    %dma_wait3A_211 = arith.constant 0 : i32
    %dma_wait3A_212 = tpu.memref_slice %arg3[%dma_wait3A_210, %dma_wait3A_211] : memref<320000x128xf32, #tpu.memory_space<hbm>> -> memref<80x128xf32, #tpu.memory_space<hbm>>
    tpu.wait_dma2 semaphore(%arg29 : memref<!tpu.dma_semaphore, #tpu.memory_space<semaphore_mem>>) src(%dma_wait3A_212 : memref<80x128xf32, #tpu.memory_space<hbm>>) dst(%arg16 : memref<80x128xf32, #tpu.memory_space<vmem>>)
    %dma_wait3A_213 = arith.constant 0 : i32
    %dma_wait3A_214 = arith.constant 0 : i32
    %dma_wait3A_215 = tpu.memref_slice %arg3[%dma_wait3A_213, %dma_wait3A_214] : memref<320000x128xf32, #tpu.memory_space<hbm>> -> memref<80x128xf32, #tpu.memory_space<hbm>>
    %dma_wait3A_216 = arith.constant 0 : i32
    %dma_wait3A_217 = arith.constant 0 : i32
    %dma_wait3A_218 = tpu.memref_slice %arg3[%dma_wait3A_216, %dma_wait3A_217] : memref<320000x128xf32, #tpu.memory_space<hbm>> -> memref<80x128xf32, #tpu.memory_space<hbm>>
    tpu.wait_dma2 semaphore(%arg31 : memref<!tpu.dma_semaphore, #tpu.memory_space<semaphore_mem>>) src(%dma_wait3A_218 : memref<80x128xf32, #tpu.memory_space<hbm>>) dst(%arg18 : memref<80x128xf32, #tpu.memory_space<vmem>>)
    %dma_wait3A_219 = arith.constant 0 : i32
    %dma_wait3A_220 = tpu.memref_slice %arg4[%dma_wait3A_219] : memref<320000xi32, #tpu.memory_space<hbm>> -> memref<80xi32, #tpu.memory_space<hbm>>
    %dma_wait3A_221 = arith.constant 0 : i32
    %dma_wait3A_222 = tpu.memref_slice %arg4[%dma_wait3A_221] : memref<320000xi32, #tpu.memory_space<hbm>> -> memref<80xi32, #tpu.memory_space<hbm>>
    tpu.wait_dma2 semaphore(%arg23 : memref<!tpu.dma_semaphore, #tpu.memory_space<semaphore_mem>>) src(%dma_wait3A_222 : memref<80xi32, #tpu.memory_space<hbm>>) dst(%arg10 : memref<80xi32, #tpu.memory_space<vmem>>)
    %dma_wait3A_223 = arith.constant 0 : i32
    %dma_wait3A_224 = tpu.memref_slice %arg4[%dma_wait3A_223] : memref<320000xi32, #tpu.memory_space<hbm>> -> memref<80xi32, #tpu.memory_space<hbm>>
    %dma_wait3A_225 = arith.constant 0 : i32
    %dma_wait3A_226 = tpu.memref_slice %arg4[%dma_wait3A_225] : memref<320000xi32, #tpu.memory_space<hbm>> -> memref<80xi32, #tpu.memory_space<hbm>>
    tpu.wait_dma2 semaphore(%arg23 : memref<!tpu.dma_semaphore, #tpu.memory_space<semaphore_mem>>) src(%dma_wait3A_226 : memref<80xi32, #tpu.memory_space<hbm>>) dst(%arg10 : memref<80xi32, #tpu.memory_space<vmem>>)
    %dma_start3A_227 = arith.constant 0 : i32
    %dma_start3A_228 = arith.constant 0 : i32
    %dma_start3A_229 = tpu.memref_slice %arg2[%dma_start3A_227, %dma_start3A_228] : memref<10000x128xf32, #tpu.memory_space<hbm>> -> memref<10000x128xf32, #tpu.memory_space<hbm>>
    tpu.enqueue_indirect_dma source(%dma_start3A_229 : memref<10000x128xf32, #tpu.memory_space<hbm>>) target(%arg16 : memref<80x128xf32, #tpu.memory_space<vmem>>) offsets(%arg14 : memref<80xi32, #tpu.memory_space<vmem>>) semaphore(%arg25 : memref<!tpu.dma_semaphore, #tpu.memory_space<semaphore_mem>>)
    %mul3A_230 = arith.constant 10000 : i32
    %mul3A_231 = arith.muli %add3A, %mul3A_230 : i32
    %add3A_232 = arith.constant 9840 : i32
    %add3A_233 = arith.addi %mul3A_231, %add3A_232 : i32
    %dma_start3A_234 = arith.constant 0 : i32
    %dma_start3A_235 = tpu.memref_slice %arg3[%add3A_233, %dma_start3A_234] : memref<320000x128xf32, #tpu.memory_space<hbm>> -> memref<80x128xf32, #tpu.memory_space<hbm>>
    %dma_start3A_236 = arith.constant 0 : i32
    %dma_start3A_237 = tpu.memref_slice %arg3[%add3A_233, %dma_start3A_236] : memref<320000x128xf32, #tpu.memory_space<hbm>> -> memref<80x128xf32, #tpu.memory_space<hbm>>
    tpu.enqueue_dma source(%dma_start3A_237 : memref<80x128xf32, #tpu.memory_space<hbm>>) target(%arg18 : memref<80x128xf32, #tpu.memory_space<vmem>>) target_semaphore(%arg27 : memref<!tpu.dma_semaphore, #tpu.memory_space<semaphore_mem>>)
    %dma_wait3A_238 = arith.constant 0 : i32
    %dma_wait3A_239 = arith.constant 0 : i32
    %dma_wait3A_240 = tpu.memref_slice %arg3[%dma_wait3A_238, %dma_wait3A_239] : memref<320000x128xf32, #tpu.memory_space<hbm>> -> memref<80x128xf32, #tpu.memory_space<hbm>>
    %dma_wait3A_241 = arith.constant 0 : i32
    %dma_wait3A_242 = arith.constant 0 : i32
    %dma_wait3A_243 = tpu.memref_slice %arg3[%dma_wait3A_241, %dma_wait3A_242] : memref<320000x128xf32, #tpu.memory_space<hbm>> -> memref<80x128xf32, #tpu.memory_space<hbm>>
    tpu.wait_dma2 semaphore(%arg24 : memref<!tpu.dma_semaphore, #tpu.memory_space<semaphore_mem>>) src(%dma_wait3A_243 : memref<80x128xf32, #tpu.memory_space<hbm>>) dst(%arg15 : memref<80x128xf32, #tpu.memory_space<vmem>>)
    %dma_wait3A_244 = arith.constant 0 : i32
    %dma_wait3A_245 = arith.constant 0 : i32
    %dma_wait3A_246 = tpu.memref_slice %arg3[%dma_wait3A_244, %dma_wait3A_245] : memref<320000x128xf32, #tpu.memory_space<hbm>> -> memref<80x128xf32, #tpu.memory_space<hbm>>
    %dma_wait3A_247 = arith.constant 0 : i32
    %dma_wait3A_248 = arith.constant 0 : i32
    %dma_wait3A_249 = tpu.memref_slice %arg3[%dma_wait3A_247, %dma_wait3A_248] : memref<320000x128xf32, #tpu.memory_space<hbm>> -> memref<80x128xf32, #tpu.memory_space<hbm>>
    tpu.wait_dma2 semaphore(%arg26 : memref<!tpu.dma_semaphore, #tpu.memory_space<semaphore_mem>>) src(%dma_wait3A_249 : memref<80x128xf32, #tpu.memory_space<hbm>>) dst(%arg17 : memref<80x128xf32, #tpu.memory_space<vmem>>)
    %dma_start3A_250 = arith.constant 0 : i32
    %dma_start3A_251 = arith.constant 0 : i32
    %dma_start3A_252 = tpu.memref_slice %arg19[%dma_start3A_250, %dma_start3A_251] : memref<10240x128xf32, #tpu.memory_space<vmem_shared>> -> memref<10240x128xf32, #tpu.memory_space<vmem_shared>>
    tpu.enqueue_indirect_dma source(%arg15 : memref<80x128xf32, #tpu.memory_space<vmem>>) target(%dma_start3A_252 : memref<10240x128xf32, #tpu.memory_space<vmem_shared>>) offsets(%arg9 : memref<80xi32, #tpu.memory_space<vmem>>) semaphore(%arg28 : memref<!tpu.dma_semaphore, #tpu.memory_space<semaphore_mem>>) {add = true}
    %dma_start3A_253 = arith.constant 0 : i32
    %dma_start3A_254 = arith.constant 0 : i32
    %dma_start3A_255 = tpu.memref_slice %arg19[%dma_start3A_253, %dma_start3A_254] : memref<10240x128xf32, #tpu.memory_space<vmem_shared>> -> memref<10240x128xf32, #tpu.memory_space<vmem_shared>>
    tpu.enqueue_indirect_dma source(%arg17 : memref<80x128xf32, #tpu.memory_space<vmem>>) target(%dma_start3A_255 : memref<10240x128xf32, #tpu.memory_space<vmem_shared>>) offsets(%arg9 : memref<80xi32, #tpu.memory_space<vmem>>) semaphore(%arg30 : memref<!tpu.dma_semaphore, #tpu.memory_space<semaphore_mem>>) {add = true}
    %dma_wait3A_256 = arith.constant 0 : i32
    %dma_wait3A_257 = arith.constant 0 : i32
    %dma_wait3A_258 = tpu.memref_slice %arg3[%dma_wait3A_256, %dma_wait3A_257] : memref<320000x128xf32, #tpu.memory_space<hbm>> -> memref<80x128xf32, #tpu.memory_space<hbm>>
    %dma_wait3A_259 = arith.constant 0 : i32
    %dma_wait3A_260 = arith.constant 0 : i32
    %dma_wait3A_261 = tpu.memref_slice %arg3[%dma_wait3A_259, %dma_wait3A_260] : memref<320000x128xf32, #tpu.memory_space<hbm>> -> memref<80x128xf32, #tpu.memory_space<hbm>>
    tpu.wait_dma2 semaphore(%arg28 : memref<!tpu.dma_semaphore, #tpu.memory_space<semaphore_mem>>) src(%dma_wait3A_261 : memref<80x128xf32, #tpu.memory_space<hbm>>) dst(%arg15 : memref<80x128xf32, #tpu.memory_space<vmem>>)
    %dma_wait3A_262 = arith.constant 0 : i32
    %dma_wait3A_263 = arith.constant 0 : i32
    %dma_wait3A_264 = tpu.memref_slice %arg3[%dma_wait3A_262, %dma_wait3A_263] : memref<320000x128xf32, #tpu.memory_space<hbm>> -> memref<80x128xf32, #tpu.memory_space<hbm>>
    %dma_wait3A_265 = arith.constant 0 : i32
    %dma_wait3A_266 = arith.constant 0 : i32
    %dma_wait3A_267 = tpu.memref_slice %arg3[%dma_wait3A_265, %dma_wait3A_266] : memref<320000x128xf32, #tpu.memory_space<hbm>> -> memref<80x128xf32, #tpu.memory_space<hbm>>
    tpu.wait_dma2 semaphore(%arg30 : memref<!tpu.dma_semaphore, #tpu.memory_space<semaphore_mem>>) src(%dma_wait3A_267 : memref<80x128xf32, #tpu.memory_space<hbm>>) dst(%arg17 : memref<80x128xf32, #tpu.memory_space<vmem>>)
    %dma_wait3A_268 = arith.constant 0 : i32
    %dma_wait3A_269 = tpu.memref_slice %arg4[%dma_wait3A_268] : memref<320000xi32, #tpu.memory_space<hbm>> -> memref<80xi32, #tpu.memory_space<hbm>>
    %dma_wait3A_270 = arith.constant 0 : i32
    %dma_wait3A_271 = tpu.memref_slice %arg4[%dma_wait3A_270] : memref<320000xi32, #tpu.memory_space<hbm>> -> memref<80xi32, #tpu.memory_space<hbm>>
    tpu.wait_dma2 semaphore(%arg20 : memref<!tpu.dma_semaphore, #tpu.memory_space<semaphore_mem>>) src(%dma_wait3A_271 : memref<80xi32, #tpu.memory_space<hbm>>) dst(%arg7 : memref<80xi32, #tpu.memory_space<vmem>>)
    %dma_wait3A_272 = arith.constant 0 : i32
    %dma_wait3A_273 = tpu.memref_slice %arg4[%dma_wait3A_272] : memref<320000xi32, #tpu.memory_space<hbm>> -> memref<80xi32, #tpu.memory_space<hbm>>
    %dma_wait3A_274 = arith.constant 0 : i32
    %dma_wait3A_275 = tpu.memref_slice %arg4[%dma_wait3A_274] : memref<320000xi32, #tpu.memory_space<hbm>> -> memref<80xi32, #tpu.memory_space<hbm>>
    tpu.wait_dma2 semaphore(%arg20 : memref<!tpu.dma_semaphore, #tpu.memory_space<semaphore_mem>>) src(%dma_wait3A_275 : memref<80xi32, #tpu.memory_space<hbm>>) dst(%arg7 : memref<80xi32, #tpu.memory_space<vmem>>)
    %dma_start3A_276 = arith.constant 0 : i32
    %dma_start3A_277 = arith.constant 0 : i32
    %dma_start3A_278 = tpu.memref_slice %arg2[%dma_start3A_276, %dma_start3A_277] : memref<10000x128xf32, #tpu.memory_space<hbm>> -> memref<10000x128xf32, #tpu.memory_space<hbm>>
    tpu.enqueue_indirect_dma source(%dma_start3A_278 : memref<10000x128xf32, #tpu.memory_space<hbm>>) target(%arg15 : memref<80x128xf32, #tpu.memory_space<vmem>>) offsets(%arg11 : memref<80xi32, #tpu.memory_space<vmem>>) semaphore(%arg24 : memref<!tpu.dma_semaphore, #tpu.memory_space<semaphore_mem>>)
    %mul3A_279 = arith.constant 10000 : i32
    %mul3A_280 = arith.muli %add3A, %mul3A_279 : i32
    %add3A_281 = arith.constant 9920 : i32
    %add3A_282 = arith.addi %mul3A_280, %add3A_281 : i32
    %dma_start3A_283 = arith.constant 0 : i32
    %dma_start3A_284 = tpu.memref_slice %arg3[%add3A_282, %dma_start3A_283] : memref<320000x128xf32, #tpu.memory_space<hbm>> -> memref<80x128xf32, #tpu.memory_space<hbm>>
    %dma_start3A_285 = arith.constant 0 : i32
    %dma_start3A_286 = tpu.memref_slice %arg3[%add3A_282, %dma_start3A_285] : memref<320000x128xf32, #tpu.memory_space<hbm>> -> memref<80x128xf32, #tpu.memory_space<hbm>>
    tpu.enqueue_dma source(%dma_start3A_286 : memref<80x128xf32, #tpu.memory_space<hbm>>) target(%arg17 : memref<80x128xf32, #tpu.memory_space<vmem>>) target_semaphore(%arg26 : memref<!tpu.dma_semaphore, #tpu.memory_space<semaphore_mem>>)
    %dma_wait3A_287 = arith.constant 0 : i32
    %dma_wait3A_288 = arith.constant 0 : i32
    %dma_wait3A_289 = tpu.memref_slice %arg3[%dma_wait3A_287, %dma_wait3A_288] : memref<320000x128xf32, #tpu.memory_space<hbm>> -> memref<80x128xf32, #tpu.memory_space<hbm>>
    %dma_wait3A_290 = arith.constant 0 : i32
    %dma_wait3A_291 = arith.constant 0 : i32
    %dma_wait3A_292 = tpu.memref_slice %arg3[%dma_wait3A_290, %dma_wait3A_291] : memref<320000x128xf32, #tpu.memory_space<hbm>> -> memref<80x128xf32, #tpu.memory_space<hbm>>
    tpu.wait_dma2 semaphore(%arg25 : memref<!tpu.dma_semaphore, #tpu.memory_space<semaphore_mem>>) src(%dma_wait3A_292 : memref<80x128xf32, #tpu.memory_space<hbm>>) dst(%arg16 : memref<80x128xf32, #tpu.memory_space<vmem>>)
    %dma_wait3A_293 = arith.constant 0 : i32
    %dma_wait3A_294 = arith.constant 0 : i32
    %dma_wait3A_295 = tpu.memref_slice %arg3[%dma_wait3A_293, %dma_wait3A_294] : memref<320000x128xf32, #tpu.memory_space<hbm>> -> memref<80x128xf32, #tpu.memory_space<hbm>>
    %dma_wait3A_296 = arith.constant 0 : i32
    %dma_wait3A_297 = arith.constant 0 : i32
    %dma_wait3A_298 = tpu.memref_slice %arg3[%dma_wait3A_296, %dma_wait3A_297] : memref<320000x128xf32, #tpu.memory_space<hbm>> -> memref<80x128xf32, #tpu.memory_space<hbm>>
    tpu.wait_dma2 semaphore(%arg27 : memref<!tpu.dma_semaphore, #tpu.memory_space<semaphore_mem>>) src(%dma_wait3A_298 : memref<80x128xf32, #tpu.memory_space<hbm>>) dst(%arg18 : memref<80x128xf32, #tpu.memory_space<vmem>>)
    %dma_start3A_299 = arith.constant 0 : i32
    %dma_start3A_300 = arith.constant 0 : i32
    %dma_start3A_301 = tpu.memref_slice %arg19[%dma_start3A_299, %dma_start3A_300] : memref<10240x128xf32, #tpu.memory_space<vmem_shared>> -> memref<10240x128xf32, #tpu.memory_space<vmem_shared>>
    tpu.enqueue_indirect_dma source(%arg16 : memref<80x128xf32, #tpu.memory_space<vmem>>) target(%dma_start3A_301 : memref<10240x128xf32, #tpu.memory_space<vmem_shared>>) offsets(%arg10 : memref<80xi32, #tpu.memory_space<vmem>>) semaphore(%arg29 : memref<!tpu.dma_semaphore, #tpu.memory_space<semaphore_mem>>) {add = true}
    %dma_start3A_302 = arith.constant 0 : i32
    %dma_start3A_303 = arith.constant 0 : i32
    %dma_start3A_304 = tpu.memref_slice %arg19[%dma_start3A_302, %dma_start3A_303] : memref<10240x128xf32, #tpu.memory_space<vmem_shared>> -> memref<10240x128xf32, #tpu.memory_space<vmem_shared>>
    tpu.enqueue_indirect_dma source(%arg18 : memref<80x128xf32, #tpu.memory_space<vmem>>) target(%dma_start3A_304 : memref<10240x128xf32, #tpu.memory_space<vmem_shared>>) offsets(%arg10 : memref<80xi32, #tpu.memory_space<vmem>>) semaphore(%arg31 : memref<!tpu.dma_semaphore, #tpu.memory_space<semaphore_mem>>) {add = true}
    %dma_wait3A_305 = arith.constant 0 : i32
    %dma_wait3A_306 = arith.constant 0 : i32
    %dma_wait3A_307 = tpu.memref_slice %arg3[%dma_wait3A_305, %dma_wait3A_306] : memref<320000x128xf32, #tpu.memory_space<hbm>> -> memref<80x128xf32, #tpu.memory_space<hbm>>
    %dma_wait3A_308 = arith.constant 0 : i32
    %dma_wait3A_309 = arith.constant 0 : i32
    %dma_wait3A_310 = tpu.memref_slice %arg3[%dma_wait3A_308, %dma_wait3A_309] : memref<320000x128xf32, #tpu.memory_space<hbm>> -> memref<80x128xf32, #tpu.memory_space<hbm>>
    tpu.wait_dma2 semaphore(%arg29 : memref<!tpu.dma_semaphore, #tpu.memory_space<semaphore_mem>>) src(%dma_wait3A_310 : memref<80x128xf32, #tpu.memory_space<hbm>>) dst(%arg16 : memref<80x128xf32, #tpu.memory_space<vmem>>)
    %dma_wait3A_311 = arith.constant 0 : i32
    %dma_wait3A_312 = arith.constant 0 : i32
    %dma_wait3A_313 = tpu.memref_slice %arg3[%dma_wait3A_311, %dma_wait3A_312] : memref<320000x128xf32, #tpu.memory_space<hbm>> -> memref<80x128xf32, #tpu.memory_space<hbm>>
    %dma_wait3A_314 = arith.constant 0 : i32
    %dma_wait3A_315 = arith.constant 0 : i32
    %dma_wait3A_316 = tpu.memref_slice %arg3[%dma_wait3A_314, %dma_wait3A_315] : memref<320000x128xf32, #tpu.memory_space<hbm>> -> memref<80x128xf32, #tpu.memory_space<hbm>>
    tpu.wait_dma2 semaphore(%arg31 : memref<!tpu.dma_semaphore, #tpu.memory_space<semaphore_mem>>) src(%dma_wait3A_316 : memref<80x128xf32, #tpu.memory_space<hbm>>) dst(%arg18 : memref<80x128xf32, #tpu.memory_space<vmem>>)
    %dma_wait3A_317 = arith.constant 0 : i32
    %dma_wait3A_318 = arith.constant 0 : i32
    %dma_wait3A_319 = tpu.memref_slice %arg3[%dma_wait3A_317, %dma_wait3A_318] : memref<320000x128xf32, #tpu.memory_space<hbm>> -> memref<80x128xf32, #tpu.memory_space<hbm>>
    %dma_wait3A_320 = arith.constant 0 : i32
    %dma_wait3A_321 = arith.constant 0 : i32
    %dma_wait3A_322 = tpu.memref_slice %arg3[%dma_wait3A_320, %dma_wait3A_321] : memref<320000x128xf32, #tpu.memory_space<hbm>> -> memref<80x128xf32, #tpu.memory_space<hbm>>
    tpu.wait_dma2 semaphore(%arg24 : memref<!tpu.dma_semaphore, #tpu.memory_space<semaphore_mem>>) src(%dma_wait3A_322 : memref<80x128xf32, #tpu.memory_space<hbm>>) dst(%arg15 : memref<80x128xf32, #tpu.memory_space<vmem>>)
    %dma_wait3A_323 = arith.constant 0 : i32
    %dma_wait3A_324 = arith.constant 0 : i32
    %dma_wait3A_325 = tpu.memref_slice %arg3[%dma_wait3A_323, %dma_wait3A_324] : memref<320000x128xf32, #tpu.memory_space<hbm>> -> memref<80x128xf32, #tpu.memory_space<hbm>>
    %dma_wait3A_326 = arith.constant 0 : i32
    %dma_wait3A_327 = arith.constant 0 : i32
    %dma_wait3A_328 = tpu.memref_slice %arg3[%dma_wait3A_326, %dma_wait3A_327] : memref<320000x128xf32, #tpu.memory_space<hbm>> -> memref<80x128xf32, #tpu.memory_space<hbm>>
    tpu.wait_dma2 semaphore(%arg26 : memref<!tpu.dma_semaphore, #tpu.memory_space<semaphore_mem>>) src(%dma_wait3A_328 : memref<80x128xf32, #tpu.memory_space<hbm>>) dst(%arg17 : memref<80x128xf32, #tpu.memory_space<vmem>>)
    %dma_start3A_329 = arith.constant 0 : i32
    %dma_start3A_330 = arith.constant 0 : i32
    %dma_start3A_331 = tpu.memref_slice %arg19[%dma_start3A_329, %dma_start3A_330] : memref<10240x128xf32, #tpu.memory_space<vmem_shared>> -> memref<10240x128xf32, #tpu.memory_space<vmem_shared>>
    tpu.enqueue_indirect_dma source(%arg15 : memref<80x128xf32, #tpu.memory_space<vmem>>) target(%dma_start3A_331 : memref<10240x128xf32, #tpu.memory_space<vmem_shared>>) offsets(%arg7 : memref<80xi32, #tpu.memory_space<vmem>>) semaphore(%arg28 : memref<!tpu.dma_semaphore, #tpu.memory_space<semaphore_mem>>) {add = true}
    %dma_start3A_332 = arith.constant 0 : i32
    %dma_start3A_333 = arith.constant 0 : i32
    %dma_start3A_334 = tpu.memref_slice %arg19[%dma_start3A_332, %dma_start3A_333] : memref<10240x128xf32, #tpu.memory_space<vmem_shared>> -> memref<10240x128xf32, #tpu.memory_space<vmem_shared>>
    tpu.enqueue_indirect_dma source(%arg17 : memref<80x128xf32, #tpu.memory_space<vmem>>) target(%dma_start3A_334 : memref<10240x128xf32, #tpu.memory_space<vmem_shared>>) offsets(%arg7 : memref<80xi32, #tpu.memory_space<vmem>>) semaphore(%arg30 : memref<!tpu.dma_semaphore, #tpu.memory_space<semaphore_mem>>) {add = true}
    %dma_wait3A_335 = arith.constant 0 : i32
    %dma_wait3A_336 = arith.constant 0 : i32
    %dma_wait3A_337 = tpu.memref_slice %arg3[%dma_wait3A_335, %dma_wait3A_336] : memref<320000x128xf32, #tpu.memory_space<hbm>> -> memref<80x128xf32, #tpu.memory_space<hbm>>
    %dma_wait3A_338 = arith.constant 0 : i32
    %dma_wait3A_339 = arith.constant 0 : i32
    %dma_wait3A_340 = tpu.memref_slice %arg3[%dma_wait3A_338, %dma_wait3A_339] : memref<320000x128xf32, #tpu.memory_space<hbm>> -> memref<80x128xf32, #tpu.memory_space<hbm>>
    tpu.wait_dma2 semaphore(%arg28 : memref<!tpu.dma_semaphore, #tpu.memory_space<semaphore_mem>>) src(%dma_wait3A_340 : memref<80x128xf32, #tpu.memory_space<hbm>>) dst(%arg15 : memref<80x128xf32, #tpu.memory_space<vmem>>)
    %dma_wait3A_341 = arith.constant 0 : i32
    %dma_wait3A_342 = arith.constant 0 : i32
    %dma_wait3A_343 = tpu.memref_slice %arg3[%dma_wait3A_341, %dma_wait3A_342] : memref<320000x128xf32, #tpu.memory_space<hbm>> -> memref<80x128xf32, #tpu.memory_space<hbm>>
    %dma_wait3A_344 = arith.constant 0 : i32
    %dma_wait3A_345 = arith.constant 0 : i32
    %dma_wait3A_346 = tpu.memref_slice %arg3[%dma_wait3A_344, %dma_wait3A_345] : memref<320000x128xf32, #tpu.memory_space<hbm>> -> memref<80x128xf32, #tpu.memory_space<hbm>>
    tpu.wait_dma2 semaphore(%arg30 : memref<!tpu.dma_semaphore, #tpu.memory_space<semaphore_mem>>) src(%dma_wait3A_346 : memref<80x128xf32, #tpu.memory_space<hbm>>) dst(%arg17 : memref<80x128xf32, #tpu.memory_space<vmem>>)
    %barrier3A_347 = arith.constant 0 : index
    tpu.barrier barrier_id(%barrier3A_347)
    %mul3A_348 = arith.constant 640 : i32
    %mul3A_349 = arith.muli %arg1, %mul3A_348 : i32
    %add3A_350 = arith.constant 0 : i32
    %add3A_351 = arith.addi %mul3A_349, %add3A_350 : i32
    %mul3A_352 = arith.constant 10240 : i32
    %mul3A_353 = arith.muli %arg0, %mul3A_352 : i32
    %add3A_354 = arith.addi %mul3A_353, %add3A_351 : i32
    "tpu.region"() ({
      %run_scoped3A = tpu.sem_alloc : memref<!tpu.dma_semaphore, #tpu.memory_space<semaphore_mem>>
      %dma_start3A_404 = arith.constant 0 : i32
      %dma_start3A_405 = tpu.memref_slice %arg6[%add3A_354, %dma_start3A_404] : memref<20480x128xf32, #tpu.memory_space<hbm>> -> memref<80x128xf32, #tpu.memory_space<hbm>>
      %dma_start3A_406 = arith.constant 0 : i32
      %dma_start3A_407 = tpu.memref_slice %arg19[%add3A_351, %dma_start3A_406] : memref<10240x128xf32, #tpu.memory_space<vmem_shared>> -> memref<80x128xf32, #tpu.memory_space<vmem_shared>>
      tpu.enqueue_dma source(%dma_start3A_407 : memref<80x128xf32, #tpu.memory_space<vmem_shared>>) target(%dma_start3A_405 : memref<80x128xf32, #tpu.memory_space<hbm>>) target_semaphore(%run_scoped3A : memref<!tpu.dma_semaphore, #tpu.memory_space<semaphore_mem>>)
      %dma_wait3A_408 = arith.constant 0 : i32
      %dma_wait3A_409 = tpu.memref_slice %arg6[%add3A_354, %dma_wait3A_408] : memref<20480x128xf32, #tpu.memory_space<hbm>> -> memref<80x128xf32, #tpu.memory_space<hbm>>
      %dma_wait3A_410 = arith.constant 0 : i32
      %dma_wait3A_411 = tpu.memref_slice %arg19[%add3A_351, %dma_wait3A_410] : memref<10240x128xf32, #tpu.memory_space<vmem_shared>> -> memref<80x128xf32, #tpu.memory_space<vmem_shared>>
      tpu.wait_dma2 semaphore(%run_scoped3A : memref<!tpu.dma_semaphore, #tpu.memory_space<semaphore_mem>>) src(%dma_wait3A_411 : memref<80x128xf32, #tpu.memory_space<vmem_shared>>) dst(%dma_wait3A_409 : memref<80x128xf32, #tpu.memory_space<hbm>>)
      tpu.yield
    }) : () -> ()
    %mul3A_355 = arith.constant 640 : i32
    %mul3A_356 = arith.muli %arg1, %mul3A_355 : i32
    %add3A_357 = arith.constant 80 : i32
    %add3A_358 = arith.addi %mul3A_356, %add3A_357 : i32
    %mul3A_359 = arith.constant 10240 : i32
    %mul3A_360 = arith.muli %arg0, %mul3A_359 : i32
    %add3A_361 = arith.addi %mul3A_360, %add3A_358 : i32
    "tpu.region"() ({
      %run_scoped3A = tpu.sem_alloc : memref<!tpu.dma_semaphore, #tpu.memory_space<semaphore_mem>>
      %dma_start3A_404 = arith.constant 0 : i32
      %dma_start3A_405 = tpu.memref_slice %arg6[%add3A_361, %dma_start3A_404] : memref<20480x128xf32, #tpu.memory_space<hbm>> -> memref<80x128xf32, #tpu.memory_space<hbm>>
      %dma_start3A_406 = arith.constant 0 : i32
      %dma_start3A_407 = tpu.memref_slice %arg19[%add3A_358, %dma_start3A_406] : memref<10240x128xf32, #tpu.memory_space<vmem_shared>> -> memref<80x128xf32, #tpu.memory_space<vmem_shared>>
      tpu.enqueue_dma source(%dma_start3A_407 : memref<80x128xf32, #tpu.memory_space<vmem_shared>>) target(%dma_start3A_405 : memref<80x128xf32, #tpu.memory_space<hbm>>) target_semaphore(%run_scoped3A : memref<!tpu.dma_semaphore, #tpu.memory_space<semaphore_mem>>)
      %dma_wait3A_408 = arith.constant 0 : i32
      %dma_wait3A_409 = tpu.memref_slice %arg6[%add3A_361, %dma_wait3A_408] : memref<20480x128xf32, #tpu.memory_space<hbm>> -> memref<80x128xf32, #tpu.memory_space<hbm>>
      %dma_wait3A_410 = arith.constant 0 : i32
      %dma_wait3A_411 = tpu.memref_slice %arg19[%add3A_358, %dma_wait3A_410] : memref<10240x128xf32, #tpu.memory_space<vmem_shared>> -> memref<80x128xf32, #tpu.memory_space<vmem_shared>>
      tpu.wait_dma2 semaphore(%run_scoped3A : memref<!tpu.dma_semaphore, #tpu.memory_space<semaphore_mem>>) src(%dma_wait3A_411 : memref<80x128xf32, #tpu.memory_space<vmem_shared>>) dst(%dma_wait3A_409 : memref<80x128xf32, #tpu.memory_space<hbm>>)
      tpu.yield
    }) : () -> ()
    %mul3A_362 = arith.constant 640 : i32
    %mul3A_363 = arith.muli %arg1, %mul3A_362 : i32
    %add3A_364 = arith.constant 160 : i32
    %add3A_365 = arith.addi %mul3A_363, %add3A_364 : i32
    %mul3A_366 = arith.constant 10240 : i32
    %mul3A_367 = arith.muli %arg0, %mul3A_366 : i32
    %add3A_368 = arith.addi %mul3A_367, %add3A_365 : i32
    "tpu.region"() ({
      %run_scoped3A = tpu.sem_alloc : memref<!tpu.dma_semaphore, #tpu.memory_space<semaphore_mem>>
      %dma_start3A_404 = arith.constant 0 : i32
      %dma_start3A_405 = tpu.memref_slice %arg6[%add3A_368, %dma_start3A_404] : memref<20480x128xf32, #tpu.memory_space<hbm>> -> memref<80x128xf32, #tpu.memory_space<hbm>>
      %dma_start3A_406 = arith.constant 0 : i32
      %dma_start3A_407 = tpu.memref_slice %arg19[%add3A_365, %dma_start3A_406] : memref<10240x128xf32, #tpu.memory_space<vmem_shared>> -> memref<80x128xf32, #tpu.memory_space<vmem_shared>>
      tpu.enqueue_dma source(%dma_start3A_407 : memref<80x128xf32, #tpu.memory_space<vmem_shared>>) target(%dma_start3A_405 : memref<80x128xf32, #tpu.memory_space<hbm>>) target_semaphore(%run_scoped3A : memref<!tpu.dma_semaphore, #tpu.memory_space<semaphore_mem>>)
      %dma_wait3A_408 = arith.constant 0 : i32
      %dma_wait3A_409 = tpu.memref_slice %arg6[%add3A_368, %dma_wait3A_408] : memref<20480x128xf32, #tpu.memory_space<hbm>> -> memref<80x128xf32, #tpu.memory_space<hbm>>
      %dma_wait3A_410 = arith.constant 0 : i32
      %dma_wait3A_411 = tpu.memref_slice %arg19[%add3A_365, %dma_wait3A_410] : memref<10240x128xf32, #tpu.memory_space<vmem_shared>> -> memref<80x128xf32, #tpu.memory_space<vmem_shared>>
      tpu.wait_dma2 semaphore(%run_scoped3A : memref<!tpu.dma_semaphore, #tpu.memory_space<semaphore_mem>>) src(%dma_wait3A_411 : memref<80x128xf32, #tpu.memory_space<vmem_shared>>) dst(%dma_wait3A_409 : memref<80x128xf32, #tpu.memory_space<hbm>>)
      tpu.yield
    }) : () -> ()
    %mul3A_369 = arith.constant 640 : i32
    %mul3A_370 = arith.muli %arg1, %mul3A_369 : i32
    %add3A_371 = arith.constant 240 : i32
    %add3A_372 = arith.addi %mul3A_370, %add3A_371 : i32
    %mul3A_373 = arith.constant 10240 : i32
    %mul3A_374 = arith.muli %arg0, %mul3A_373 : i32
    %add3A_375 = arith.addi %mul3A_374, %add3A_372 : i32
    "tpu.region"() ({
      %run_scoped3A = tpu.sem_alloc : memref<!tpu.dma_semaphore, #tpu.memory_space<semaphore_mem>>
      %dma_start3A_404 = arith.constant 0 : i32
      %dma_start3A_405 = tpu.memref_slice %arg6[%add3A_375, %dma_start3A_404] : memref<20480x128xf32, #tpu.memory_space<hbm>> -> memref<80x128xf32, #tpu.memory_space<hbm>>
      %dma_start3A_406 = arith.constant 0 : i32
      %dma_start3A_407 = tpu.memref_slice %arg19[%add3A_372, %dma_start3A_406] : memref<10240x128xf32, #tpu.memory_space<vmem_shared>> -> memref<80x128xf32, #tpu.memory_space<vmem_shared>>
      tpu.enqueue_dma source(%dma_start3A_407 : memref<80x128xf32, #tpu.memory_space<vmem_shared>>) target(%dma_start3A_405 : memref<80x128xf32, #tpu.memory_space<hbm>>) target_semaphore(%run_scoped3A : memref<!tpu.dma_semaphore, #tpu.memory_space<semaphore_mem>>)
      %dma_wait3A_408 = arith.constant 0 : i32
      %dma_wait3A_409 = tpu.memref_slice %arg6[%add3A_375, %dma_wait3A_408] : memref<20480x128xf32, #tpu.memory_space<hbm>> -> memref<80x128xf32, #tpu.memory_space<hbm>>
      %dma_wait3A_410 = arith.constant 0 : i32
      %dma_wait3A_411 = tpu.memref_slice %arg19[%add3A_372, %dma_wait3A_410] : memref<10240x128xf32, #tpu.memory_space<vmem_shared>> -> memref<80x128xf32, #tpu.memory_space<vmem_shared>>
      tpu.wait_dma2 semaphore(%run_scoped3A : memref<!tpu.dma_semaphore, #tpu.memory_space<semaphore_mem>>) src(%dma_wait3A_411 : memref<80x128xf32, #tpu.memory_space<vmem_shared>>) dst(%dma_wait3A_409 : memref<80x128xf32, #tpu.memory_space<hbm>>)
      tpu.yield
    }) : () -> ()
    %mul3A_376 = arith.constant 640 : i32
    %mul3A_377 = arith.muli %arg1, %mul3A_376 : i32
    %add3A_378 = arith.constant 320 : i32
    %add3A_379 = arith.addi %mul3A_377, %add3A_378 : i32
    %mul3A_380 = arith.constant 10240 : i32
    %mul3A_381 = arith.muli %arg0, %mul3A_380 : i32
    %add3A_382 = arith.addi %mul3A_381, %add3A_379 : i32
    "tpu.region"() ({
      %run_scoped3A = tpu.sem_alloc : memref<!tpu.dma_semaphore, #tpu.memory_space<semaphore_mem>>
      %dma_start3A_404 = arith.constant 0 : i32
      %dma_start3A_405 = tpu.memref_slice %arg6[%add3A_382, %dma_start3A_404] : memref<20480x128xf32, #tpu.memory_space<hbm>> -> memref<80x128xf32, #tpu.memory_space<hbm>>
      %dma_start3A_406 = arith.constant 0 : i32
      %dma_start3A_407 = tpu.memref_slice %arg19[%add3A_379, %dma_start3A_406] : memref<10240x128xf32, #tpu.memory_space<vmem_shared>> -> memref<80x128xf32, #tpu.memory_space<vmem_shared>>
      tpu.enqueue_dma source(%dma_start3A_407 : memref<80x128xf32, #tpu.memory_space<vmem_shared>>) target(%dma_start3A_405 : memref<80x128xf32, #tpu.memory_space<hbm>>) target_semaphore(%run_scoped3A : memref<!tpu.dma_semaphore, #tpu.memory_space<semaphore_mem>>)
      %dma_wait3A_408 = arith.constant 0 : i32
      %dma_wait3A_409 = tpu.memref_slice %arg6[%add3A_382, %dma_wait3A_408] : memref<20480x128xf32, #tpu.memory_space<hbm>> -> memref<80x128xf32, #tpu.memory_space<hbm>>
      %dma_wait3A_410 = arith.constant 0 : i32
      %dma_wait3A_411 = tpu.memref_slice %arg19[%add3A_379, %dma_wait3A_410] : memref<10240x128xf32, #tpu.memory_space<vmem_shared>> -> memref<80x128xf32, #tpu.memory_space<vmem_shared>>
      tpu.wait_dma2 semaphore(%run_scoped3A : memref<!tpu.dma_semaphore, #tpu.memory_space<semaphore_mem>>) src(%dma_wait3A_411 : memref<80x128xf32, #tpu.memory_space<vmem_shared>>) dst(%dma_wait3A_409 : memref<80x128xf32, #tpu.memory_space<hbm>>)
      tpu.yield
    }) : () -> ()
    %mul3A_383 = arith.constant 640 : i32
    %mul3A_384 = arith.muli %arg1, %mul3A_383 : i32
    %add3A_385 = arith.constant 400 : i32
    %add3A_386 = arith.addi %mul3A_384, %add3A_385 : i32
    %mul3A_387 = arith.constant 10240 : i32
    %mul3A_388 = arith.muli %arg0, %mul3A_387 : i32
    %add3A_389 = arith.addi %mul3A_388, %add3A_386 : i32
    "tpu.region"() ({
      %run_scoped3A = tpu.sem_alloc : memref<!tpu.dma_semaphore, #tpu.memory_space<semaphore_mem>>
      %dma_start3A_404 = arith.constant 0 : i32
      %dma_start3A_405 = tpu.memref_slice %arg6[%add3A_389, %dma_start3A_404] : memref<20480x128xf32, #tpu.memory_space<hbm>> -> memref<80x128xf32, #tpu.memory_space<hbm>>
      %dma_start3A_406 = arith.constant 0 : i32
      %dma_start3A_407 = tpu.memref_slice %arg19[%add3A_386, %dma_start3A_406] : memref<10240x128xf32, #tpu.memory_space<vmem_shared>> -> memref<80x128xf32, #tpu.memory_space<vmem_shared>>
      tpu.enqueue_dma source(%dma_start3A_407 : memref<80x128xf32, #tpu.memory_space<vmem_shared>>) target(%dma_start3A_405 : memref<80x128xf32, #tpu.memory_space<hbm>>) target_semaphore(%run_scoped3A : memref<!tpu.dma_semaphore, #tpu.memory_space<semaphore_mem>>)
      %dma_wait3A_408 = arith.constant 0 : i32
      %dma_wait3A_409 = tpu.memref_slice %arg6[%add3A_389, %dma_wait3A_408] : memref<20480x128xf32, #tpu.memory_space<hbm>> -> memref<80x128xf32, #tpu.memory_space<hbm>>
      %dma_wait3A_410 = arith.constant 0 : i32
      %dma_wait3A_411 = tpu.memref_slice %arg19[%add3A_386, %dma_wait3A_410] : memref<10240x128xf32, #tpu.memory_space<vmem_shared>> -> memref<80x128xf32, #tpu.memory_space<vmem_shared>>
      tpu.wait_dma2 semaphore(%run_scoped3A : memref<!tpu.dma_semaphore, #tpu.memory_space<semaphore_mem>>) src(%dma_wait3A_411 : memref<80x128xf32, #tpu.memory_space<vmem_shared>>) dst(%dma_wait3A_409 : memref<80x128xf32, #tpu.memory_space<hbm>>)
      tpu.yield
    }) : () -> ()
    %mul3A_390 = arith.constant 640 : i32
    %mul3A_391 = arith.muli %arg1, %mul3A_390 : i32
    %add3A_392 = arith.constant 480 : i32
    %add3A_393 = arith.addi %mul3A_391, %add3A_392 : i32
    %mul3A_394 = arith.constant 10240 : i32
    %mul3A_395 = arith.muli %arg0, %mul3A_394 : i32
    %add3A_396 = arith.addi %mul3A_395, %add3A_393 : i32
    "tpu.region"() ({
      %run_scoped3A = tpu.sem_alloc : memref<!tpu.dma_semaphore, #tpu.memory_space<semaphore_mem>>
      %dma_start3A_404 = arith.constant 0 : i32
      %dma_start3A_405 = tpu.memref_slice %arg6[%add3A_396, %dma_start3A_404] : memref<20480x128xf32, #tpu.memory_space<hbm>> -> memref<80x128xf32, #tpu.memory_space<hbm>>
      %dma_start3A_406 = arith.constant 0 : i32
      %dma_start3A_407 = tpu.memref_slice %arg19[%add3A_393, %dma_start3A_406] : memref<10240x128xf32, #tpu.memory_space<vmem_shared>> -> memref<80x128xf32, #tpu.memory_space<vmem_shared>>
      tpu.enqueue_dma source(%dma_start3A_407 : memref<80x128xf32, #tpu.memory_space<vmem_shared>>) target(%dma_start3A_405 : memref<80x128xf32, #tpu.memory_space<hbm>>) target_semaphore(%run_scoped3A : memref<!tpu.dma_semaphore, #tpu.memory_space<semaphore_mem>>)
      %dma_wait3A_408 = arith.constant 0 : i32
      %dma_wait3A_409 = tpu.memref_slice %arg6[%add3A_396, %dma_wait3A_408] : memref<20480x128xf32, #tpu.memory_space<hbm>> -> memref<80x128xf32, #tpu.memory_space<hbm>>
      %dma_wait3A_410 = arith.constant 0 : i32
      %dma_wait3A_411 = tpu.memref_slice %arg19[%add3A_393, %dma_wait3A_410] : memref<10240x128xf32, #tpu.memory_space<vmem_shared>> -> memref<80x128xf32, #tpu.memory_space<vmem_shared>>
      tpu.wait_dma2 semaphore(%run_scoped3A : memref<!tpu.dma_semaphore, #tpu.memory_space<semaphore_mem>>) src(%dma_wait3A_411 : memref<80x128xf32, #tpu.memory_space<vmem_shared>>) dst(%dma_wait3A_409 : memref<80x128xf32, #tpu.memory_space<hbm>>)
      tpu.yield
    }) : () -> ()
    %mul3A_397 = arith.constant 640 : i32
    %mul3A_398 = arith.muli %arg1, %mul3A_397 : i32
    %add3A_399 = arith.constant 560 : i32
    %add3A_400 = arith.addi %mul3A_398, %add3A_399 : i32
    %mul3A_401 = arith.constant 10240 : i32
    %mul3A_402 = arith.muli %arg0, %mul3A_401 : i32
    %add3A_403 = arith.addi %mul3A_402, %add3A_400 : i32
    "tpu.region"() ({
      %run_scoped3A = tpu.sem_alloc : memref<!tpu.dma_semaphore, #tpu.memory_space<semaphore_mem>>
      %dma_start3A_404 = arith.constant 0 : i32
      %dma_start3A_405 = tpu.memref_slice %arg6[%add3A_403, %dma_start3A_404] : memref<20480x128xf32, #tpu.memory_space<hbm>> -> memref<80x128xf32, #tpu.memory_space<hbm>>
      %dma_start3A_406 = arith.constant 0 : i32
      %dma_start3A_407 = tpu.memref_slice %arg19[%add3A_400, %dma_start3A_406] : memref<10240x128xf32, #tpu.memory_space<vmem_shared>> -> memref<80x128xf32, #tpu.memory_space<vmem_shared>>
      tpu.enqueue_dma source(%dma_start3A_407 : memref<80x128xf32, #tpu.memory_space<vmem_shared>>) target(%dma_start3A_405 : memref<80x128xf32, #tpu.memory_space<hbm>>) target_semaphore(%run_scoped3A : memref<!tpu.dma_semaphore, #tpu.memory_space<semaphore_mem>>)
      %dma_wait3A_408 = arith.constant 0 : i32
      %dma_wait3A_409 = tpu.memref_slice %arg6[%add3A_403, %dma_wait3A_408] : memref<20480x128xf32, #tpu.memory_space<hbm>> -> memref<80x128xf32, #tpu.memory_space<hbm>>
      %dma_wait3A_410 = arith.constant 0 : i32
      %dma_wait3A_411 = tpu.memref_slice %arg19[%add3A_400, %dma_wait3A_410] : memref<10240x128xf32, #tpu.memory_space<vmem_shared>> -> memref<80x128xf32, #tpu.memory_space<vmem_shared>>
      tpu.wait_dma2 semaphore(%run_scoped3A : memref<!tpu.dma_semaphore, #tpu.memory_space<semaphore_mem>>) src(%dma_wait3A_411 : memref<80x128xf32, #tpu.memory_space<vmem_shared>>) dst(%dma_wait3A_409 : memref<80x128xf32, #tpu.memory_space<hbm>>)
      tpu.yield
    }) : () -> ()
    return
  }
}

#map = affine_map<(d0, d1) -> (0, 0)>
#map1 = affine_map<(d0, d1) -> (0)>
module attributes {stable_mosaic.version = 14 : i64} {
  func.func @k(%arg0: i32, %arg1: i32, %arg2: memref<10000x128xf32, #tpu.memory_space<hbm>>, %arg3: memref<320000x128xf32, #tpu.memory_space<hbm>>, %arg4: memref<320000xi32, #tpu.memory_space<hbm>>, %arg5: memref<320000xi32, #tpu.memory_space<hbm>>, %arg6: memref<20480x128xf32, #tpu.memory_space<hbm>>, %arg7: memref<80xi32, #tpu.memory_space<vmem>>, %arg8: memref<80xi32, #tpu.memory_space<vmem>>, %arg9: memref<80xi32, #tpu.memory_space<vmem>>, %arg10: memref<80xi32, #tpu.memory_space<vmem>>, %arg11: memref<80xi32, #tpu.memory_space<vmem>>, %arg12: memref<80xi32, #tpu.memory_space<vmem>>, %arg13: memref<80xi32, #tpu.memory_space<vmem>>, %arg14: memref<80xi32, #tpu.memory_space<vmem>>, %arg15: memref<80x128xf32, #tpu.memory_space<vmem>>, %arg16: memref<80x128xf32, #tpu.memory_space<vmem>>, %arg17: memref<80x128xf32, #tpu.memory_space<vmem>>, %arg18: memref<80x128xf32, #tpu.memory_space<vmem>>, %arg19: memref<10240x128xf32, #tpu.memory_space<vmem_shared>>, %arg20: memref<!tpu.dma_semaphore, #tpu.memory_space<semaphore_mem>>, %arg21: memref<!tpu.dma_semaphore, #tpu.memory_space<semaphore_mem>>, %arg22: memref<!tpu.dma_semaphore, #tpu.memory_space<semaphore_mem>>, %arg23: memref<!tpu.dma_semaphore, #tpu.memory_space<semaphore_mem>>, %arg24: memref<!tpu.dma_semaphore, #tpu.memory_space<semaphore_mem>>, %arg25: memref<!tpu.dma_semaphore, #tpu.memory_space<semaphore_mem>>, %arg26: memref<!tpu.dma_semaphore, #tpu.memory_space<semaphore_mem>>, %arg27: memref<!tpu.dma_semaphore, #tpu.memory_space<semaphore_mem>>, %arg28: memref<!tpu.dma_semaphore, #tpu.memory_space<semaphore_mem>>, %arg29: memref<!tpu.dma_semaphore, #tpu.memory_space<semaphore_mem>>, %arg30: memref<!tpu.dma_semaphore, #tpu.memory_space<semaphore_mem>>, %arg31: memref<!tpu.dma_semaphore, #tpu.memory_space<semaphore_mem>>) attributes {dimension_semantics = [#tpu.dimension_semantics<core_parallel>, #tpu.dimension_semantics<subcore_parallel>], iteration_bounds = array<i64: 2, 16>, scalar_prefetch = 0 : i64, scratch_operands = 25 : i64, tpu.core_type = #tpu.core_type<sc_vector_subcore>, window_params = [{transform_indices = #map}, {transform_indices = #map}, {transform_indices = #map1}, {transform_indices = #map1}, {transform_indices = #map}]} {
    %mul3A = arith.constant 2 : i32
    %mul3A_0 = arith.muli %arg1, %mul3A : i32
    %add3A = arith.addi %mul3A_0, %arg0 : i32
    %scan3A = arith.constant 0 : i32
    %scan3A_1 = arith.constant 0 : i32
    %scan3A_2 = arith.constant 80 : i32
    %scan3A_3 = arith.addi %scan3A_1, %scan3A_2 : i32
    %scan3A_4 = arith.constant 1 : i32
    scf.for %scan3A_404 = %scan3A_1 to %scan3A_3 step %scan3A_4  : i32 {
      %broadcast_in_dim3A = arith.constant 0.000000e+00 : f32
      %broadcast_in_dim3A_405 = vector.broadcast %broadcast_in_dim3A : f32 to vector<16xf32>
      %swap3A = arith.index_cast %scan3A_404 : i32 to index
      %swap3A_406 = arith.constant 0 : index
      %swap3A_407 = tpu.vector_load %arg15[%swap3A, %swap3A_406] {strides = array<i32>} : memref<80x128xf32, #tpu.memory_space<vmem>>, vector<1x16xf32>,
      %swap3A_408 = vector.shape_cast %swap3A_407 : vector<1x16xf32> to vector<16xf32>
      %swap3A_409 = vector.shape_cast %broadcast_in_dim3A_405 : vector<16xf32> to vector<1x16xf32>
      tpu.vector_store %arg15[%swap3A, %swap3A_406], %swap3A_409 {strides = array<i32>} : memref<80x128xf32, #tpu.memory_space<vmem>>, vector<1x16xf32>,
      %broadcast_in_dim3A_410 = arith.constant 0.000000e+00 : f32
      %broadcast_in_dim3A_411 = vector.broadcast %broadcast_in_dim3A_410 : f32 to vector<16xf32>
      %swap3A_412 = arith.index_cast %scan3A_404 : i32 to index
      %swap3A_413 = arith.constant 16 : index
      %swap3A_414 = tpu.vector_load %arg15[%swap3A_412, %swap3A_413] {strides = array<i32>} : memref<80x128xf32, #tpu.memory_space<vmem>>, vector<1x16xf32>,
      %swap3A_415 = vector.shape_cast %swap3A_414 : vector<1x16xf32> to vector<16xf32>
      %swap3A_416 = vector.shape_cast %broadcast_in_dim3A_411 : vector<16xf32> to vector<1x16xf32>
      tpu.vector_store %arg15[%swap3A_412, %swap3A_413], %swap3A_416 {strides = array<i32>} : memref<80x128xf32, #tpu.memory_space<vmem>>, vector<1x16xf32>,
      %broadcast_in_dim3A_417 = arith.constant 0.000000e+00 : f32
      %broadcast_in_dim3A_418 = vector.broadcast %broadcast_in_dim3A_417 : f32 to vector<16xf32>
      %swap3A_419 = arith.index_cast %scan3A_404 : i32 to index
      %swap3A_420 = arith.constant 32 : index
      %swap3A_421 = tpu.vector_load %arg15[%swap3A_419, %swap3A_420] {strides = array<i32>} : memref<80x128xf32, #tpu.memory_space<vmem>>, vector<1x16xf32>,
      %swap3A_422 = vector.shape_cast %swap3A_421 : vector<1x16xf32> to vector<16xf32>
      %swap3A_423 = vector.shape_cast %broadcast_in_dim3A_418 : vector<16xf32> to vector<1x16xf32>
      tpu.vector_store %arg15[%swap3A_419, %swap3A_420], %swap3A_423 {strides = array<i32>} : memref<80x128xf32, #tpu.memory_space<vmem>>, vector<1x16xf32>,
      %broadcast_in_dim3A_424 = arith.constant 0.000000e+00 : f32
      %broadcast_in_dim3A_425 = vector.broadcast %broadcast_in_dim3A_424 : f32 to vector<16xf32>
      %swap3A_426 = arith.index_cast %scan3A_404 : i32 to index
      %swap3A_427 = arith.constant 48 : index
      %swap3A_428 = tpu.vector_load %arg15[%swap3A_426, %swap3A_427] {strides = array<i32>} : memref<80x128xf32, #tpu.memory_space<vmem>>, vector<1x16xf32>,
      %swap3A_429 = vector.shape_cast %swap3A_428 : vector<1x16xf32> to vector<16xf32>
      %swap3A_430 = vector.shape_cast %broadcast_in_dim3A_425 : vector<16xf32> to vector<1x16xf32>
      tpu.vector_store %arg15[%swap3A_426, %swap3A_427], %swap3A_430 {strides = array<i32>} : memref<80x128xf32, #tpu.memory_space<vmem>>, vector<1x16xf32>,
      %broadcast_in_dim3A_431 = arith.constant 0.000000e+00 : f32
      %broadcast_in_dim3A_432 = vector.broadcast %broadcast_in_dim3A_431 : f32 to vector<16xf32>
      %swap3A_433 = arith.index_cast %scan3A_404 : i32 to index
      %swap3A_434 = arith.constant 64 : index
      %swap3A_435 = tpu.vector_load %arg15[%swap3A_433, %swap3A_434] {strides = array<i32>} : memref<80x128xf32, #tpu.memory_space<vmem>>, vector<1x16xf32>,
      %swap3A_436 = vector.shape_cast %swap3A_435 : vector<1x16xf32> to vector<16xf32>
      %swap3A_437 = vector.shape_cast %broadcast_in_dim3A_432 : vector<16xf32> to vector<1x16xf32>
      tpu.vector_store %arg15[%swap3A_433, %swap3A_434], %swap3A_437 {strides = array<i32>} : memref<80x128xf32, #tpu.memory_space<vmem>>, vector<1x16xf32>,
      %broadcast_in_dim3A_438 = arith.constant 0.000000e+00 : f32
      %broadcast_in_dim3A_439 = vector.broadcast %broadcast_in_dim3A_438 : f32 to vector<16xf32>
      %swap3A_440 = arith.index_cast %scan3A_404 : i32 to index
      %swap3A_441 = arith.constant 80 : index
      %swap3A_442 = tpu.vector_load %arg15[%swap3A_440, %swap3A_441] {strides = array<i32>} : memref<80x128xf32, #tpu.memory_space<vmem>>, vector<1x16xf32>,
      %swap3A_443 = vector.shape_cast %swap3A_442 : vector<1x16xf32> to vector<16xf32>
      %swap3A_444 = vector.shape_cast %broadcast_in_dim3A_439 : vector<16xf32> to vector<1x16xf32>
      tpu.vector_store %arg15[%swap3A_440, %swap3A_441], %swap3A_444 {strides = array<i32>} : memref<80x128xf32, #tpu.memory_space<vmem>>, vector<1x16xf32>,
      %broadcast_in_dim3A_445 = arith.constant 0.000000e+00 : f32
      %broadcast_in_dim3A_446 = vector.broadcast %broadcast_in_dim3A_445 : f32 to vector<16xf32>
      %swap3A_447 = arith.index_cast %scan3A_404 : i32 to index
      %swap3A_448 = arith.constant 96 : index
      %swap3A_449 = tpu.vector_load %arg15[%swap3A_447, %swap3A_448] {strides = array<i32>} : memref<80x128xf32, #tpu.memory_space<vmem>>, vector<1x16xf32>,
      %swap3A_450 = vector.shape_cast %swap3A_449 : vector<1x16xf32> to vector<16xf32>
      %swap3A_451 = vector.shape_cast %broadcast_in_dim3A_446 : vector<16xf32> to vector<1x16xf32>
      tpu.vector_store %arg15[%swap3A_447, %swap3A_448], %swap3A_451 {strides = array<i32>} : memref<80x128xf32, #tpu.memory_space<vmem>>, vector<1x16xf32>,
      %broadcast_in_dim3A_452 = arith.constant 0.000000e+00 : f32
      %broadcast_in_dim3A_453 = vector.broadcast %broadcast_in_dim3A_452 : f32 to vector<16xf32>
      %swap3A_454 = arith.index_cast %scan3A_404 : i32 to index
      %swap3A_455 = arith.constant 112 : index
      %swap3A_456 = tpu.vector_load %arg15[%swap3A_454, %swap3A_455] {strides = array<i32>} : memref<80x128xf32, #tpu.memory_space<vmem>>, vector<1x16xf32>,
      %swap3A_457 = vector.shape_cast %swap3A_456 : vector<1x16xf32> to vector<16xf32>
      %swap3A_458 = vector.shape_cast %broadcast_in_dim3A_453 : vector<16xf32> to vector<1x16xf32>
      tpu.vector_store %arg15[%swap3A_454, %swap3A_455], %swap3A_458 {strides = array<i32>} : memref<80x128xf32, #tpu.memory_space<vmem>>, vector<1x16xf32>,
    }
    %scan3A_5 = arith.constant 80 : i32
    %mul3A_6 = arith.constant 640 : i32
    %mul3A_7 = arith.muli %arg1, %mul3A_6 : i32
    %add3A_8 = arith.constant 0 : i32
    %add3A_9 = arith.addi %mul3A_7, %add3A_8 : i32
    "tpu.region"() ({
      %run_scoped3A = tpu.sem_alloc : memref<!tpu.dma_semaphore, #tpu.memory_space<semaphore_mem>>
      %dma_start3A_404 = arith.constant 0 : i32
      %dma_start3A_405 = tpu.memref_slice %arg19[%add3A_9, %dma_start3A_404] : memref<10240x128xf32, #tpu.memory_space<vmem_shared>> -> memref<80x128xf32, #tpu.memory_space<vmem_shared>>
      %dma_start3A_406 = arith.constant 0 : i32
      %dma_start3A_407 = tpu.memref_slice %arg19[%add3A_9, %dma_start3A_406] : memref<10240x128xf32, #tpu.memory_space<vmem_shared>> -> memref<80x128xf32, #tpu.memory_space<vmem_shared>>
      tpu.enqueue_dma source(%arg15 : memref<80x128xf32, #tpu.memory_space<vmem>>) target(%dma_start3A_407 : memref<80x128xf32, #tpu.memory_space<vmem_shared>>) target_semaphore(%run_scoped3A : memref<!tpu.dma_semaphore, #tpu.memory_space<semaphore_mem>>)
      %dma_wait3A_408 = arith.constant 0 : i32
      %dma_wait3A_409 = tpu.memref_slice %arg19[%add3A_9, %dma_wait3A_408] : memref<10240x128xf32, #tpu.memory_space<vmem_shared>> -> memref<80x128xf32, #tpu.memory_space<vmem_shared>>
      %dma_wait3A_410 = arith.constant 0 : i32
      %dma_wait3A_411 = tpu.memref_slice %arg19[%add3A_9, %dma_wait3A_410] : memref<10240x128xf32, #tpu.memory_space<vmem_shared>> -> memref<80x128xf32, #tpu.memory_space<vmem_shared>>
      tpu.wait_dma2 semaphore(%run_scoped3A : memref<!tpu.dma_semaphore, #tpu.memory_space<semaphore_mem>>) src(%arg15 : memref<80x128xf32, #tpu.memory_space<vmem>>) dst(%dma_wait3A_411 : memref<80x128xf32, #tpu.memory_space<vmem_shared>>)
      tpu.yield
    }) : () -> ()
    %mul3A_10 = arith.constant 640 : i32
    %mul3A_11 = arith.muli %arg1, %mul3A_10 : i32
    %add3A_12 = arith.constant 80 : i32
    %add3A_13 = arith.addi %mul3A_11, %add3A_12 : i32
    "tpu.region"() ({
      %run_scoped3A = tpu.sem_alloc : memref<!tpu.dma_semaphore, #tpu.memory_space<semaphore_mem>>
      %dma_start3A_404 = arith.constant 0 : i32
      %dma_start3A_405 = tpu.memref_slice %arg19[%add3A_13, %dma_start3A_404] : memref<10240x128xf32, #tpu.memory_space<vmem_shared>> -> memref<80x128xf32, #tpu.memory_space<vmem_shared>>
      %dma_start3A_406 = arith.constant 0 : i32
      %dma_start3A_407 = tpu.memref_slice %arg19[%add3A_13, %dma_start3A_406] : memref<10240x128xf32, #tpu.memory_space<vmem_shared>> -> memref<80x128xf32, #tpu.memory_space<vmem_shared>>
      tpu.enqueue_dma source(%arg15 : memref<80x128xf32, #tpu.memory_space<vmem>>) target(%dma_start3A_407 : memref<80x128xf32, #tpu.memory_space<vmem_shared>>) target_semaphore(%run_scoped3A : memref<!tpu.dma_semaphore, #tpu.memory_space<semaphore_mem>>)
      %dma_wait3A_408 = arith.constant 0 : i32
      %dma_wait3A_409 = tpu.memref_slice %arg19[%add3A_13, %dma_wait3A_408] : memref<10240x128xf32, #tpu.memory_space<vmem_shared>> -> memref<80x128xf32, #tpu.memory_space<vmem_shared>>
      %dma_wait3A_410 = arith.constant 0 : i32
      %dma_wait3A_411 = tpu.memref_slice %arg19[%add3A_13, %dma_wait3A_410] : memref<10240x128xf32, #tpu.memory_space<vmem_shared>> -> memref<80x128xf32, #tpu.memory_space<vmem_shared>>
      tpu.wait_dma2 semaphore(%run_scoped3A : memref<!tpu.dma_semaphore, #tpu.memory_space<semaphore_mem>>) src(%arg15 : memref<80x128xf32, #tpu.memory_space<vmem>>) dst(%dma_wait3A_411 : memref<80x128xf32, #tpu.memory_space<vmem_shared>>)
      tpu.yield
    }) : () -> ()
    %mul3A_14 = arith.constant 640 : i32
    %mul3A_15 = arith.muli %arg1, %mul3A_14 : i32
    %add3A_16 = arith.constant 160 : i32
    %add3A_17 = arith.addi %mul3A_15, %add3A_16 : i32
    "tpu.region"() ({
      %run_scoped3A = tpu.sem_alloc : memref<!tpu.dma_semaphore, #tpu.memory_space<semaphore_mem>>
      %dma_start3A_404 = arith.constant 0 : i32
      %dma_start3A_405 = tpu.memref_slice %arg19[%add3A_17, %dma_start3A_404] : memref<10240x128xf32, #tpu.memory_space<vmem_shared>> -> memref<80x128xf32, #tpu.memory_space<vmem_shared>>
      %dma_start3A_406 = arith.constant 0 : i32
      %dma_start3A_407 = tpu.memref_slice %arg19[%add3A_17, %dma_start3A_406] : memref<10240x128xf32, #tpu.memory_space<vmem_shared>> -> memref<80x128xf32, #tpu.memory_space<vmem_shared>>
      tpu.enqueue_dma source(%arg15 : memref<80x128xf32, #tpu.memory_space<vmem>>) target(%dma_start3A_407 : memref<80x128xf32, #tpu.memory_space<vmem_shared>>) target_semaphore(%run_scoped3A : memref<!tpu.dma_semaphore, #tpu.memory_space<semaphore_mem>>)
      %dma_wait3A_408 = arith.constant 0 : i32
      %dma_wait3A_409 = tpu.memref_slice %arg19[%add3A_17, %dma_wait3A_408] : memref<10240x128xf32, #tpu.memory_space<vmem_shared>> -> memref<80x128xf32, #tpu.memory_space<vmem_shared>>
      %dma_wait3A_410 = arith.constant 0 : i32
      %dma_wait3A_411 = tpu.memref_slice %arg19[%add3A_17, %dma_wait3A_410] : memref<10240x128xf32, #tpu.memory_space<vmem_shared>> -> memref<80x128xf32, #tpu.memory_space<vmem_shared>>
      tpu.wait_dma2 semaphore(%run_scoped3A : memref<!tpu.dma_semaphore, #tpu.memory_space<semaphore_mem>>) src(%arg15 : memref<80x128xf32, #tpu.memory_space<vmem>>) dst(%dma_wait3A_411 : memref<80x128xf32, #tpu.memory_space<vmem_shared>>)
      tpu.yield
    }) : () -> ()
    %mul3A_18 = arith.constant 640 : i32
    %mul3A_19 = arith.muli %arg1, %mul3A_18 : i32
    %add3A_20 = arith.constant 240 : i32
    %add3A_21 = arith.addi %mul3A_19, %add3A_20 : i32
    "tpu.region"() ({
      %run_scoped3A = tpu.sem_alloc : memref<!tpu.dma_semaphore, #tpu.memory_space<semaphore_mem>>
      %dma_start3A_404 = arith.constant 0 : i32
      %dma_start3A_405 = tpu.memref_slice %arg19[%add3A_21, %dma_start3A_404] : memref<10240x128xf32, #tpu.memory_space<vmem_shared>> -> memref<80x128xf32, #tpu.memory_space<vmem_shared>>
      %dma_start3A_406 = arith.constant 0 : i32
      %dma_start3A_407 = tpu.memref_slice %arg19[%add3A_21, %dma_start3A_406] : memref<10240x128xf32, #tpu.memory_space<vmem_shared>> -> memref<80x128xf32, #tpu.memory_space<vmem_shared>>
      tpu.enqueue_dma source(%arg15 : memref<80x128xf32, #tpu.memory_space<vmem>>) target(%dma_start3A_407 : memref<80x128xf32, #tpu.memory_space<vmem_shared>>) target_semaphore(%run_scoped3A : memref<!tpu.dma_semaphore, #tpu.memory_space<semaphore_mem>>)
      %dma_wait3A_408 = arith.constant 0 : i32
      %dma_wait3A_409 = tpu.memref_slice %arg19[%add3A_21, %dma_wait3A_408] : memref<10240x128xf32, #tpu.memory_space<vmem_shared>> -> memref<80x128xf32, #tpu.memory_space<vmem_shared>>
      %dma_wait3A_410 = arith.constant 0 : i32
      %dma_wait3A_411 = tpu.memref_slice %arg19[%add3A_21, %dma_wait3A_410] : memref<10240x128xf32, #tpu.memory_space<vmem_shared>> -> memref<80x128xf32, #tpu.memory_space<vmem_shared>>
      tpu.wait_dma2 semaphore(%run_scoped3A : memref<!tpu.dma_semaphore, #tpu.memory_space<semaphore_mem>>) src(%arg15 : memref<80x128xf32, #tpu.memory_space<vmem>>) dst(%dma_wait3A_411 : memref<80x128xf32, #tpu.memory_space<vmem_shared>>)
      tpu.yield
    }) : () -> ()
    %mul3A_22 = arith.constant 640 : i32
    %mul3A_23 = arith.muli %arg1, %mul3A_22 : i32
    %add3A_24 = arith.constant 320 : i32
    %add3A_25 = arith.addi %mul3A_23, %add3A_24 : i32
    "tpu.region"() ({
      %run_scoped3A = tpu.sem_alloc : memref<!tpu.dma_semaphore, #tpu.memory_space<semaphore_mem>>
      %dma_start3A_404 = arith.constant 0 : i32
      %dma_start3A_405 = tpu.memref_slice %arg19[%add3A_25, %dma_start3A_404] : memref<10240x128xf32, #tpu.memory_space<vmem_shared>> -> memref<80x128xf32, #tpu.memory_space<vmem_shared>>
      %dma_start3A_406 = arith.constant 0 : i32
      %dma_start3A_407 = tpu.memref_slice %arg19[%add3A_25, %dma_start3A_406] : memref<10240x128xf32, #tpu.memory_space<vmem_shared>> -> memref<80x128xf32, #tpu.memory_space<vmem_shared>>
      tpu.enqueue_dma source(%arg15 : memref<80x128xf32, #tpu.memory_space<vmem>>) target(%dma_start3A_407 : memref<80x128xf32, #tpu.memory_space<vmem_shared>>) target_semaphore(%run_scoped3A : memref<!tpu.dma_semaphore, #tpu.memory_space<semaphore_mem>>)
      %dma_wait3A_408 = arith.constant 0 : i32
      %dma_wait3A_409 = tpu.memref_slice %arg19[%add3A_25, %dma_wait3A_408] : memref<10240x128xf32, #tpu.memory_space<vmem_shared>> -> memref<80x128xf32, #tpu.memory_space<vmem_shared>>
      %dma_wait3A_410 = arith.constant 0 : i32
      %dma_wait3A_411 = tpu.memref_slice %arg19[%add3A_25, %dma_wait3A_410] : memref<10240x128xf32, #tpu.memory_space<vmem_shared>> -> memref<80x128xf32, #tpu.memory_space<vmem_shared>>
      tpu.wait_dma2 semaphore(%run_scoped3A : memref<!tpu.dma_semaphore, #tpu.memory_space<semaphore_mem>>) src(%arg15 : memref<80x128xf32, #tpu.memory_space<vmem>>) dst(%dma_wait3A_411 : memref<80x128xf32, #tpu.memory_space<vmem_shared>>)
      tpu.yield
    }) : () -> ()
    %mul3A_26 = arith.constant 640 : i32
    %mul3A_27 = arith.muli %arg1, %mul3A_26 : i32
    %add3A_28 = arith.constant 400 : i32
    %add3A_29 = arith.addi %mul3A_27, %add3A_28 : i32
    "tpu.region"() ({
      %run_scoped3A = tpu.sem_alloc : memref<!tpu.dma_semaphore, #tpu.memory_space<semaphore_mem>>
      %dma_start3A_404 = arith.constant 0 : i32
      %dma_start3A_405 = tpu.memref_slice %arg19[%add3A_29, %dma_start3A_404] : memref<10240x128xf32, #tpu.memory_space<vmem_shared>> -> memref<80x128xf32, #tpu.memory_space<vmem_shared>>
      %dma_start3A_406 = arith.constant 0 : i32
      %dma_start3A_407 = tpu.memref_slice %arg19[%add3A_29, %dma_start3A_406] : memref<10240x128xf32, #tpu.memory_space<vmem_shared>> -> memref<80x128xf32, #tpu.memory_space<vmem_shared>>
      tpu.enqueue_dma source(%arg15 : memref<80x128xf32, #tpu.memory_space<vmem>>) target(%dma_start3A_407 : memref<80x128xf32, #tpu.memory_space<vmem_shared>>) target_semaphore(%run_scoped3A : memref<!tpu.dma_semaphore, #tpu.memory_space<semaphore_mem>>)
      %dma_wait3A_408 = arith.constant 0 : i32
      %dma_wait3A_409 = tpu.memref_slice %arg19[%add3A_29, %dma_wait3A_408] : memref<10240x128xf32, #tpu.memory_space<vmem_shared>> -> memref<80x128xf32, #tpu.memory_space<vmem_shared>>
      %dma_wait3A_410 = arith.constant 0 : i32
      %dma_wait3A_411 = tpu.memref_slice %arg19[%add3A_29, %dma_wait3A_410] : memref<10240x128xf32, #tpu.memory_space<vmem_shared>> -> memref<80x128xf32, #tpu.memory_space<vmem_shared>>
      tpu.wait_dma2 semaphore(%run_scoped3A : memref<!tpu.dma_semaphore, #tpu.memory_space<semaphore_mem>>) src(%arg15 : memref<80x128xf32, #tpu.memory_space<vmem>>) dst(%dma_wait3A_411 : memref<80x128xf32, #tpu.memory_space<vmem_shared>>)
      tpu.yield
    }) : () -> ()
    %mul3A_30 = arith.constant 640 : i32
    %mul3A_31 = arith.muli %arg1, %mul3A_30 : i32
    %add3A_32 = arith.constant 480 : i32
    %add3A_33 = arith.addi %mul3A_31, %add3A_32 : i32
    "tpu.region"() ({
      %run_scoped3A = tpu.sem_alloc : memref<!tpu.dma_semaphore, #tpu.memory_space<semaphore_mem>>
      %dma_start3A_404 = arith.constant 0 : i32
      %dma_start3A_405 = tpu.memref_slice %arg19[%add3A_33, %dma_start3A_404] : memref<10240x128xf32, #tpu.memory_space<vmem_shared>> -> memref<80x128xf32, #tpu.memory_space<vmem_shared>>
      %dma_start3A_406 = arith.constant 0 : i32
      %dma_start3A_407 = tpu.memref_slice %arg19[%add3A_33, %dma_start3A_406] : memref<10240x128xf32, #tpu.memory_space<vmem_shared>> -> memref<80x128xf32, #tpu.memory_space<vmem_shared>>
      tpu.enqueue_dma source(%arg15 : memref<80x128xf32, #tpu.memory_space<vmem>>) target(%dma_start3A_407 : memref<80x128xf32, #tpu.memory_space<vmem_shared>>) target_semaphore(%run_scoped3A : memref<!tpu.dma_semaphore, #tpu.memory_space<semaphore_mem>>)
      %dma_wait3A_408 = arith.constant 0 : i32
      %dma_wait3A_409 = tpu.memref_slice %arg19[%add3A_33, %dma_wait3A_408] : memref<10240x128xf32, #tpu.memory_space<vmem_shared>> -> memref<80x128xf32, #tpu.memory_space<vmem_shared>>
      %dma_wait3A_410 = arith.constant 0 : i32
      %dma_wait3A_411 = tpu.memref_slice %arg19[%add3A_33, %dma_wait3A_410] : memref<10240x128xf32, #tpu.memory_space<vmem_shared>> -> memref<80x128xf32, #tpu.memory_space<vmem_shared>>
      tpu.wait_dma2 semaphore(%run_scoped3A : memref<!tpu.dma_semaphore, #tpu.memory_space<semaphore_mem>>) src(%arg15 : memref<80x128xf32, #tpu.memory_space<vmem>>) dst(%dma_wait3A_411 : memref<80x128xf32, #tpu.memory_space<vmem_shared>>)
      tpu.yield
    }) : () -> ()
    %mul3A_34 = arith.constant 640 : i32
    %mul3A_35 = arith.muli %arg1, %mul3A_34 : i32
    %add3A_36 = arith.constant 560 : i32
    %add3A_37 = arith.addi %mul3A_35, %add3A_36 : i32
    "tpu.region"() ({
      %run_scoped3A = tpu.sem_alloc : memref<!tpu.dma_semaphore, #tpu.memory_space<semaphore_mem>>
      %dma_start3A_404 = arith.constant 0 : i32
      %dma_start3A_405 = tpu.memref_slice %arg19[%add3A_37, %dma_start3A_404] : memref<10240x128xf32, #tpu.memory_space<vmem_shared>> -> memref<80x128xf32, #tpu.memory_space<vmem_shared>>
      %dma_start3A_406 = arith.constant 0 : i32
      %dma_start3A_407 = tpu.memref_slice %arg19[%add3A_37, %dma_start3A_406] : memref<10240x128xf32, #tpu.memory_space<vmem_shared>> -> memref<80x128xf32, #tpu.memory_space<vmem_shared>>
      tpu.enqueue_dma source(%arg15 : memref<80x128xf32, #tpu.memory_space<vmem>>) target(%dma_start3A_407 : memref<80x128xf32, #tpu.memory_space<vmem_shared>>) target_semaphore(%run_scoped3A : memref<!tpu.dma_semaphore, #tpu.memory_space<semaphore_mem>>)
      %dma_wait3A_408 = arith.constant 0 : i32
      %dma_wait3A_409 = tpu.memref_slice %arg19[%add3A_37, %dma_wait3A_408] : memref<10240x128xf32, #tpu.memory_space<vmem_shared>> -> memref<80x128xf32, #tpu.memory_space<vmem_shared>>
      %dma_wait3A_410 = arith.constant 0 : i32
      %dma_wait3A_411 = tpu.memref_slice %arg19[%add3A_37, %dma_wait3A_410] : memref<10240x128xf32, #tpu.memory_space<vmem_shared>> -> memref<80x128xf32, #tpu.memory_space<vmem_shared>>
      tpu.wait_dma2 semaphore(%run_scoped3A : memref<!tpu.dma_semaphore, #tpu.memory_space<semaphore_mem>>) src(%arg15 : memref<80x128xf32, #tpu.memory_space<vmem>>) dst(%dma_wait3A_411 : memref<80x128xf32, #tpu.memory_space<vmem_shared>>)
      tpu.yield
    }) : () -> ()
    %barrier3A = arith.constant 0 : index
    tpu.barrier barrier_id(%barrier3A)
    %mul3A_38 = arith.constant 10000 : i32
    %mul3A_39 = arith.muli %add3A, %mul3A_38 : i32
    %add3A_40 = arith.constant 0 : i32
    %add3A_41 = arith.addi %mul3A_39, %add3A_40 : i32
    %dma_start3A = tpu.memref_slice %arg4[%add3A_41] : memref<320000xi32, #tpu.memory_space<hbm>> -> memref<80xi32, #tpu.memory_space<hbm>>
    %dma_start3A_42 = tpu.memref_slice %arg4[%add3A_41] : memref<320000xi32, #tpu.memory_space<hbm>> -> memref<80xi32, #tpu.memory_space<hbm>>
    tpu.enqueue_dma source(%dma_start3A_42 : memref<80xi32, #tpu.memory_space<hbm>>) target(%arg7 : memref<80xi32, #tpu.memory_space<vmem>>) target_semaphore(%arg20 : memref<!tpu.dma_semaphore, #tpu.memory_space<semaphore_mem>>)
    %mul3A_43 = arith.constant 10000 : i32
    %mul3A_44 = arith.muli %add3A, %mul3A_43 : i32
    %add3A_45 = arith.constant 0 : i32
    %add3A_46 = arith.addi %mul3A_44, %add3A_45 : i32
    %dma_start3A_47 = tpu.memref_slice %arg5[%add3A_46] : memref<320000xi32, #tpu.memory_space<hbm>> -> memref<80xi32, #tpu.memory_space<hbm>>
    %dma_start3A_48 = tpu.memref_slice %arg5[%add3A_46] : memref<320000xi32, #tpu.memory_space<hbm>> -> memref<80xi32, #tpu.memory_space<hbm>>
    tpu.enqueue_dma source(%dma_start3A_48 : memref<80xi32, #tpu.memory_space<hbm>>) target(%arg11 : memref<80xi32, #tpu.memory_space<vmem>>) target_semaphore(%arg20 : memref<!tpu.dma_semaphore, #tpu.memory_space<semaphore_mem>>)
    %mul3A_49 = arith.constant 10000 : i32
    %mul3A_50 = arith.muli %add3A, %mul3A_49 : i32
    %add3A_51 = arith.constant 80 : i32
    %add3A_52 = arith.addi %mul3A_50, %add3A_51 : i32
    %dma_start3A_53 = tpu.memref_slice %arg4[%add3A_52] : memref<320000xi32, #tpu.memory_space<hbm>> -> memref<80xi32, #tpu.memory_space<hbm>>
    %dma_start3A_54 = tpu.memref_slice %arg4[%add3A_52] : memref<320000xi32, #tpu.memory_space<hbm>> -> memref<80xi32, #tpu.memory_space<hbm>>
    tpu.enqueue_dma source(%dma_start3A_54 : memref<80xi32, #tpu.memory_space<hbm>>) target(%arg8 : memref<80xi32, #tpu.memory_space<vmem>>) target_semaphore(%arg21 : memref<!tpu.dma_semaphore, #tpu.memory_space<semaphore_mem>>)
    %mul3A_55 = arith.constant 10000 : i32
    %mul3A_56 = arith.muli %add3A, %mul3A_55 : i32
    %add3A_57 = arith.constant 80 : i32
    %add3A_58 = arith.addi %mul3A_56, %add3A_57 : i32
    %dma_start3A_59 = tpu.memref_slice %arg5[%add3A_58] : memref<320000xi32, #tpu.memory_space<hbm>> -> memref<80xi32, #tpu.memory_space<hbm>>
    %dma_start3A_60 = tpu.memref_slice %arg5[%add3A_58] : memref<320000xi32, #tpu.memory_space<hbm>> -> memref<80xi32, #tpu.memory_space<hbm>>
    tpu.enqueue_dma source(%dma_start3A_60 : memref<80xi32, #tpu.memory_space<hbm>>) target(%arg12 : memref<80xi32, #tpu.memory_space<vmem>>) target_semaphore(%arg21 : memref<!tpu.dma_semaphore, #tpu.memory_space<semaphore_mem>>)
    %mul3A_61 = arith.constant 10000 : i32
    %mul3A_62 = arith.muli %add3A, %mul3A_61 : i32
    %add3A_63 = arith.constant 160 : i32
    %add3A_64 = arith.addi %mul3A_62, %add3A_63 : i32
    %dma_start3A_65 = tpu.memref_slice %arg4[%add3A_64] : memref<320000xi32, #tpu.memory_space<hbm>> -> memref<80xi32, #tpu.memory_space<hbm>>
    %dma_start3A_66 = tpu.memref_slice %arg4[%add3A_64] : memref<320000xi32, #tpu.memory_space<hbm>> -> memref<80xi32, #tpu.memory_space<hbm>>
    tpu.enqueue_dma source(%dma_start3A_66 : memref<80xi32, #tpu.memory_space<hbm>>) target(%arg9 : memref<80xi32, #tpu.memory_space<vmem>>) target_semaphore(%arg22 : memref<!tpu.dma_semaphore, #tpu.memory_space<semaphore_mem>>)
    %mul3A_67 = arith.constant 10000 : i32
    %mul3A_68 = arith.muli %add3A, %mul3A_67 : i32
    %add3A_69 = arith.constant 160 : i32
    %add3A_70 = arith.addi %mul3A_68, %add3A_69 : i32
    %dma_start3A_71 = tpu.memref_slice %arg5[%add3A_70] : memref<320000xi32, #tpu.memory_space<hbm>> -> memref<80xi32, #tpu.memory_space<hbm>>
    %dma_start3A_72 = tpu.memref_slice %arg5[%add3A_70] : memref<320000xi32, #tpu.memory_space<hbm>> -> memref<80xi32, #tpu.memory_space<hbm>>
    tpu.enqueue_dma source(%dma_start3A_72 : memref<80xi32, #tpu.memory_space<hbm>>) target(%arg13 : memref<80xi32, #tpu.memory_space<vmem>>) target_semaphore(%arg22 : memref<!tpu.dma_semaphore, #tpu.memory_space<semaphore_mem>>)
    %mul3A_73 = arith.constant 10000 : i32
    %mul3A_74 = arith.muli %add3A, %mul3A_73 : i32
    %add3A_75 = arith.constant 240 : i32
    %add3A_76 = arith.addi %mul3A_74, %add3A_75 : i32
    %dma_start3A_77 = tpu.memref_slice %arg4[%add3A_76] : memref<320000xi32, #tpu.memory_space<hbm>> -> memref<80xi32, #tpu.memory_space<hbm>>
    %dma_start3A_78 = tpu.memref_slice %arg4[%add3A_76] : memref<320000xi32, #tpu.memory_space<hbm>> -> memref<80xi32, #tpu.memory_space<hbm>>
    tpu.enqueue_dma source(%dma_start3A_78 : memref<80xi32, #tpu.memory_space<hbm>>) target(%arg10 : memref<80xi32, #tpu.memory_space<vmem>>) target_semaphore(%arg23 : memref<!tpu.dma_semaphore, #tpu.memory_space<semaphore_mem>>)
    %mul3A_79 = arith.constant 10000 : i32
    %mul3A_80 = arith.muli %add3A, %mul3A_79 : i32
    %add3A_81 = arith.constant 240 : i32
    %add3A_82 = arith.addi %mul3A_80, %add3A_81 : i32
    %dma_start3A_83 = tpu.memref_slice %arg5[%add3A_82] : memref<320000xi32, #tpu.memory_space<hbm>> -> memref<80xi32, #tpu.memory_space<hbm>>
    %dma_start3A_84 = tpu.memref_slice %arg5[%add3A_82] : memref<320000xi32, #tpu.memory_space<hbm>> -> memref<80xi32, #tpu.memory_space<hbm>>
    tpu.enqueue_dma source(%dma_start3A_84 : memref<80xi32, #tpu.memory_space<hbm>>) target(%arg14 : memref<80xi32, #tpu.memory_space<vmem>>) target_semaphore(%arg23 : memref<!tpu.dma_semaphore, #tpu.memory_space<semaphore_mem>>)
    %dma_wait3A = arith.constant 0 : i32
    %dma_wait3A_85 = tpu.memref_slice %arg4[%dma_wait3A] : memref<320000xi32, #tpu.memory_space<hbm>> -> memref<80xi32, #tpu.memory_space<hbm>>
    %dma_wait3A_86 = arith.constant 0 : i32
    %dma_wait3A_87 = tpu.memref_slice %arg4[%dma_wait3A_86] : memref<320000xi32, #tpu.memory_space<hbm>> -> memref<80xi32, #tpu.memory_space<hbm>>
    tpu.wait_dma2 semaphore(%arg20 : memref<!tpu.dma_semaphore, #tpu.memory_space<semaphore_mem>>) src(%dma_wait3A_87 : memref<80xi32, #tpu.memory_space<hbm>>) dst(%arg7 : memref<80xi32, #tpu.memory_space<vmem>>)
    %dma_wait3A_88 = arith.constant 0 : i32
    %dma_wait3A_89 = tpu.memref_slice %arg4[%dma_wait3A_88] : memref<320000xi32, #tpu.memory_space<hbm>> -> memref<80xi32, #tpu.memory_space<hbm>>
    %dma_wait3A_90 = arith.constant 0 : i32
    %dma_wait3A_91 = tpu.memref_slice %arg4[%dma_wait3A_90] : memref<320000xi32, #tpu.memory_space<hbm>> -> memref<80xi32, #tpu.memory_space<hbm>>
    tpu.wait_dma2 semaphore(%arg20 : memref<!tpu.dma_semaphore, #tpu.memory_space<semaphore_mem>>) src(%dma_wait3A_91 : memref<80xi32, #tpu.memory_space<hbm>>) dst(%arg7 : memref<80xi32, #tpu.memory_space<vmem>>)
    %dma_start3A_92 = arith.constant 0 : i32
    %dma_start3A_93 = arith.constant 0 : i32
    %dma_start3A_94 = tpu.memref_slice %arg2[%dma_start3A_92, %dma_start3A_93] : memref<10000x128xf32, #tpu.memory_space<hbm>> -> memref<10000x128xf32, #tpu.memory_space<hbm>>
    tpu.enqueue_indirect_dma source(%dma_start3A_94 : memref<10000x128xf32, #tpu.memory_space<hbm>>) target(%arg15 : memref<80x128xf32, #tpu.memory_space<vmem>>) offsets(%arg11 : memref<80xi32, #tpu.memory_space<vmem>>) semaphore(%arg24 : memref<!tpu.dma_semaphore, #tpu.memory_space<semaphore_mem>>)
    %mul3A_95 = arith.constant 10000 : i32
    %mul3A_96 = arith.muli %add3A, %mul3A_95 : i32
    %add3A_97 = arith.constant 0 : i32
    %add3A_98 = arith.addi %mul3A_96, %add3A_97 : i32
    %dma_start3A_99 = arith.constant 0 : i32
    %dma_start3A_100 = tpu.memref_slice %arg3[%add3A_98, %dma_start3A_99] : memref<320000x128xf32, #tpu.memory_space<hbm>> -> memref<80x128xf32, #tpu.memory_space<hbm>>
    %dma_start3A_101 = arith.constant 0 : i32
    %dma_start3A_102 = tpu.memref_slice %arg3[%add3A_98, %dma_start3A_101] : memref<320000x128xf32, #tpu.memory_space<hbm>> -> memref<80x128xf32, #tpu.memory_space<hbm>>
    tpu.enqueue_dma source(%dma_start3A_102 : memref<80x128xf32, #tpu.memory_space<hbm>>) target(%arg17 : memref<80x128xf32, #tpu.memory_space<vmem>>) target_semaphore(%arg26 : memref<!tpu.dma_semaphore, #tpu.memory_space<semaphore_mem>>)
    %dma_wait3A_103 = arith.constant 0 : i32
    %dma_wait3A_104 = tpu.memref_slice %arg4[%dma_wait3A_103] : memref<320000xi32, #tpu.memory_space<hbm>> -> memref<80xi32, #tpu.memory_space<hbm>>
    %dma_wait3A_105 = arith.constant 0 : i32
    %dma_wait3A_106 = tpu.memref_slice %arg4[%dma_wait3A_105] : memref<320000xi32, #tpu.memory_space<hbm>> -> memref<80xi32, #tpu.memory_space<hbm>>
    tpu.wait_dma2 semaphore(%arg21 : memref<!tpu.dma_semaphore, #tpu.memory_space<semaphore_mem>>) src(%dma_wait3A_106 : memref<80xi32, #tpu.memory_space<hbm>>) dst(%arg8 : memref<80xi32, #tpu.memory_space<vmem>>)
    %dma_wait3A_107 = arith.constant 0 : i32
    %dma_wait3A_108 = tpu.memref_slice %arg4[%dma_wait3A_107] : memref<320000xi32, #tpu.memory_space<hbm>> -> memref<80xi32, #tpu.memory_space<hbm>>
    %dma_wait3A_109 = arith.constant 0 : i32
    %dma_wait3A_110 = tpu.memref_slice %arg4[%dma_wait3A_109] : memref<320000xi32, #tpu.memory_space<hbm>> -> memref<80xi32, #tpu.memory_space<hbm>>
    tpu.wait_dma2 semaphore(%arg21 : memref<!tpu.dma_semaphore, #tpu.memory_space<semaphore_mem>>) src(%dma_wait3A_110 : memref<80xi32, #tpu.memory_space<hbm>>) dst(%arg8 : memref<80xi32, #tpu.memory_space<vmem>>)
    %dma_start3A_111 = arith.constant 0 : i32
    %dma_start3A_112 = arith.constant 0 : i32
    %dma_start3A_113 = tpu.memref_slice %arg2[%dma_start3A_111, %dma_start3A_112] : memref<10000x128xf32, #tpu.memory_space<hbm>> -> memref<10000x128xf32, #tpu.memory_space<hbm>>
    tpu.enqueue_indirect_dma source(%dma_start3A_113 : memref<10000x128xf32, #tpu.memory_space<hbm>>) target(%arg16 : memref<80x128xf32, #tpu.memory_space<vmem>>) offsets(%arg12 : memref<80xi32, #tpu.memory_space<vmem>>) semaphore(%arg25 : memref<!tpu.dma_semaphore, #tpu.memory_space<semaphore_mem>>)
    %mul3A_114 = arith.constant 10000 : i32
    %mul3A_115 = arith.muli %add3A, %mul3A_114 : i32
    %add3A_116 = arith.constant 80 : i32
    %add3A_117 = arith.addi %mul3A_115, %add3A_116 : i32
    %dma_start3A_118 = arith.constant 0 : i32
    %dma_start3A_119 = tpu.memref_slice %arg3[%add3A_117, %dma_start3A_118] : memref<320000x128xf32, #tpu.memory_space<hbm>> -> memref<80x128xf32, #tpu.memory_space<hbm>>
    %dma_start3A_120 = arith.constant 0 : i32
    %dma_start3A_121 = tpu.memref_slice %arg3[%add3A_117, %dma_start3A_120] : memref<320000x128xf32, #tpu.memory_space<hbm>> -> memref<80x128xf32, #tpu.memory_space<hbm>>
    tpu.enqueue_dma source(%dma_start3A_121 : memref<80x128xf32, #tpu.memory_space<hbm>>) target(%arg18 : memref<80x128xf32, #tpu.memory_space<vmem>>) target_semaphore(%arg27 : memref<!tpu.dma_semaphore, #tpu.memory_space<semaphore_mem>>)
    %scan3A_122 = arith.constant 0 : i32
    %scan3A_123 = arith.constant 0 : i32
    %scan3A_124 = arith.constant 30 : i32
    %scan3A_125 = arith.addi %scan3A_123, %scan3A_124 : i32
    %scan3A_126 = arith.constant 1 : i32
    scf.for %scan3A_404 = %scan3A_123 to %scan3A_125 step %scan3A_126  : i32 {
      %mul3A_405 = arith.constant 4 : i32
      %mul3A_406 = arith.muli %mul3A_405, %scan3A_404 : i32
      %add3A_407 = arith.constant 0 : i32
      %add3A_408 = arith.addi %mul3A_406, %add3A_407 : i32
      %dma_wait3A_409 = arith.constant 0 : i32
      %dma_wait3A_410 = arith.constant 0 : i32
      %dma_wait3A_411 = tpu.memref_slice %arg3[%dma_wait3A_409, %dma_wait3A_410] : memref<320000x128xf32, #tpu.memory_space<hbm>> -> memref<80x128xf32, #tpu.memory_space<hbm>>
      %dma_wait3A_412 = arith.constant 0 : i32
      %dma_wait3A_413 = arith.constant 0 : i32
      %dma_wait3A_414 = tpu.memref_slice %arg3[%dma_wait3A_412, %dma_wait3A_413] : memref<320000x128xf32, #tpu.memory_space<hbm>> -> memref<80x128xf32, #tpu.memory_space<hbm>>
      tpu.wait_dma2 semaphore(%arg24 : memref<!tpu.dma_semaphore, #tpu.memory_space<semaphore_mem>>) src(%dma_wait3A_414 : memref<80x128xf32, #tpu.memory_space<hbm>>) dst(%arg15 : memref<80x128xf32, #tpu.memory_space<vmem>>)
      %dma_wait3A_415 = arith.constant 0 : i32
      %dma_wait3A_416 = arith.constant 0 : i32
      %dma_wait3A_417 = tpu.memref_slice %arg3[%dma_wait3A_415, %dma_wait3A_416] : memref<320000x128xf32, #tpu.memory_space<hbm>> -> memref<80x128xf32, #tpu.memory_space<hbm>>
      %dma_wait3A_418 = arith.constant 0 : i32
      %dma_wait3A_419 = arith.constant 0 : i32
      %dma_wait3A_420 = tpu.memref_slice %arg3[%dma_wait3A_418, %dma_wait3A_419] : memref<320000x128xf32, #tpu.memory_space<hbm>> -> memref<80x128xf32, #tpu.memory_space<hbm>>
      tpu.wait_dma2 semaphore(%arg26 : memref<!tpu.dma_semaphore, #tpu.memory_space<semaphore_mem>>) src(%dma_wait3A_420 : memref<80x128xf32, #tpu.memory_space<hbm>>) dst(%arg17 : memref<80x128xf32, #tpu.memory_space<vmem>>)
      %dma_start3A_421 = arith.constant 0 : i32
      %dma_start3A_422 = arith.constant 0 : i32
      %dma_start3A_423 = tpu.memref_slice %arg19[%dma_start3A_421, %dma_start3A_422] : memref<10240x128xf32, #tpu.memory_space<vmem_shared>> -> memref<10240x128xf32, #tpu.memory_space<vmem_shared>>
      tpu.enqueue_indirect_dma source(%arg15 : memref<80x128xf32, #tpu.memory_space<vmem>>) target(%dma_start3A_423 : memref<10240x128xf32, #tpu.memory_space<vmem_shared>>) offsets(%arg7 : memref<80xi32, #tpu.memory_space<vmem>>) semaphore(%arg28 : memref<!tpu.dma_semaphore, #tpu.memory_space<semaphore_mem>>) {add = true}
      %dma_start3A_424 = arith.constant 0 : i32
      %dma_start3A_425 = arith.constant 0 : i32
      %dma_start3A_426 = tpu.memref_slice %arg19[%dma_start3A_424, %dma_start3A_425] : memref<10240x128xf32, #tpu.memory_space<vmem_shared>> -> memref<10240x128xf32, #tpu.memory_space<vmem_shared>>
      tpu.enqueue_indirect_dma source(%arg17 : memref<80x128xf32, #tpu.memory_space<vmem>>) target(%dma_start3A_426 : memref<10240x128xf32, #tpu.memory_space<vmem_shared>>) offsets(%arg7 : memref<80xi32, #tpu.memory_space<vmem>>) semaphore(%arg30 : memref<!tpu.dma_semaphore, #tpu.memory_space<semaphore_mem>>) {add = true}
      %dma_wait3A_427 = arith.constant 0 : i32
      %dma_wait3A_428 = arith.constant 0 : i32
      %dma_wait3A_429 = tpu.memref_slice %arg3[%dma_wait3A_427, %dma_wait3A_428] : memref<320000x128xf32, #tpu.memory_space<hbm>> -> memref<80x128xf32, #tpu.memory_space<hbm>>
      %dma_wait3A_430 = arith.constant 0 : i32
      %dma_wait3A_431 = arith.constant 0 : i32
      %dma_wait3A_432 = tpu.memref_slice %arg3[%dma_wait3A_430, %dma_wait3A_431] : memref<320000x128xf32, #tpu.memory_space<hbm>> -> memref<80x128xf32, #tpu.memory_space<hbm>>
      tpu.wait_dma2 semaphore(%arg28 : memref<!tpu.dma_semaphore, #tpu.memory_space<semaphore_mem>>) src(%dma_wait3A_432 : memref<80x128xf32, #tpu.memory_space<hbm>>) dst(%arg15 : memref<80x128xf32, #tpu.memory_space<vmem>>)
      %dma_wait3A_433 = arith.constant 0 : i32
      %dma_wait3A_434 = arith.constant 0 : i32
      %dma_wait3A_435 = tpu.memref_slice %arg3[%dma_wait3A_433, %dma_wait3A_434] : memref<320000x128xf32, #tpu.memory_space<hbm>> -> memref<80x128xf32, #tpu.memory_space<hbm>>
      %dma_wait3A_436 = arith.constant 0 : i32
      %dma_wait3A_437 = arith.constant 0 : i32
      %dma_wait3A_438 = tpu.memref_slice %arg3[%dma_wait3A_436, %dma_wait3A_437] : memref<320000x128xf32, #tpu.memory_space<hbm>> -> memref<80x128xf32, #tpu.memory_space<hbm>>
      tpu.wait_dma2 semaphore(%arg30 : memref<!tpu.dma_semaphore, #tpu.memory_space<semaphore_mem>>) src(%dma_wait3A_438 : memref<80x128xf32, #tpu.memory_space<hbm>>) dst(%arg17 : memref<80x128xf32, #tpu.memory_space<vmem>>)
      %add3A_439 = arith.constant 4 : i32
      %add3A_440 = arith.addi %add3A_408, %add3A_439 : i32
      %mul3A_441 = arith.constant 10000 : i32
      %mul3A_442 = arith.muli %add3A, %mul3A_441 : i32
      %mul3A_443 = arith.constant 80 : i32
      %mul3A_444 = arith.muli %add3A_440, %mul3A_443 : i32
      %add3A_445 = arith.addi %mul3A_442, %mul3A_444 : i32
      %dma_start3A_446 = tpu.memref_slice %arg4[%add3A_445] : memref<320000xi32, #tpu.memory_space<hbm>> -> memref<80xi32, #tpu.memory_space<hbm>>
      %dma_start3A_447 = tpu.memref_slice %arg4[%add3A_445] : memref<320000xi32, #tpu.memory_space<hbm>> -> memref<80xi32, #tpu.memory_space<hbm>>
      tpu.enqueue_dma source(%dma_start3A_447 : memref<80xi32, #tpu.memory_space<hbm>>) target(%arg7 : memref<80xi32, #tpu.memory_space<vmem>>) target_semaphore(%arg20 : memref<!tpu.dma_semaphore, #tpu.memory_space<semaphore_mem>>)
      %mul3A_448 = arith.constant 10000 : i32
      %mul3A_449 = arith.muli %add3A, %mul3A_448 : i32
      %mul3A_450 = arith.constant 80 : i32
      %mul3A_451 = arith.muli %add3A_440, %mul3A_450 : i32
      %add3A_452 = arith.addi %mul3A_449, %mul3A_451 : i32
      %dma_start3A_453 = tpu.memref_slice %arg5[%add3A_452] : memref<320000xi32, #tpu.memory_space<hbm>> -> memref<80xi32, #tpu.memory_space<hbm>>
      %dma_start3A_454 = tpu.memref_slice %arg5[%add3A_452] : memref<320000xi32, #tpu.memory_space<hbm>> -> memref<80xi32, #tpu.memory_space<hbm>>
      tpu.enqueue_dma source(%dma_start3A_454 : memref<80xi32, #tpu.memory_space<hbm>>) target(%arg11 : memref<80xi32, #tpu.memory_space<vmem>>) target_semaphore(%arg20 : memref<!tpu.dma_semaphore, #tpu.memory_space<semaphore_mem>>)
      %dma_wait3A_455 = arith.constant 0 : i32
      %dma_wait3A_456 = tpu.memref_slice %arg4[%dma_wait3A_455] : memref<320000xi32, #tpu.memory_space<hbm>> -> memref<80xi32, #tpu.memory_space<hbm>>
      %dma_wait3A_457 = arith.constant 0 : i32
      %dma_wait3A_458 = tpu.memref_slice %arg4[%dma_wait3A_457] : memref<320000xi32, #tpu.memory_space<hbm>> -> memref<80xi32, #tpu.memory_space<hbm>>
      tpu.wait_dma2 semaphore(%arg22 : memref<!tpu.dma_semaphore, #tpu.memory_space<semaphore_mem>>) src(%dma_wait3A_458 : memref<80xi32, #tpu.memory_space<hbm>>) dst(%arg9 : memref<80xi32, #tpu.memory_space<vmem>>)
      %dma_wait3A_459 = arith.constant 0 : i32
      %dma_wait3A_460 = tpu.memref_slice %arg4[%dma_wait3A_459] : memref<320000xi32, #tpu.memory_space<hbm>> -> memref<80xi32, #tpu.memory_space<hbm>>
      %dma_wait3A_461 = arith.constant 0 : i32
      %dma_wait3A_462 = tpu.memref_slice %arg4[%dma_wait3A_461] : memref<320000xi32, #tpu.memory_space<hbm>> -> memref<80xi32, #tpu.memory_space<hbm>>
      tpu.wait_dma2 semaphore(%arg22 : memref<!tpu.dma_semaphore, #tpu.memory_space<semaphore_mem>>) src(%dma_wait3A_462 : memref<80xi32, #tpu.memory_space<hbm>>) dst(%arg9 : memref<80xi32, #tpu.memory_space<vmem>>)
      %add3A_463 = arith.constant 2 : i32
      %add3A_464 = arith.addi %add3A_408, %add3A_463 : i32
      %dma_start3A_465 = arith.constant 0 : i32
      %dma_start3A_466 = arith.constant 0 : i32
      %dma_start3A_467 = tpu.memref_slice %arg2[%dma_start3A_465, %dma_start3A_466] : memref<10000x128xf32, #tpu.memory_space<hbm>> -> memref<10000x128xf32, #tpu.memory_space<hbm>>
      tpu.enqueue_indirect_dma source(%dma_start3A_467 : memref<10000x128xf32, #tpu.memory_space<hbm>>) target(%arg15 : memref<80x128xf32, #tpu.memory_space<vmem>>) offsets(%arg13 : memref<80xi32, #tpu.memory_space<vmem>>) semaphore(%arg24 : memref<!tpu.dma_semaphore, #tpu.memory_space<semaphore_mem>>)
      %mul3A_468 = arith.constant 10000 : i32
      %mul3A_469 = arith.muli %add3A, %mul3A_468 : i32
      %mul3A_470 = arith.constant 80 : i32
      %mul3A_471 = arith.muli %add3A_464, %mul3A_470 : i32
      %add3A_472 = arith.addi %mul3A_469, %mul3A_471 : i32
      %dma_start3A_473 = arith.constant 0 : i32
      %dma_start3A_474 = tpu.memref_slice %arg3[%add3A_472, %dma_start3A_473] : memref<320000x128xf32, #tpu.memory_space<hbm>> -> memref<80x128xf32, #tpu.memory_space<hbm>>
      %dma_start3A_475 = arith.constant 0 : i32
      %dma_start3A_476 = tpu.memref_slice %arg3[%add3A_472, %dma_start3A_475] : memref<320000x128xf32, #tpu.memory_space<hbm>> -> memref<80x128xf32, #tpu.memory_space<hbm>>
      tpu.enqueue_dma source(%dma_start3A_476 : memref<80x128xf32, #tpu.memory_space<hbm>>) target(%arg17 : memref<80x128xf32, #tpu.memory_space<vmem>>) target_semaphore(%arg26 : memref<!tpu.dma_semaphore, #tpu.memory_space<semaphore_mem>>)
      %add3A_477 = arith.constant 1 : i32
      %add3A_478 = arith.addi %mul3A_406, %add3A_477 : i32
      %dma_wait3A_479 = arith.constant 0 : i32
      %dma_wait3A_480 = arith.constant 0 : i32
      %dma_wait3A_481 = tpu.memref_slice %arg3[%dma_wait3A_479, %dma_wait3A_480] : memref<320000x128xf32, #tpu.memory_space<hbm>> -> memref<80x128xf32, #tpu.memory_space<hbm>>
      %dma_wait3A_482 = arith.constant 0 : i32
      %dma_wait3A_483 = arith.constant 0 : i32
      %dma_wait3A_484 = tpu.memref_slice %arg3[%dma_wait3A_482, %dma_wait3A_483] : memref<320000x128xf32, #tpu.memory_space<hbm>> -> memref<80x128xf32, #tpu.memory_space<hbm>>
      tpu.wait_dma2 semaphore(%arg25 : memref<!tpu.dma_semaphore, #tpu.memory_space<semaphore_mem>>) src(%dma_wait3A_484 : memref<80x128xf32, #tpu.memory_space<hbm>>) dst(%arg16 : memref<80x128xf32, #tpu.memory_space<vmem>>)
      %dma_wait3A_485 = arith.constant 0 : i32
      %dma_wait3A_486 = arith.constant 0 : i32
      %dma_wait3A_487 = tpu.memref_slice %arg3[%dma_wait3A_485, %dma_wait3A_486] : memref<320000x128xf32, #tpu.memory_space<hbm>> -> memref<80x128xf32, #tpu.memory_space<hbm>>
      %dma_wait3A_488 = arith.constant 0 : i32
      %dma_wait3A_489 = arith.constant 0 : i32
      %dma_wait3A_490 = tpu.memref_slice %arg3[%dma_wait3A_488, %dma_wait3A_489] : memref<320000x128xf32, #tpu.memory_space<hbm>> -> memref<80x128xf32, #tpu.memory_space<hbm>>
      tpu.wait_dma2 semaphore(%arg27 : memref<!tpu.dma_semaphore, #tpu.memory_space<semaphore_mem>>) src(%dma_wait3A_490 : memref<80x128xf32, #tpu.memory_space<hbm>>) dst(%arg18 : memref<80x128xf32, #tpu.memory_space<vmem>>)
      %dma_start3A_491 = arith.constant 0 : i32
      %dma_start3A_492 = arith.constant 0 : i32
      %dma_start3A_493 = tpu.memref_slice %arg19[%dma_start3A_491, %dma_start3A_492] : memref<10240x128xf32, #tpu.memory_space<vmem_shared>> -> memref<10240x128xf32, #tpu.memory_space<vmem_shared>>
      tpu.enqueue_indirect_dma source(%arg16 : memref<80x128xf32, #tpu.memory_space<vmem>>) target(%dma_start3A_493 : memref<10240x128xf32, #tpu.memory_space<vmem_shared>>) offsets(%arg8 : memref<80xi32, #tpu.memory_space<vmem>>) semaphore(%arg29 : memref<!tpu.dma_semaphore, #tpu.memory_space<semaphore_mem>>) {add = true}
      %dma_start3A_494 = arith.constant 0 : i32
      %dma_start3A_495 = arith.constant 0 : i32
      %dma_start3A_496 = tpu.memref_slice %arg19[%dma_start3A_494, %dma_start3A_495] : memref<10240x128xf32, #tpu.memory_space<vmem_shared>> -> memref<10240x128xf32, #tpu.memory_space<vmem_shared>>
      tpu.enqueue_indirect_dma source(%arg18 : memref<80x128xf32, #tpu.memory_space<vmem>>) target(%dma_start3A_496 : memref<10240x128xf32, #tpu.memory_space<vmem_shared>>) offsets(%arg8 : memref<80xi32, #tpu.memory_space<vmem>>) semaphore(%arg31 : memref<!tpu.dma_semaphore, #tpu.memory_space<semaphore_mem>>) {add = true}
      %dma_wait3A_497 = arith.constant 0 : i32
      %dma_wait3A_498 = arith.constant 0 : i32
      %dma_wait3A_499 = tpu.memref_slice %arg3[%dma_wait3A_497, %dma_wait3A_498] : memref<320000x128xf32, #tpu.memory_space<hbm>> -> memref<80x128xf32, #tpu.memory_space<hbm>>
      %dma_wait3A_500 = arith.constant 0 : i32
      %dma_wait3A_501 = arith.constant 0 : i32
      %dma_wait3A_502 = tpu.memref_slice %arg3[%dma_wait3A_500, %dma_wait3A_501] : memref<320000x128xf32, #tpu.memory_space<hbm>> -> memref<80x128xf32, #tpu.memory_space<hbm>>
      tpu.wait_dma2 semaphore(%arg29 : memref<!tpu.dma_semaphore, #tpu.memory_space<semaphore_mem>>) src(%dma_wait3A_502 : memref<80x128xf32, #tpu.memory_space<hbm>>) dst(%arg16 : memref<80x128xf32, #tpu.memory_space<vmem>>)
      %dma_wait3A_503 = arith.constant 0 : i32
      %dma_wait3A_504 = arith.constant 0 : i32
      %dma_wait3A_505 = tpu.memref_slice %arg3[%dma_wait3A_503, %dma_wait3A_504] : memref<320000x128xf32, #tpu.memory_space<hbm>> -> memref<80x128xf32, #tpu.memory_space<hbm>>
      %dma_wait3A_506 = arith.constant 0 : i32
      %dma_wait3A_507 = arith.constant 0 : i32
      %dma_wait3A_508 = tpu.memref_slice %arg3[%dma_wait3A_506, %dma_wait3A_507] : memref<320000x128xf32, #tpu.memory_space<hbm>> -> memref<80x128xf32, #tpu.memory_space<hbm>>
      tpu.wait_dma2 semaphore(%arg31 : memref<!tpu.dma_semaphore, #tpu.memory_space<semaphore_mem>>) src(%dma_wait3A_508 : memref<80x128xf32, #tpu.memory_space<hbm>>) dst(%arg18 : memref<80x128xf32, #tpu.memory_space<vmem>>)
      %add3A_509 = arith.constant 4 : i32
      %add3A_510 = arith.addi %add3A_478, %add3A_509 : i32
      %mul3A_511 = arith.constant 10000 : i32
      %mul3A_512 = arith.muli %add3A, %mul3A_511 : i32
      %mul3A_513 = arith.constant 80 : i32
      %mul3A_514 = arith.muli %add3A_510, %mul3A_513 : i32
      %add3A_515 = arith.addi %mul3A_512, %mul3A_514 : i32
      %dma_start3A_516 = tpu.memref_slice %arg4[%add3A_515] : memref<320000xi32, #tpu.memory_space<hbm>> -> memref<80xi32, #tpu.memory_space<hbm>>
      %dma_start3A_517 = tpu.memref_slice %arg4[%add3A_515] : memref<320000xi32, #tpu.memory_space<hbm>> -> memref<80xi32, #tpu.memory_space<hbm>>
      tpu.enqueue_dma source(%dma_start3A_517 : memref<80xi32, #tpu.memory_space<hbm>>) target(%arg8 : memref<80xi32, #tpu.memory_space<vmem>>) target_semaphore(%arg21 : memref<!tpu.dma_semaphore, #tpu.memory_space<semaphore_mem>>)
      %mul3A_518 = arith.constant 10000 : i32
      %mul3A_519 = arith.muli %add3A, %mul3A_518 : i32
      %mul3A_520 = arith.constant 80 : i32
      %mul3A_521 = arith.muli %add3A_510, %mul3A_520 : i32
      %add3A_522 = arith.addi %mul3A_519, %mul3A_521 : i32
      %dma_start3A_523 = tpu.memref_slice %arg5[%add3A_522] : memref<320000xi32, #tpu.memory_space<hbm>> -> memref<80xi32, #tpu.memory_space<hbm>>
      %dma_start3A_524 = tpu.memref_slice %arg5[%add3A_522] : memref<320000xi32, #tpu.memory_space<hbm>> -> memref<80xi32, #tpu.memory_space<hbm>>
      tpu.enqueue_dma source(%dma_start3A_524 : memref<80xi32, #tpu.memory_space<hbm>>) target(%arg12 : memref<80xi32, #tpu.memory_space<vmem>>) target_semaphore(%arg21 : memref<!tpu.dma_semaphore, #tpu.memory_space<semaphore_mem>>)
      %dma_wait3A_525 = arith.constant 0 : i32
      %dma_wait3A_526 = tpu.memref_slice %arg4[%dma_wait3A_525] : memref<320000xi32, #tpu.memory_space<hbm>> -> memref<80xi32, #tpu.memory_space<hbm>>
      %dma_wait3A_527 = arith.constant 0 : i32
      %dma_wait3A_528 = tpu.memref_slice %arg4[%dma_wait3A_527] : memref<320000xi32, #tpu.memory_space<hbm>> -> memref<80xi32, #tpu.memory_space<hbm>>
      tpu.wait_dma2 semaphore(%arg23 : memref<!tpu.dma_semaphore, #tpu.memory_space<semaphore_mem>>) src(%dma_wait3A_528 : memref<80xi32, #tpu.memory_space<hbm>>) dst(%arg10 : memref<80xi32, #tpu.memory_space<vmem>>)
      %dma_wait3A_529 = arith.constant 0 : i32
      %dma_wait3A_530 = tpu.memref_slice %arg4[%dma_wait3A_529] : memref<320000xi32, #tpu.memory_space<hbm>> -> memref<80xi32, #tpu.memory_space<hbm>>
      %dma_wait3A_531 = arith.constant 0 : i32
      %dma_wait3A_532 = tpu.memref_slice %arg4[%dma_wait3A_531] : memref<320000xi32, #tpu.memory_space<hbm>> -> memref<80xi32, #tpu.memory_space<hbm>>
      tpu.wait_dma2 semaphore(%arg23 : memref<!tpu.dma_semaphore, #tpu.memory_space<semaphore_mem>>) src(%dma_wait3A_532 : memref<80xi32, #tpu.memory_space<hbm>>) dst(%arg10 : memref<80xi32, #tpu.memory_space<vmem>>)
      %add3A_533 = arith.constant 2 : i32
      %add3A_534 = arith.addi %add3A_478, %add3A_533 : i32
      %dma_start3A_535 = arith.constant 0 : i32
      %dma_start3A_536 = arith.constant 0 : i32
      %dma_start3A_537 = tpu.memref_slice %arg2[%dma_start3A_535, %dma_start3A_536] : memref<10000x128xf32, #tpu.memory_space<hbm>> -> memref<10000x128xf32, #tpu.memory_space<hbm>>
      tpu.enqueue_indirect_dma source(%dma_start3A_537 : memref<10000x128xf32, #tpu.memory_space<hbm>>) target(%arg16 : memref<80x128xf32, #tpu.memory_space<vmem>>) offsets(%arg14 : memref<80xi32, #tpu.memory_space<vmem>>) semaphore(%arg25 : memref<!tpu.dma_semaphore, #tpu.memory_space<semaphore_mem>>)
      %mul3A_538 = arith.constant 10000 : i32
      %mul3A_539 = arith.muli %add3A, %mul3A_538 : i32
      %mul3A_540 = arith.constant 80 : i32
      %mul3A_541 = arith.muli %add3A_534, %mul3A_540 : i32
      %add3A_542 = arith.addi %mul3A_539, %mul3A_541 : i32
      %dma_start3A_543 = arith.constant 0 : i32
      %dma_start3A_544 = tpu.memref_slice %arg3[%add3A_542, %dma_start3A_543] : memref<320000x128xf32, #tpu.memory_space<hbm>> -> memref<80x128xf32, #tpu.memory_space<hbm>>
      %dma_start3A_545 = arith.constant 0 : i32
      %dma_start3A_546 = tpu.memref_slice %arg3[%add3A_542, %dma_start3A_545] : memref<320000x128xf32, #tpu.memory_space<hbm>> -> memref<80x128xf32, #tpu.memory_space<hbm>>
      tpu.enqueue_dma source(%dma_start3A_546 : memref<80x128xf32, #tpu.memory_space<hbm>>) target(%arg18 : memref<80x128xf32, #tpu.memory_space<vmem>>) target_semaphore(%arg27 : memref<!tpu.dma_semaphore, #tpu.memory_space<semaphore_mem>>)
      %add3A_547 = arith.constant 2 : i32
      %add3A_548 = arith.addi %mul3A_406, %add3A_547 : i32
      %dma_wait3A_549 = arith.constant 0 : i32
      %dma_wait3A_550 = arith.constant 0 : i32
      %dma_wait3A_551 = tpu.memref_slice %arg3[%dma_wait3A_549, %dma_wait3A_550] : memref<320000x128xf32, #tpu.memory_space<hbm>> -> memref<80x128xf32, #tpu.memory_space<hbm>>
      %dma_wait3A_552 = arith.constant 0 : i32
      %dma_wait3A_553 = arith.constant 0 : i32
      %dma_wait3A_554 = tpu.memref_slice %arg3[%dma_wait3A_552, %dma_wait3A_553] : memref<320000x128xf32, #tpu.memory_space<hbm>> -> memref<80x128xf32, #tpu.memory_space<hbm>>
      tpu.wait_dma2 semaphore(%arg24 : memref<!tpu.dma_semaphore, #tpu.memory_space<semaphore_mem>>) src(%dma_wait3A_554 : memref<80x128xf32, #tpu.memory_space<hbm>>) dst(%arg15 : memref<80x128xf32, #tpu.memory_space<vmem>>)
      %dma_wait3A_555 = arith.constant 0 : i32
      %dma_wait3A_556 = arith.constant 0 : i32
      %dma_wait3A_557 = tpu.memref_slice %arg3[%dma_wait3A_555, %dma_wait3A_556] : memref<320000x128xf32, #tpu.memory_space<hbm>> -> memref<80x128xf32, #tpu.memory_space<hbm>>
      %dma_wait3A_558 = arith.constant 0 : i32
      %dma_wait3A_559 = arith.constant 0 : i32
      %dma_wait3A_560 = tpu.memref_slice %arg3[%dma_wait3A_558, %dma_wait3A_559] : memref<320000x128xf32, #tpu.memory_space<hbm>> -> memref<80x128xf32, #tpu.memory_space<hbm>>
      tpu.wait_dma2 semaphore(%arg26 : memref<!tpu.dma_semaphore, #tpu.memory_space<semaphore_mem>>) src(%dma_wait3A_560 : memref<80x128xf32, #tpu.memory_space<hbm>>) dst(%arg17 : memref<80x128xf32, #tpu.memory_space<vmem>>)
      %dma_start3A_561 = arith.constant 0 : i32
      %dma_start3A_562 = arith.constant 0 : i32
      %dma_start3A_563 = tpu.memref_slice %arg19[%dma_start3A_561, %dma_start3A_562] : memref<10240x128xf32, #tpu.memory_space<vmem_shared>> -> memref<10240x128xf32, #tpu.memory_space<vmem_shared>>
      tpu.enqueue_indirect_dma source(%arg15 : memref<80x128xf32, #tpu.memory_space<vmem>>) target(%dma_start3A_563 : memref<10240x128xf32, #tpu.memory_space<vmem_shared>>) offsets(%arg9 : memref<80xi32, #tpu.memory_space<vmem>>) semaphore(%arg28 : memref<!tpu.dma_semaphore, #tpu.memory_space<semaphore_mem>>) {add = true}
      %dma_start3A_564 = arith.constant 0 : i32
      %dma_start3A_565 = arith.constant 0 : i32
      %dma_start3A_566 = tpu.memref_slice %arg19[%dma_start3A_564, %dma_start3A_565] : memref<10240x128xf32, #tpu.memory_space<vmem_shared>> -> memref<10240x128xf32, #tpu.memory_space<vmem_shared>>
      tpu.enqueue_indirect_dma source(%arg17 : memref<80x128xf32, #tpu.memory_space<vmem>>) target(%dma_start3A_566 : memref<10240x128xf32, #tpu.memory_space<vmem_shared>>) offsets(%arg9 : memref<80xi32, #tpu.memory_space<vmem>>) semaphore(%arg30 : memref<!tpu.dma_semaphore, #tpu.memory_space<semaphore_mem>>) {add = true}
      %dma_wait3A_567 = arith.constant 0 : i32
      %dma_wait3A_568 = arith.constant 0 : i32
      %dma_wait3A_569 = tpu.memref_slice %arg3[%dma_wait3A_567, %dma_wait3A_568] : memref<320000x128xf32, #tpu.memory_space<hbm>> -> memref<80x128xf32, #tpu.memory_space<hbm>>
      %dma_wait3A_570 = arith.constant 0 : i32
      %dma_wait3A_571 = arith.constant 0 : i32
      %dma_wait3A_572 = tpu.memref_slice %arg3[%dma_wait3A_570, %dma_wait3A_571] : memref<320000x128xf32, #tpu.memory_space<hbm>> -> memref<80x128xf32, #tpu.memory_space<hbm>>
      tpu.wait_dma2 semaphore(%arg28 : memref<!tpu.dma_semaphore, #tpu.memory_space<semaphore_mem>>) src(%dma_wait3A_572 : memref<80x128xf32, #tpu.memory_space<hbm>>) dst(%arg15 : memref<80x128xf32, #tpu.memory_space<vmem>>)
      %dma_wait3A_573 = arith.constant 0 : i32
      %dma_wait3A_574 = arith.constant 0 : i32
      %dma_wait3A_575 = tpu.memref_slice %arg3[%dma_wait3A_573, %dma_wait3A_574] : memref<320000x128xf32, #tpu.memory_space<hbm>> -> memref<80x128xf32, #tpu.memory_space<hbm>>
      %dma_wait3A_576 = arith.constant 0 : i32
      %dma_wait3A_577 = arith.constant 0 : i32
      %dma_wait3A_578 = tpu.memref_slice %arg3[%dma_wait3A_576, %dma_wait3A_577] : memref<320000x128xf32, #tpu.memory_space<hbm>> -> memref<80x128xf32, #tpu.memory_space<hbm>>
      tpu.wait_dma2 semaphore(%arg30 : memref<!tpu.dma_semaphore, #tpu.memory_space<semaphore_mem>>) src(%dma_wait3A_578 : memref<80x128xf32, #tpu.memory_space<hbm>>) dst(%arg17 : memref<80x128xf32, #tpu.memory_space<vmem>>)
      %add3A_579 = arith.constant 4 : i32
      %add3A_580 = arith.addi %add3A_548, %add3A_579 : i32
      %mul3A_581 = arith.constant 10000 : i32
      %mul3A_582 = arith.muli %add3A, %mul3A_581 : i32
      %mul3A_583 = arith.constant 80 : i32
      %mul3A_584 = arith.muli %add3A_580, %mul3A_583 : i32
      %add3A_585 = arith.addi %mul3A_582, %mul3A_584 : i32
      %dma_start3A_586 = tpu.memref_slice %arg4[%add3A_585] : memref<320000xi32, #tpu.memory_space<hbm>> -> memref<80xi32, #tpu.memory_space<hbm>>
      %dma_start3A_587 = tpu.memref_slice %arg4[%add3A_585] : memref<320000xi32, #tpu.memory_space<hbm>> -> memref<80xi32, #tpu.memory_space<hbm>>
      tpu.enqueue_dma source(%dma_start3A_587 : memref<80xi32, #tpu.memory_space<hbm>>) target(%arg9 : memref<80xi32, #tpu.memory_space<vmem>>) target_semaphore(%arg22 : memref<!tpu.dma_semaphore, #tpu.memory_space<semaphore_mem>>)
      %mul3A_588 = arith.constant 10000 : i32
      %mul3A_589 = arith.muli %add3A, %mul3A_588 : i32
      %mul3A_590 = arith.constant 80 : i32
      %mul3A_591 = arith.muli %add3A_580, %mul3A_590 : i32
      %add3A_592 = arith.addi %mul3A_589, %mul3A_591 : i32
      %dma_start3A_593 = tpu.memref_slice %arg5[%add3A_592] : memref<320000xi32, #tpu.memory_space<hbm>> -> memref<80xi32, #tpu.memory_space<hbm>>
      %dma_start3A_594 = tpu.memref_slice %arg5[%add3A_592] : memref<320000xi32, #tpu.memory_space<hbm>> -> memref<80xi32, #tpu.memory_space<hbm>>
      tpu.enqueue_dma source(%dma_start3A_594 : memref<80xi32, #tpu.memory_space<hbm>>) target(%arg13 : memref<80xi32, #tpu.memory_space<vmem>>) target_semaphore(%arg22 : memref<!tpu.dma_semaphore, #tpu.memory_space<semaphore_mem>>)
      %dma_wait3A_595 = arith.constant 0 : i32
      %dma_wait3A_596 = tpu.memref_slice %arg4[%dma_wait3A_595] : memref<320000xi32, #tpu.memory_space<hbm>> -> memref<80xi32, #tpu.memory_space<hbm>>
      %dma_wait3A_597 = arith.constant 0 : i32
      %dma_wait3A_598 = tpu.memref_slice %arg4[%dma_wait3A_597] : memref<320000xi32, #tpu.memory_space<hbm>> -> memref<80xi32, #tpu.memory_space<hbm>>
      tpu.wait_dma2 semaphore(%arg20 : memref<!tpu.dma_semaphore, #tpu.memory_space<semaphore_mem>>) src(%dma_wait3A_598 : memref<80xi32, #tpu.memory_space<hbm>>) dst(%arg7 : memref<80xi32, #tpu.memory_space<vmem>>)
      %dma_wait3A_599 = arith.constant 0 : i32
      %dma_wait3A_600 = tpu.memref_slice %arg4[%dma_wait3A_599] : memref<320000xi32, #tpu.memory_space<hbm>> -> memref<80xi32, #tpu.memory_space<hbm>>
      %dma_wait3A_601 = arith.constant 0 : i32
      %dma_wait3A_602 = tpu.memref_slice %arg4[%dma_wait3A_601] : memref<320000xi32, #tpu.memory_space<hbm>> -> memref<80xi32, #tpu.memory_space<hbm>>
      tpu.wait_dma2 semaphore(%arg20 : memref<!tpu.dma_semaphore, #tpu.memory_space<semaphore_mem>>) src(%dma_wait3A_602 : memref<80xi32, #tpu.memory_space<hbm>>) dst(%arg7 : memref<80xi32, #tpu.memory_space<vmem>>)
      %add3A_603 = arith.constant 2 : i32
      %add3A_604 = arith.addi %add3A_548, %add3A_603 : i32
      %dma_start3A_605 = arith.constant 0 : i32
      %dma_start3A_606 = arith.constant 0 : i32
      %dma_start3A_607 = tpu.memref_slice %arg2[%dma_start3A_605, %dma_start3A_606] : memref<10000x128xf32, #tpu.memory_space<hbm>> -> memref<10000x128xf32, #tpu.memory_space<hbm>>
      tpu.enqueue_indirect_dma source(%dma_start3A_607 : memref<10000x128xf32, #tpu.memory_space<hbm>>) target(%arg15 : memref<80x128xf32, #tpu.memory_space<vmem>>) offsets(%arg11 : memref<80xi32, #tpu.memory_space<vmem>>) semaphore(%arg24 : memref<!tpu.dma_semaphore, #tpu.memory_space<semaphore_mem>>)
      %mul3A_608 = arith.constant 10000 : i32
      %mul3A_609 = arith.muli %add3A, %mul3A_608 : i32
      %mul3A_610 = arith.constant 80 : i32
      %mul3A_611 = arith.muli %add3A_604, %mul3A_610 : i32
      %add3A_612 = arith.addi %mul3A_609, %mul3A_611 : i32
      %dma_start3A_613 = arith.constant 0 : i32
      %dma_start3A_614 = tpu.memref_slice %arg3[%add3A_612, %dma_start3A_613] : memref<320000x128xf32, #tpu.memory_space<hbm>> -> memref<80x128xf32, #tpu.memory_space<hbm>>
      %dma_start3A_615 = arith.constant 0 : i32
      %dma_start3A_616 = tpu.memref_slice %arg3[%add3A_612, %dma_start3A_615] : memref<320000x128xf32, #tpu.memory_space<hbm>> -> memref<80x128xf32, #tpu.memory_space<hbm>>
      tpu.enqueue_dma source(%dma_start3A_616 : memref<80x128xf32, #tpu.memory_space<hbm>>) target(%arg17 : memref<80x128xf32, #tpu.memory_space<vmem>>) target_semaphore(%arg26 : memref<!tpu.dma_semaphore, #tpu.memory_space<semaphore_mem>>)
      %add3A_617 = arith.constant 3 : i32
      %add3A_618 = arith.addi %mul3A_406, %add3A_617 : i32
      %dma_wait3A_619 = arith.constant 0 : i32
      %dma_wait3A_620 = arith.constant 0 : i32
      %dma_wait3A_621 = tpu.memref_slice %arg3[%dma_wait3A_619, %dma_wait3A_620] : memref<320000x128xf32, #tpu.memory_space<hbm>> -> memref<80x128xf32, #tpu.memory_space<hbm>>
      %dma_wait3A_622 = arith.constant 0 : i32
      %dma_wait3A_623 = arith.constant 0 : i32
      %dma_wait3A_624 = tpu.memref_slice %arg3[%dma_wait3A_622, %dma_wait3A_623] : memref<320000x128xf32, #tpu.memory_space<hbm>> -> memref<80x128xf32, #tpu.memory_space<hbm>>
      tpu.wait_dma2 semaphore(%arg25 : memref<!tpu.dma_semaphore, #tpu.memory_space<semaphore_mem>>) src(%dma_wait3A_624 : memref<80x128xf32, #tpu.memory_space<hbm>>) dst(%arg16 : memref<80x128xf32, #tpu.memory_space<vmem>>)
      %dma_wait3A_625 = arith.constant 0 : i32
      %dma_wait3A_626 = arith.constant 0 : i32
      %dma_wait3A_627 = tpu.memref_slice %arg3[%dma_wait3A_625, %dma_wait3A_626] : memref<320000x128xf32, #tpu.memory_space<hbm>> -> memref<80x128xf32, #tpu.memory_space<hbm>>
      %dma_wait3A_628 = arith.constant 0 : i32
      %dma_wait3A_629 = arith.constant 0 : i32
      %dma_wait3A_630 = tpu.memref_slice %arg3[%dma_wait3A_628, %dma_wait3A_629] : memref<320000x128xf32, #tpu.memory_space<hbm>> -> memref<80x128xf32, #tpu.memory_space<hbm>>
      tpu.wait_dma2 semaphore(%arg27 : memref<!tpu.dma_semaphore, #tpu.memory_space<semaphore_mem>>) src(%dma_wait3A_630 : memref<80x128xf32, #tpu.memory_space<hbm>>) dst(%arg18 : memref<80x128xf32, #tpu.memory_space<vmem>>)
      %dma_start3A_631 = arith.constant 0 : i32
      %dma_start3A_632 = arith.constant 0 : i32
      %dma_start3A_633 = tpu.memref_slice %arg19[%dma_start3A_631, %dma_start3A_632] : memref<10240x128xf32, #tpu.memory_space<vmem_shared>> -> memref<10240x128xf32, #tpu.memory_space<vmem_shared>>
      tpu.enqueue_indirect_dma source(%arg16 : memref<80x128xf32, #tpu.memory_space<vmem>>) target(%dma_start3A_633 : memref<10240x128xf32, #tpu.memory_space<vmem_shared>>) offsets(%arg10 : memref<80xi32, #tpu.memory_space<vmem>>) semaphore(%arg29 : memref<!tpu.dma_semaphore, #tpu.memory_space<semaphore_mem>>) {add = true}
      %dma_start3A_634 = arith.constant 0 : i32
      %dma_start3A_635 = arith.constant 0 : i32
      %dma_start3A_636 = tpu.memref_slice %arg19[%dma_start3A_634, %dma_start3A_635] : memref<10240x128xf32, #tpu.memory_space<vmem_shared>> -> memref<10240x128xf32, #tpu.memory_space<vmem_shared>>
      tpu.enqueue_indirect_dma source(%arg18 : memref<80x128xf32, #tpu.memory_space<vmem>>) target(%dma_start3A_636 : memref<10240x128xf32, #tpu.memory_space<vmem_shared>>) offsets(%arg10 : memref<80xi32, #tpu.memory_space<vmem>>) semaphore(%arg31 : memref<!tpu.dma_semaphore, #tpu.memory_space<semaphore_mem>>) {add = true}
      %dma_wait3A_637 = arith.constant 0 : i32
      %dma_wait3A_638 = arith.constant 0 : i32
      %dma_wait3A_639 = tpu.memref_slice %arg3[%dma_wait3A_637, %dma_wait3A_638] : memref<320000x128xf32, #tpu.memory_space<hbm>> -> memref<80x128xf32, #tpu.memory_space<hbm>>
      %dma_wait3A_640 = arith.constant 0 : i32
      %dma_wait3A_641 = arith.constant 0 : i32
      %dma_wait3A_642 = tpu.memref_slice %arg3[%dma_wait3A_640, %dma_wait3A_641] : memref<320000x128xf32, #tpu.memory_space<hbm>> -> memref<80x128xf32, #tpu.memory_space<hbm>>
      tpu.wait_dma2 semaphore(%arg29 : memref<!tpu.dma_semaphore, #tpu.memory_space<semaphore_mem>>) src(%dma_wait3A_642 : memref<80x128xf32, #tpu.memory_space<hbm>>) dst(%arg16 : memref<80x128xf32, #tpu.memory_space<vmem>>)
      %dma_wait3A_643 = arith.constant 0 : i32
      %dma_wait3A_644 = arith.constant 0 : i32
      %dma_wait3A_645 = tpu.memref_slice %arg3[%dma_wait3A_643, %dma_wait3A_644] : memref<320000x128xf32, #tpu.memory_space<hbm>> -> memref<80x128xf32, #tpu.memory_space<hbm>>
      %dma_wait3A_646 = arith.constant 0 : i32
      %dma_wait3A_647 = arith.constant 0 : i32
      %dma_wait3A_648 = tpu.memref_slice %arg3[%dma_wait3A_646, %dma_wait3A_647] : memref<320000x128xf32, #tpu.memory_space<hbm>> -> memref<80x128xf32, #tpu.memory_space<hbm>>
      tpu.wait_dma2 semaphore(%arg31 : memref<!tpu.dma_semaphore, #tpu.memory_space<semaphore_mem>>) src(%dma_wait3A_648 : memref<80x128xf32, #tpu.memory_space<hbm>>) dst(%arg18 : memref<80x128xf32, #tpu.memory_space<vmem>>)
      %add3A_649 = arith.constant 4 : i32
      %add3A_650 = arith.addi %add3A_618, %add3A_649 : i32
      %mul3A_651 = arith.constant 10000 : i32
      %mul3A_652 = arith.muli %add3A, %mul3A_651 : i32
      %mul3A_653 = arith.constant 80 : i32
      %mul3A_654 = arith.muli %add3A_650, %mul3A_653 : i32
      %add3A_655 = arith.addi %mul3A_652, %mul3A_654 : i32
      %dma_start3A_656 = tpu.memref_slice %arg4[%add3A_655] : memref<320000xi32, #tpu.memory_space<hbm>> -> memref<80xi32, #tpu.memory_space<hbm>>
      %dma_start3A_657 = tpu.memref_slice %arg4[%add3A_655] : memref<320000xi32, #tpu.memory_space<hbm>> -> memref<80xi32, #tpu.memory_space<hbm>>
      tpu.enqueue_dma source(%dma_start3A_657 : memref<80xi32, #tpu.memory_space<hbm>>) target(%arg10 : memref<80xi32, #tpu.memory_space<vmem>>) target_semaphore(%arg23 : memref<!tpu.dma_semaphore, #tpu.memory_space<semaphore_mem>>)
      %mul3A_658 = arith.constant 10000 : i32
      %mul3A_659 = arith.muli %add3A, %mul3A_658 : i32
      %mul3A_660 = arith.constant 80 : i32
      %mul3A_661 = arith.muli %add3A_650, %mul3A_660 : i32
      %add3A_662 = arith.addi %mul3A_659, %mul3A_661 : i32
      %dma_start3A_663 = tpu.memref_slice %arg5[%add3A_662] : memref<320000xi32, #tpu.memory_space<hbm>> -> memref<80xi32, #tpu.memory_space<hbm>>
      %dma_start3A_664 = tpu.memref_slice %arg5[%add3A_662] : memref<320000xi32, #tpu.memory_space<hbm>> -> memref<80xi32, #tpu.memory_space<hbm>>
      tpu.enqueue_dma source(%dma_start3A_664 : memref<80xi32, #tpu.memory_space<hbm>>) target(%arg14 : memref<80xi32, #tpu.memory_space<vmem>>) target_semaphore(%arg23 : memref<!tpu.dma_semaphore, #tpu.memory_space<semaphore_mem>>)
      %dma_wait3A_665 = arith.constant 0 : i32
      %dma_wait3A_666 = tpu.memref_slice %arg4[%dma_wait3A_665] : memref<320000xi32, #tpu.memory_space<hbm>> -> memref<80xi32, #tpu.memory_space<hbm>>
      %dma_wait3A_667 = arith.constant 0 : i32
      %dma_wait3A_668 = tpu.memref_slice %arg4[%dma_wait3A_667] : memref<320000xi32, #tpu.memory_space<hbm>> -> memref<80xi32, #tpu.memory_space<hbm>>
      tpu.wait_dma2 semaphore(%arg21 : memref<!tpu.dma_semaphore, #tpu.memory_space<semaphore_mem>>) src(%dma_wait3A_668 : memref<80xi32, #tpu.memory_space<hbm>>) dst(%arg8 : memref<80xi32, #tpu.memory_space<vmem>>)
      %dma_wait3A_669 = arith.constant 0 : i32
      %dma_wait3A_670 = tpu.memref_slice %arg4[%dma_wait3A_669] : memref<320000xi32, #tpu.memory_space<hbm>> -> memref<80xi32, #tpu.memory_space<hbm>>
      %dma_wait3A_671 = arith.constant 0 : i32
      %dma_wait3A_672 = tpu.memref_slice %arg4[%dma_wait3A_671] : memref<320000xi32, #tpu.memory_space<hbm>> -> memref<80xi32, #tpu.memory_space<hbm>>
      tpu.wait_dma2 semaphore(%arg21 : memref<!tpu.dma_semaphore, #tpu.memory_space<semaphore_mem>>) src(%dma_wait3A_672 : memref<80xi32, #tpu.memory_space<hbm>>) dst(%arg8 : memref<80xi32, #tpu.memory_space<vmem>>)
      %add3A_673 = arith.constant 2 : i32
      %add3A_674 = arith.addi %add3A_618, %add3A_673 : i32
      %dma_start3A_675 = arith.constant 0 : i32
      %dma_start3A_676 = arith.constant 0 : i32
      %dma_start3A_677 = tpu.memref_slice %arg2[%dma_start3A_675, %dma_start3A_676] : memref<10000x128xf32, #tpu.memory_space<hbm>> -> memref<10000x128xf32, #tpu.memory_space<hbm>>
      tpu.enqueue_indirect_dma source(%dma_start3A_677 : memref<10000x128xf32, #tpu.memory_space<hbm>>) target(%arg16 : memref<80x128xf32, #tpu.memory_space<vmem>>) offsets(%arg12 : memref<80xi32, #tpu.memory_space<vmem>>) semaphore(%arg25 : memref<!tpu.dma_semaphore, #tpu.memory_space<semaphore_mem>>)
      %mul3A_678 = arith.constant 10000 : i32
      %mul3A_679 = arith.muli %add3A, %mul3A_678 : i32
      %mul3A_680 = arith.constant 80 : i32
      %mul3A_681 = arith.muli %add3A_674, %mul3A_680 : i32
      %add3A_682 = arith.addi %mul3A_679, %mul3A_681 : i32
      %dma_start3A_683 = arith.constant 0 : i32
      %dma_start3A_684 = tpu.memref_slice %arg3[%add3A_682, %dma_start3A_683] : memref<320000x128xf32, #tpu.memory_space<hbm>> -> memref<80x128xf32, #tpu.memory_space<hbm>>
      %dma_start3A_685 = arith.constant 0 : i32
      %dma_start3A_686 = tpu.memref_slice %arg3[%add3A_682, %dma_start3A_685] : memref<320000x128xf32, #tpu.memory_space<hbm>> -> memref<80x128xf32, #tpu.memory_space<hbm>>
      tpu.enqueue_dma source(%dma_start3A_686 : memref<80x128xf32, #tpu.memory_space<hbm>>) target(%arg18 : memref<80x128xf32, #tpu.memory_space<vmem>>) target_semaphore(%arg27 : memref<!tpu.dma_semaphore, #tpu.memory_space<semaphore_mem>>)
    }
    %scan3A_127 = arith.constant 30 : i32
    %dma_wait3A_128 = arith.constant 0 : i32
    %dma_wait3A_129 = arith.constant 0 : i32
    %dma_wait3A_130 = tpu.memref_slice %arg3[%dma_wait3A_128, %dma_wait3A_129] : memref<320000x128xf32, #tpu.memory_space<hbm>> -> memref<80x128xf32, #tpu.memory_space<hbm>>
    %dma_wait3A_131 = arith.constant 0 : i32
    %dma_wait3A_132 = arith.constant 0 : i32
    %dma_wait3A_133 = tpu.memref_slice %arg3[%dma_wait3A_131, %dma_wait3A_132] : memref<320000x128xf32, #tpu.memory_space<hbm>> -> memref<80x128xf32, #tpu.memory_space<hbm>>
    tpu.wait_dma2 semaphore(%arg24 : memref<!tpu.dma_semaphore, #tpu.memory_space<semaphore_mem>>) src(%dma_wait3A_133 : memref<80x128xf32, #tpu.memory_space<hbm>>) dst(%arg15 : memref<80x128xf32, #tpu.memory_space<vmem>>)
    %dma_wait3A_134 = arith.constant 0 : i32
    %dma_wait3A_135 = arith.constant 0 : i32
    %dma_wait3A_136 = tpu.memref_slice %arg3[%dma_wait3A_134, %dma_wait3A_135] : memref<320000x128xf32, #tpu.memory_space<hbm>> -> memref<80x128xf32, #tpu.memory_space<hbm>>
    %dma_wait3A_137 = arith.constant 0 : i32
    %dma_wait3A_138 = arith.constant 0 : i32
    %dma_wait3A_139 = tpu.memref_slice %arg3[%dma_wait3A_137, %dma_wait3A_138] : memref<320000x128xf32, #tpu.memory_space<hbm>> -> memref<80x128xf32, #tpu.memory_space<hbm>>
    tpu.wait_dma2 semaphore(%arg26 : memref<!tpu.dma_semaphore, #tpu.memory_space<semaphore_mem>>) src(%dma_wait3A_139 : memref<80x128xf32, #tpu.memory_space<hbm>>) dst(%arg17 : memref<80x128xf32, #tpu.memory_space<vmem>>)
    %dma_start3A_140 = arith.constant 0 : i32
    %dma_start3A_141 = arith.constant 0 : i32
    %dma_start3A_142 = tpu.memref_slice %arg19[%dma_start3A_140, %dma_start3A_141] : memref<10240x128xf32, #tpu.memory_space<vmem_shared>> -> memref<10240x128xf32, #tpu.memory_space<vmem_shared>>
    tpu.enqueue_indirect_dma source(%arg15 : memref<80x128xf32, #tpu.memory_space<vmem>>) target(%dma_start3A_142 : memref<10240x128xf32, #tpu.memory_space<vmem_shared>>) offsets(%arg7 : memref<80xi32, #tpu.memory_space<vmem>>) semaphore(%arg28 : memref<!tpu.dma_semaphore, #tpu.memory_space<semaphore_mem>>) {add = true}
    %dma_start3A_143 = arith.constant 0 : i32
    %dma_start3A_144 = arith.constant 0 : i32
    %dma_start3A_145 = tpu.memref_slice %arg19[%dma_start3A_143, %dma_start3A_144] : memref<10240x128xf32, #tpu.memory_space<vmem_shared>> -> memref<10240x128xf32, #tpu.memory_space<vmem_shared>>
    tpu.enqueue_indirect_dma source(%arg17 : memref<80x128xf32, #tpu.memory_space<vmem>>) target(%dma_start3A_145 : memref<10240x128xf32, #tpu.memory_space<vmem_shared>>) offsets(%arg7 : memref<80xi32, #tpu.memory_space<vmem>>) semaphore(%arg30 : memref<!tpu.dma_semaphore, #tpu.memory_space<semaphore_mem>>) {add = true}
    %dma_wait3A_146 = arith.constant 0 : i32
    %dma_wait3A_147 = arith.constant 0 : i32
    %dma_wait3A_148 = tpu.memref_slice %arg3[%dma_wait3A_146, %dma_wait3A_147] : memref<320000x128xf32, #tpu.memory_space<hbm>> -> memref<80x128xf32, #tpu.memory_space<hbm>>
    %dma_wait3A_149 = arith.constant 0 : i32
    %dma_wait3A_150 = arith.constant 0 : i32
    %dma_wait3A_151 = tpu.memref_slice %arg3[%dma_wait3A_149, %dma_wait3A_150] : memref<320000x128xf32, #tpu.memory_space<hbm>> -> memref<80x128xf32, #tpu.memory_space<hbm>>
    tpu.wait_dma2 semaphore(%arg28 : memref<!tpu.dma_semaphore, #tpu.memory_space<semaphore_mem>>) src(%dma_wait3A_151 : memref<80x128xf32, #tpu.memory_space<hbm>>) dst(%arg15 : memref<80x128xf32, #tpu.memory_space<vmem>>)
    %dma_wait3A_152 = arith.constant 0 : i32
    %dma_wait3A_153 = arith.constant 0 : i32
    %dma_wait3A_154 = tpu.memref_slice %arg3[%dma_wait3A_152, %dma_wait3A_153] : memref<320000x128xf32, #tpu.memory_space<hbm>> -> memref<80x128xf32, #tpu.memory_space<hbm>>
    %dma_wait3A_155 = arith.constant 0 : i32
    %dma_wait3A_156 = arith.constant 0 : i32
    %dma_wait3A_157 = tpu.memref_slice %arg3[%dma_wait3A_155, %dma_wait3A_156] : memref<320000x128xf32, #tpu.memory_space<hbm>> -> memref<80x128xf32, #tpu.memory_space<hbm>>
    tpu.wait_dma2 semaphore(%arg30 : memref<!tpu.dma_semaphore, #tpu.memory_space<semaphore_mem>>) src(%dma_wait3A_157 : memref<80x128xf32, #tpu.memory_space<hbm>>) dst(%arg17 : memref<80x128xf32, #tpu.memory_space<vmem>>)
    %mul3A_158 = arith.constant 10000 : i32
    %mul3A_159 = arith.muli %add3A, %mul3A_158 : i32
    %add3A_160 = arith.constant 9920 : i32
    %add3A_161 = arith.addi %mul3A_159, %add3A_160 : i32
    %dma_start3A_162 = tpu.memref_slice %arg4[%add3A_161] : memref<320000xi32, #tpu.memory_space<hbm>> -> memref<80xi32, #tpu.memory_space<hbm>>
    %dma_start3A_163 = tpu.memref_slice %arg4[%add3A_161] : memref<320000xi32, #tpu.memory_space<hbm>> -> memref<80xi32, #tpu.memory_space<hbm>>
    tpu.enqueue_dma source(%dma_start3A_163 : memref<80xi32, #tpu.memory_space<hbm>>) target(%arg7 : memref<80xi32, #tpu.memory_space<vmem>>) target_semaphore(%arg20 : memref<!tpu.dma_semaphore, #tpu.memory_space<semaphore_mem>>)
    %mul3A_164 = arith.constant 10000 : i32
    %mul3A_165 = arith.muli %add3A, %mul3A_164 : i32
    %add3A_166 = arith.constant 9920 : i32
    %add3A_167 = arith.addi %mul3A_165, %add3A_166 : i32
    %dma_start3A_168 = tpu.memref_slice %arg5[%add3A_167] : memref<320000xi32, #tpu.memory_space<hbm>> -> memref<80xi32, #tpu.memory_space<hbm>>
    %dma_start3A_169 = tpu.memref_slice %arg5[%add3A_167] : memref<320000xi32, #tpu.memory_space<hbm>> -> memref<80xi32, #tpu.memory_space<hbm>>
    tpu.enqueue_dma source(%dma_start3A_169 : memref<80xi32, #tpu.memory_space<hbm>>) target(%arg11 : memref<80xi32, #tpu.memory_space<vmem>>) target_semaphore(%arg20 : memref<!tpu.dma_semaphore, #tpu.memory_space<semaphore_mem>>)
    %dma_wait3A_170 = arith.constant 0 : i32
    %dma_wait3A_171 = tpu.memref_slice %arg4[%dma_wait3A_170] : memref<320000xi32, #tpu.memory_space<hbm>> -> memref<80xi32, #tpu.memory_space<hbm>>
    %dma_wait3A_172 = arith.constant 0 : i32
    %dma_wait3A_173 = tpu.memref_slice %arg4[%dma_wait3A_172] : memref<320000xi32, #tpu.memory_space<hbm>> -> memref<80xi32, #tpu.memory_space<hbm>>
    tpu.wait_dma2 semaphore(%arg22 : memref<!tpu.dma_semaphore, #tpu.memory_space<semaphore_mem>>) src(%dma_wait3A_173 : memref<80xi32, #tpu.memory_space<hbm>>) dst(%arg9 : memref<80xi32, #tpu.memory_space<vmem>>)
    %dma_wait3A_174 = arith.constant 0 : i32
    %dma_wait3A_175 = tpu.memref_slice %arg4[%dma_wait3A_174] : memref<320000xi32, #tpu.memory_space<hbm>> -> memref<80xi32, #tpu.memory_space<hbm>>
    %dma_wait3A_176 = arith.constant 0 : i32
    %dma_wait3A_177 = tpu.memref_slice %arg4[%dma_wait3A_176] : memref<320000xi32, #tpu.memory_space<hbm>> -> memref<80xi32, #tpu.memory_space<hbm>>
    tpu.wait_dma2 semaphore(%arg22 : memref<!tpu.dma_semaphore, #tpu.memory_space<semaphore_mem>>) src(%dma_wait3A_177 : memref<80xi32, #tpu.memory_space<hbm>>) dst(%arg9 : memref<80xi32, #tpu.memory_space<vmem>>)
    %dma_start3A_178 = arith.constant 0 : i32
    %dma_start3A_179 = arith.constant 0 : i32
    %dma_start3A_180 = tpu.memref_slice %arg2[%dma_start3A_178, %dma_start3A_179] : memref<10000x128xf32, #tpu.memory_space<hbm>> -> memref<10000x128xf32, #tpu.memory_space<hbm>>
    tpu.enqueue_indirect_dma source(%dma_start3A_180 : memref<10000x128xf32, #tpu.memory_space<hbm>>) target(%arg15 : memref<80x128xf32, #tpu.memory_space<vmem>>) offsets(%arg13 : memref<80xi32, #tpu.memory_space<vmem>>) semaphore(%arg24 : memref<!tpu.dma_semaphore, #tpu.memory_space<semaphore_mem>>)
    %mul3A_181 = arith.constant 10000 : i32
    %mul3A_182 = arith.muli %add3A, %mul3A_181 : i32
    %add3A_183 = arith.constant 9760 : i32
    %add3A_184 = arith.addi %mul3A_182, %add3A_183 : i32
    %dma_start3A_185 = arith.constant 0 : i32
    %dma_start3A_186 = tpu.memref_slice %arg3[%add3A_184, %dma_start3A_185] : memref<320000x128xf32, #tpu.memory_space<hbm>> -> memref<80x128xf32, #tpu.memory_space<hbm>>
    %dma_start3A_187 = arith.constant 0 : i32
    %dma_start3A_188 = tpu.memref_slice %arg3[%add3A_184, %dma_start3A_187] : memref<320000x128xf32, #tpu.memory_space<hbm>> -> memref<80x128xf32, #tpu.memory_space<hbm>>
    tpu.enqueue_dma source(%dma_start3A_188 : memref<80x128xf32, #tpu.memory_space<hbm>>) target(%arg17 : memref<80x128xf32, #tpu.memory_space<vmem>>) target_semaphore(%arg26 : memref<!tpu.dma_semaphore, #tpu.memory_space<semaphore_mem>>)
    %dma_wait3A_189 = arith.constant 0 : i32
    %dma_wait3A_190 = arith.constant 0 : i32
    %dma_wait3A_191 = tpu.memref_slice %arg3[%dma_wait3A_189, %dma_wait3A_190] : memref<320000x128xf32, #tpu.memory_space<hbm>> -> memref<80x128xf32, #tpu.memory_space<hbm>>
    %dma_wait3A_192 = arith.constant 0 : i32
    %dma_wait3A_193 = arith.constant 0 : i32
    %dma_wait3A_194 = tpu.memref_slice %arg3[%dma_wait3A_192, %dma_wait3A_193] : memref<320000x128xf32, #tpu.memory_space<hbm>> -> memref<80x128xf32, #tpu.memory_space<hbm>>
    tpu.wait_dma2 semaphore(%arg25 : memref<!tpu.dma_semaphore, #tpu.memory_space<semaphore_mem>>) src(%dma_wait3A_194 : memref<80x128xf32, #tpu.memory_space<hbm>>) dst(%arg16 : memref<80x128xf32, #tpu.memory_space<vmem>>)
    %dma_wait3A_195 = arith.constant 0 : i32
    %dma_wait3A_196 = arith.constant 0 : i32
    %dma_wait3A_197 = tpu.memref_slice %arg3[%dma_wait3A_195, %dma_wait3A_196] : memref<320000x128xf32, #tpu.memory_space<hbm>> -> memref<80x128xf32, #tpu.memory_space<hbm>>
    %dma_wait3A_198 = arith.constant 0 : i32
    %dma_wait3A_199 = arith.constant 0 : i32
    %dma_wait3A_200 = tpu.memref_slice %arg3[%dma_wait3A_198, %dma_wait3A_199] : memref<320000x128xf32, #tpu.memory_space<hbm>> -> memref<80x128xf32, #tpu.memory_space<hbm>>
    tpu.wait_dma2 semaphore(%arg27 : memref<!tpu.dma_semaphore, #tpu.memory_space<semaphore_mem>>) src(%dma_wait3A_200 : memref<80x128xf32, #tpu.memory_space<hbm>>) dst(%arg18 : memref<80x128xf32, #tpu.memory_space<vmem>>)
    %dma_start3A_201 = arith.constant 0 : i32
    %dma_start3A_202 = arith.constant 0 : i32
    %dma_start3A_203 = tpu.memref_slice %arg19[%dma_start3A_201, %dma_start3A_202] : memref<10240x128xf32, #tpu.memory_space<vmem_shared>> -> memref<10240x128xf32, #tpu.memory_space<vmem_shared>>
    tpu.enqueue_indirect_dma source(%arg16 : memref<80x128xf32, #tpu.memory_space<vmem>>) target(%dma_start3A_203 : memref<10240x128xf32, #tpu.memory_space<vmem_shared>>) offsets(%arg8 : memref<80xi32, #tpu.memory_space<vmem>>) semaphore(%arg29 : memref<!tpu.dma_semaphore, #tpu.memory_space<semaphore_mem>>) {add = true}
    %dma_start3A_204 = arith.constant 0 : i32
    %dma_start3A_205 = arith.constant 0 : i32
    %dma_start3A_206 = tpu.memref_slice %arg19[%dma_start3A_204, %dma_start3A_205] : memref<10240x128xf32, #tpu.memory_space<vmem_shared>> -> memref<10240x128xf32, #tpu.memory_space<vmem_shared>>
    tpu.enqueue_indirect_dma source(%arg18 : memref<80x128xf32, #tpu.memory_space<vmem>>) target(%dma_start3A_206 : memref<10240x128xf32, #tpu.memory_space<vmem_shared>>) offsets(%arg8 : memref<80xi32, #tpu.memory_space<vmem>>) semaphore(%arg31 : memref<!tpu.dma_semaphore, #tpu.memory_space<semaphore_mem>>) {add = true}
    %dma_wait3A_207 = arith.constant 0 : i32
    %dma_wait3A_208 = arith.constant 0 : i32
    %dma_wait3A_209 = tpu.memref_slice %arg3[%dma_wait3A_207, %dma_wait3A_208] : memref<320000x128xf32, #tpu.memory_space<hbm>> -> memref<80x128xf32, #tpu.memory_space<hbm>>
    %dma_wait3A_210 = arith.constant 0 : i32
    %dma_wait3A_211 = arith.constant 0 : i32
    %dma_wait3A_212 = tpu.memref_slice %arg3[%dma_wait3A_210, %dma_wait3A_211] : memref<320000x128xf32, #tpu.memory_space<hbm>> -> memref<80x128xf32, #tpu.memory_space<hbm>>
    tpu.wait_dma2 semaphore(%arg29 : memref<!tpu.dma_semaphore, #tpu.memory_space<semaphore_mem>>) src(%dma_wait3A_212 : memref<80x128xf32, #tpu.memory_space<hbm>>) dst(%arg16 : memref<80x128xf32, #tpu.memory_space<vmem>>)
    %dma_wait3A_213 = arith.constant 0 : i32
    %dma_wait3A_214 = arith.constant 0 : i32
    %dma_wait3A_215 = tpu.memref_slice %arg3[%dma_wait3A_213, %dma_wait3A_214] : memref<320000x128xf32, #tpu.memory_space<hbm>> -> memref<80x128xf32, #tpu.memory_space<hbm>>
    %dma_wait3A_216 = arith.constant 0 : i32
    %dma_wait3A_217 = arith.constant 0 : i32
    %dma_wait3A_218 = tpu.memref_slice %arg3[%dma_wait3A_216, %dma_wait3A_217] : memref<320000x128xf32, #tpu.memory_space<hbm>> -> memref<80x128xf32, #tpu.memory_space<hbm>>
    tpu.wait_dma2 semaphore(%arg31 : memref<!tpu.dma_semaphore, #tpu.memory_space<semaphore_mem>>) src(%dma_wait3A_218 : memref<80x128xf32, #tpu.memory_space<hbm>>) dst(%arg18 : memref<80x128xf32, #tpu.memory_space<vmem>>)
    %dma_wait3A_219 = arith.constant 0 : i32
    %dma_wait3A_220 = tpu.memref_slice %arg4[%dma_wait3A_219] : memref<320000xi32, #tpu.memory_space<hbm>> -> memref<80xi32, #tpu.memory_space<hbm>>
    %dma_wait3A_221 = arith.constant 0 : i32
    %dma_wait3A_222 = tpu.memref_slice %arg4[%dma_wait3A_221] : memref<320000xi32, #tpu.memory_space<hbm>> -> memref<80xi32, #tpu.memory_space<hbm>>
    tpu.wait_dma2 semaphore(%arg23 : memref<!tpu.dma_semaphore, #tpu.memory_space<semaphore_mem>>) src(%dma_wait3A_222 : memref<80xi32, #tpu.memory_space<hbm>>) dst(%arg10 : memref<80xi32, #tpu.memory_space<vmem>>)
    %dma_wait3A_223 = arith.constant 0 : i32
    %dma_wait3A_224 = tpu.memref_slice %arg4[%dma_wait3A_223] : memref<320000xi32, #tpu.memory_space<hbm>> -> memref<80xi32, #tpu.memory_space<hbm>>
    %dma_wait3A_225 = arith.constant 0 : i32
    %dma_wait3A_226 = tpu.memref_slice %arg4[%dma_wait3A_225] : memref<320000xi32, #tpu.memory_space<hbm>> -> memref<80xi32, #tpu.memory_space<hbm>>
    tpu.wait_dma2 semaphore(%arg23 : memref<!tpu.dma_semaphore, #tpu.memory_space<semaphore_mem>>) src(%dma_wait3A_226 : memref<80xi32, #tpu.memory_space<hbm>>) dst(%arg10 : memref<80xi32, #tpu.memory_space<vmem>>)
    %dma_start3A_227 = arith.constant 0 : i32
    %dma_start3A_228 = arith.constant 0 : i32
    %dma_start3A_229 = tpu.memref_slice %arg2[%dma_start3A_227, %dma_start3A_228] : memref<10000x128xf32, #tpu.memory_space<hbm>> -> memref<10000x128xf32, #tpu.memory_space<hbm>>
    tpu.enqueue_indirect_dma source(%dma_start3A_229 : memref<10000x128xf32, #tpu.memory_space<hbm>>) target(%arg16 : memref<80x128xf32, #tpu.memory_space<vmem>>) offsets(%arg14 : memref<80xi32, #tpu.memory_space<vmem>>) semaphore(%arg25 : memref<!tpu.dma_semaphore, #tpu.memory_space<semaphore_mem>>)
    %mul3A_230 = arith.constant 10000 : i32
    %mul3A_231 = arith.muli %add3A, %mul3A_230 : i32
    %add3A_232 = arith.constant 9840 : i32
    %add3A_233 = arith.addi %mul3A_231, %add3A_232 : i32
    %dma_start3A_234 = arith.constant 0 : i32
    %dma_start3A_235 = tpu.memref_slice %arg3[%add3A_233, %dma_start3A_234] : memref<320000x128xf32, #tpu.memory_space<hbm>> -> memref<80x128xf32, #tpu.memory_space<hbm>>
    %dma_start3A_236 = arith.constant 0 : i32
    %dma_start3A_237 = tpu.memref_slice %arg3[%add3A_233, %dma_start3A_236] : memref<320000x128xf32, #tpu.memory_space<hbm>> -> memref<80x128xf32, #tpu.memory_space<hbm>>
    tpu.enqueue_dma source(%dma_start3A_237 : memref<80x128xf32, #tpu.memory_space<hbm>>) target(%arg18 : memref<80x128xf32, #tpu.memory_space<vmem>>) target_semaphore(%arg27 : memref<!tpu.dma_semaphore, #tpu.memory_space<semaphore_mem>>)
    %dma_wait3A_238 = arith.constant 0 : i32
    %dma_wait3A_239 = arith.constant 0 : i32
    %dma_wait3A_240 = tpu.memref_slice %arg3[%dma_wait3A_238, %dma_wait3A_239] : memref<320000x128xf32, #tpu.memory_space<hbm>> -> memref<80x128xf32, #tpu.memory_space<hbm>>
    %dma_wait3A_241 = arith.constant 0 : i32
    %dma_wait3A_242 = arith.constant 0 : i32
    %dma_wait3A_243 = tpu.memref_slice %arg3[%dma_wait3A_241, %dma_wait3A_242] : memref<320000x128xf32, #tpu.memory_space<hbm>> -> memref<80x128xf32, #tpu.memory_space<hbm>>
    tpu.wait_dma2 semaphore(%arg24 : memref<!tpu.dma_semaphore, #tpu.memory_space<semaphore_mem>>) src(%dma_wait3A_243 : memref<80x128xf32, #tpu.memory_space<hbm>>) dst(%arg15 : memref<80x128xf32, #tpu.memory_space<vmem>>)
    %dma_wait3A_244 = arith.constant 0 : i32
    %dma_wait3A_245 = arith.constant 0 : i32
    %dma_wait3A_246 = tpu.memref_slice %arg3[%dma_wait3A_244, %dma_wait3A_245] : memref<320000x128xf32, #tpu.memory_space<hbm>> -> memref<80x128xf32, #tpu.memory_space<hbm>>
    %dma_wait3A_247 = arith.constant 0 : i32
    %dma_wait3A_248 = arith.constant 0 : i32
    %dma_wait3A_249 = tpu.memref_slice %arg3[%dma_wait3A_247, %dma_wait3A_248] : memref<320000x128xf32, #tpu.memory_space<hbm>> -> memref<80x128xf32, #tpu.memory_space<hbm>>
    tpu.wait_dma2 semaphore(%arg26 : memref<!tpu.dma_semaphore, #tpu.memory_space<semaphore_mem>>) src(%dma_wait3A_249 : memref<80x128xf32, #tpu.memory_space<hbm>>) dst(%arg17 : memref<80x128xf32, #tpu.memory_space<vmem>>)
    %dma_start3A_250 = arith.constant 0 : i32
    %dma_start3A_251 = arith.constant 0 : i32
    %dma_start3A_252 = tpu.memref_slice %arg19[%dma_start3A_250, %dma_start3A_251] : memref<10240x128xf32, #tpu.memory_space<vmem_shared>> -> memref<10240x128xf32, #tpu.memory_space<vmem_shared>>
    tpu.enqueue_indirect_dma source(%arg15 : memref<80x128xf32, #tpu.memory_space<vmem>>) target(%dma_start3A_252 : memref<10240x128xf32, #tpu.memory_space<vmem_shared>>) offsets(%arg9 : memref<80xi32, #tpu.memory_space<vmem>>) semaphore(%arg28 : memref<!tpu.dma_semaphore, #tpu.memory_space<semaphore_mem>>) {add = true}
    %dma_start3A_253 = arith.constant 0 : i32
    %dma_start3A_254 = arith.constant 0 : i32
    %dma_start3A_255 = tpu.memref_slice %arg19[%dma_start3A_253, %dma_start3A_254] : memref<10240x128xf32, #tpu.memory_space<vmem_shared>> -> memref<10240x128xf32, #tpu.memory_space<vmem_shared>>
    tpu.enqueue_indirect_dma source(%arg17 : memref<80x128xf32, #tpu.memory_space<vmem>>) target(%dma_start3A_255 : memref<10240x128xf32, #tpu.memory_space<vmem_shared>>) offsets(%arg9 : memref<80xi32, #tpu.memory_space<vmem>>) semaphore(%arg30 : memref<!tpu.dma_semaphore, #tpu.memory_space<semaphore_mem>>) {add = true}
    %dma_wait3A_256 = arith.constant 0 : i32
    %dma_wait3A_257 = arith.constant 0 : i32
    %dma_wait3A_258 = tpu.memref_slice %arg3[%dma_wait3A_256, %dma_wait3A_257] : memref<320000x128xf32, #tpu.memory_space<hbm>> -> memref<80x128xf32, #tpu.memory_space<hbm>>
    %dma_wait3A_259 = arith.constant 0 : i32
    %dma_wait3A_260 = arith.constant 0 : i32
    %dma_wait3A_261 = tpu.memref_slice %arg3[%dma_wait3A_259, %dma_wait3A_260] : memref<320000x128xf32, #tpu.memory_space<hbm>> -> memref<80x128xf32, #tpu.memory_space<hbm>>
    tpu.wait_dma2 semaphore(%arg28 : memref<!tpu.dma_semaphore, #tpu.memory_space<semaphore_mem>>) src(%dma_wait3A_261 : memref<80x128xf32, #tpu.memory_space<hbm>>) dst(%arg15 : memref<80x128xf32, #tpu.memory_space<vmem>>)
    %dma_wait3A_262 = arith.constant 0 : i32
    %dma_wait3A_263 = arith.constant 0 : i32
    %dma_wait3A_264 = tpu.memref_slice %arg3[%dma_wait3A_262, %dma_wait3A_263] : memref<320000x128xf32, #tpu.memory_space<hbm>> -> memref<80x128xf32, #tpu.memory_space<hbm>>
    %dma_wait3A_265 = arith.constant 0 : i32
    %dma_wait3A_266 = arith.constant 0 : i32
    %dma_wait3A_267 = tpu.memref_slice %arg3[%dma_wait3A_265, %dma_wait3A_266] : memref<320000x128xf32, #tpu.memory_space<hbm>> -> memref<80x128xf32, #tpu.memory_space<hbm>>
    tpu.wait_dma2 semaphore(%arg30 : memref<!tpu.dma_semaphore, #tpu.memory_space<semaphore_mem>>) src(%dma_wait3A_267 : memref<80x128xf32, #tpu.memory_space<hbm>>) dst(%arg17 : memref<80x128xf32, #tpu.memory_space<vmem>>)
    %dma_wait3A_268 = arith.constant 0 : i32
    %dma_wait3A_269 = tpu.memref_slice %arg4[%dma_wait3A_268] : memref<320000xi32, #tpu.memory_space<hbm>> -> memref<80xi32, #tpu.memory_space<hbm>>
    %dma_wait3A_270 = arith.constant 0 : i32
    %dma_wait3A_271 = tpu.memref_slice %arg4[%dma_wait3A_270] : memref<320000xi32, #tpu.memory_space<hbm>> -> memref<80xi32, #tpu.memory_space<hbm>>
    tpu.wait_dma2 semaphore(%arg20 : memref<!tpu.dma_semaphore, #tpu.memory_space<semaphore_mem>>) src(%dma_wait3A_271 : memref<80xi32, #tpu.memory_space<hbm>>) dst(%arg7 : memref<80xi32, #tpu.memory_space<vmem>>)
    %dma_wait3A_272 = arith.constant 0 : i32
    %dma_wait3A_273 = tpu.memref_slice %arg4[%dma_wait3A_272] : memref<320000xi32, #tpu.memory_space<hbm>> -> memref<80xi32, #tpu.memory_space<hbm>>
    %dma_wait3A_274 = arith.constant 0 : i32
    %dma_wait3A_275 = tpu.memref_slice %arg4[%dma_wait3A_274] : memref<320000xi32, #tpu.memory_space<hbm>> -> memref<80xi32, #tpu.memory_space<hbm>>
    tpu.wait_dma2 semaphore(%arg20 : memref<!tpu.dma_semaphore, #tpu.memory_space<semaphore_mem>>) src(%dma_wait3A_275 : memref<80xi32, #tpu.memory_space<hbm>>) dst(%arg7 : memref<80xi32, #tpu.memory_space<vmem>>)
    %dma_start3A_276 = arith.constant 0 : i32
    %dma_start3A_277 = arith.constant 0 : i32
    %dma_start3A_278 = tpu.memref_slice %arg2[%dma_start3A_276, %dma_start3A_277] : memref<10000x128xf32, #tpu.memory_space<hbm>> -> memref<10000x128xf32, #tpu.memory_space<hbm>>
    tpu.enqueue_indirect_dma source(%dma_start3A_278 : memref<10000x128xf32, #tpu.memory_space<hbm>>) target(%arg15 : memref<80x128xf32, #tpu.memory_space<vmem>>) offsets(%arg11 : memref<80xi32, #tpu.memory_space<vmem>>) semaphore(%arg24 : memref<!tpu.dma_semaphore, #tpu.memory_space<semaphore_mem>>)
    %mul3A_279 = arith.constant 10000 : i32
    %mul3A_280 = arith.muli %add3A, %mul3A_279 : i32
    %add3A_281 = arith.constant 9920 : i32
    %add3A_282 = arith.addi %mul3A_280, %add3A_281 : i32
    %dma_start3A_283 = arith.constant 0 : i32
    %dma_start3A_284 = tpu.memref_slice %arg3[%add3A_282, %dma_start3A_283] : memref<320000x128xf32, #tpu.memory_space<hbm>> -> memref<80x128xf32, #tpu.memory_space<hbm>>
    %dma_start3A_285 = arith.constant 0 : i32
    %dma_start3A_286 = tpu.memref_slice %arg3[%add3A_282, %dma_start3A_285] : memref<320000x128xf32, #tpu.memory_space<hbm>> -> memref<80x128xf32, #tpu.memory_space<hbm>>
    tpu.enqueue_dma source(%dma_start3A_286 : memref<80x128xf32, #tpu.memory_space<hbm>>) target(%arg17 : memref<80x128xf32, #tpu.memory_space<vmem>>) target_semaphore(%arg26 : memref<!tpu.dma_semaphore, #tpu.memory_space<semaphore_mem>>)
    %dma_wait3A_287 = arith.constant 0 : i32
    %dma_wait3A_288 = arith.constant 0 : i32
    %dma_wait3A_289 = tpu.memref_slice %arg3[%dma_wait3A_287, %dma_wait3A_288] : memref<320000x128xf32, #tpu.memory_space<hbm>> -> memref<80x128xf32, #tpu.memory_space<hbm>>
    %dma_wait3A_290 = arith.constant 0 : i32
    %dma_wait3A_291 = arith.constant 0 : i32
    %dma_wait3A_292 = tpu.memref_slice %arg3[%dma_wait3A_290, %dma_wait3A_291] : memref<320000x128xf32, #tpu.memory_space<hbm>> -> memref<80x128xf32, #tpu.memory_space<hbm>>
    tpu.wait_dma2 semaphore(%arg25 : memref<!tpu.dma_semaphore, #tpu.memory_space<semaphore_mem>>) src(%dma_wait3A_292 : memref<80x128xf32, #tpu.memory_space<hbm>>) dst(%arg16 : memref<80x128xf32, #tpu.memory_space<vmem>>)
    %dma_wait3A_293 = arith.constant 0 : i32
    %dma_wait3A_294 = arith.constant 0 : i32
    %dma_wait3A_295 = tpu.memref_slice %arg3[%dma_wait3A_293, %dma_wait3A_294] : memref<320000x128xf32, #tpu.memory_space<hbm>> -> memref<80x128xf32, #tpu.memory_space<hbm>>
    %dma_wait3A_296 = arith.constant 0 : i32
    %dma_wait3A_297 = arith.constant 0 : i32
    %dma_wait3A_298 = tpu.memref_slice %arg3[%dma_wait3A_296, %dma_wait3A_297] : memref<320000x128xf32, #tpu.memory_space<hbm>> -> memref<80x128xf32, #tpu.memory_space<hbm>>
    tpu.wait_dma2 semaphore(%arg27 : memref<!tpu.dma_semaphore, #tpu.memory_space<semaphore_mem>>) src(%dma_wait3A_298 : memref<80x128xf32, #tpu.memory_space<hbm>>) dst(%arg18 : memref<80x128xf32, #tpu.memory_space<vmem>>)
    %dma_start3A_299 = arith.constant 0 : i32
    %dma_start3A_300 = arith.constant 0 : i32
    %dma_start3A_301 = tpu.memref_slice %arg19[%dma_start3A_299, %dma_start3A_300] : memref<10240x128xf32, #tpu.memory_space<vmem_shared>> -> memref<10240x128xf32, #tpu.memory_space<vmem_shared>>
    tpu.enqueue_indirect_dma source(%arg16 : memref<80x128xf32, #tpu.memory_space<vmem>>) target(%dma_start3A_301 : memref<10240x128xf32, #tpu.memory_space<vmem_shared>>) offsets(%arg10 : memref<80xi32, #tpu.memory_space<vmem>>) semaphore(%arg29 : memref<!tpu.dma_semaphore, #tpu.memory_space<semaphore_mem>>) {add = true}
    %dma_start3A_302 = arith.constant 0 : i32
    %dma_start3A_303 = arith.constant 0 : i32
    %dma_start3A_304 = tpu.memref_slice %arg19[%dma_start3A_302, %dma_start3A_303] : memref<10240x128xf32, #tpu.memory_space<vmem_shared>> -> memref<10240x128xf32, #tpu.memory_space<vmem_shared>>
    tpu.enqueue_indirect_dma source(%arg18 : memref<80x128xf32, #tpu.memory_space<vmem>>) target(%dma_start3A_304 : memref<10240x128xf32, #tpu.memory_space<vmem_shared>>) offsets(%arg10 : memref<80xi32, #tpu.memory_space<vmem>>) semaphore(%arg31 : memref<!tpu.dma_semaphore, #tpu.memory_space<semaphore_mem>>) {add = true}
    %dma_wait3A_305 = arith.constant 0 : i32
    %dma_wait3A_306 = arith.constant 0 : i32
    %dma_wait3A_307 = tpu.memref_slice %arg3[%dma_wait3A_305, %dma_wait3A_306] : memref<320000x128xf32, #tpu.memory_space<hbm>> -> memref<80x128xf32, #tpu.memory_space<hbm>>
    %dma_wait3A_308 = arith.constant 0 : i32
    %dma_wait3A_309 = arith.constant 0 : i32
    %dma_wait3A_310 = tpu.memref_slice %arg3[%dma_wait3A_308, %dma_wait3A_309] : memref<320000x128xf32, #tpu.memory_space<hbm>> -> memref<80x128xf32, #tpu.memory_space<hbm>>
    tpu.wait_dma2 semaphore(%arg29 : memref<!tpu.dma_semaphore, #tpu.memory_space<semaphore_mem>>) src(%dma_wait3A_310 : memref<80x128xf32, #tpu.memory_space<hbm>>) dst(%arg16 : memref<80x128xf32, #tpu.memory_space<vmem>>)
    %dma_wait3A_311 = arith.constant 0 : i32
    %dma_wait3A_312 = arith.constant 0 : i32
    %dma_wait3A_313 = tpu.memref_slice %arg3[%dma_wait3A_311, %dma_wait3A_312] : memref<320000x128xf32, #tpu.memory_space<hbm>> -> memref<80x128xf32, #tpu.memory_space<hbm>>
    %dma_wait3A_314 = arith.constant 0 : i32
    %dma_wait3A_315 = arith.constant 0 : i32
    %dma_wait3A_316 = tpu.memref_slice %arg3[%dma_wait3A_314, %dma_wait3A_315] : memref<320000x128xf32, #tpu.memory_space<hbm>> -> memref<80x128xf32, #tpu.memory_space<hbm>>
    tpu.wait_dma2 semaphore(%arg31 : memref<!tpu.dma_semaphore, #tpu.memory_space<semaphore_mem>>) src(%dma_wait3A_316 : memref<80x128xf32, #tpu.memory_space<hbm>>) dst(%arg18 : memref<80x128xf32, #tpu.memory_space<vmem>>)
    %dma_wait3A_317 = arith.constant 0 : i32
    %dma_wait3A_318 = arith.constant 0 : i32
    %dma_wait3A_319 = tpu.memref_slice %arg3[%dma_wait3A_317, %dma_wait3A_318] : memref<320000x128xf32, #tpu.memory_space<hbm>> -> memref<80x128xf32, #tpu.memory_space<hbm>>
    %dma_wait3A_320 = arith.constant 0 : i32
    %dma_wait3A_321 = arith.constant 0 : i32
    %dma_wait3A_322 = tpu.memref_slice %arg3[%dma_wait3A_320, %dma_wait3A_321] : memref<320000x128xf32, #tpu.memory_space<hbm>> -> memref<80x128xf32, #tpu.memory_space<hbm>>
    tpu.wait_dma2 semaphore(%arg24 : memref<!tpu.dma_semaphore, #tpu.memory_space<semaphore_mem>>) src(%dma_wait3A_322 : memref<80x128xf32, #tpu.memory_space<hbm>>) dst(%arg15 : memref<80x128xf32, #tpu.memory_space<vmem>>)
    %dma_wait3A_323 = arith.constant 0 : i32
    %dma_wait3A_324 = arith.constant 0 : i32
    %dma_wait3A_325 = tpu.memref_slice %arg3[%dma_wait3A_323, %dma_wait3A_324] : memref<320000x128xf32, #tpu.memory_space<hbm>> -> memref<80x128xf32, #tpu.memory_space<hbm>>
    %dma_wait3A_326 = arith.constant 0 : i32
    %dma_wait3A_327 = arith.constant 0 : i32
    %dma_wait3A_328 = tpu.memref_slice %arg3[%dma_wait3A_326, %dma_wait3A_327] : memref<320000x128xf32, #tpu.memory_space<hbm>> -> memref<80x128xf32, #tpu.memory_space<hbm>>
    tpu.wait_dma2 semaphore(%arg26 : memref<!tpu.dma_semaphore, #tpu.memory_space<semaphore_mem>>) src(%dma_wait3A_328 : memref<80x128xf32, #tpu.memory_space<hbm>>) dst(%arg17 : memref<80x128xf32, #tpu.memory_space<vmem>>)
    %dma_start3A_329 = arith.constant 0 : i32
    %dma_start3A_330 = arith.constant 0 : i32
    %dma_start3A_331 = tpu.memref_slice %arg19[%dma_start3A_329, %dma_start3A_330] : memref<10240x128xf32, #tpu.memory_space<vmem_shared>> -> memref<10240x128xf32, #tpu.memory_space<vmem_shared>>
    tpu.enqueue_indirect_dma source(%arg15 : memref<80x128xf32, #tpu.memory_space<vmem>>) target(%dma_start3A_331 : memref<10240x128xf32, #tpu.memory_space<vmem_shared>>) offsets(%arg7 : memref<80xi32, #tpu.memory_space<vmem>>) semaphore(%arg28 : memref<!tpu.dma_semaphore, #tpu.memory_space<semaphore_mem>>) {add = true}
    %dma_start3A_332 = arith.constant 0 : i32
    %dma_start3A_333 = arith.constant 0 : i32
    %dma_start3A_334 = tpu.memref_slice %arg19[%dma_start3A_332, %dma_start3A_333] : memref<10240x128xf32, #tpu.memory_space<vmem_shared>> -> memref<10240x128xf32, #tpu.memory_space<vmem_shared>>
    tpu.enqueue_indirect_dma source(%arg17 : memref<80x128xf32, #tpu.memory_space<vmem>>) target(%dma_start3A_334 : memref<10240x128xf32, #tpu.memory_space<vmem_shared>>) offsets(%arg7 : memref<80xi32, #tpu.memory_space<vmem>>) semaphore(%arg30 : memref<!tpu.dma_semaphore, #tpu.memory_space<semaphore_mem>>) {add = true}
    %dma_wait3A_335 = arith.constant 0 : i32
    %dma_wait3A_336 = arith.constant 0 : i32
    %dma_wait3A_337 = tpu.memref_slice %arg3[%dma_wait3A_335, %dma_wait3A_336] : memref<320000x128xf32, #tpu.memory_space<hbm>> -> memref<80x128xf32, #tpu.memory_space<hbm>>
    %dma_wait3A_338 = arith.constant 0 : i32
    %dma_wait3A_339 = arith.constant 0 : i32
    %dma_wait3A_340 = tpu.memref_slice %arg3[%dma_wait3A_338, %dma_wait3A_339] : memref<320000x128xf32, #tpu.memory_space<hbm>> -> memref<80x128xf32, #tpu.memory_space<hbm>>
    tpu.wait_dma2 semaphore(%arg28 : memref<!tpu.dma_semaphore, #tpu.memory_space<semaphore_mem>>) src(%dma_wait3A_340 : memref<80x128xf32, #tpu.memory_space<hbm>>) dst(%arg15 : memref<80x128xf32, #tpu.memory_space<vmem>>)
    %dma_wait3A_341 = arith.constant 0 : i32
    %dma_wait3A_342 = arith.constant 0 : i32
    %dma_wait3A_343 = tpu.memref_slice %arg3[%dma_wait3A_341, %dma_wait3A_342] : memref<320000x128xf32, #tpu.memory_space<hbm>> -> memref<80x128xf32, #tpu.memory_space<hbm>>
    %dma_wait3A_344 = arith.constant 0 : i32
    %dma_wait3A_345 = arith.constant 0 : i32
    %dma_wait3A_346 = tpu.memref_slice %arg3[%dma_wait3A_344, %dma_wait3A_345] : memref<320000x128xf32, #tpu.memory_space<hbm>> -> memref<80x128xf32, #tpu.memory_space<hbm>>
    tpu.wait_dma2 semaphore(%arg30 : memref<!tpu.dma_semaphore, #tpu.memory_space<semaphore_mem>>) src(%dma_wait3A_346 : memref<80x128xf32, #tpu.memory_space<hbm>>) dst(%arg17 : memref<80x128xf32, #tpu.memory_space<vmem>>)
    %barrier3A_347 = arith.constant 0 : index
    tpu.barrier barrier_id(%barrier3A_347)
    %mul3A_348 = arith.constant 640 : i32
    %mul3A_349 = arith.muli %arg1, %mul3A_348 : i32
    %add3A_350 = arith.constant 0 : i32
    %add3A_351 = arith.addi %mul3A_349, %add3A_350 : i32
    %mul3A_352 = arith.constant 10240 : i32
    %mul3A_353 = arith.muli %arg0, %mul3A_352 : i32
    %add3A_354 = arith.addi %mul3A_353, %add3A_351 : i32
    "tpu.region"() ({
      %run_scoped3A = tpu.sem_alloc : memref<!tpu.dma_semaphore, #tpu.memory_space<semaphore_mem>>
      %dma_start3A_404 = arith.constant 0 : i32
      %dma_start3A_405 = tpu.memref_slice %arg6[%add3A_354, %dma_start3A_404] : memref<20480x128xf32, #tpu.memory_space<hbm>> -> memref<80x128xf32, #tpu.memory_space<hbm>>
      %dma_start3A_406 = arith.constant 0 : i32
      %dma_start3A_407 = tpu.memref_slice %arg19[%add3A_351, %dma_start3A_406] : memref<10240x128xf32, #tpu.memory_space<vmem_shared>> -> memref<80x128xf32, #tpu.memory_space<vmem_shared>>
      tpu.enqueue_dma source(%dma_start3A_407 : memref<80x128xf32, #tpu.memory_space<vmem_shared>>) target(%dma_start3A_405 : memref<80x128xf32, #tpu.memory_space<hbm>>) target_semaphore(%run_scoped3A : memref<!tpu.dma_semaphore, #tpu.memory_space<semaphore_mem>>)
      %dma_wait3A_408 = arith.constant 0 : i32
      %dma_wait3A_409 = tpu.memref_slice %arg6[%add3A_354, %dma_wait3A_408] : memref<20480x128xf32, #tpu.memory_space<hbm>> -> memref<80x128xf32, #tpu.memory_space<hbm>>
      %dma_wait3A_410 = arith.constant 0 : i32
      %dma_wait3A_411 = tpu.memref_slice %arg19[%add3A_351, %dma_wait3A_410] : memref<10240x128xf32, #tpu.memory_space<vmem_shared>> -> memref<80x128xf32, #tpu.memory_space<vmem_shared>>
      tpu.wait_dma2 semaphore(%run_scoped3A : memref<!tpu.dma_semaphore, #tpu.memory_space<semaphore_mem>>) src(%dma_wait3A_411 : memref<80x128xf32, #tpu.memory_space<vmem_shared>>) dst(%dma_wait3A_409 : memref<80x128xf32, #tpu.memory_space<hbm>>)
      tpu.yield
    }) : () -> ()
    %mul3A_355 = arith.constant 640 : i32
    %mul3A_356 = arith.muli %arg1, %mul3A_355 : i32
    %add3A_357 = arith.constant 80 : i32
    %add3A_358 = arith.addi %mul3A_356, %add3A_357 : i32
    %mul3A_359 = arith.constant 10240 : i32
    %mul3A_360 = arith.muli %arg0, %mul3A_359 : i32
    %add3A_361 = arith.addi %mul3A_360, %add3A_358 : i32
    "tpu.region"() ({
      %run_scoped3A = tpu.sem_alloc : memref<!tpu.dma_semaphore, #tpu.memory_space<semaphore_mem>>
      %dma_start3A_404 = arith.constant 0 : i32
      %dma_start3A_405 = tpu.memref_slice %arg6[%add3A_361, %dma_start3A_404] : memref<20480x128xf32, #tpu.memory_space<hbm>> -> memref<80x128xf32, #tpu.memory_space<hbm>>
      %dma_start3A_406 = arith.constant 0 : i32
      %dma_start3A_407 = tpu.memref_slice %arg19[%add3A_358, %dma_start3A_406] : memref<10240x128xf32, #tpu.memory_space<vmem_shared>> -> memref<80x128xf32, #tpu.memory_space<vmem_shared>>
      tpu.enqueue_dma source(%dma_start3A_407 : memref<80x128xf32, #tpu.memory_space<vmem_shared>>) target(%dma_start3A_405 : memref<80x128xf32, #tpu.memory_space<hbm>>) target_semaphore(%run_scoped3A : memref<!tpu.dma_semaphore, #tpu.memory_space<semaphore_mem>>)
      %dma_wait3A_408 = arith.constant 0 : i32
      %dma_wait3A_409 = tpu.memref_slice %arg6[%add3A_361, %dma_wait3A_408] : memref<20480x128xf32, #tpu.memory_space<hbm>> -> memref<80x128xf32, #tpu.memory_space<hbm>>
      %dma_wait3A_410 = arith.constant 0 : i32
      %dma_wait3A_411 = tpu.memref_slice %arg19[%add3A_358, %dma_wait3A_410] : memref<10240x128xf32, #tpu.memory_space<vmem_shared>> -> memref<80x128xf32, #tpu.memory_space<vmem_shared>>
      tpu.wait_dma2 semaphore(%run_scoped3A : memref<!tpu.dma_semaphore, #tpu.memory_space<semaphore_mem>>) src(%dma_wait3A_411 : memref<80x128xf32, #tpu.memory_space<vmem_shared>>) dst(%dma_wait3A_409 : memref<80x128xf32, #tpu.memory_space<hbm>>)
      tpu.yield
    }) : () -> ()
    %mul3A_362 = arith.constant 640 : i32
    %mul3A_363 = arith.muli %arg1, %mul3A_362 : i32
    %add3A_364 = arith.constant 160 : i32
    %add3A_365 = arith.addi %mul3A_363, %add3A_364 : i32
    %mul3A_366 = arith.constant 10240 : i32
    %mul3A_367 = arith.muli %arg0, %mul3A_366 : i32
    %add3A_368 = arith.addi %mul3A_367, %add3A_365 : i32
    "tpu.region"() ({
      %run_scoped3A = tpu.sem_alloc : memref<!tpu.dma_semaphore, #tpu.memory_space<semaphore_mem>>
      %dma_start3A_404 = arith.constant 0 : i32
      %dma_start3A_405 = tpu.memref_slice %arg6[%add3A_368, %dma_start3A_404] : memref<20480x128xf32, #tpu.memory_space<hbm>> -> memref<80x128xf32, #tpu.memory_space<hbm>>
      %dma_start3A_406 = arith.constant 0 : i32
      %dma_start3A_407 = tpu.memref_slice %arg19[%add3A_365, %dma_start3A_406] : memref<10240x128xf32, #tpu.memory_space<vmem_shared>> -> memref<80x128xf32, #tpu.memory_space<vmem_shared>>
      tpu.enqueue_dma source(%dma_start3A_407 : memref<80x128xf32, #tpu.memory_space<vmem_shared>>) target(%dma_start3A_405 : memref<80x128xf32, #tpu.memory_space<hbm>>) target_semaphore(%run_scoped3A : memref<!tpu.dma_semaphore, #tpu.memory_space<semaphore_mem>>)
      %dma_wait3A_408 = arith.constant 0 : i32
      %dma_wait3A_409 = tpu.memref_slice %arg6[%add3A_368, %dma_wait3A_408] : memref<20480x128xf32, #tpu.memory_space<hbm>> -> memref<80x128xf32, #tpu.memory_space<hbm>>
      %dma_wait3A_410 = arith.constant 0 : i32
      %dma_wait3A_411 = tpu.memref_slice %arg19[%add3A_365, %dma_wait3A_410] : memref<10240x128xf32, #tpu.memory_space<vmem_shared>> -> memref<80x128xf32, #tpu.memory_space<vmem_shared>>
      tpu.wait_dma2 semaphore(%run_scoped3A : memref<!tpu.dma_semaphore, #tpu.memory_space<semaphore_mem>>) src(%dma_wait3A_411 : memref<80x128xf32, #tpu.memory_space<vmem_shared>>) dst(%dma_wait3A_409 : memref<80x128xf32, #tpu.memory_space<hbm>>)
      tpu.yield
    }) : () -> ()
    %mul3A_369 = arith.constant 640 : i32
    %mul3A_370 = arith.muli %arg1, %mul3A_369 : i32
    %add3A_371 = arith.constant 240 : i32
    %add3A_372 = arith.addi %mul3A_370, %add3A_371 : i32
    %mul3A_373 = arith.constant 10240 : i32
    %mul3A_374 = arith.muli %arg0, %mul3A_373 : i32
    %add3A_375 = arith.addi %mul3A_374, %add3A_372 : i32
    "tpu.region"() ({
      %run_scoped3A = tpu.sem_alloc : memref<!tpu.dma_semaphore, #tpu.memory_space<semaphore_mem>>
      %dma_start3A_404 = arith.constant 0 : i32
      %dma_start3A_405 = tpu.memref_slice %arg6[%add3A_375, %dma_start3A_404] : memref<20480x128xf32, #tpu.memory_space<hbm>> -> memref<80x128xf32, #tpu.memory_space<hbm>>
      %dma_start3A_406 = arith.constant 0 : i32
      %dma_start3A_407 = tpu.memref_slice %arg19[%add3A_372, %dma_start3A_406] : memref<10240x128xf32, #tpu.memory_space<vmem_shared>> -> memref<80x128xf32, #tpu.memory_space<vmem_shared>>
      tpu.enqueue_dma source(%dma_start3A_407 : memref<80x128xf32, #tpu.memory_space<vmem_shared>>) target(%dma_start3A_405 : memref<80x128xf32, #tpu.memory_space<hbm>>) target_semaphore(%run_scoped3A : memref<!tpu.dma_semaphore, #tpu.memory_space<semaphore_mem>>)
      %dma_wait3A_408 = arith.constant 0 : i32
      %dma_wait3A_409 = tpu.memref_slice %arg6[%add3A_375, %dma_wait3A_408] : memref<20480x128xf32, #tpu.memory_space<hbm>> -> memref<80x128xf32, #tpu.memory_space<hbm>>
      %dma_wait3A_410 = arith.constant 0 : i32
      %dma_wait3A_411 = tpu.memref_slice %arg19[%add3A_372, %dma_wait3A_410] : memref<10240x128xf32, #tpu.memory_space<vmem_shared>> -> memref<80x128xf32, #tpu.memory_space<vmem_shared>>
      tpu.wait_dma2 semaphore(%run_scoped3A : memref<!tpu.dma_semaphore, #tpu.memory_space<semaphore_mem>>) src(%dma_wait3A_411 : memref<80x128xf32, #tpu.memory_space<vmem_shared>>) dst(%dma_wait3A_409 : memref<80x128xf32, #tpu.memory_space<hbm>>)
      tpu.yield
    }) : () -> ()
    %mul3A_376 = arith.constant 640 : i32
    %mul3A_377 = arith.muli %arg1, %mul3A_376 : i32
    %add3A_378 = arith.constant 320 : i32
    %add3A_379 = arith.addi %mul3A_377, %add3A_378 : i32
    %mul3A_380 = arith.constant 10240 : i32
    %mul3A_381 = arith.muli %arg0, %mul3A_380 : i32
    %add3A_382 = arith.addi %mul3A_381, %add3A_379 : i32
    "tpu.region"() ({
      %run_scoped3A = tpu.sem_alloc : memref<!tpu.dma_semaphore, #tpu.memory_space<semaphore_mem>>
      %dma_start3A_404 = arith.constant 0 : i32
      %dma_start3A_405 = tpu.memref_slice %arg6[%add3A_382, %dma_start3A_404] : memref<20480x128xf32, #tpu.memory_space<hbm>> -> memref<80x128xf32, #tpu.memory_space<hbm>>
      %dma_start3A_406 = arith.constant 0 : i32
      %dma_start3A_407 = tpu.memref_slice %arg19[%add3A_379, %dma_start3A_406] : memref<10240x128xf32, #tpu.memory_space<vmem_shared>> -> memref<80x128xf32, #tpu.memory_space<vmem_shared>>
      tpu.enqueue_dma source(%dma_start3A_407 : memref<80x128xf32, #tpu.memory_space<vmem_shared>>) target(%dma_start3A_405 : memref<80x128xf32, #tpu.memory_space<hbm>>) target_semaphore(%run_scoped3A : memref<!tpu.dma_semaphore, #tpu.memory_space<semaphore_mem>>)
      %dma_wait3A_408 = arith.constant 0 : i32
      %dma_wait3A_409 = tpu.memref_slice %arg6[%add3A_382, %dma_wait3A_408] : memref<20480x128xf32, #tpu.memory_space<hbm>> -> memref<80x128xf32, #tpu.memory_space<hbm>>
      %dma_wait3A_410 = arith.constant 0 : i32
      %dma_wait3A_411 = tpu.memref_slice %arg19[%add3A_379, %dma_wait3A_410] : memref<10240x128xf32, #tpu.memory_space<vmem_shared>> -> memref<80x128xf32, #tpu.memory_space<vmem_shared>>
      tpu.wait_dma2 semaphore(%run_scoped3A : memref<!tpu.dma_semaphore, #tpu.memory_space<semaphore_mem>>) src(%dma_wait3A_411 : memref<80x128xf32, #tpu.memory_space<vmem_shared>>) dst(%dma_wait3A_409 : memref<80x128xf32, #tpu.memory_space<hbm>>)
      tpu.yield
    }) : () -> ()
    %mul3A_383 = arith.constant 640 : i32
    %mul3A_384 = arith.muli %arg1, %mul3A_383 : i32
    %add3A_385 = arith.constant 400 : i32
    %add3A_386 = arith.addi %mul3A_384, %add3A_385 : i32
    %mul3A_387 = arith.constant 10240 : i32
    %mul3A_388 = arith.muli %arg0, %mul3A_387 : i32
    %add3A_389 = arith.addi %mul3A_388, %add3A_386 : i32
    "tpu.region"() ({
      %run_scoped3A = tpu.sem_alloc : memref<!tpu.dma_semaphore, #tpu.memory_space<semaphore_mem>>
      %dma_start3A_404 = arith.constant 0 : i32
      %dma_start3A_405 = tpu.memref_slice %arg6[%add3A_389, %dma_start3A_404] : memref<20480x128xf32, #tpu.memory_space<hbm>> -> memref<80x128xf32, #tpu.memory_space<hbm>>
      %dma_start3A_406 = arith.constant 0 : i32
      %dma_start3A_407 = tpu.memref_slice %arg19[%add3A_386, %dma_start3A_406] : memref<10240x128xf32, #tpu.memory_space<vmem_shared>> -> memref<80x128xf32, #tpu.memory_space<vmem_shared>>
      tpu.enqueue_dma source(%dma_start3A_407 : memref<80x128xf32, #tpu.memory_space<vmem_shared>>) target(%dma_start3A_405 : memref<80x128xf32, #tpu.memory_space<hbm>>) target_semaphore(%run_scoped3A : memref<!tpu.dma_semaphore, #tpu.memory_space<semaphore_mem>>)
      %dma_wait3A_408 = arith.constant 0 : i32
      %dma_wait3A_409 = tpu.memref_slice %arg6[%add3A_389, %dma_wait3A_408] : memref<20480x128xf32, #tpu.memory_space<hbm>> -> memref<80x128xf32, #tpu.memory_space<hbm>>
      %dma_wait3A_410 = arith.constant 0 : i32
      %dma_wait3A_411 = tpu.memref_slice %arg19[%add3A_386, %dma_wait3A_410] : memref<10240x128xf32, #tpu.memory_space<vmem_shared>> -> memref<80x128xf32, #tpu.memory_space<vmem_shared>>
      tpu.wait_dma2 semaphore(%run_scoped3A : memref<!tpu.dma_semaphore, #tpu.memory_space<semaphore_mem>>) src(%dma_wait3A_411 : memref<80x128xf32, #tpu.memory_space<vmem_shared>>) dst(%dma_wait3A_409 : memref<80x128xf32, #tpu.memory_space<hbm>>)
      tpu.yield
    }) : () -> ()
    %mul3A_390 = arith.constant 640 : i32
    %mul3A_391 = arith.muli %arg1, %mul3A_390 : i32
    %add3A_392 = arith.constant 480 : i32
    %add3A_393 = arith.addi %mul3A_391, %add3A_392 : i32
    %mul3A_394 = arith.constant 10240 : i32
    %mul3A_395 = arith.muli %arg0, %mul3A_394 : i32
    %add3A_396 = arith.addi %mul3A_395, %add3A_393 : i32
    "tpu.region"() ({
      %run_scoped3A = tpu.sem_alloc : memref<!tpu.dma_semaphore, #tpu.memory_space<semaphore_mem>>
      %dma_start3A_404 = arith.constant 0 : i32
      %dma_start3A_405 = tpu.memref_slice %arg6[%add3A_396, %dma_start3A_404] : memref<20480x128xf32, #tpu.memory_space<hbm>> -> memref<80x128xf32, #tpu.memory_space<hbm>>
      %dma_start3A_406 = arith.constant 0 : i32
      %dma_start3A_407 = tpu.memref_slice %arg19[%add3A_393, %dma_start3A_406] : memref<10240x128xf32, #tpu.memory_space<vmem_shared>> -> memref<80x128xf32, #tpu.memory_space<vmem_shared>>
      tpu.enqueue_dma source(%dma_start3A_407 : memref<80x128xf32, #tpu.memory_space<vmem_shared>>) target(%dma_start3A_405 : memref<80x128xf32, #tpu.memory_space<hbm>>) target_semaphore(%run_scoped3A : memref<!tpu.dma_semaphore, #tpu.memory_space<semaphore_mem>>)
      %dma_wait3A_408 = arith.constant 0 : i32
      %dma_wait3A_409 = tpu.memref_slice %arg6[%add3A_396, %dma_wait3A_408] : memref<20480x128xf32, #tpu.memory_space<hbm>> -> memref<80x128xf32, #tpu.memory_space<hbm>>
      %dma_wait3A_410 = arith.constant 0 : i32
      %dma_wait3A_411 = tpu.memref_slice %arg19[%add3A_393, %dma_wait3A_410] : memref<10240x128xf32, #tpu.memory_space<vmem_shared>> -> memref<80x128xf32, #tpu.memory_space<vmem_shared>>
      tpu.wait_dma2 semaphore(%run_scoped3A : memref<!tpu.dma_semaphore, #tpu.memory_space<semaphore_mem>>) src(%dma_wait3A_411 : memref<80x128xf32, #tpu.memory_space<vmem_shared>>) dst(%dma_wait3A_409 : memref<80x128xf32, #tpu.memory_space<hbm>>)
      tpu.yield
    }) : () -> ()
    %mul3A_397 = arith.constant 640 : i32
    %mul3A_398 = arith.muli %arg1, %mul3A_397 : i32
    %add3A_399 = arith.constant 560 : i32
    %add3A_400 = arith.addi %mul3A_398, %add3A_399 : i32
    %mul3A_401 = arith.constant 10240 : i32
    %mul3A_402 = arith.muli %arg0, %mul3A_401 : i32
    %add3A_403 = arith.addi %mul3A_402, %add3A_400 : i32
    "tpu.region"() ({
      %run_scoped3A = tpu.sem_alloc : memref<!tpu.dma_semaphore, #tpu.memory_space<semaphore_mem>>
      %dma_start3A_404 = arith.constant 0 : i32
      %dma_start3A_405 = tpu.memref_slice %arg6[%add3A_403, %dma_start3A_404] : memref<20480x128xf32, #tpu.memory_space<hbm>> -> memref<80x128xf32, #tpu.memory_space<hbm>>
      %dma_start3A_406 = arith.constant 0 : i32
      %dma_start3A_407 = tpu.memref_slice %arg19[%add3A_400, %dma_start3A_406] : memref<10240x128xf32, #tpu.memory_space<vmem_shared>> -> memref<80x128xf32, #tpu.memory_space<vmem_shared>>
      tpu.enqueue_dma source(%dma_start3A_407 : memref<80x128xf32, #tpu.memory_space<vmem_shared>>) target(%dma_start3A_405 : memref<80x128xf32, #tpu.memory_space<hbm>>) target_semaphore(%run_scoped3A : memref<!tpu.dma_semaphore, #tpu.memory_space<semaphore_mem>>)
      %dma_wait3A_408 = arith.constant 0 : i32
      %dma_wait3A_409 = tpu.memref_slice %arg6[%add3A_403, %dma_wait3A_408] : memref<20480x128xf32, #tpu.memory_space<hbm>> -> memref<80x128xf32, #tpu.memory_space<hbm>>
      %dma_wait3A_410 = arith.constant 0 : i32
      %dma_wait3A_411 = tpu.memref_slice %arg19[%add3A_400, %dma_wait3A_410] : memref<10240x128xf32, #tpu.memory_space<vmem_shared>> -> memref<80x128xf32, #tpu.memory_space<vmem_shared>>
      tpu.wait_dma2 semaphore(%run_scoped3A : memref<!tpu.dma_semaphore, #tpu.memory_space<semaphore_mem>>) src(%dma_wait3A_411 : memref<80x128xf32, #tpu.memory_space<vmem_shared>>) dst(%dma_wait3A_409 : memref<80x128xf32, #tpu.memory_space<hbm>>)
      tpu.yield
    }) : () -> ()
    return
  }
}

module attributes {stable_mosaic.version = 14 : i64} {
  func.func @body(%arg0: i32, %arg1: memref<2000x4xf32, #tpu.memory_space<vmem>>, %arg2: memref<4x128xf32, #tpu.memory_space<vmem>>, %arg3: memref<1x128xf32, #tpu.memory_space<vmem>>, %arg4: memref<128x128xf32, #tpu.memory_space<vmem>>, %arg5: memref<1x128xf32, #tpu.memory_space<vmem>>, %arg6: memref<2000x128xf32, #tpu.memory_space<vmem>>) attributes {dimension_semantics = [#tpu.dimension_semantics<arbitrary>], iteration_bounds = array<i64: 160>, scalar_prefetch = 0 : i64, scratch_operands = 0 : i64, tpu.core_type = #tpu.core_type<tc>, window_params = [{transform_indices = @transform_0, window_bounds = array<i64: 2000, 4>}, {pipeline_mode = #tpu.pipeline_mode<synchronous>, transform_indices = @transform_1, window_bounds = array<i64: 4, 128>}, {pipeline_mode = #tpu.pipeline_mode<synchronous>, transform_indices = @transform_2, window_bounds = array<i64: 1, 128>}, {pipeline_mode = #tpu.pipeline_mode<synchronous>, transform_indices = @transform_3, window_bounds = array<i64: 128, 128>}, {pipeline_mode = #tpu.pipeline_mode<synchronous>, transform_indices = @transform_4, window_bounds = array<i64: 1, 128>}, {transform_indices = @transform_5, window_bounds = array<i64: 2000, 128>}]} {
    %get3A = arith.constant 0 : index
    %get3A_0 = arith.constant 0 : index
    %get3A_1 = vector.load %arg1[%get3A, %get3A_0] : memref<2000x4xf32, #tpu.memory_space<vmem>>, vector<2000x4xf32>
    %get3A_2 = arith.constant 0 : index
    %get3A_3 = arith.constant 0 : index
    %get3A_4 = vector.load %arg2[%get3A_2, %get3A_3] : memref<4x128xf32, #tpu.memory_space<vmem>>, vector<4x128xf32>
    %dot_general3A = arith.constant dense<0.000000e+00> : vector<2000x128xf32>
    %dot_general3A_5 = tpu.matmul %get3A_1, %get3A_4, %dot_general3A {dimension_numbers = #tpu.dot_dimension_numbers<[1], [0], [0], [1], [0, 0, 1, 1], [], []>, transpose_lhs_hint = false} : vector<2000x4xf32>, vector<4x128xf32>, vector<2000x128xf32> -> vector<2000x128xf32>
    %get3A_6 = arith.constant 0 : index
    %get3A_7 = arith.constant 0 : index
    %get3A_8 = vector.load %arg3[%get3A_6, %get3A_7] : memref<1x128xf32, #tpu.memory_space<vmem>>, vector<1x128xf32>
    %add3A = vector.broadcast %get3A_8 : vector<1x128xf32> to vector<2000x128xf32>
    %add3A_9 = arith.addf %dot_general3A_5, %add3A : vector<2000x128xf32>
    %max3A = arith.constant 0.000000e+00 : f32
    %max3A_10 = vector.broadcast %max3A : f32 to vector<2000x128xf32>
    %max3A_11 = arith.maximumf %add3A_9, %max3A_10 : vector<2000x128xf32>
    %get3A_12 = arith.constant 0 : index
    %get3A_13 = arith.constant 0 : index
    %get3A_14 = vector.load %arg4[%get3A_12, %get3A_13] : memref<128x128xf32, #tpu.memory_space<vmem>>, vector<128x128xf32>
    %dot_general3A_15 = arith.constant dense<0.000000e+00> : vector<2000x128xf32>
    %dot_general3A_16 = tpu.matmul %max3A_11, %get3A_14, %dot_general3A_15 {dimension_numbers = #tpu.dot_dimension_numbers<[1], [0], [0], [1], [0, 0, 1, 1], [], []>, transpose_lhs_hint = false} : vector<2000x128xf32>, vector<128x128xf32>, vector<2000x128xf32> -> vector<2000x128xf32>
    %get3A_17 = arith.constant 0 : index
    %get3A_18 = arith.constant 0 : index
    %get3A_19 = vector.load %arg5[%get3A_17, %get3A_18] : memref<1x128xf32, #tpu.memory_space<vmem>>, vector<1x128xf32>
    %add3A_20 = vector.broadcast %get3A_19 : vector<1x128xf32> to vector<2000x128xf32>
    %add3A_21 = arith.addf %dot_general3A_16, %add3A_20 : vector<2000x128xf32>
    %swap3A = arith.constant 0 : index
    %swap3A_22 = arith.constant 0 : index
    %swap3A_23 = vector.load %arg6[%swap3A, %swap3A_22] : memref<2000x128xf32, #tpu.memory_space<vmem>>, vector<2000x128xf32>
    tpu.vector_store %arg6[%swap3A, %swap3A_22], %add3A_21 {strides = array<i32>} : memref<2000x128xf32, #tpu.memory_space<vmem>>, vector<2000x128xf32>,
    return
  }
  func.func @transform_0(%arg0: i32) -> (i32, i32) {
    %c0_i32 = arith.constant 0 : i32
    %c0_i32_0 = arith.constant 0 : i32
    return %arg0, %c0_i32 : i32, i32
  }
  func.func @transform_1(%arg0: i32) -> (i32, i32) {
    %c0_i32 = arith.constant 0 : i32
    %c0_i32_0 = arith.constant 0 : i32
    %c0_i32_1 = arith.constant 0 : i32
    return %c0_i32, %c0_i32_0 : i32, i32
  }
  func.func @transform_2(%arg0: i32) -> (i32, i32) {
    %c0_i32 = arith.constant 0 : i32
    %c0_i32_0 = arith.constant 0 : i32
    %c0_i32_1 = arith.constant 0 : i32
    return %c0_i32, %c0_i32_0 : i32, i32
  }
  func.func @transform_3(%arg0: i32) -> (i32, i32) {
    %c0_i32 = arith.constant 0 : i32
    %c0_i32_0 = arith.constant 0 : i32
    %c0_i32_1 = arith.constant 0 : i32
    return %c0_i32, %c0_i32_0 : i32, i32
  }
  func.func @transform_4(%arg0: i32) -> (i32, i32) {
    %c0_i32 = arith.constant 0 : i32
    %c0_i32_0 = arith.constant 0 : i32
    %c0_i32_1 = arith.constant 0 : i32
    return %c0_i32, %c0_i32_0 : i32, i32
  }
  func.func @transform_5(%arg0: i32) -> (i32, i32) {
    %c0_i32 = arith.constant 0 : i32
    %c0_i32_0 = arith.constant 0 : i32
    return %arg0, %c0_i32 : i32, i32
  }
}

module attributes {stable_mosaic.version = 14 : i64} {
  func.func @body(%arg0: i32, %arg1: memref<1024x128xf32, #tpu.memory_space<vmem>>, %arg2: memref<1024x128xf32, #tpu.memory_space<vmem>>, %arg3: memref<1024x128xf32, #tpu.memory_space<vmem>>, %arg4: memref<128x128xf32, #tpu.memory_space<vmem>>, %arg5: memref<128x128xf32, #tpu.memory_space<vmem>>, %arg6: memref<1x128xf32, #tpu.memory_space<vmem>>, %arg7: memref<128x128xf32, #tpu.memory_space<vmem>>, %arg8: memref<1x128xf32, #tpu.memory_space<vmem>>, %arg9: memref<1024x128xf32, #tpu.memory_space<vmem>>) attributes {dimension_semantics = [#tpu.dimension_semantics<arbitrary>], iteration_bounds = array<i64: 10>, scalar_prefetch = 0 : i64, scratch_operands = 0 : i64, tpu.core_type = #tpu.core_type<tc>, window_params = [{transform_indices = @transform_0, window_bounds = array<i64: 1024, 128>}, {transform_indices = @transform_1, window_bounds = array<i64: 1024, 128>}, {transform_indices = @transform_2, window_bounds = array<i64: 1024, 128>}, {pipeline_mode = #tpu.pipeline_mode<synchronous>, transform_indices = @transform_3, window_bounds = array<i64: 128, 128>}, {pipeline_mode = #tpu.pipeline_mode<synchronous>, transform_indices = @transform_4, window_bounds = array<i64: 128, 128>}, {pipeline_mode = #tpu.pipeline_mode<synchronous>, transform_indices = @transform_5, window_bounds = array<i64: 1, 128>}, {pipeline_mode = #tpu.pipeline_mode<synchronous>, transform_indices = @transform_6, window_bounds = array<i64: 128, 128>}, {pipeline_mode = #tpu.pipeline_mode<synchronous>, transform_indices = @transform_7, window_bounds = array<i64: 1, 128>}, {transform_indices = @transform_8, window_bounds = array<i64: 1024, 128>}]} {
    %get3A = arith.constant 0 : index
    %get3A_0 = arith.constant 0 : index
    %get3A_1 = vector.load %arg1[%get3A, %get3A_0] : memref<1024x128xf32, #tpu.memory_space<vmem>>, vector<1024x128xf32>
    %get3A_2 = arith.constant 0 : index
    %get3A_3 = arith.constant 0 : index
    %get3A_4 = vector.load %arg2[%get3A_2, %get3A_3] : memref<1024x128xf32, #tpu.memory_space<vmem>>, vector<1024x128xf32>
    %get3A_5 = arith.constant 0 : index
    %get3A_6 = arith.constant 0 : index
    %get3A_7 = vector.load %arg3[%get3A_5, %get3A_6] : memref<1024x128xf32, #tpu.memory_space<vmem>>, vector<1024x128xf32>
    %add3A = arith.addf %get3A_4, %get3A_7 : vector<1024x128xf32>
    %get3A_8 = arith.constant 0 : index
    %get3A_9 = arith.constant 0 : index
    %get3A_10 = vector.load %arg4[%get3A_8, %get3A_9] : memref<128x128xf32, #tpu.memory_space<vmem>>, vector<128x128xf32>
    %dot_general3A = arith.constant dense<0.000000e+00> : vector<1024x128xf32>
    %dot_general3A_11 = tpu.matmul %get3A_1, %get3A_10, %dot_general3A {dimension_numbers = #tpu.dot_dimension_numbers<[1], [0], [0], [1], [0, 0, 1, 1], [], []>, transpose_lhs_hint = false} : vector<1024x128xf32>, vector<128x128xf32>, vector<1024x128xf32> -> vector<1024x128xf32>
    %get3A_12 = arith.constant 0 : index
    %get3A_13 = arith.constant 0 : index
    %get3A_14 = vector.load %arg5[%get3A_12, %get3A_13] : memref<128x128xf32, #tpu.memory_space<vmem>>, vector<128x128xf32>
    %dot_general3A_15 = arith.constant dense<0.000000e+00> : vector<1024x128xf32>
    %dot_general3A_16 = tpu.matmul %add3A, %get3A_14, %dot_general3A_15 {dimension_numbers = #tpu.dot_dimension_numbers<[1], [0], [0], [1], [0, 0, 1, 1], [], []>, transpose_lhs_hint = false} : vector<1024x128xf32>, vector<128x128xf32>, vector<1024x128xf32> -> vector<1024x128xf32>
    %add3A_17 = arith.addf %dot_general3A_11, %dot_general3A_16 : vector<1024x128xf32>
    %get3A_18 = arith.constant 0 : index
    %get3A_19 = arith.constant 0 : index
    %get3A_20 = vector.load %arg6[%get3A_18, %get3A_19] : memref<1x128xf32, #tpu.memory_space<vmem>>, vector<1x128xf32>
    %add3A_21 = vector.broadcast %get3A_20 : vector<1x128xf32> to vector<1024x128xf32>
    %add3A_22 = arith.addf %add3A_17, %add3A_21 : vector<1024x128xf32>
    %max3A = arith.constant 0.000000e+00 : f32
    %max3A_23 = vector.broadcast %max3A : f32 to vector<1024x128xf32>
    %max3A_24 = arith.maximumf %add3A_22, %max3A_23 : vector<1024x128xf32>
    %get3A_25 = arith.constant 0 : index
    %get3A_26 = arith.constant 0 : index
    %get3A_27 = vector.load %arg7[%get3A_25, %get3A_26] : memref<128x128xf32, #tpu.memory_space<vmem>>, vector<128x128xf32>
    %dot_general3A_28 = arith.constant dense<0.000000e+00> : vector<1024x128xf32>
    %dot_general3A_29 = tpu.matmul %max3A_24, %get3A_27, %dot_general3A_28 {dimension_numbers = #tpu.dot_dimension_numbers<[1], [0], [0], [1], [0, 0, 1, 1], [], []>, transpose_lhs_hint = false} : vector<1024x128xf32>, vector<128x128xf32>, vector<1024x128xf32> -> vector<1024x128xf32>
    %add3A_30 = arith.addf %get3A_1, %dot_general3A_29 : vector<1024x128xf32>
    %get3A_31 = arith.constant 0 : index
    %get3A_32 = arith.constant 0 : index
    %get3A_33 = vector.load %arg8[%get3A_31, %get3A_32] : memref<1x128xf32, #tpu.memory_space<vmem>>, vector<1x128xf32>
    %add3A_34 = vector.broadcast %get3A_33 : vector<1x128xf32> to vector<1024x128xf32>
    %add3A_35 = arith.addf %add3A_30, %add3A_34 : vector<1024x128xf32>
    %swap3A = arith.constant 0 : index
    %swap3A_36 = arith.constant 0 : index
    %swap3A_37 = vector.load %arg9[%swap3A, %swap3A_36] : memref<1024x128xf32, #tpu.memory_space<vmem>>, vector<1024x128xf32>
    tpu.vector_store %arg9[%swap3A, %swap3A_36], %add3A_35 {strides = array<i32>} : memref<1024x128xf32, #tpu.memory_space<vmem>>, vector<1024x128xf32>,
    return
  }
  func.func @transform_0(%arg0: i32) -> (i32, i32) {
    %c0_i32 = arith.constant 0 : i32
    %c0_i32_0 = arith.constant 0 : i32
    return %arg0, %c0_i32 : i32, i32
  }
  func.func @transform_1(%arg0: i32) -> (i32, i32) {
    %c0_i32 = arith.constant 0 : i32
    %c0_i32_0 = arith.constant 0 : i32
    return %arg0, %c0_i32 : i32, i32
  }
  func.func @transform_2(%arg0: i32) -> (i32, i32) {
    %add3A = arith.constant 10 : i32
    %add3A_0 = arith.addi %add3A, %arg0 : i32
    %c0_i32 = arith.constant 0 : i32
    %c0_i32_1 = arith.constant 0 : i32
    return %add3A_0, %c0_i32 : i32, i32
  }
  func.func @transform_3(%arg0: i32) -> (i32, i32) {
    %c0_i32 = arith.constant 0 : i32
    %c0_i32_0 = arith.constant 0 : i32
    %c0_i32_1 = arith.constant 0 : i32
    return %c0_i32, %c0_i32_0 : i32, i32
  }
  func.func @transform_4(%arg0: i32) -> (i32, i32) {
    %c0_i32 = arith.constant 0 : i32
    %c0_i32_0 = arith.constant 0 : i32
    %c0_i32_1 = arith.constant 0 : i32
    return %c0_i32, %c0_i32_0 : i32, i32
  }
  func.func @transform_5(%arg0: i32) -> (i32, i32) {
    %c0_i32 = arith.constant 0 : i32
    %c0_i32_0 = arith.constant 0 : i32
    %c0_i32_1 = arith.constant 0 : i32
    return %c0_i32, %c0_i32_0 : i32, i32
  }
  func.func @transform_6(%arg0: i32) -> (i32, i32) {
    %c0_i32 = arith.constant 0 : i32
    %c0_i32_0 = arith.constant 0 : i32
    %c0_i32_1 = arith.constant 0 : i32
    return %c0_i32, %c0_i32_0 : i32, i32
  }
  func.func @transform_7(%arg0: i32) -> (i32, i32) {
    %c0_i32 = arith.constant 0 : i32
    %c0_i32_0 = arith.constant 0 : i32
    %c0_i32_1 = arith.constant 0 : i32
    return %c0_i32, %c0_i32_0 : i32, i32
  }
  func.func @transform_8(%arg0: i32) -> (i32, i32) {
    %c0_i32 = arith.constant 0 : i32
    %c0_i32_0 = arith.constant 0 : i32
    return %arg0, %c0_i32 : i32, i32
  }
}

module attributes {stable_mosaic.version = 14 : i64} {
  func.func @body(%arg0: i32, %arg1: memref<1024x128xf32, #tpu.memory_space<vmem>>, %arg2: memref<1024x128xf32, #tpu.memory_space<vmem>>, %arg3: memref<1024x128xf32, #tpu.memory_space<vmem>>, %arg4: memref<128x128xf32, #tpu.memory_space<vmem>>, %arg5: memref<128x128xf32, #tpu.memory_space<vmem>>, %arg6: memref<1x128xf32, #tpu.memory_space<vmem>>, %arg7: memref<128x128xf32, #tpu.memory_space<vmem>>, %arg8: memref<1x128xf32, #tpu.memory_space<vmem>>, %arg9: memref<1024x128xf32, #tpu.memory_space<vmem>>) attributes {dimension_semantics = [#tpu.dimension_semantics<arbitrary>], iteration_bounds = array<i64: 10>, scalar_prefetch = 0 : i64, scratch_operands = 0 : i64, tpu.core_type = #tpu.core_type<tc>, window_params = [{transform_indices = @transform_0, window_bounds = array<i64: 1024, 128>}, {transform_indices = @transform_1, window_bounds = array<i64: 1024, 128>}, {transform_indices = @transform_2, window_bounds = array<i64: 1024, 128>}, {pipeline_mode = #tpu.pipeline_mode<synchronous>, transform_indices = @transform_3, window_bounds = array<i64: 128, 128>}, {pipeline_mode = #tpu.pipeline_mode<synchronous>, transform_indices = @transform_4, window_bounds = array<i64: 128, 128>}, {pipeline_mode = #tpu.pipeline_mode<synchronous>, transform_indices = @transform_5, window_bounds = array<i64: 1, 128>}, {pipeline_mode = #tpu.pipeline_mode<synchronous>, transform_indices = @transform_6, window_bounds = array<i64: 128, 128>}, {pipeline_mode = #tpu.pipeline_mode<synchronous>, transform_indices = @transform_7, window_bounds = array<i64: 1, 128>}, {transform_indices = @transform_8, window_bounds = array<i64: 1024, 128>}]} {
    %get3A = arith.constant 0 : index
    %get3A_0 = arith.constant 0 : index
    %get3A_1 = vector.load %arg1[%get3A, %get3A_0] : memref<1024x128xf32, #tpu.memory_space<vmem>>, vector<1024x128xf32>
    %get3A_2 = arith.constant 0 : index
    %get3A_3 = arith.constant 0 : index
    %get3A_4 = vector.load %arg2[%get3A_2, %get3A_3] : memref<1024x128xf32, #tpu.memory_space<vmem>>, vector<1024x128xf32>
    %get3A_5 = arith.constant 0 : index
    %get3A_6 = arith.constant 0 : index
    %get3A_7 = vector.load %arg3[%get3A_5, %get3A_6] : memref<1024x128xf32, #tpu.memory_space<vmem>>, vector<1024x128xf32>
    %add3A = arith.addf %get3A_4, %get3A_7 : vector<1024x128xf32>
    %get3A_8 = arith.constant 0 : index
    %get3A_9 = arith.constant 0 : index
    %get3A_10 = vector.load %arg4[%get3A_8, %get3A_9] : memref<128x128xf32, #tpu.memory_space<vmem>>, vector<128x128xf32>
    %dot_general3A = arith.constant dense<0.000000e+00> : vector<1024x128xf32>
    %dot_general3A_11 = tpu.matmul %get3A_1, %get3A_10, %dot_general3A {dimension_numbers = #tpu.dot_dimension_numbers<[1], [0], [0], [1], [0, 0, 1, 1], [], []>, transpose_lhs_hint = false} : vector<1024x128xf32>, vector<128x128xf32>, vector<1024x128xf32> -> vector<1024x128xf32>
    %get3A_12 = arith.constant 0 : index
    %get3A_13 = arith.constant 0 : index
    %get3A_14 = vector.load %arg5[%get3A_12, %get3A_13] : memref<128x128xf32, #tpu.memory_space<vmem>>, vector<128x128xf32>
    %dot_general3A_15 = arith.constant dense<0.000000e+00> : vector<1024x128xf32>
    %dot_general3A_16 = tpu.matmul %add3A, %get3A_14, %dot_general3A_15 {dimension_numbers = #tpu.dot_dimension_numbers<[1], [0], [0], [1], [0, 0, 1, 1], [], []>, transpose_lhs_hint = false} : vector<1024x128xf32>, vector<128x128xf32>, vector<1024x128xf32> -> vector<1024x128xf32>
    %add3A_17 = arith.addf %dot_general3A_11, %dot_general3A_16 : vector<1024x128xf32>
    %get3A_18 = arith.constant 0 : index
    %get3A_19 = arith.constant 0 : index
    %get3A_20 = vector.load %arg6[%get3A_18, %get3A_19] : memref<1x128xf32, #tpu.memory_space<vmem>>, vector<1x128xf32>
    %add3A_21 = vector.broadcast %get3A_20 : vector<1x128xf32> to vector<1024x128xf32>
    %add3A_22 = arith.addf %add3A_17, %add3A_21 : vector<1024x128xf32>
    %max3A = arith.constant 0.000000e+00 : f32
    %max3A_23 = vector.broadcast %max3A : f32 to vector<1024x128xf32>
    %max3A_24 = arith.maximumf %add3A_22, %max3A_23 : vector<1024x128xf32>
    %get3A_25 = arith.constant 0 : index
    %get3A_26 = arith.constant 0 : index
    %get3A_27 = vector.load %arg7[%get3A_25, %get3A_26] : memref<128x128xf32, #tpu.memory_space<vmem>>, vector<128x128xf32>
    %dot_general3A_28 = arith.constant dense<0.000000e+00> : vector<1024x128xf32>
    %dot_general3A_29 = tpu.matmul %max3A_24, %get3A_27, %dot_general3A_28 {dimension_numbers = #tpu.dot_dimension_numbers<[1], [0], [0], [1], [0, 0, 1, 1], [], []>, transpose_lhs_hint = false} : vector<1024x128xf32>, vector<128x128xf32>, vector<1024x128xf32> -> vector<1024x128xf32>
    %add3A_30 = arith.addf %get3A_1, %dot_general3A_29 : vector<1024x128xf32>
    %get3A_31 = arith.constant 0 : index
    %get3A_32 = arith.constant 0 : index
    %get3A_33 = vector.load %arg8[%get3A_31, %get3A_32] : memref<1x128xf32, #tpu.memory_space<vmem>>, vector<1x128xf32>
    %add3A_34 = vector.broadcast %get3A_33 : vector<1x128xf32> to vector<1024x128xf32>
    %add3A_35 = arith.addf %add3A_30, %add3A_34 : vector<1024x128xf32>
    %swap3A = arith.constant 0 : index
    %swap3A_36 = arith.constant 0 : index
    %swap3A_37 = vector.load %arg9[%swap3A, %swap3A_36] : memref<1024x128xf32, #tpu.memory_space<vmem>>, vector<1024x128xf32>
    tpu.vector_store %arg9[%swap3A, %swap3A_36], %add3A_35 {strides = array<i32>} : memref<1024x128xf32, #tpu.memory_space<vmem>>, vector<1024x128xf32>,
    return
  }
  func.func @transform_0(%arg0: i32) -> (i32, i32) {
    %c0_i32 = arith.constant 0 : i32
    %c0_i32_0 = arith.constant 0 : i32
    return %arg0, %c0_i32 : i32, i32
  }
  func.func @transform_1(%arg0: i32) -> (i32, i32) {
    %c0_i32 = arith.constant 0 : i32
    %c0_i32_0 = arith.constant 0 : i32
    return %arg0, %c0_i32 : i32, i32
  }
  func.func @transform_2(%arg0: i32) -> (i32, i32) {
    %add3A = arith.constant 10 : i32
    %add3A_0 = arith.addi %add3A, %arg0 : i32
    %c0_i32 = arith.constant 0 : i32
    %c0_i32_1 = arith.constant 0 : i32
    return %add3A_0, %c0_i32 : i32, i32
  }
  func.func @transform_3(%arg0: i32) -> (i32, i32) {
    %c0_i32 = arith.constant 0 : i32
    %c0_i32_0 = arith.constant 0 : i32
    %c0_i32_1 = arith.constant 0 : i32
    return %c0_i32, %c0_i32_0 : i32, i32
  }
  func.func @transform_4(%arg0: i32) -> (i32, i32) {
    %c0_i32 = arith.constant 0 : i32
    %c0_i32_0 = arith.constant 0 : i32
    %c0_i32_1 = arith.constant 0 : i32
    return %c0_i32, %c0_i32_0 : i32, i32
  }
  func.func @transform_5(%arg0: i32) -> (i32, i32) {
    %c0_i32 = arith.constant 0 : i32
    %c0_i32_0 = arith.constant 0 : i32
    %c0_i32_1 = arith.constant 0 : i32
    return %c0_i32, %c0_i32_0 : i32, i32
  }
  func.func @transform_6(%arg0: i32) -> (i32, i32) {
    %c0_i32 = arith.constant 0 : i32
    %c0_i32_0 = arith.constant 0 : i32
    %c0_i32_1 = arith.constant 0 : i32
    return %c0_i32, %c0_i32_0 : i32, i32
  }
  func.func @transform_7(%arg0: i32) -> (i32, i32) {
    %c0_i32 = arith.constant 0 : i32
    %c0_i32_0 = arith.constant 0 : i32
    %c0_i32_1 = arith.constant 0 : i32
    return %c0_i32, %c0_i32_0 : i32, i32
  }
  func.func @transform_8(%arg0: i32) -> (i32, i32) {
    %c0_i32 = arith.constant 0 : i32
    %c0_i32_0 = arith.constant 0 : i32
    return %arg0, %c0_i32 : i32, i32
  }
}

</mosaic_0001>

<sc_bundles>
// kernel: kernel.11.cloned.1.call-start
scs
__scs_entry_jumppad:
0x0: {  	(pc) =	sbr.rel $0x88, $3  }
0x1: {  	(tag) =	ssettag $0x0;
	lr =	simm.s32 $0x1  }
0x2: {  	[smem:$0x3F8E] =	sst lr;
	_ =	strace $0xD0000000  }
0x3: {  	_ = 	snop  }
0x4: {  	_ = 	snop  }
0x5: {  	_ = 	snop  }
0x6: {  	_ = 	snop  }
0x7: {  	_ = 	snop  }
__scs_overlays_trampoline_lowered:
0x8: {  	[smem:$0x3F9D] =	sst s0  }
0x9: {  	[smem:$0x3F9E] =	sst s1  }
0xa: {  	[smem:$0x3F9F] =	sst s2  }
0xb: {  	[smem:$0x3FA0] =	sst s3  }
0xc: {  	[smem:$0x3FA1] =	sst s4  }
0xd: {  	[smem:$0x3FA2] =	sst s5  }
0xe: {  	[smem:$0x3FA3] =	sst s6  }
0xf: {  	[smem:$0x3FA4] =	sst s7  }
0x10: {  	[smem:$0x3FA5] =	sst s8  }
0x11: {  	[smem:$0x3FA6] =	sst s9;
	s0 =	simm.s32 @!p0 $0x0  }
0x12: {  	s1 =	sld [smem:$0x3F8C];
	s0 =	simm.s32 @p0 $0x1  }
0x13: {  	[smem:$0x3FA7] =	sst s0;
	s0 =	simm.s32 @!p1 $0x0  }
0x14: {  	s2 =	sld [smem:$0x3F8B];
	s0 =	simm.s32 @p1 $0x1  }
0x15: {  	[smem:$0x3FA8] =	sst s0;
	s0 =	simm.s32 @!p2 $0x0  }
0x16: {  	s3 =	sld [smem:$0x3FDB];
	s0 =	simm.s32 @p2 $0x1  }
0x17: {  	s4 =	simm.s32 $0x1BF5;
	[smem:$0x3FAA] =	sst s0  }
0x18: {  	s0 =	sld [smem:$0x3F8D];
	_ =	swait.ge [sflag:s4], $0x0  }
0x19: {  	s7 =	sld [smem:$0x3F8E]  }
0x1a: {  	s8 =	sadd.s32 $0xFFFFE003, lr  }
0x1b: {  	s9 =	sadd.s32 $0xFFFFFEF7, lr;
	s5 =	simm.s32 $0xFFFFFFFF;
	p2 =	slt.u32 s8, $0xFFFFF086  }
0x1c: {  	p1 =	slt.u32 s9, $0xF7A;
	s5 =	simm.s32 @!p2 $0x0  }
0x1d: {  	s5 =	simm.s32 @p1 $0x1;
	p0 =	seq.s32 s7, s2  }
0x1e: {  	s7 =	smul.u32 @!p0 $0xF7A, s2;
	p2 =	seq.s32 @!p0 s5, $0x0  }
0x1f: {  	s9 =	smul.u32 $0xF7A, s1;
	s8 =	simm.s32 @!p0 $0x1BF5;
	p2 =	por !p2, p0  }
0x20: {  	[sflag:s8] =	ssyncset.s32 @!p0 $0xFFFFF086;
	s6 =	sadd.s32 @!p0 s3, s7;
	s7 =	simm.s32 @!p0 $0x108  }
0x21: {  	s3 =	sadd.s32 s3, s9;
	s6 =	sadd.s32 @!p0 $0x88, s6;
	s7 =	simm.s32 @p2 $0x1082  }
0x22: {  	[simem:s7], [sflag:s8] =	dma.local @!p0 [hbm:s6], $0xF7A  }
0x23: {  	s9 =	sor.u32 $0xD0000000, s2;
	s6 =	simm.s32 $0x108;
	_ =	swait.ge @!p0 [sflag:s8], $0x0  }
0x24: {  	s3 =	sadd.s32 $0x88, s3;
	s6 =	simm.s32 @!p1 $0x1082;
	[sflag:s4] =	ssyncset.s32 $0xFFFFF086  }
0x25: {  	[simem:s6], [sflag:s4] =	dma.local [hbm:s3], $0xF7A  }
0x26: {  	[smem:$0x3F8E] =	sst s1;
	(tag) =	ssettag s2;
	_ =	strace s9  }
0x27: {  	s1 =	sld [smem:$0x3F9E]  }
0x28: {  	s2 =	sld [smem:$0x3F9F]  }
0x29: {  	s4 =	sld [smem:$0x3FA1]  }
0x2a: {  	p0 =	seq.s32 s5, $0x0;
	s5 =	sld [smem:$0x3FA2]  }
0x2b: {  	s6 =	sld [smem:$0x3FA3]  }
0x2c: {  	s7 =	sld [smem:$0x3FA4]  }
0x2d: {  	s3 =	simm.s32 $0x108;
	s8 =	sld [smem:$0x3FA5]  }
0x2e: {  	s3 =	simm.s32 @!p0 $0x1082;
	s9 =	sld [smem:$0x3FA6]  }
0x2f: {  	lr =	sadd.s32 s0, s3;
	s0 =	sld [smem:$0x3F9D]  }
0x30: {  	s3 =	sld [smem:$0x3FA0]  }
0x31: {  	[smem:$0x3FA9] =	sst s10  }
0x32: {  	s10 =	sld [smem:$0x3FA7];
	_ =	sdelay $0x3  }
0x33: {  	p0 =	seq.s32 s10, $0x1;
	s10 =	sld [smem:$0x3FA9];
	_ =	sdelay $0x3  }
0x34: {  	[smem:$0x3FA9] =	sst s10  }
0x35: {  	s10 =	sld [smem:$0x3FA8];
	_ =	sdelay $0x3  }
0x36: {  	p1 =	seq.s32 s10, $0x1;
	s10 =	sld [smem:$0x3FA9];
	_ =	sdelay $0x3  }
0x37: {  	[smem:$0x3FA9] =	sst s10  }
0x38: {  	s10 =	sld [smem:$0x3FAA]  }
0x39: {  	_ = 	snop;
	(pc) =	sbr.ind lr, $3  }
0x3a: {  	_ = 	snop  }
0x3b: {  	_ = 	snop  }
0x3c: {  	p2 =	seq.s32 s10, $0x1;
	s10 =	sld [smem:$0x3FA9]  }
0x3d: {  	_ =	shalt  }
0x3e: {  	_ =	shalt  }
0x3f: {  	_ =	shalt  }
0x40: {  	_ =	shalt  }
0x41: {  	_ =	shalt  }
0x42: {  	_ =	shalt  }
0x43: {  	_ =	shalt  }
0x44: {  	_ =	shalt  }
0x45: {  	_ =	shalt  }
0x46: {  	_ =	shalt  }
0x47: {  	_ =	shalt  }
0x48: {  	_ =	shalt  }
0x49: {  	_ =	shalt  }
0x4a: {  	_ =	shalt  }
0x4b: {  	_ =	shalt  }
0x4c: {  	_ =	shalt  }
0x4d: {  	_ =	shalt  }
0x4e: {  	_ =	shalt  }
0x4f: {  	_ =	shalt  }
0x50: {  	_ =	shalt  }
0x51: {  	_ =	shalt  }
0x52: {  	_ =	shalt  }
0x53: {  	_ =	shalt  }
0x54: {  	_ =	shalt  }
0x55: {  	_ =	shalt  }
0x56: {  	_ =	shalt  }
0x57: {  	_ =	shalt  }
0x58: {  	_ =	shalt  }
0x59: {  	_ =	shalt  }
0x5a: {  	_ =	shalt  }
0x5b: {  	_ =	shalt  }
0x5c: {  	_ =	shalt  }
0x5d: {  	_ =	shalt  }
0x5e: {  	_ =	shalt  }
0x5f: {  	_ =	shalt  }
0x60: {  	_ =	shalt  }
0x61: {  	_ =	shalt  }
0x62: {  	_ =	shalt  }
0x63: {  	_ =	shalt  }
0x64: {  	_ =	shalt  }
0x65: {  	_ =	shalt  }
0x66: {  	_ =	shalt  }
0x67: {  	_ =	shalt  }
0x68: {  	_ =	shalt  }
0x69: {  	_ =	shalt  }
0x6a: {  	_ =	shalt  }
0x6b: {  	_ =	shalt  }
0x6c: {  	_ =	shalt  }
0x6d: {  	_ =	shalt  }
0x6e: {  	_ =	shalt  }
0x6f: {  	_ =	shalt  }
0x70: {  	_ =	shalt  }
0x71: {  	_ =	shalt  }
0x72: {  	_ =	shalt  }
0x73: {  	_ =	shalt  }
0x74: {  	_ =	shalt  }
0x75: {  	_ =	shalt  }
0x76: {  	_ =	shalt  }
0x77: {  	_ =	shalt  }
0x78: {  	_ =	shalt  }
0x79: {  	_ =	shalt  }
0x7a: {  	_ =	shalt  }
0x7b: {  	_ =	shalt  }
0x7c: {  	_ =	shalt  }
0x7d: {  	_ =	shalt  }
0x7e: {  	_ =	shalt  }
0x7f: {  	_ =	shalt  }
0x80: {  	_ =	shalt  }
0x81: {  	_ =	shalt  }
0x82: {  	_ =	shalt  }
0x83: {  	_ =	shalt  }
0x84: {  	_ =	shalt  }
0x85: {  	_ =	shalt  }
0x86: {  	_ =	shalt  }
0x87: {  	_ =	shalt  }
.Lfunc_end0:
.L_simem_size_0:
called_computation.1_lowered:
.L_overlay_start_0:
0x88: {  	s2 =	sld [smem:$0x3FD9]  }
0x89: {  	s3 =	sld [smem:$0x3FFE];
	_ =	sdelay $0x1  }
0x8a: {  	s1 =	srdreg.scid  }
0x8b: {  	s0 =	sand.u32 $0x1, s1  }
0x8c: {  	s17 =	sshll.u32 s0, $0xA;
	s2 =	sadd.s32 s3, s2  }
0x8d: {  	s2 =	sadd.s32 s2, s17  }
0x8e: {  	[smem:$0x3FB5] =	sst s2  }
0x8f: {  	_ = 	snop  }
0x90: {  	s2 =	sld [smem:$0x3FD0];
	(tm) =	ssettm $0x1  }
0x91: {  	s18 =	sld [smem:$0x3FFB];
	_ =	sdelay $0x3  }
0x92: {  	_ =	strace s18  }
0x93: {  	s3 =	sld [smem:$0x3FFC];
	_ =	sdelay $0x3  }
0x94: {  	_ =	strace s3  }
0x95: {  	s3 =	sld [smem:$0x3FFD];
	_ =	sdelay $0x3  }
0x96: {  	_ =	strace s3  }
0x97: {  	_ =	strace $0x8FFFFFFF  }
0x98: {  	s19 =	sld [smem:$0x3FDB];
	_ =	sdelay $0x1  }
0x99: {  	s4 =	simm.s32 $_scs_section_size  }
0x9a: {  	s5 =	simm.s32 $_size__tile_overlayer_lowered;
	s6 =	simm.s32 $_tile_overlayer_lowered  }
0x9b: {  	s22 =	simm.s32 $0x1BFF;
	s21 =	sshll.u32 s6, $0x1;
	s3 =	sadd.s32 s4, s19  }
0x9c: {  	s7 =	simm.s32 $0x0;
	s20 =	sshll.u32 s5, $0x1;
	s5 =	sadd.s32 s21, s3  }
0x9d: {  	[timem:s7], [sflag:s22] =	dma.local [hbm:s5], s20  }
0x9e: {  	_ =	swait.ge [sflag:s22], s20  }
0x9f: {  	s4 =	ssub.s32 $0x0, s20;
	[sflag:s22] =	ssyncset.done $0x0  }
0xa0: {  	[sflag:s22] =	ssyncadd.s32 s4;
	_ =	sdelay $0x1  }
0xa1: {  	s23 =	simm.s32 $0x1B8B  }
0xa2: {  	_ =	swait.ge [sflag:s23], $0x1  }
0xa3: {  	[sflag:s23] =	ssyncset.done $0x0  }
0xa4: {  	s25 =	simm.s32 $0x1B8E;
	s24 =	sld [smem:$0x3FFE];
	[sflag:s23] =	ssyncadd.s32 $0xFFFFFFFF  }
0xa5: {  	s26 =	simm.s32 $execute0_lowered;
	[smem:$0x3FD2] =	sst s25  }
0xa6: {  	s5 =	sshll.u32 s26, $0x1;
	_ =	strace $0x80000049;
	[dreg:$0x1] =	wrdreg $0xFFFFFFFF  }
0xa7: {  	s28 =	simm.s32 $_size_execute0_lowered;
	s3 =	sadd.s32 s3, s5;
	[dreg:$0x0] =	wrdreg $0x0  }
0xa8: {  	s5 =	sshll.u32 s28, $0x1;
	[dreg:$0x2] =	wrdreg s3  }
0xa9: {  	[dreg:$0x3] =	wrdreg s5  }
0xaa: {  	[dreg:$0x4] =	wrdreg $0xC0  }
0xab: {  	_ =	task [dreg:s7], $0x5FFFF  }
0xac: {  	[dreg:$0x1] =	wrdreg $0xFFFFFFFF  }
0xad: {  	[dreg:$0x0] =	wrdreg $0x60  }
0xae: {  	[dreg:$0x2] =	wrdreg s2  }
0xaf: {  	[dreg:$0x3] =	wrdreg s24  }
0xb0: {  	[dreg:$0x4] =	wrdreg $0xA4000  }
0xb1: {  	[dreg:$0x5] =	wrdreg $0x9  }
0xb2: {  	_ =	task.clear_ibuf [dreg:s7], $0x6FFFF;
	_ =	strace $0x90000049  }
0xb3: {  	s29 =	simm.s32 $0x9;
	_ =	strace $0x8000004B  }
0xb4: {  	_ =	swait.ge [sflag:s29], $0x1  }
0xb5: {  	[sflag:s29] =	ssyncadd.s32 $0xFFFFFFFF  }
0xb6: {  	_ =	strace $0x9000004B  }
0xb7: {  	_ =	sfence  }
0xb8: {  	s30 =	sld [smem:$0x0];
	_ =	sdelay $0x2  }
0xb9: {  	s31 =	sshll.u32 s1, $0xD;
	s1 =	sshrl.u32 s1, $0x2  }
0xba: {  	s3 =	sand.u32 $0x4000, s31;
	s1 =	sadd.s32 s1, s30  }
0xbb: {  	s0 =	sor.u32 s3, s0;
	s1 =	sshll.u32 s1, $0x11  }
0xbc: {  	s0 =	sor.u32 s1, s0  }
0xbd: {  	s0 =	sadd.s32 $0x8F2B, s0  }
0xbe: {  	[sflag:s0] =	ssyncadd.remote.s32 $0x1  }
0xbf: {  	_ =	sfence.sel $0xFFFF  }
0xc0: {  	[dreg:$0x0] =	wrdreg $0xFFFFFFFF;
	(pc) =	sbr.abs _section_cstart, $3  }
0xc1: {  	[dreg:$0x1] =	wrdreg $0xFFFFFFFF  }
0xc2: {  	_ =	task.clear_ibuf [dreg:s7], $0x2FFFF;
	_ =	strace $0x9FFFFFFF  }
0xc3: {  	(tm) =	ssettm $0x7FFFFFFF  }
tec
execute0_lowered:
.L_overlay_start_1:
0x0: {  	(tag) =	ssettag $0x1  }
0x1: {  	s30 =	rddreg [dreg:$0x0]  }
0x2: {  	s13 =	rddreg [dreg:$0x1]  }
0x3: {  	s3 =	rddreg [dreg:$0x2];
	s0 =	srdreg.scid;
	s4 =	simm.s32 $0x0  }
0x4: {  	s21 =	stileid.u32;
	s29 =	simm.s32 $0x4;
	s9 =	sand.u32 $0x1, s0  }
0x5: {  	[smem:$0x7FF] =	sst s4;
	s5 =	smul.u32 $0x280, s21;
	s14 =	sadd.s32 $0x16C00, s13  }
0x6: {  	s22 =	smul.u32 $0x4E20, s21;
	s31 =	sadd.s32 $0x3000, s13;
	s28 =	sadd.s32 $0xCE00, s13  }
0x7: {  	s13 =	sadd.s32 $0xA2AC00, s13;
	s0 =	ssub.s32 $0x2, s9;
	_ =	strace $0x8000004A  }
0x8: {  	s15 =	smul.u32 $0x2800, s9;
	[dreg:$0xa] =	wrdreg s31;
	s2 =	sshrl.u32 s0, $0x1  }
0x9: {  	s10 =	sor.u32 $0x50, s5;
	s11 =	sadd.s32 $0xA0, s5;
	s12 =	sadd.s32 $0xF0, s5  }
0xa: {  	s6 =	sadd.s32 $0x140, s5;
	s7 =	sadd.s32 $0x190, s5;
	s8 =	sadd.s32 $0x1E0, s5  }
0xb: {  	s0 =	ssub.s32 s0, s2;
	s2 =	sadd.s32 $0x230, s5;
	s5 =	sadd.s32 s5, s15  }
0xc: {  	s16 =	sadd.s32 s15, s10;
	s17 =	sadd.s32 s15, s11;
	s19 =	sadd.s32 s15, s12  }
0xd: {  	s20 =	sadd.s32 s15, s6;
	s24 =	sadd.s32 s15, s7;
	s10 =	sshll.u32 s10, $0x7  }
0xe: {  	s11 =	sshll.u32 s11, $0x7;
	s6 =	sshll.u32 s6, $0x7;
	s10 =	sadd.s32 s10, s3  }
0xf: {  	s7 =	sshll.u32 s7, $0x7;
	s6 =	sadd.s32 s6, s3;
	[dreg:$0x17] =	wrdreg s10  }
0x10: {  	s12 =	sshll.u32 s12, $0x7;
	s7 =	sadd.s32 s7, s3;
	[dreg:$0x1a] =	wrdreg s6  }
0x11: {  	s5 =	sshll.u32 s5, $0x4;
	s0 =	smax.u32 s0, $0x1;
	[dreg:$0x1b] =	wrdreg s7  }
0x12: {  	s16 =	sshll.u32 s16, $0x4;
	s5 =	sadd.s32 s14, s5;
	[smem:$0x7FB] =	sst s0  }
0x13: {  	s17 =	sshll.u32 s17, $0x4;
	s16 =	sadd.s32 s14, s16;
	[dreg:$0xb] =	wrdreg s5  }
0x14: {  	s25 =	sshll.u32 s24, $0x4;
	s18 =	sadd.s32 s14, s17;
	[dreg:$0xc] =	wrdreg s16  }
0x15: {  	[dreg:$0xd] =	wrdreg s18;
	s5 =	sshll.u32 s19, $0x4;
	s16 =	sshll.u32 s20, $0x4  }
0x16: {  	s18 =	smul.u32 $0x2710, s9;
	s19 =	sadd.s32 s15, s8;
	s15 =	sadd.s32 s15, s2  }
0x17: {  	s8 =	sshll.u32 s8, $0x7;
	s2 =	sshll.u32 s2, $0x7;
	s5 =	sadd.s32 s14, s5  }
0x18: {  	s23 =	sadd.s32 s14, s16;
	s16 =	sadd.s32 s14, s25;
	[dreg:$0xe] =	wrdreg s5  }
0x19: {  	s26 =	sshll.u32 s19, $0x4;
	s15 =	sshll.u32 s15, $0x4;
	[dreg:$0xf] =	wrdreg s23  }
0x1a: {  	s8 =	sadd.s32 s8, s3;
	s5 =	sadd.s32 s18, s22;
	[dreg:$0x10] =	wrdreg s16  }
0x1b: {  	s16 =	sadd.s32 s14, s26;
	s14 =	sadd.s32 s14, s15;
	[dreg:$0x1c] =	wrdreg s8  }
0x1c: {  	s18 =	sshll.u32 s21, $0x1;
	s26 =	smul.u32 $0x4E200, s21;
	[dreg:$0x11] =	wrdreg s16  }
0x1d: {  	s8 =	simm.s32 $0x5400;
	s17 =	sadd.s32 $0x230, s5;
	[dreg:$0x12] =	wrdreg s14  }
0x1e: {  	s14 =	sor.u32 s9, s18;
	s19 =	sadd.s32 $0x1E0, s5;
	s17 =	sshrl.u32 s17, $0x3  }
0x1f: {  	s9 =	smul.u32 $0x27100, s9;
	s15 =	sshrl.u32 s19, $0x3;
	s1 =	sadd.s32 s17, s31  }
0x20: {  	s22 =	smul.u32 $0x27100, s14;
	s20 =	sadd.s32 s17, s28;
	[dreg:$0x4] =	wrdreg s1  }
0x21: {  	s17 =	smul.u32 $0x2710, s14;
	s23 =	sadd.s32 s15, s31;
	[dreg:$0x5] =	wrdreg s20  }
0x22: {  	s14 =	smul.u32 $0x138800, s14;
	s15 =	sadd.s32 s15, s28;
	[dreg:$0x6] =	wrdreg s23  }
0x23: {  	[dreg:$0x7] =	wrdreg s15;
	s16 =	sadd.s32 s13, s22;
	s20 =	sadd.s32 $0x190, s5  }
0x24: {  	s22 =	smul.u32 $0x50000, s21;
	s15 =	sadd.s32 $0x50, s17;
	[dreg:$0x13] =	wrdreg s16  }
0x25: {  	s14 =	sshrl.u32 s14, $0x3;
	s1 =	sshrl.u32 s20, $0x3;
	s10 =	sshrl.u32 s17, $0x3  }
0x26: {  	s24 =	sshll.u32 s15, $0x4;
	s14 =	sadd.s32 s13, s14;
	s23 =	sadd.s32 s1, s31  }
0x27: {  	s19 =	sadd.s32 s31, s10;
	s20 =	sadd.s32 $0x1E, s10;
	[dreg:$0x8] =	wrdreg s23  }
0x28: {  	s16 =	sadd.s32 s13, s24;
	s24 =	sshrl.u32 s22, $0x2;
	[smem:$0x7F4] =	sst s19  }
0x29: {  	s6 =	sadd.s32 s28, s20;
	s23 =	sadd.s32 $0x26200, s14;
	[dreg:$0x14] =	wrdreg s16  }
0x2a: {  	s19 =	simm.s32 $0x9;
	s16 =	sadd.s32 $0x26C0, s17;
	[smem:$0x7F5] =	sst s6  }
0x2b: {  	s17 =	sadd.s32 s2, s3;
	[smem:$0x7F9] =	sst s23;
	s6 =	simm.s32 $0x400  }
0x2c: {  	s23 =	simm.s32 $0x6;
	s25 =	sshll.u32 s16, $0x4;
	s21 =	sshrl.u32 s16, $0x3  }
0x2d: {  	s16 =	simm.s32 $0xD;
	[dreg:$0x1d] =	wrdreg s17;
	s18 =	sadd.s32 s13, s25  }
0x2e: {  	s13 =	sadd.s32 s26, s13;
	s25 =	sadd.s32 s24, s3;
	[dreg:$0x15] =	wrdreg s18  }
0x2f: {  	s26 =	sadd.s32 s11, s3;
	s11 =	sshrl.u32 s15, $0x3;
	[dreg:$0x16] =	wrdreg s25  }
0x30: {  	s22 =	sadd.s32 s28, s21;
	s24 =	sadd.s32 $0x26700, s14;
	[dreg:$0x18] =	wrdreg s26  }
0x31: {  	s14 =	simm.s32 $0x280;
	s18 =	sadd.s32 s1, s28;
	[smem:$0x7F7] =	sst s22  }
0x32: {  	s9 =	sadd.s32 s9, s13;
	s1 =	sadd.s32 s12, s3;
	[smem:$0x7FA] =	sst s24  }
0x33: {  	s12 =	sadd.s32 s28, s11;
	s13 =	sadd.s32 $0x14, s10;
	[dreg:$0x9] =	wrdreg s18  }
0x34: {  	s7 =	sadd.s32 s31, s11;
	s26 =	sadd.s32 $0x140, s5;
	[dreg:$0x19] =	wrdreg s1  }
0x35: {  	s5 =	simm.s32 $0x50;
	s11 =	simm.s32 $0x0;
	[dreg:$0x1e] =	wrdreg s12  }
0x36: {  	s22 =	simm.s32 $0x3;
	s24 =	simm.s32 $0x8;
	[dreg:$0x1f] =	wrdreg s7  }
0x37: {  	s15 =	sadd.s32 s28, s13;
	s2 =	sadd.s32 s31, s13;
	s18 =	sadd.s32 s28, s10  }
0x38: {  	s25 =	sadd.s32 $0xF00, s9;
	[smem:$0x7FD] =	sst s26;
	s26 =	simm.s32 $0x80  }
0x39: {  	s1 =	simm.s32 $0x180;
	s7 =	simm.s32 $0x2;
	[smem:$0x7F1] =	sst s15  }
0x3a: {  	s9 =	simm.s32 $0x2C00;
	s10 =	simm.s32 $0x5;
	[smem:$0x7F2] =	sst s2  }
0x3b: {  	s13 =	simm.s32 $0xC;
	[smem:$0x7F3] =	sst s18;
	s2 =	sadd.s32 s31, s20  }
0x3c: {  	[smem:$0x7FC] =	sst s25;
	s15 =	simm.s32 $0x7C00;
	s18 =	simm.s32 $0x7  }
0x3d: {  	s20 =	simm.s32 $0xB;
	[smem:$0x7F6] =	sst s2;
	s2 =	sadd.s32 s31, s21  }
0x3e: {  	v0 =	vimm.f32 $0.0e+00;
	s25 =	simm.s32 $0xA;
	s21 =	simm.s32 $0x100;
	[smem:$0x7F8] =	sst s2  }
.LBB2_1:
0x3f: {  	[smem:$0x7F0] =	sst s11;
	s11 =	simm.s32 $0x0;
	s12 =	simm.s32 $0x200  }
.LBB2_2:
0x40: {  	p0 =	sne.s32 s12, $0x9E00;
	[tilespmem:s11+$0x470] =	vst v0  }
0x41: {  	[tilespmem:s11+$0x400] =	vst v0  }
0x42: {  	[tilespmem:s11+$0x410] =	vst v0  }
.Ltmp0:
0x43: {  	[tilespmem:s11+$0x420] =	vst v0;
	(pc) =	sbr.rel @p0 .LBB2_2-.Ltmp0, $4  }
0x44: {  	[tilespmem:s11+$0x430] =	vst v0  }
0x45: {  	[tilespmem:s11+$0x440] =	vst v0  }
0x46: {  	[tilespmem:s11+$0x450] =	vst v0  }
0x47: {  	[tilespmem:s11+$0x460] =	vst v0;
	s11 =	sshra.s32 s12, $0x2;
	s12 =	sadd.s32 $0x200, s12  }
0x48: {  	[tilespmem:s11+$0x470] =	vst v0  }
0x49: {  	[tilespmem:s11+$0x400] =	vst v0  }
0x4a: {  	[tilespmem:s11+$0x410] =	vst v0  }
0x4b: {  	[tilespmem:s11+$0x420] =	vst v0  }
0x4c: {  	[tilespmem:s11+$0x430] =	vst v0  }
0x4d: {  	[tilespmem:s11+$0x440] =	vst v0  }
0x4e: {  	[tilespmem:s11+$0x450] =	vst v0  }
0x4f: {  	[tilespmem:s11+$0x460] =	vst v0;
	s0 =	rddreg [dreg:$0x16]  }
0x50: {  	[spmem:s0] =	stream.linear.scatter [tilespmem:s6], [sflag:$0xD], $0x2800, $0x38;
	[tilespmem:$0x1E400] =	vst v63  }
0x51: {  	_ =	swait.ge [sflag:s16], $0x2800  }
0x52: {  	[sflag:s16] =	ssyncset.done $0x0  }
0x53: {  	s2 =	rddreg [dreg:$0x17];
	[sflag:s16] =	ssyncadd.s32 $0xFFFFD800  }
0x54: {  	[spmem:s2] =	stream.linear.scatter [tilespmem:s6], [sflag:$0xD], $0x2800, $0x38;
	[tilespmem:$0x1E400] =	vst v63  }
0x55: {  	_ =	swait.ge [sflag:s16], $0x2800  }
0x56: {  	[sflag:s16] =	ssyncset.done $0x0  }
0x57: {  	s11 =	rddreg [dreg:$0x18];
	[sflag:s16] =	ssyncadd.s32 $0xFFFFD800  }
0x58: {  	[spmem:s11] =	stream.linear.scatter [tilespmem:s6], [sflag:$0xD], $0x2800, $0x38;
	[tilespmem:$0x1E400] =	vst v63  }
0x59: {  	_ =	swait.ge [sflag:s16], $0x2800  }
0x5a: {  	[sflag:s16] =	ssyncset.done $0x0  }
0x5b: {  	s12 =	rddreg [dreg:$0x19];
	[sflag:s16] =	ssyncadd.s32 $0xFFFFD800  }
0x5c: {  	[spmem:s12] =	stream.linear.scatter [tilespmem:s6], [sflag:$0xD], $0x2800, $0x38;
	[tilespmem:$0x1E400] =	vst v63  }
0x5d: {  	_ =	swait.ge [sflag:s16], $0x2800  }
0x5e: {  	[sflag:s16] =	ssyncset.done $0x0  }
0x5f: {  	s2 =	rddreg [dreg:$0x1a];
	[sflag:s16] =	ssyncadd.s32 $0xFFFFD800  }
0x60: {  	[spmem:s2] =	stream.linear.scatter [tilespmem:s6], [sflag:$0xD], $0x2800, $0x38;
	[tilespmem:$0x1E400] =	vst v63  }
0x61: {  	_ =	swait.ge [sflag:s16], $0x2800  }
0x62: {  	[sflag:s16] =	ssyncset.done $0x0  }
0x63: {  	s11 =	rddreg [dreg:$0x1b];
	[sflag:s16] =	ssyncadd.s32 $0xFFFFD800  }
0x64: {  	[spmem:s11] =	stream.linear.scatter [tilespmem:s6], [sflag:$0xD], $0x2800, $0x38;
	[tilespmem:$0x1E400] =	vst v63  }
0x65: {  	_ =	swait.ge [sflag:s16], $0x2800  }
0x66: {  	[sflag:s16] =	ssyncset.done $0x0  }
0x67: {  	s12 =	rddreg [dreg:$0x1c];
	[sflag:s16] =	ssyncadd.s32 $0xFFFFD800  }
0x68: {  	[spmem:s12] =	stream.linear.scatter [tilespmem:s6], [sflag:$0xD], $0x2800, $0x38;
	[tilespmem:$0x1E400] =	vst v63  }
0x69: {  	_ =	swait.ge [sflag:s16], $0x2800  }
0x6a: {  	[sflag:s16] =	ssyncset.done $0x0  }
0x6b: {  	[sflag:s16] =	ssyncadd.s32 $0xFFFFD800  }
0x6c: {  	[spmem:s17] =	stream.linear.scatter [tilespmem:s6], [sflag:$0xD], $0x2800, $0x38;
	[tilespmem:$0x1E400] =	vst v63  }
0x6d: {  	_ =	swait.ge [sflag:s16], $0x2800  }
0x6e: {  	[sflag:s16] =	ssyncset.done $0x0  }
0x6f: {  	[sflag:s16] =	ssyncadd.s32 $0xFFFFD800  }
0x70: {  	[bflag:$0x0] =	sbarrier.arrive $0xFFFF  }
0x71: {  	s2 =	sld [smem:$0x7F3];
	_ =	sdelay $0x1  }
0x72: {  	s11 =	simm.s32 $0x0;
	s12 =	sld [smem:$0x7F4]  }
0x73: {  	[tilespmem:s11], [sflag:$0x1] =	stream.linear.gather [hbm4b:s2+s11], $0x50, $0x38;
	[tilespmem:$0x1E400] =	vst v63  }
0x74: {  	s16 =	simm.s32 $0x200;
	s17 =	rddreg [dreg:$0x1e]  }
0x75: {  	[tilespmem:s16], [sflag:$0x1] =	stream.linear.gather [hbm4b:s12+s11], $0x50, $0x38;
	[tilespmem:$0x1E400] =	vst v63  }
0x76: {  	s2 =	rddreg [dreg:$0x1f]  }
0x77: {  	[tilespmem:s26], [sflag:$0x2] =	stream.linear.gather [hbm4b:s17+s11], $0x50, $0x38;
	[tilespmem:$0x1E400] =	vst v63  }
0x78: {  	s12 =	sld [smem:$0x7F1]  }
0x79: {  	[tilespmem:s14], [sflag:$0x2] =	stream.linear.gather [hbm4b:s2+s11], $0x50, $0x38;
	[tilespmem:$0x1E400] =	vst v63  }
0x7a: {  	s17 =	sld [smem:$0x7F2]  }
0x7b: {  	[tilespmem:s21], [sflag:$0x3] =	stream.linear.gather [hbm4b:s12+s11], $0x50, $0x38;
	[tilespmem:$0x1E400] =	vst v63  }
0x7c: {  	s2 =	simm.s32 $0x300;
	s12 =	sld [smem:$0x7F5]  }
0x7d: {  	[tilespmem:s2], [sflag:$0x3] =	stream.linear.gather [hbm4b:s17+s11], $0x50, $0x38;
	[tilespmem:$0x1E400] =	vst v63  }
0x7e: {  	s17 =	sld [smem:$0x7F6]  }
0x7f: {  	[tilespmem:s1], [sflag:$0x4] =	stream.linear.gather [hbm4b:s12+s11], $0x50, $0x38;
	[tilespmem:$0x1E400] =	vst v63  }
0x80: {  	s12 =	simm.s32 $0x380  }
0x81: {  	[tilespmem:s12], [sflag:$0x4] =	stream.linear.gather [hbm4b:s17+s11], $0x50, $0x38;
	[tilespmem:$0x1E400] =	vst v63  }
0x82: {  	s17 =	simm.s32 $0x1  }
0x83: {  	_ =	swait.ge [sflag:s17], $0x50  }
0x84: {  	[sflag:s17] =	ssyncset.done $0x0  }
0x85: {  	[sflag:s17] =	ssyncadd.s32 $0xFFFFFFB0  }
0x86: {  	_ =	swait.ge [sflag:s17], $0x50  }
0x87: {  	[sflag:s17] =	ssyncset.done $0x0  }
0x88: {  	[sflag:s17] =	ssyncadd.s32 $0xFFFFFFB0  }
0x89: {  	[tilespmem:s6], [sflag:$0x5] =	stream.indirect.gather [hbm4b:s30+s5], $0x80, s16, s5, $0xb8;
	[tilespmem:$0x1E400] =	vst v63  }
0x8a: {  	s12 =	rddreg [dreg:$0x13]  }
0x8b: {  	[tilespmem:s8], [sflag:$0x7] =	stream.linear.gather [hbm4b:s12+s11], $0x2800, $0x38;
	[tilespmem:$0x1E400] =	vst v63  }
0x8c: {  	_ =	swait.ge [sflag:s7], $0x50  }
0x8d: {  	[sflag:s7] =	ssyncset.done $0x0  }
0x8e: {  	[sflag:s7] =	ssyncadd.s32 $0xFFFFFFB0  }
0x8f: {  	_ =	swait.ge [sflag:s7], $0x50  }
0x90: {  	[sflag:s7] =	ssyncset.done $0x0  }
0x91: {  	[sflag:s7] =	ssyncadd.s32 $0xFFFFFFB0  }
0x92: {  	[tilespmem:s9], [sflag:$0x6] =	stream.indirect.gather [hbm4b:s30+s5], $0x80, s14, s5, $0xb8;
	[tilespmem:$0x1E400] =	vst v63  }
0x93: {  	s17 =	rddreg [dreg:$0x14]  }
0x94: {  	[tilespmem:s15], [sflag:$0x8] =	stream.linear.gather [hbm4b:s17+s11], $0x2800, $0x38;
	[tilespmem:$0x1E400] =	vst v63  }
0x95: {  	_ =	swait.ge [sflag:s10], $0x2800  }
0x96: {  	[sflag:s10] =	ssyncset.done $0x0  }
0x97: {  	[sflag:s10] =	ssyncadd.s32 $0xFFFFD800  }
0x98: {  	_ =	swait.ge [sflag:s18], $0x2800  }
0x99: {  	[sflag:s18] =	ssyncset.done $0x0  }
0x9a: {  	[sflag:s18] =	ssyncadd.s32 $0xFFFFD800  }
0x9b: {  	[spmem:s3] =	stream.indirect.scatter.add.f32 [tilespmem:s6], [sflag:$0x9], $0x80, s4, s5, $0xb8;
	[tilespmem:$0x1E400] =	vst v63  }
0x9c: {  	_ = 	snop  }
0x9d: {  	[spmem:s3] =	stream.indirect.scatter.add.f32 [tilespmem:s8], [sflag:$0xB], $0x80, s4, s5, $0xb8;
	[tilespmem:$0x1E400] =	vst v63  }
0x9e: {  	_ =	swait.ge [sflag:s19], $0x2800  }
0x9f: {  	[sflag:s19] =	ssyncset.done $0x0  }
0xa0: {  	[sflag:s19] =	ssyncadd.s32 $0xFFFFD800  }
0xa1: {  	_ =	swait.ge [sflag:s20], $0x2800  }
0xa2: {  	s17 =	sld [smem:$0x7FD];
	_ =	sdelay $0x2  }
0xa3: {  	[sflag:s20] =	ssyncset.done $0x0;
	s11 =	sshrl.u32 s17, $0x3  }
0xa4: {  	[sflag:s20] =	ssyncadd.s32 $0xFFFFD800;
	s0 =	sadd.s32 s28, s11  }
0xa5: {  	[tilespmem:s4], [sflag:$0x1] =	stream.linear.gather [hbm4b:s0+s4], $0x50, $0x38;
	[tilespmem:$0x1E400] =	vst v63  }
0xa6: {  	s11 =	sadd.s32 s31, s11  }
0xa7: {  	[tilespmem:s16], [sflag:$0x1] =	stream.linear.gather [hbm4b:s11+s4], $0x50, $0x38;
	[tilespmem:$0x1E400] =	vst v63  }
0xa8: {  	_ =	swait.ge [sflag:s22], $0x50  }
0xa9: {  	[sflag:s22] =	ssyncset.done $0x0  }
0xaa: {  	[sflag:s22] =	ssyncadd.s32 $0xFFFFFFB0  }
0xab: {  	_ =	swait.ge [sflag:s22], $0x50  }
0xac: {  	[sflag:s22] =	ssyncset.done $0x0;
	s0 =	sld [smem:$0x7FC]  }
0xad: {  	[sflag:s22] =	ssyncadd.s32 $0xFFFFFFB0  }
0xae: {  	[tilespmem:s6], [sflag:$0x5] =	stream.indirect.gather [hbm4b:s30+s5], $0x80, s2, s5, $0xb8;
	[tilespmem:$0x1E400] =	vst v63  }
0xaf: {  	s31 =	sadd.s32 $0xFFFFFB00, s0  }
0xb0: {  	[tilespmem:s8], [sflag:$0x7] =	stream.linear.gather [hbm4b:s31+s4], $0x2800, $0x38;
	[tilespmem:$0x1E400] =	vst v63  }
0xb1: {  	_ =	swait.ge [sflag:s23], $0x2800  }
0xb2: {  	[sflag:s23] =	ssyncset.done $0x0  }
0xb3: {  	[sflag:s23] =	ssyncadd.s32 $0xFFFFD800  }
0xb4: {  	_ =	swait.ge [sflag:s24], $0x2800  }
0xb5: {  	[sflag:s24] =	ssyncset.done $0x0  }
0xb6: {  	[sflag:s24] =	ssyncadd.s32 $0xFFFFD800  }
0xb7: {  	[spmem:s3] =	stream.indirect.scatter.add.f32 [tilespmem:s9], [sflag:$0xA], $0x80, s26, s5, $0xb8;
	[tilespmem:$0x1E400] =	vst v63  }
0xb8: {  	_ = 	snop  }
0xb9: {  	[spmem:s3] =	stream.indirect.scatter.add.f32 [tilespmem:s15], [sflag:$0xC], $0x80, s26, s5, $0xb8;
	[tilespmem:$0x1E400] =	vst v63  }
0xba: {  	_ =	swait.ge [sflag:s25], $0x2800  }
0xbb: {  	[sflag:s25] =	ssyncset.done $0x0  }
0xbc: {  	[sflag:s25] =	ssyncadd.s32 $0xFFFFD800  }
0xbd: {  	_ =	swait.ge [sflag:s13], $0x2800  }
0xbe: {  	s12 =	rddreg [dreg:$0x9];
	[sflag:s13] =	ssyncset.done $0x0  }
0xbf: {  	s31 =	rddreg [dreg:$0x8];
	[sflag:s13] =	ssyncadd.s32 $0xFFFFD800;
	s11 =	sadd.s32 $0x0, s12  }
0xc0: {  	[tilespmem:s26], [sflag:$0x2] =	stream.linear.gather [hbm4b:s11+s4], $0x50, $0x38;
	[tilespmem:$0x1E400] =	vst v63  }
0xc1: {  	s26 =	sadd.s32 $0x0, s31  }
0xc2: {  	[tilespmem:s14], [sflag:$0x2] =	stream.linear.gather [hbm4b:s26+s4], $0x50, $0x38;
	[tilespmem:$0x1E400] =	vst v63  }
0xc3: {  	_ =	swait.ge [sflag:s29], $0x50  }
0xc4: {  	[sflag:s29] =	ssyncset.done $0x0  }
0xc5: {  	[sflag:s29] =	ssyncadd.s32 $0xFFFFFFB0  }
0xc6: {  	_ =	swait.ge [sflag:s29], $0x50  }
0xc7: {  	[sflag:s29] =	ssyncset.done $0x0  }
0xc8: {  	s26 =	simm.s32 $0x380;
	[sflag:s29] =	ssyncadd.s32 $0xFFFFFFB0  }
0xc9: {  	[tilespmem:s9], [sflag:$0x6] =	stream.indirect.gather [hbm4b:s30+s5], $0x80, s26, s5, $0xb8;
	[tilespmem:$0x1E400] =	vst v63  }
0xca: {  	_ = 	snop  }
0xcb: {  	[tilespmem:s15], [sflag:$0x8] =	stream.linear.gather [hbm4b:s0+s4], $0x2800, $0x38;
	[tilespmem:$0x1E400] =	vst v63  }
0xcc: {  	_ =	swait.ge [sflag:s10], $0x2800  }
0xcd: {  	[sflag:s10] =	ssyncset.done $0x0  }
0xce: {  	[sflag:s10] =	ssyncadd.s32 $0xFFFFD800  }
0xcf: {  	_ =	swait.ge [sflag:s18], $0x2800  }
0xd0: {  	[sflag:s18] =	ssyncset.done $0x0  }
0xd1: {  	[sflag:s18] =	ssyncadd.s32 $0xFFFFD800  }
0xd2: {  	[spmem:s3] =	stream.indirect.scatter.add.f32 [tilespmem:s6], [sflag:$0x9], $0x80, s21, s5, $0xb8;
	[tilespmem:$0x1E400] =	vst v63  }
0xd3: {  	_ = 	snop  }
0xd4: {  	[spmem:s3] =	stream.indirect.scatter.add.f32 [tilespmem:s8], [sflag:$0xB], $0x80, s21, s5, $0xb8;
	[tilespmem:$0x1E400] =	vst v63  }
0xd5: {  	_ =	swait.ge [sflag:s19], $0x2800  }
0xd6: {  	[sflag:s19] =	ssyncset.done $0x0  }
0xd7: {  	[sflag:s19] =	ssyncadd.s32 $0xFFFFD800  }
0xd8: {  	_ =	swait.ge [sflag:s20], $0x2800  }
0xd9: {  	s31 =	rddreg [dreg:$0x7];
	[sflag:s20] =	ssyncset.done $0x0  }
0xda: {  	s10 =	rddreg [dreg:$0x6];
	[sflag:s20] =	ssyncadd.s32 $0xFFFFD800;
	s11 =	sadd.s32 $0x0, s31  }
0xdb: {  	[tilespmem:s21], [sflag:$0x3] =	stream.linear.gather [hbm4b:s11+s4], $0x50, $0x38;
	[tilespmem:$0x1E400] =	vst v63  }
0xdc: {  	s18 =	simm.s32 $0x1;
	s12 =	sadd.s32 $0x0, s10  }
0xdd: {  	[tilespmem:s2], [sflag:$0x3] =	stream.linear.gather [hbm4b:s12+s4], $0x50, $0x38;
	[tilespmem:$0x1E400] =	vst v63  }
0xde: {  	_ =	swait.ge [sflag:s18], $0x50  }
0xdf: {  	[sflag:s18] =	ssyncset.done $0x0  }
0xe0: {  	[sflag:s18] =	ssyncadd.s32 $0xFFFFFFB0  }
0xe1: {  	_ =	swait.ge [sflag:s18], $0x50  }
0xe2: {  	[sflag:s18] =	ssyncset.done $0x0  }
0xe3: {  	[sflag:s18] =	ssyncadd.s32 $0xFFFFFFB0  }
0xe4: {  	[tilespmem:s6], [sflag:$0x5] =	stream.indirect.gather [hbm4b:s30+s5], $0x80, s16, s5, $0xb8;
	[tilespmem:$0x1E400] =	vst v63  }
0xe5: {  	s19 =	sadd.s32 $0x500, s0  }
0xe6: {  	[tilespmem:s8], [sflag:$0x7] =	stream.linear.gather [hbm4b:s19+s4], $0x2800, $0x38;
	[tilespmem:$0x1E400] =	vst v63  }
0xe7: {  	_ =	swait.ge [sflag:s23], $0x2800  }
0xe8: {  	[sflag:s23] =	ssyncset.done $0x0  }
0xe9: {  	[sflag:s23] =	ssyncadd.s32 $0xFFFFD800  }
0xea: {  	_ =	swait.ge [sflag:s24], $0x2800  }
0xeb: {  	[sflag:s24] =	ssyncset.done $0x0  }
0xec: {  	[sflag:s24] =	ssyncadd.s32 $0xFFFFD800  }
0xed: {  	[spmem:s3] =	stream.indirect.scatter.add.f32 [tilespmem:s9], [sflag:$0xA], $0x80, s1, s5, $0xb8;
	[tilespmem:$0x1E400] =	vst v63  }
0xee: {  	_ = 	snop  }
0xef: {  	[spmem:s3] =	stream.indirect.scatter.add.f32 [tilespmem:s15], [sflag:$0xC], $0x80, s1, s5, $0xb8;
	[tilespmem:$0x1E400] =	vst v63  }
0xf0: {  	_ =	swait.ge [sflag:s25], $0x2800  }
0xf1: {  	[sflag:s25] =	ssyncset.done $0x0  }
0xf2: {  	[sflag:s25] =	ssyncadd.s32 $0xFFFFD800  }
0xf3: {  	_ =	swait.ge [sflag:s13], $0x2800  }
0xf4: {  	s20 =	rddreg [dreg:$0x5];
	[sflag:s13] =	ssyncset.done $0x0  }
0xf5: {  	s21 =	rddreg [dreg:$0x4];
	[sflag:s13] =	ssyncadd.s32 $0xFFFFD800;
	s11 =	sadd.s32 $0x0, s20  }
0xf6: {  	[tilespmem:s1], [sflag:$0x4] =	stream.linear.gather [hbm4b:s11+s4], $0x50, $0x38;
	[tilespmem:$0x1E400] =	vst v63  }
0xf7: {  	s31 =	sadd.s32 $0x0, s21  }
0xf8: {  	[tilespmem:s26], [sflag:$0x4] =	stream.linear.gather [hbm4b:s31+s4], $0x50, $0x38;
	[tilespmem:$0x1E400] =	vst v63  }
0xf9: {  	s10 =	simm.s32 $0x2;
	_ =	swait.ge [sflag:s7], $0x50  }
0xfa: {  	s12 =	simm.s32 $0x28;
	s18 =	simm.s32 $0x5;
	[sflag:s7] =	ssyncset.done $0x0  }
0xfb: {  	s6 =	simm.s32 $0x400;
	s16 =	sadd.s32 $0x1400, s0;
	[sflag:s7] =	ssyncadd.s32 $0xFFFFFFB0  }
0xfc: {  	s8 =	simm.s32 $0x5400;
	s19 =	simm.s32 $0x7;
	_ =	swait.ge [sflag:s7], $0x50  }
0xfd: {  	s15 =	smov.u32 s30;
	s21 =	simm.s32 $0xB;
	[sflag:s7] =	ssyncset.done $0x0  }
0xfe: {  	s20 =	simm.s32 $0x9;
	s11 =	sadd.s32 $0x140, s17;
	[sflag:s7] =	ssyncadd.s32 $0xFFFFFFB0  }
0xff: {  	[tilespmem:s9], [sflag:$0x6] =	stream.indirect.gather [hbm4b:s30+s5], $0x80, s14, s5, $0xb8;
	[tilespmem:$0x1E400] =	vst v63  }
0x100: {  	s26 =	simm.s32 $0x7C00;
	s9 =	simm.s32 $0x2C00;
	s14 =	sadd.s32 $0xA00, s0  }
.LBB2_4:
0x101: {  	[tilespmem:s26], [sflag:$0x8] =	stream.linear.gather [hbm4b:s14+s4], $0x2800, $0x38;
	[tilespmem:$0x1E400] =	vst v63  }
0x102: {  	_ =	swait.ge [sflag:s18], $0x2800  }
0x103: {  	[sflag:s18] =	ssyncset.done $0x0  }
0x104: {  	[sflag:s18] =	ssyncadd.s32 $0xFFFFD800  }
0x105: {  	_ =	swait.ge [sflag:s19], $0x2800  }
0x106: {  	[sflag:s19] =	ssyncset.done $0x0  }
0x107: {  	[sflag:s19] =	ssyncadd.s32 $0xFFFFD800  }
0x108: {  	[spmem:s3] =	stream.indirect.scatter.add.f32 [tilespmem:s6], [sflag:$0x9], $0x80, s4, s5, $0xb8;
	[tilespmem:$0x1E400] =	vst v63  }
0x109: {  	_ = 	snop  }
0x10a: {  	[spmem:s3] =	stream.indirect.scatter.add.f32 [tilespmem:s8], [sflag:$0xB], $0x80, s4, s5, $0xb8;
	[tilespmem:$0x1E400] =	vst v63  }
0x10b: {  	_ =	swait.ge [sflag:s20], $0x2800  }
0x10c: {  	[sflag:s20] =	ssyncset.done $0x0  }
0x10d: {  	[sflag:s20] =	ssyncadd.s32 $0xFFFFD800  }
0x10e: {  	_ =	swait.ge [sflag:s21], $0x2800  }
0x10f: {  	s17 =	sshrl.u32 s11, $0x3;
	s0 =	smov.u32 s28;
	[sflag:s21] =	ssyncset.done $0x0  }
0x110: {  	s28 =	sadd.s32 s28, s17;
	s1 =	rddreg [dreg:$0xa];
	[sflag:s21] =	ssyncadd.s32 $0xFFFFD800  }
0x111: {  	[tilespmem:s4], [sflag:$0x1] =	stream.linear.gather [hbm4b:s28+s4], $0x50, $0x38;
	[tilespmem:$0x1E400] =	vst v63  }
0x112: {  	s30 =	simm.s32 $0x200;
	s17 =	sadd.s32 s1, s17  }
0x113: {  	[tilespmem:s30], [sflag:$0x1] =	stream.linear.gather [hbm4b:s17+s4], $0x50, $0x38;
	[tilespmem:$0x1E400] =	vst v63  }
0x114: {  	_ =	swait.ge [sflag:s22], $0x50  }
0x115: {  	[sflag:s22] =	ssyncset.done $0x0  }
0x116: {  	[sflag:s22] =	ssyncadd.s32 $0xFFFFFFB0  }
0x117: {  	_ =	swait.ge [sflag:s22], $0x50  }
0x118: {  	[sflag:s22] =	ssyncset.done $0x0  }
0x119: {  	s2 =	simm.s32 $0x300;
	[sflag:s22] =	ssyncadd.s32 $0xFFFFFFB0  }
0x11a: {  	[tilespmem:s6], [sflag:$0x5] =	stream.indirect.gather [hbm4b:s15+s5], $0x80, s2, s5, $0xb8;
	[tilespmem:$0x1E400] =	vst v63  }
0x11b: {  	s1 =	sadd.s32 $0xFFFFFB00, s16  }
0x11c: {  	[tilespmem:s8], [sflag:$0x7] =	stream.linear.gather [hbm4b:s1+s4], $0x2800, $0x38;
	[tilespmem:$0x1E400] =	vst v63  }
0x11d: {  	_ =	swait.ge [sflag:s23], $0x2800  }
0x11e: {  	[sflag:s23] =	ssyncset.done $0x0  }
0x11f: {  	[sflag:s23] =	ssyncadd.s32 $0xFFFFD800  }
0x120: {  	_ =	swait.ge [sflag:s24], $0x2800  }
0x121: {  	[sflag:s24] =	ssyncset.done $0x0  }
0x122: {  	s1 =	simm.s32 $0x80;
	[sflag:s24] =	ssyncadd.s32 $0xFFFFD800  }
0x123: {  	[spmem:s3] =	stream.indirect.scatter.add.f32 [tilespmem:s9], [sflag:$0xA], $0x80, s1, s5, $0xb8;
	[tilespmem:$0x1E400] =	vst v63  }
0x124: {  	_ = 	snop  }
0x125: {  	[spmem:s3] =	stream.indirect.scatter.add.f32 [tilespmem:s26], [sflag:$0xC], $0x80, s1, s5, $0xb8;
	[tilespmem:$0x1E400] =	vst v63  }
0x126: {  	_ =	swait.ge [sflag:s25], $0x2800  }
0x127: {  	[sflag:s25] =	ssyncset.done $0x0  }
0x128: {  	[sflag:s25] =	ssyncadd.s32 $0xFFFFD800  }
0x129: {  	_ =	swait.ge [sflag:s13], $0x2800  }
0x12a: {  	s14 =	smov.u32 s12;
	s7 =	rddreg [dreg:$0x9];
	[sflag:s13] =	ssyncset.done $0x0  }
0x12b: {  	s28 =	rddreg [dreg:$0x8];
	[sflag:s13] =	ssyncadd.s32 $0xFFFFD800;
	s17 =	sadd.s32 s14, s7  }
0x12c: {  	[tilespmem:s1], [sflag:$0x2] =	stream.linear.gather [hbm4b:s17+s4], $0x50, $0x38;
	[tilespmem:$0x1E400] =	vst v63  }
0x12d: {  	s7 =	simm.s32 $0x280;
	s1 =	sadd.s32 s14, s28  }
0x12e: {  	[tilespmem:s7], [sflag:$0x2] =	stream.linear.gather [hbm4b:s1+s4], $0x50, $0x38;
	[tilespmem:$0x1E400] =	vst v63  }
0x12f: {  	_ =	swait.ge [sflag:s29], $0x50  }
0x130: {  	[sflag:s29] =	ssyncset.done $0x0  }
0x131: {  	[sflag:s29] =	ssyncadd.s32 $0xFFFFFFB0  }
0x132: {  	_ =	swait.ge [sflag:s29], $0x50  }
0x133: {  	[sflag:s29] =	ssyncset.done $0x0  }
0x134: {  	s1 =	simm.s32 $0x380;
	[sflag:s29] =	ssyncadd.s32 $0xFFFFFFB0  }
0x135: {  	[tilespmem:s9], [sflag:$0x6] =	stream.indirect.gather [hbm4b:s15+s5], $0x80, s1, s5, $0xb8;
	[tilespmem:$0x1E400] =	vst v63  }
0x136: {  	_ = 	snop  }
0x137: {  	[tilespmem:s26], [sflag:$0x8] =	stream.linear.gather [hbm4b:s16+s4], $0x2800, $0x38;
	[tilespmem:$0x1E400] =	vst v63  }
0x138: {  	_ =	swait.ge [sflag:s18], $0x2800  }
0x139: {  	[sflag:s18] =	ssyncset.done $0x0  }
0x13a: {  	[sflag:s18] =	ssyncadd.s32 $0xFFFFD800  }
0x13b: {  	_ =	swait.ge [sflag:s19], $0x2800  }
0x13c: {  	[sflag:s19] =	ssyncset.done $0x0  }
0x13d: {  	s31 =	simm.s32 $0x100;
	[sflag:s19] =	ssyncadd.s32 $0xFFFFD800  }
0x13e: {  	[spmem:s3] =	stream.indirect.scatter.add.f32 [tilespmem:s6], [sflag:$0x9], $0x80, s31, s5, $0xb8;
	[tilespmem:$0x1E400] =	vst v63  }
0x13f: {  	_ = 	snop  }
0x140: {  	[spmem:s3] =	stream.indirect.scatter.add.f32 [tilespmem:s8], [sflag:$0xB], $0x80, s31, s5, $0xb8;
	[tilespmem:$0x1E400] =	vst v63  }
0x141: {  	_ =	swait.ge [sflag:s20], $0x2800  }
0x142: {  	[sflag:s20] =	ssyncset.done $0x0  }
0x143: {  	[sflag:s20] =	ssyncadd.s32 $0xFFFFD800  }
0x144: {  	_ =	swait.ge [sflag:s21], $0x2800  }
0x145: {  	s17 =	rddreg [dreg:$0x7];
	[sflag:s21] =	ssyncset.done $0x0  }
0x146: {  	s28 =	rddreg [dreg:$0x6];
	[sflag:s21] =	ssyncadd.s32 $0xFFFFD800;
	s17 =	sadd.s32 s14, s17  }
0x147: {  	[tilespmem:s31], [sflag:$0x3] =	stream.linear.gather [hbm4b:s17+s4], $0x50, $0x38;
	[tilespmem:$0x1E400] =	vst v63  }
0x148: {  	s17 =	sadd.s32 s14, s28  }
0x149: {  	[tilespmem:s2], [sflag:$0x3] =	stream.linear.gather [hbm4b:s17+s4], $0x50, $0x38;
	[tilespmem:$0x1E400] =	vst v63  }
0x14a: {  	s2 =	simm.s32 $0x1  }
0x14b: {  	_ =	swait.ge [sflag:s2], $0x50  }
0x14c: {  	[sflag:s2] =	ssyncset.done $0x0  }
0x14d: {  	[sflag:s2] =	ssyncadd.s32 $0xFFFFFFB0  }
0x14e: {  	_ =	swait.ge [sflag:s2], $0x50  }
0x14f: {  	[sflag:s2] =	ssyncset.done $0x0  }
0x150: {  	[sflag:s2] =	ssyncadd.s32 $0xFFFFFFB0  }
0x151: {  	[tilespmem:s6], [sflag:$0x5] =	stream.indirect.gather [hbm4b:s15+s5], $0x80, s30, s5, $0xb8;
	[tilespmem:$0x1E400] =	vst v63  }
0x152: {  	s30 =	sadd.s32 $0x500, s16  }
0x153: {  	[tilespmem:s8], [sflag:$0x7] =	stream.linear.gather [hbm4b:s30+s4], $0x2800, $0x38;
	[tilespmem:$0x1E400] =	vst v63  }
0x154: {  	_ =	swait.ge [sflag:s23], $0x2800  }
0x155: {  	[sflag:s23] =	ssyncset.done $0x0  }
0x156: {  	[sflag:s23] =	ssyncadd.s32 $0xFFFFD800  }
0x157: {  	_ =	swait.ge [sflag:s24], $0x2800  }
0x158: {  	[sflag:s24] =	ssyncset.done $0x0  }
0x159: {  	s30 =	simm.s32 $0x180;
	[sflag:s24] =	ssyncadd.s32 $0xFFFFD800  }
0x15a: {  	[spmem:s3] =	stream.indirect.scatter.add.f32 [tilespmem:s9], [sflag:$0xA], $0x80, s30, s5, $0xb8;
	[tilespmem:$0x1E400] =	vst v63  }
0x15b: {  	_ = 	snop  }
0x15c: {  	[spmem:s3] =	stream.indirect.scatter.add.f32 [tilespmem:s26], [sflag:$0xC], $0x80, s30, s5, $0xb8;
	[tilespmem:$0x1E400] =	vst v63  }
0x15d: {  	_ =	swait.ge [sflag:s25], $0x2800  }
0x15e: {  	[sflag:s25] =	ssyncset.done $0x0  }
0x15f: {  	[sflag:s25] =	ssyncadd.s32 $0xFFFFD800  }
0x160: {  	_ =	swait.ge [sflag:s13], $0x2800  }
0x161: {  	s17 =	rddreg [dreg:$0x5];
	[sflag:s13] =	ssyncset.done $0x0  }
0x162: {  	s28 =	rddreg [dreg:$0x4];
	[sflag:s13] =	ssyncadd.s32 $0xFFFFD800;
	s17 =	sadd.s32 s14, s17  }
0x163: {  	[tilespmem:s30], [sflag:$0x4] =	stream.linear.gather [hbm4b:s17+s4], $0x50, $0x38;
	[tilespmem:$0x1E400] =	vst v63  }
0x164: {  	s14 =	sadd.s32 s14, s28  }
0x165: {  	[tilespmem:s1], [sflag:$0x4] =	stream.linear.gather [hbm4b:s14+s4], $0x50, $0x38;
	[tilespmem:$0x1E400] =	vst v63  }
0x166: {  	_ =	swait.ge [sflag:s10], $0x50  }
0x167: {  	p0 =	sne.s32 s12, $0x488;
	[sflag:s10] =	ssyncset.done $0x0  }
.Ltmp1:
0x168: {  	s12 =	sadd.s32 $0x28, s12;
	[sflag:s10] =	ssyncadd.s32 $0xFFFFFFB0;
	(pc) =	sbr.rel @p0 .LBB2_4-.Ltmp1, $4  }
0x169: {  	s11 =	sadd.s32 $0x140, s11;
	s31 =	simm.s32 $0x300;
	_ =	swait.ge [sflag:s10], $0x50  }
0x16a: {  	s28 =	smov.u32 s0;
	s17 =	simm.s32 $0x380;
	[sflag:s10] =	ssyncset.done $0x0  }
0x16b: {  	s14 =	sadd.s32 $0xA00, s16;
	s16 =	sadd.s32 $0x1400, s16;
	[sflag:s10] =	ssyncadd.s32 $0xFFFFFFB0  }
0x16c: {  	[tilespmem:s9], [sflag:$0x6] =	stream.indirect.gather [hbm4b:s15+s5], $0x80, s7, s5, $0xb8;
	[tilespmem:$0x1E400] =	vst v63  }
0x16d: {  	[tilespmem:s26], [sflag:$0x8] =	stream.linear.gather [hbm4b:s14+s4], $0x2800, $0x38;
	[tilespmem:$0x1E400] =	vst v63  }
0x16e: {  	_ =	swait.ge [sflag:s18], $0x2800  }
0x16f: {  	[sflag:s18] =	ssyncset.done $0x0  }
0x170: {  	[sflag:s18] =	ssyncadd.s32 $0xFFFFD800  }
0x171: {  	_ =	swait.ge [sflag:s19], $0x2800  }
0x172: {  	[sflag:s19] =	ssyncset.done $0x0  }
0x173: {  	[sflag:s19] =	ssyncadd.s32 $0xFFFFD800  }
0x174: {  	[spmem:s3] =	stream.indirect.scatter.add.f32 [tilespmem:s6], [sflag:$0x9], $0x80, s4, s5, $0xb8;
	[tilespmem:$0x1E400] =	vst v63  }
0x175: {  	_ = 	snop  }
0x176: {  	[spmem:s3] =	stream.indirect.scatter.add.f32 [tilespmem:s8], [sflag:$0xB], $0x80, s4, s5, $0xb8;
	[tilespmem:$0x1E400] =	vst v63  }
0x177: {  	_ =	swait.ge [sflag:s20], $0x2800  }
0x178: {  	[sflag:s20] =	ssyncset.done $0x0  }
0x179: {  	[sflag:s20] =	ssyncadd.s32 $0xFFFFD800  }
0x17a: {  	_ =	swait.ge [sflag:s21], $0x2800  }
0x17b: {  	s0 =	sld [smem:$0x7F7]  }
0x17c: {  	[sflag:s21] =	ssyncset.done $0x0  }
0x17d: {  	s12 =	sld [smem:$0x7F8];
	[sflag:s21] =	ssyncadd.s32 $0xFFFFD800  }
0x17e: {  	[tilespmem:s4], [sflag:$0x1] =	stream.linear.gather [hbm4b:s0+s4], $0x50, $0x38;
	[tilespmem:$0x1E400] =	vst v63  }
0x17f: {  	s11 =	simm.s32 $0x200  }
0x180: {  	[tilespmem:s11], [sflag:$0x1] =	stream.linear.gather [hbm4b:s12+s4], $0x50, $0x38;
	[tilespmem:$0x1E400] =	vst v63  }
0x181: {  	_ =	swait.ge [sflag:s22], $0x50  }
0x182: {  	[sflag:s22] =	ssyncset.done $0x0  }
0x183: {  	[sflag:s22] =	ssyncadd.s32 $0xFFFFFFB0  }
0x184: {  	_ =	swait.ge [sflag:s22], $0x50  }
0x185: {  	[sflag:s22] =	ssyncset.done $0x0  }
0x186: {  	s14 =	sld [smem:$0x7F9];
	[sflag:s22] =	ssyncadd.s32 $0xFFFFFFB0  }
0x187: {  	[tilespmem:s6], [sflag:$0x5] =	stream.indirect.gather [hbm4b:s15+s5], $0x80, s31, s5, $0xb8;
	[tilespmem:$0x1E400] =	vst v63  }
0x188: {  	_ = 	snop  }
0x189: {  	[tilespmem:s8], [sflag:$0x7] =	stream.linear.gather [hbm4b:s14+s4], $0x2800, $0x38;
	[tilespmem:$0x1E400] =	vst v63  }
0x18a: {  	_ =	swait.ge [sflag:s23], $0x2800  }
0x18b: {  	[sflag:s23] =	ssyncset.done $0x0  }
0x18c: {  	[sflag:s23] =	ssyncadd.s32 $0xFFFFD800  }
0x18d: {  	_ =	swait.ge [sflag:s24], $0x2800  }
0x18e: {  	[sflag:s24] =	ssyncset.done $0x0  }
0x18f: {  	s16 =	simm.s32 $0x80;
	[sflag:s24] =	ssyncadd.s32 $0xFFFFD800  }
0x190: {  	[spmem:s3] =	stream.indirect.scatter.add.f32 [tilespmem:s9], [sflag:$0xA], $0x80, s16, s5, $0xb8;
	[tilespmem:$0x1E400] =	vst v63  }
0x191: {  	_ = 	snop  }
0x192: {  	[spmem:s3] =	stream.indirect.scatter.add.f32 [tilespmem:s26], [sflag:$0xC], $0x80, s16, s5, $0xb8;
	[tilespmem:$0x1E400] =	vst v63  }
0x193: {  	_ =	swait.ge [sflag:s25], $0x2800  }
0x194: {  	[sflag:s25] =	ssyncset.done $0x0  }
0x195: {  	[sflag:s25] =	ssyncadd.s32 $0xFFFFD800  }
0x196: {  	_ =	swait.ge [sflag:s13], $0x2800  }
0x197: {  	[sflag:s13] =	ssyncset.done $0x0  }
0x198: {  	[sflag:s13] =	ssyncadd.s32 $0xFFFFD800  }
0x199: {  	_ =	swait.ge [sflag:s29], $0x50  }
0x19a: {  	[sflag:s29] =	ssyncset.done $0x0  }
0x19b: {  	[sflag:s29] =	ssyncadd.s32 $0xFFFFFFB0  }
0x19c: {  	_ =	swait.ge [sflag:s29], $0x50  }
0x19d: {  	[sflag:s29] =	ssyncset.done $0x0  }
0x19e: {  	[sflag:s29] =	ssyncadd.s32 $0xFFFFFFB0  }
0x19f: {  	[tilespmem:s9], [sflag:$0x6] =	stream.indirect.gather [hbm4b:s15+s5], $0x80, s17, s5, $0xb8;
	[tilespmem:$0x1E400] =	vst v63  }
0x1a0: {  	s17 =	sld [smem:$0x7FA];
	_ =	sdelay $0x2  }
0x1a1: {  	[tilespmem:s26], [sflag:$0x8] =	stream.linear.gather [hbm4b:s17+s4], $0x2800, $0x38;
	[tilespmem:$0x1E400] =	vst v63  }
0x1a2: {  	_ =	swait.ge [sflag:s18], $0x2800  }
0x1a3: {  	[sflag:s18] =	ssyncset.done $0x0  }
0x1a4: {  	[sflag:s18] =	ssyncadd.s32 $0xFFFFD800  }
0x1a5: {  	_ =	swait.ge [sflag:s19], $0x2800  }
0x1a6: {  	[sflag:s19] =	ssyncset.done $0x0  }
0x1a7: {  	s1 =	simm.s32 $0x100;
	[sflag:s19] =	ssyncadd.s32 $0xFFFFD800  }
0x1a8: {  	[spmem:s3] =	stream.indirect.scatter.add.f32 [tilespmem:s6], [sflag:$0x9], $0x80, s1, s5, $0xb8;
	[tilespmem:$0x1E400] =	vst v63  }
0x1a9: {  	_ = 	snop  }
0x1aa: {  	[spmem:s3] =	stream.indirect.scatter.add.f32 [tilespmem:s8], [sflag:$0xB], $0x80, s1, s5, $0xb8;
	[tilespmem:$0x1E400] =	vst v63  }
0x1ab: {  	_ =	swait.ge [sflag:s20], $0x2800  }
0x1ac: {  	[sflag:s20] =	ssyncset.done $0x0  }
0x1ad: {  	[sflag:s20] =	ssyncadd.s32 $0xFFFFD800  }
0x1ae: {  	_ =	swait.ge [sflag:s21], $0x2800  }
0x1af: {  	[sflag:s21] =	ssyncset.done $0x0  }
0x1b0: {  	[sflag:s21] =	ssyncadd.s32 $0xFFFFD800  }
0x1b1: {  	_ =	swait.ge [sflag:s2], $0x50  }
0x1b2: {  	[sflag:s2] =	ssyncset.done $0x0  }
0x1b3: {  	[sflag:s2] =	ssyncadd.s32 $0xFFFFFFB0  }
0x1b4: {  	_ =	swait.ge [sflag:s2], $0x50  }
0x1b5: {  	[sflag:s2] =	ssyncset.done $0x0  }
0x1b6: {  	[sflag:s2] =	ssyncadd.s32 $0xFFFFFFB0  }
0x1b7: {  	[tilespmem:s6], [sflag:$0x5] =	stream.indirect.gather [hbm4b:s15+s5], $0x80, s11, s5, $0xb8;
	[tilespmem:$0x1E400] =	vst v63  }
0x1b8: {  	s2 =	rddreg [dreg:$0x15]  }
0x1b9: {  	[tilespmem:s8], [sflag:$0x7] =	stream.linear.gather [hbm4b:s2+s4], $0x2800, $0x38;
	[tilespmem:$0x1E400] =	vst v63  }
0x1ba: {  	_ =	swait.ge [sflag:s23], $0x2800  }
0x1bb: {  	[sflag:s23] =	ssyncset.done $0x0  }
0x1bc: {  	[sflag:s23] =	ssyncadd.s32 $0xFFFFD800  }
0x1bd: {  	_ =	swait.ge [sflag:s24], $0x2800  }
0x1be: {  	[sflag:s24] =	ssyncset.done $0x0  }
0x1bf: {  	s7 =	simm.s32 $0x180;
	[sflag:s24] =	ssyncadd.s32 $0xFFFFD800  }
0x1c0: {  	[spmem:s3] =	stream.indirect.scatter.add.f32 [tilespmem:s9], [sflag:$0xA], $0x80, s7, s5, $0xb8;
	[tilespmem:$0x1E400] =	vst v63  }
0x1c1: {  	_ = 	snop  }
0x1c2: {  	[spmem:s3] =	stream.indirect.scatter.add.f32 [tilespmem:s26], [sflag:$0xC], $0x80, s7, s5, $0xb8;
	[tilespmem:$0x1E400] =	vst v63  }
0x1c3: {  	_ =	swait.ge [sflag:s25], $0x2800  }
0x1c4: {  	[sflag:s25] =	ssyncset.done $0x0  }
0x1c5: {  	[sflag:s25] =	ssyncadd.s32 $0xFFFFD800  }
0x1c6: {  	_ =	swait.ge [sflag:s13], $0x2800  }
0x1c7: {  	[sflag:s13] =	ssyncset.done $0x0  }
0x1c8: {  	[sflag:s13] =	ssyncadd.s32 $0xFFFFD800  }
0x1c9: {  	_ =	swait.ge [sflag:s18], $0x2800  }
0x1ca: {  	[sflag:s18] =	ssyncset.done $0x0  }
0x1cb: {  	[sflag:s18] =	ssyncadd.s32 $0xFFFFD800  }
0x1cc: {  	_ =	swait.ge [sflag:s19], $0x2800  }
0x1cd: {  	[sflag:s19] =	ssyncset.done $0x0  }
0x1ce: {  	[sflag:s19] =	ssyncadd.s32 $0xFFFFD800  }
0x1cf: {  	[spmem:s3] =	stream.indirect.scatter.add.f32 [tilespmem:s6], [sflag:$0x9], $0x80, s4, s5, $0xb8;
	[tilespmem:$0x1E400] =	vst v63  }
0x1d0: {  	_ = 	snop  }
0x1d1: {  	[spmem:s3] =	stream.indirect.scatter.add.f32 [tilespmem:s8], [sflag:$0xB], $0x80, s4, s5, $0xb8;
	[tilespmem:$0x1E400] =	vst v63  }
0x1d2: {  	_ =	swait.ge [sflag:s20], $0x2800  }
0x1d3: {  	[sflag:s20] =	ssyncset.done $0x0  }
0x1d4: {  	[sflag:s20] =	ssyncadd.s32 $0xFFFFD800  }
0x1d5: {  	_ =	swait.ge [sflag:s21], $0x2800  }
0x1d6: {  	[sflag:s21] =	ssyncset.done $0x0  }
0x1d7: {  	[sflag:s21] =	ssyncadd.s32 $0xFFFFD800  }
0x1d8: {  	s8 =	stileid.u32;
	[bflag:$0x0] =	sbarrier.arrive $0xFFFF  }
0x1d9: {  	s16 =	simm.s32 $0xD;
	s11 =	sshll.u32 s8, $0x6;
	s9 =	rddreg [dreg:$0x16]  }
0x1da: {  	s11 =	sor.u32 $0x1C0D, s11;
	s10 =	rddreg [dreg:$0xb];
	s12 =	sshrl.u32 s9, $0x3  }
0x1db: {  	[hbm:s10], [sflag:s11] =	dma.local [spmem:s12], $0x500  }
0x1dc: {  	_ =	swait.ge [sflag:s16], $0x500  }
0x1dd: {  	[sflag:s16] =	ssyncset.done $0x0;
	s14 =	rddreg [dreg:$0x17]  }
0x1de: {  	s18 =	rddreg [dreg:$0xc];
	[sflag:s16] =	ssyncadd.s32 $0xFFFFFB00;
	s17 =	sshrl.u32 s14, $0x3  }
0x1df: {  	[hbm:s18], [sflag:s11] =	dma.local [spmem:s17], $0x500  }
0x1e0: {  	_ =	swait.ge [sflag:s16], $0x500  }
0x1e1: {  	[sflag:s16] =	ssyncset.done $0x0;
	s19 =	rddreg [dreg:$0x18]  }
0x1e2: {  	s21 =	rddreg [dreg:$0xd];
	[sflag:s16] =	ssyncadd.s32 $0xFFFFFB00;
	s20 =	sshrl.u32 s19, $0x3  }
0x1e3: {  	[hbm:s21], [sflag:s11] =	dma.local [spmem:s20], $0x500  }
0x1e4: {  	_ =	swait.ge [sflag:s16], $0x500  }
0x1e5: {  	[sflag:s16] =	ssyncset.done $0x0;
	s26 =	rddreg [dreg:$0x19]  }
0x1e6: {  	s1 =	rddreg [dreg:$0xe];
	[sflag:s16] =	ssyncadd.s32 $0xFFFFFB00;
	s0 =	sshrl.u32 s26, $0x3  }
0x1e7: {  	[hbm:s1], [sflag:s11] =	dma.local [spmem:s0], $0x500  }
0x1e8: {  	_ =	swait.ge [sflag:s16], $0x500  }
0x1e9: {  	[sflag:s16] =	ssyncset.done $0x0;
	s2 =	rddreg [dreg:$0x1a]  }
0x1ea: {  	s7 =	rddreg [dreg:$0xf];
	[sflag:s16] =	ssyncadd.s32 $0xFFFFFB00;
	s6 =	sshrl.u32 s2, $0x3  }
0x1eb: {  	[hbm:s7], [sflag:s11] =	dma.local [spmem:s6], $0x500  }
0x1ec: {  	_ =	swait.ge [sflag:s16], $0x500  }
0x1ed: {  	[sflag:s16] =	ssyncset.done $0x0;
	s8 =	rddreg [dreg:$0x1b]  }
0x1ee: {  	s10 =	rddreg [dreg:$0x10];
	[sflag:s16] =	ssyncadd.s32 $0xFFFFFB00;
	s9 =	sshrl.u32 s8, $0x3  }
0x1ef: {  	[hbm:s10], [sflag:s11] =	dma.local [spmem:s9], $0x500  }
0x1f0: {  	_ =	swait.ge [sflag:s16], $0x500  }
0x1f1: {  	[sflag:s16] =	ssyncset.done $0x0;
	s14 =	rddreg [dreg:$0x1c]  }
0x1f2: {  	s18 =	rddreg [dreg:$0x11];
	[sflag:s16] =	ssyncadd.s32 $0xFFFFFB00;
	s17 =	sshrl.u32 s14, $0x3  }
0x1f3: {  	[hbm:s18], [sflag:s11] =	dma.local [spmem:s17], $0x500  }
0x1f4: {  	_ =	swait.ge [sflag:s16], $0x500  }
0x1f5: {  	[sflag:s16] =	ssyncset.done $0x0;
	s17 =	rddreg [dreg:$0x1d]  }
0x1f6: {  	s20 =	rddreg [dreg:$0x12];
	[sflag:s16] =	ssyncadd.s32 $0xFFFFFB00;
	s19 =	sshrl.u32 s17, $0x3  }
0x1f7: {  	[hbm:s20], [sflag:s11] =	dma.local [spmem:s19], $0x500  }
0x1f8: {  	_ =	swait.ge [sflag:s16], $0x500  }
0x1f9: {  	s21 =	sld [smem:$0x7F0]  }
0x1fa: {  	s26 =	sld [smem:$0x7FB];
	_ =	sdelay $0x1  }
0x1fb: {  	s30 =	smov.u32 s15;
	s11 =	sadd.s32 $0x1, s21  }
0x1fc: {  	s15 =	simm.s32 $0x7C00;
	s1 =	simm.s32 $0x180;
	p0 =	sne.s32 s11, s26  }
.Ltmp2:
0x1fd: {  	s6 =	simm.s32 $0x400;
	s7 =	simm.s32 $0x2;
	(pc) =	sbr.rel @p0 .LBB2_1-.Ltmp2, $4  }
0x1fe: {  	s8 =	simm.s32 $0x5400;
	s9 =	simm.s32 $0x2C00;
	s10 =	simm.s32 $0x5  }
0x1ff: {  	s14 =	simm.s32 $0x280;
	s18 =	simm.s32 $0x7;
	s19 =	simm.s32 $0x9  }
0x200: {  	s20 =	simm.s32 $0xB;
	[sflag:s16] =	ssyncset.done $0x0;
	s31 =	rddreg [dreg:$0xa]  }
0x201: {  	[sflag:s16] =	ssyncadd.s32 $0xFFFFFB00;
	s21 =	simm.s32 $0x100;
	s26 =	simm.s32 $0x80  }
0x202: {  	_ =	sfence.sel $0x180000  }
0x203: {  	[bflag:$0x0] =	sbarrier.arrive $0xFFFF  }
0x204: {  	_ =	strace $0x9000004A  }
0x205: {  	s0 =	stileid.u32;
	[bflag:$0x2] =	sbarrier.arrive $0xFFFF  }
0x206: {  	p0 =	sne.s32 s0, $0x0;
	s0 =	rddreg [dreg:$0x3]  }
0x207: {  	s0 =	sadd.s32 @!p0 $0x100000, s0  }
0x208: {  	[sflag:s0] =	ssyncadd.tile.s32 @!p0 $0x1;
	_ =	shalt  }
.Lfunc_end2:
_tile_overlayer_lowered:
.L_overlay_start_2:
0x209: {  	(tag) =	ssettag $0x2  }
0x20a: {  	s0 =	rddreg [dreg:$0x0];
	s2 =	stileid.u32  }
0x20b: {  	s1 =	rddreg [dreg:$0x1];
	p0 =	sne.s32 s2, $0x0  }
0x20c: {  	s3 =	rddreg [dreg:$0x2];
	[bflag:$0x3] =	sbarrier.arrive $0xFFFF;
	s2 =	simm.s32 @!p0 $0x1C0D  }
0x20d: {  	[timem:s3], [sflag:s2] =	dma.local @!p0 [hbm:s0], s1  }
0x20e: {  	s0 =	simm.s32 @!p0 $0xD  }
0x20f: {  	_ =	swait.ge @!p0 [sflag:s0], s1  }
0x210: {  	s1 =	ssub.s32 @!p0 $0x0, s1;
	[sflag:s0] =	ssyncset.done @!p0 $0x0  }
0x211: {  	[sflag:s0] =	ssyncadd.s32 @!p0 s1  }
0x212: {  	[bflag:$0x3] =	sbarrier.arrive $0xFFFF  }
0x213: {  	_ =	shalt  }

// kernel: kernel.8.cloned.1.call-start
scs
__scs_entry_jumppad:
0x0: {  	(pc) =	sbr.rel $0x88, $3  }
0x1: {  	(tag) =	ssettag $0x0;
	lr =	simm.s32 $0x1  }
0x2: {  	[smem:$0x3F8E] =	sst lr;
	_ =	strace $0xD0000000  }
0x3: {  	_ = 	snop  }
0x4: {  	_ = 	snop  }
0x5: {  	_ = 	snop  }
0x6: {  	_ = 	snop  }
0x7: {  	_ = 	snop  }
__scs_overlays_trampoline_lowered:
0x8: {  	[smem:$0x3F9D] =	sst s0  }
0x9: {  	[smem:$0x3F9E] =	sst s1  }
0xa: {  	[smem:$0x3F9F] =	sst s2  }
0xb: {  	[smem:$0x3FA0] =	sst s3  }
0xc: {  	[smem:$0x3FA1] =	sst s4  }
0xd: {  	[smem:$0x3FA2] =	sst s5  }
0xe: {  	[smem:$0x3FA3] =	sst s6  }
0xf: {  	[smem:$0x3FA4] =	sst s7  }
0x10: {  	[smem:$0x3FA5] =	sst s8  }
0x11: {  	[smem:$0x3FA6] =	sst s9;
	s0 =	simm.s32 @!p0 $0x0  }
0x12: {  	s1 =	sld [smem:$0x3F8C];
	s0 =	simm.s32 @p0 $0x1  }
0x13: {  	[smem:$0x3FA7] =	sst s0;
	s0 =	simm.s32 @!p1 $0x0  }
0x14: {  	s2 =	sld [smem:$0x3F8B];
	s0 =	simm.s32 @p1 $0x1  }
0x15: {  	[smem:$0x3FA8] =	sst s0;
	s0 =	simm.s32 @!p2 $0x0  }
0x16: {  	s3 =	sld [smem:$0x3FDB];
	s0 =	simm.s32 @p2 $0x1  }
0x17: {  	s4 =	simm.s32 $0x1BF5;
	[smem:$0x3FAA] =	sst s0  }
0x18: {  	s0 =	sld [smem:$0x3F8D];
	_ =	swait.ge [sflag:s4], $0x0  }
0x19: {  	s7 =	sld [smem:$0x3F8E]  }
0x1a: {  	s8 =	sadd.s32 $0xFFFFE003, lr  }
0x1b: {  	s9 =	sadd.s32 $0xFFFFFEF7, lr;
	s5 =	simm.s32 $0xFFFFFFFF;
	p2 =	slt.u32 s8, $0xFFFFF086  }
0x1c: {  	p1 =	slt.u32 s9, $0xF7A;
	s5 =	simm.s32 @!p2 $0x0  }
0x1d: {  	s5 =	simm.s32 @p1 $0x1;
	p0 =	seq.s32 s7, s2  }
0x1e: {  	s7 =	smul.u32 @!p0 $0xF7A, s2;
	p2 =	seq.s32 @!p0 s5, $0x0  }
0x1f: {  	s9 =	smul.u32 $0xF7A, s1;
	s8 =	simm.s32 @!p0 $0x1BF5;
	p2 =	por !p2, p0  }
0x20: {  	[sflag:s8] =	ssyncset.s32 @!p0 $0xFFFFF086;
	s6 =	sadd.s32 @!p0 s3, s7;
	s7 =	simm.s32 @!p0 $0x108  }
0x21: {  	s3 =	sadd.s32 s3, s9;
	s6 =	sadd.s32 @!p0 $0x88, s6;
	s7 =	simm.s32 @p2 $0x1082  }
0x22: {  	[simem:s7], [sflag:s8] =	dma.local @!p0 [hbm:s6], $0xF7A  }
0x23: {  	s9 =	sor.u32 $0xD0000000, s2;
	s6 =	simm.s32 $0x108;
	_ =	swait.ge @!p0 [sflag:s8], $0x0  }
0x24: {  	s3 =	sadd.s32 $0x88, s3;
	s6 =	simm.s32 @!p1 $0x1082;
	[sflag:s4] =	ssyncset.s32 $0xFFFFF086  }
0x25: {  	[simem:s6], [sflag:s4] =	dma.local [hbm:s3], $0xF7A  }
0x26: {  	[smem:$0x3F8E] =	sst s1;
	(tag) =	ssettag s2;
	_ =	strace s9  }
0x27: {  	s1 =	sld [smem:$0x3F9E]  }
0x28: {  	s2 =	sld [smem:$0x3F9F]  }
0x29: {  	s4 =	sld [smem:$0x3FA1]  }
0x2a: {  	p0 =	seq.s32 s5, $0x0;
	s5 =	sld [smem:$0x3FA2]  }
0x2b: {  	s6 =	sld [smem:$0x3FA3]  }
0x2c: {  	s7 =	sld [smem:$0x3FA4]  }
0x2d: {  	s3 =	simm.s32 $0x108;
	s8 =	sld [smem:$0x3FA5]  }
0x2e: {  	s3 =	simm.s32 @!p0 $0x1082;
	s9 =	sld [smem:$0x3FA6]  }
0x2f: {  	lr =	sadd.s32 s0, s3;
	s0 =	sld [smem:$0x3F9D]  }
0x30: {  	s3 =	sld [smem:$0x3FA0]  }
0x31: {  	[smem:$0x3FA9] =	sst s10  }
0x32: {  	s10 =	sld [smem:$0x3FA7];
	_ =	sdelay $0x3  }
0x33: {  	p0 =	seq.s32 s10, $0x1;
	s10 =	sld [smem:$0x3FA9];
	_ =	sdelay $0x3  }
0x34: {  	[smem:$0x3FA9] =	sst s10  }
0x35: {  	s10 =	sld [smem:$0x3FA8];
	_ =	sdelay $0x3  }
0x36: {  	p1 =	seq.s32 s10, $0x1;
	s10 =	sld [smem:$0x3FA9];
	_ =	sdelay $0x3  }
0x37: {  	[smem:$0x3FA9] =	sst s10  }
0x38: {  	s10 =	sld [smem:$0x3FAA]  }
0x39: {  	_ = 	snop;
	(pc) =	sbr.ind lr, $3  }
0x3a: {  	_ = 	snop  }
0x3b: {  	_ = 	snop  }
0x3c: {  	p2 =	seq.s32 s10, $0x1;
	s10 =	sld [smem:$0x3FA9]  }
0x3d: {  	_ =	shalt  }
0x3e: {  	_ =	shalt  }
0x3f: {  	_ =	shalt  }
0x40: {  	_ =	shalt  }
0x41: {  	_ =	shalt  }
0x42: {  	_ =	shalt  }
0x43: {  	_ =	shalt  }
0x44: {  	_ =	shalt  }
0x45: {  	_ =	shalt  }
0x46: {  	_ =	shalt  }
0x47: {  	_ =	shalt  }
0x48: {  	_ =	shalt  }
0x49: {  	_ =	shalt  }
0x4a: {  	_ =	shalt  }
0x4b: {  	_ =	shalt  }
0x4c: {  	_ =	shalt  }
0x4d: {  	_ =	shalt  }
0x4e: {  	_ =	shalt  }
0x4f: {  	_ =	shalt  }
0x50: {  	_ =	shalt  }
0x51: {  	_ =	shalt  }
0x52: {  	_ =	shalt  }
0x53: {  	_ =	shalt  }
0x54: {  	_ =	shalt  }
0x55: {  	_ =	shalt  }
0x56: {  	_ =	shalt  }
0x57: {  	_ =	shalt  }
0x58: {  	_ =	shalt  }
0x59: {  	_ =	shalt  }
0x5a: {  	_ =	shalt  }
0x5b: {  	_ =	shalt  }
0x5c: {  	_ =	shalt  }
0x5d: {  	_ =	shalt  }
0x5e: {  	_ =	shalt  }
0x5f: {  	_ =	shalt  }
0x60: {  	_ =	shalt  }
0x61: {  	_ =	shalt  }
0x62: {  	_ =	shalt  }
0x63: {  	_ =	shalt  }
0x64: {  	_ =	shalt  }
0x65: {  	_ =	shalt  }
0x66: {  	_ =	shalt  }
0x67: {  	_ =	shalt  }
0x68: {  	_ =	shalt  }
0x69: {  	_ =	shalt  }
0x6a: {  	_ =	shalt  }
0x6b: {  	_ =	shalt  }
0x6c: {  	_ =	shalt  }
0x6d: {  	_ =	shalt  }
0x6e: {  	_ =	shalt  }
0x6f: {  	_ =	shalt  }
0x70: {  	_ =	shalt  }
0x71: {  	_ =	shalt  }
0x72: {  	_ =	shalt  }
0x73: {  	_ =	shalt  }
0x74: {  	_ =	shalt  }
0x75: {  	_ =	shalt  }
0x76: {  	_ =	shalt  }
0x77: {  	_ =	shalt  }
0x78: {  	_ =	shalt  }
0x79: {  	_ =	shalt  }
0x7a: {  	_ =	shalt  }
0x7b: {  	_ =	shalt  }
0x7c: {  	_ =	shalt  }
0x7d: {  	_ =	shalt  }
0x7e: {  	_ =	shalt  }
0x7f: {  	_ =	shalt  }
0x80: {  	_ =	shalt  }
0x81: {  	_ =	shalt  }
0x82: {  	_ =	shalt  }
0x83: {  	_ =	shalt  }
0x84: {  	_ =	shalt  }
0x85: {  	_ =	shalt  }
0x86: {  	_ =	shalt  }
0x87: {  	_ =	shalt  }
.Lfunc_end0:
.L_simem_size_0:
called_computation_lowered:
.L_overlay_start_0:
0x88: {  	s2 =	sld [smem:$0x3FD9]  }
0x89: {  	s3 =	sld [smem:$0x3FFE];
	_ =	sdelay $0x1  }
0x8a: {  	s1 =	srdreg.scid  }
0x8b: {  	s0 =	sand.u32 $0x1, s1  }
0x8c: {  	s17 =	sshll.u32 s0, $0xA;
	s2 =	sadd.s32 s3, s2  }
0x8d: {  	s2 =	sadd.s32 s2, s17  }
0x8e: {  	[smem:$0x3FB5] =	sst s2  }
0x8f: {  	_ = 	snop  }
0x90: {  	s2 =	sld [smem:$0x3FC9];
	(tm) =	ssettm $0x1  }
0x91: {  	s18 =	sld [smem:$0x3FFB];
	_ =	sdelay $0x3  }
0x92: {  	_ =	strace s18  }
0x93: {  	s3 =	sld [smem:$0x3FFC];
	_ =	sdelay $0x3  }
0x94: {  	_ =	strace s3  }
0x95: {  	s3 =	sld [smem:$0x3FFD];
	_ =	sdelay $0x3  }
0x96: {  	_ =	strace s3  }
0x97: {  	_ =	strace $0x8FFFFFFF  }
0x98: {  	s19 =	sld [smem:$0x3FDB];
	_ =	sdelay $0x1  }
0x99: {  	s4 =	simm.s32 $_scs_section_size  }
0x9a: {  	s5 =	simm.s32 $_size__tile_overlayer_lowered;
	s6 =	simm.s32 $_tile_overlayer_lowered  }
0x9b: {  	s22 =	simm.s32 $0x1BFF;
	s21 =	sshll.u32 s6, $0x1;
	s3 =	sadd.s32 s4, s19  }
0x9c: {  	s7 =	simm.s32 $0x0;
	s20 =	sshll.u32 s5, $0x1;
	s5 =	sadd.s32 s21, s3  }
0x9d: {  	[timem:s7], [sflag:s22] =	dma.local [hbm:s5], s20  }
0x9e: {  	_ =	swait.ge [sflag:s22], s20  }
0x9f: {  	s4 =	ssub.s32 $0x0, s20;
	[sflag:s22] =	ssyncset.done $0x0  }
0xa0: {  	[sflag:s22] =	ssyncadd.s32 s4;
	_ =	sdelay $0x1  }
0xa1: {  	s23 =	simm.s32 $0x1B8B  }
0xa2: {  	_ =	swait.ge [sflag:s23], $0x1  }
0xa3: {  	[sflag:s23] =	ssyncset.done $0x0  }
0xa4: {  	s25 =	simm.s32 $0x1B8E;
	s24 =	sld [smem:$0x3FFE];
	[sflag:s23] =	ssyncadd.s32 $0xFFFFFFFF  }
0xa5: {  	s26 =	simm.s32 $execute0_lowered;
	[smem:$0x3FD2] =	sst s25  }
0xa6: {  	s5 =	sshll.u32 s26, $0x1;
	_ =	strace $0x80000046;
	[dreg:$0x1] =	wrdreg $0xFFFFFFFF  }
0xa7: {  	s28 =	simm.s32 $_size_execute0_lowered;
	s3 =	sadd.s32 s3, s5;
	[dreg:$0x0] =	wrdreg $0x0  }
0xa8: {  	s5 =	sshll.u32 s28, $0x1;
	[dreg:$0x2] =	wrdreg s3  }
0xa9: {  	[dreg:$0x3] =	wrdreg s5  }
0xaa: {  	[dreg:$0x4] =	wrdreg $0xC0  }
0xab: {  	_ =	task [dreg:s7], $0x5FFFF  }
0xac: {  	[dreg:$0x1] =	wrdreg $0xFFFFFFFF  }
0xad: {  	[dreg:$0x0] =	wrdreg $0x60  }
0xae: {  	[dreg:$0x2] =	wrdreg s2  }
0xaf: {  	[dreg:$0x3] =	wrdreg s24  }
0xb0: {  	[dreg:$0x4] =	wrdreg $0xA4000  }
0xb1: {  	[dreg:$0x5] =	wrdreg $0x9  }
0xb2: {  	_ =	task.clear_ibuf [dreg:s7], $0x6FFFF;
	_ =	strace $0x90000046  }
0xb3: {  	s29 =	simm.s32 $0x9;
	_ =	strace $0x80000048  }
0xb4: {  	_ =	swait.ge [sflag:s29], $0x1  }
0xb5: {  	[sflag:s29] =	ssyncadd.s32 $0xFFFFFFFF  }
0xb6: {  	_ =	strace $0x90000048  }
0xb7: {  	_ =	sfence  }
0xb8: {  	s30 =	sld [smem:$0x0];
	_ =	sdelay $0x2  }
0xb9: {  	s31 =	sshll.u32 s1, $0xD;
	s1 =	sshrl.u32 s1, $0x2  }
0xba: {  	s3 =	sand.u32 $0x4000, s31;
	s1 =	sadd.s32 s1, s30  }
0xbb: {  	s0 =	sor.u32 s3, s0;
	s1 =	sshll.u32 s1, $0x11  }
0xbc: {  	s0 =	sor.u32 s1, s0  }
0xbd: {  	s0 =	sadd.s32 $0x8F2B, s0  }
0xbe: {  	[sflag:s0] =	ssyncadd.remote.s32 $0x1  }
0xbf: {  	_ =	sfence.sel $0xFFFF  }
0xc0: {  	[dreg:$0x0] =	wrdreg $0xFFFFFFFF;
	(pc) =	sbr.abs _section_cstart, $3  }
0xc1: {  	[dreg:$0x1] =	wrdreg $0xFFFFFFFF  }
0xc2: {  	_ =	task.clear_ibuf [dreg:s7], $0x2FFFF;
	_ =	strace $0x9FFFFFFF  }
0xc3: {  	(tm) =	ssettm $0x7FFFFFFF  }
tec
execute0_lowered:
.L_overlay_start_1:
0x0: {  	(tag) =	ssettag $0x1  }
0x1: {  	s30 =	rddreg [dreg:$0x0]  }
0x2: {  	s13 =	rddreg [dreg:$0x1]  }
0x3: {  	s3 =	rddreg [dreg:$0x2];
	s0 =	srdreg.scid;
	s4 =	simm.s32 $0x0  }
0x4: {  	s21 =	stileid.u32;
	s29 =	simm.s32 $0x4;
	s9 =	sand.u32 $0x1, s0  }
0x5: {  	[smem:$0x7FF] =	sst s4;
	s5 =	smul.u32 $0x280, s21;
	s14 =	sadd.s32 $0x9DAC00, s13  }
0x6: {  	s22 =	smul.u32 $0x4E20, s21;
	s31 =	sadd.s32 $0x3000, s13;
	s28 =	sadd.s32 $0xCE00, s13  }
0x7: {  	s13 =	sadd.s32 $0x4F8C00, s13;
	s0 =	ssub.s32 $0x2, s9;
	_ =	strace $0x80000047  }
0x8: {  	s15 =	smul.u32 $0x2800, s9;
	[dreg:$0xa] =	wrdreg s31;
	s2 =	sshrl.u32 s0, $0x1  }
0x9: {  	s10 =	sor.u32 $0x50, s5;
	s11 =	sadd.s32 $0xA0, s5;
	s12 =	sadd.s32 $0xF0, s5  }
0xa: {  	s6 =	sadd.s32 $0x140, s5;
	s7 =	sadd.s32 $0x190, s5;
	s8 =	sadd.s32 $0x1E0, s5  }
0xb: {  	s0 =	ssub.s32 s0, s2;
	s2 =	sadd.s32 $0x230, s5;
	s5 =	sadd.s32 s5, s15  }
0xc: {  	s16 =	sadd.s32 s15, s10;
	s17 =	sadd.s32 s15, s11;
	s19 =	sadd.s32 s15, s12  }
0xd: {  	s20 =	sadd.s32 s15, s6;
	s24 =	sadd.s32 s15, s7;
	s10 =	sshll.u32 s10, $0x7  }
0xe: {  	s11 =	sshll.u32 s11, $0x7;
	s6 =	sshll.u32 s6, $0x7;
	s10 =	sadd.s32 s10, s3  }
0xf: {  	s7 =	sshll.u32 s7, $0x7;
	s6 =	sadd.s32 s6, s3;
	[dreg:$0x17] =	wrdreg s10  }
0x10: {  	s12 =	sshll.u32 s12, $0x7;
	s7 =	sadd.s32 s7, s3;
	[dreg:$0x1a] =	wrdreg s6  }
0x11: {  	s5 =	sshll.u32 s5, $0x4;
	s0 =	smax.u32 s0, $0x1;
	[dreg:$0x1b] =	wrdreg s7  }
0x12: {  	s16 =	sshll.u32 s16, $0x4;
	s5 =	sadd.s32 s14, s5;
	[smem:$0x7FB] =	sst s0  }
0x13: {  	s17 =	sshll.u32 s17, $0x4;
	s16 =	sadd.s32 s14, s16;
	[dreg:$0xb] =	wrdreg s5  }
0x14: {  	s25 =	sshll.u32 s24, $0x4;
	s18 =	sadd.s32 s14, s17;
	[dreg:$0xc] =	wrdreg s16  }
0x15: {  	[dreg:$0xd] =	wrdreg s18;
	s5 =	sshll.u32 s19, $0x4;
	s16 =	sshll.u32 s20, $0x4  }
0x16: {  	s18 =	smul.u32 $0x2710, s9;
	s19 =	sadd.s32 s15, s8;
	s15 =	sadd.s32 s15, s2  }
0x17: {  	s8 =	sshll.u32 s8, $0x7;
	s2 =	sshll.u32 s2, $0x7;
	s5 =	sadd.s32 s14, s5  }
0x18: {  	s23 =	sadd.s32 s14, s16;
	s16 =	sadd.s32 s14, s25;
	[dreg:$0xe] =	wrdreg s5  }
0x19: {  	s26 =	sshll.u32 s19, $0x4;
	s15 =	sshll.u32 s15, $0x4;
	[dreg:$0xf] =	wrdreg s23  }
0x1a: {  	s8 =	sadd.s32 s8, s3;
	s5 =	sadd.s32 s18, s22;
	[dreg:$0x10] =	wrdreg s16  }
0x1b: {  	s16 =	sadd.s32 s14, s26;
	s14 =	sadd.s32 s14, s15;
	[dreg:$0x1c] =	wrdreg s8  }
0x1c: {  	s18 =	sshll.u32 s21, $0x1;
	s26 =	smul.u32 $0x4E200, s21;
	[dreg:$0x11] =	wrdreg s16  }
0x1d: {  	s8 =	simm.s32 $0x5400;
	s17 =	sadd.s32 $0x230, s5;
	[dreg:$0x12] =	wrdreg s14  }
0x1e: {  	s14 =	sor.u32 s9, s18;
	s19 =	sadd.s32 $0x1E0, s5;
	s17 =	sshrl.u32 s17, $0x3  }
0x1f: {  	s9 =	smul.u32 $0x27100, s9;
	s15 =	sshrl.u32 s19, $0x3;
	s1 =	sadd.s32 s17, s31  }
0x20: {  	s22 =	smul.u32 $0x27100, s14;
	s20 =	sadd.s32 s17, s28;
	[dreg:$0x4] =	wrdreg s1  }
0x21: {  	s17 =	smul.u32 $0x2710, s14;
	s23 =	sadd.s32 s15, s31;
	[dreg:$0x5] =	wrdreg s20  }
0x22: {  	s14 =	smul.u32 $0x138800, s14;
	s15 =	sadd.s32 s15, s28;
	[dreg:$0x6] =	wrdreg s23  }
0x23: {  	[dreg:$0x7] =	wrdreg s15;
	s16 =	sadd.s32 s13, s22;
	s20 =	sadd.s32 $0x190, s5  }
0x24: {  	s22 =	smul.u32 $0x50000, s21;
	s15 =	sadd.s32 $0x50, s17;
	[dreg:$0x13] =	wrdreg s16  }
0x25: {  	s14 =	sshrl.u32 s14, $0x3;
	s1 =	sshrl.u32 s20, $0x3;
	s10 =	sshrl.u32 s17, $0x3  }
0x26: {  	s24 =	sshll.u32 s15, $0x4;
	s14 =	sadd.s32 s13, s14;
	s23 =	sadd.s32 s1, s31  }
0x27: {  	s19 =	sadd.s32 s31, s10;
	s20 =	sadd.s32 $0x1E, s10;
	[dreg:$0x8] =	wrdreg s23  }
0x28: {  	s16 =	sadd.s32 s13, s24;
	s24 =	sshrl.u32 s22, $0x2;
	[smem:$0x7F4] =	sst s19  }
0x29: {  	s6 =	sadd.s32 s28, s20;
	s23 =	sadd.s32 $0x26200, s14;
	[dreg:$0x14] =	wrdreg s16  }
0x2a: {  	s19 =	simm.s32 $0x9;
	s16 =	sadd.s32 $0x26C0, s17;
	[smem:$0x7F5] =	sst s6  }
0x2b: {  	s17 =	sadd.s32 s2, s3;
	[smem:$0x7F9] =	sst s23;
	s6 =	simm.s32 $0x400  }
0x2c: {  	s23 =	simm.s32 $0x6;
	s25 =	sshll.u32 s16, $0x4;
	s21 =	sshrl.u32 s16, $0x3  }
0x2d: {  	s16 =	simm.s32 $0xD;
	[dreg:$0x1d] =	wrdreg s17;
	s18 =	sadd.s32 s13, s25  }
0x2e: {  	s13 =	sadd.s32 s26, s13;
	s25 =	sadd.s32 s24, s3;
	[dreg:$0x15] =	wrdreg s18  }
0x2f: {  	s26 =	sadd.s32 s11, s3;
	s11 =	sshrl.u32 s15, $0x3;
	[dreg:$0x16] =	wrdreg s25  }
0x30: {  	s22 =	sadd.s32 s28, s21;
	s24 =	sadd.s32 $0x26700, s14;
	[dreg:$0x18] =	wrdreg s26  }
0x31: {  	s14 =	simm.s32 $0x280;
	s18 =	sadd.s32 s1, s28;
	[smem:$0x7F7] =	sst s22  }
0x32: {  	s9 =	sadd.s32 s9, s13;
	s1 =	sadd.s32 s12, s3;
	[smem:$0x7FA] =	sst s24  }
0x33: {  	s12 =	sadd.s32 s28, s11;
	s13 =	sadd.s32 $0x14, s10;
	[dreg:$0x9] =	wrdreg s18  }
0x34: {  	s7 =	sadd.s32 s31, s11;
	s26 =	sadd.s32 $0x140, s5;
	[dreg:$0x19] =	wrdreg s1  }
0x35: {  	s5 =	simm.s32 $0x50;
	s11 =	simm.s32 $0x0;
	[dreg:$0x1e] =	wrdreg s12  }
0x36: {  	s22 =	simm.s32 $0x3;
	s24 =	simm.s32 $0x8;
	[dreg:$0x1f] =	wrdreg s7  }
0x37: {  	s15 =	sadd.s32 s28, s13;
	s2 =	sadd.s32 s31, s13;
	s18 =	sadd.s32 s28, s10  }
0x38: {  	s25 =	sadd.s32 $0xF00, s9;
	[smem:$0x7FD] =	sst s26;
	s26 =	simm.s32 $0x80  }
0x39: {  	s1 =	simm.s32 $0x180;
	s7 =	simm.s32 $0x2;
	[smem:$0x7F1] =	sst s15  }
0x3a: {  	s9 =	simm.s32 $0x2C00;
	s10 =	simm.s32 $0x5;
	[smem:$0x7F2] =	sst s2  }
0x3b: {  	s13 =	simm.s32 $0xC;
	[smem:$0x7F3] =	sst s18;
	s2 =	sadd.s32 s31, s20  }
0x3c: {  	[smem:$0x7FC] =	sst s25;
	s15 =	simm.s32 $0x7C00;
	s18 =	simm.s32 $0x7  }
0x3d: {  	s20 =	simm.s32 $0xB;
	[smem:$0x7F6] =	sst s2;
	s2 =	sadd.s32 s31, s21  }
0x3e: {  	v0 =	vimm.f32 $0.0e+00;
	s25 =	simm.s32 $0xA;
	s21 =	simm.s32 $0x100;
	[smem:$0x7F8] =	sst s2  }
.LBB2_1:
0x3f: {  	[smem:$0x7F0] =	sst s11;
	s11 =	simm.s32 $0x0;
	s12 =	simm.s32 $0x200  }
.LBB2_2:
0x40: {  	p0 =	sne.s32 s12, $0x9E00;
	[tilespmem:s11+$0x470] =	vst v0  }
0x41: {  	[tilespmem:s11+$0x400] =	vst v0  }
0x42: {  	[tilespmem:s11+$0x410] =	vst v0  }
.Ltmp0:
0x43: {  	[tilespmem:s11+$0x420] =	vst v0;
	(pc) =	sbr.rel @p0 .LBB2_2-.Ltmp0, $4  }
0x44: {  	[tilespmem:s11+$0x430] =	vst v0  }
0x45: {  	[tilespmem:s11+$0x440] =	vst v0  }
0x46: {  	[tilespmem:s11+$0x450] =	vst v0  }
0x47: {  	[tilespmem:s11+$0x460] =	vst v0;
	s11 =	sshra.s32 s12, $0x2;
	s12 =	sadd.s32 $0x200, s12  }
0x48: {  	[tilespmem:s11+$0x470] =	vst v0  }
0x49: {  	[tilespmem:s11+$0x400] =	vst v0  }
0x4a: {  	[tilespmem:s11+$0x410] =	vst v0  }
0x4b: {  	[tilespmem:s11+$0x420] =	vst v0  }
0x4c: {  	[tilespmem:s11+$0x430] =	vst v0  }
0x4d: {  	[tilespmem:s11+$0x440] =	vst v0  }
0x4e: {  	[tilespmem:s11+$0x450] =	vst v0  }
0x4f: {  	[tilespmem:s11+$0x460] =	vst v0;
	s0 =	rddreg [dreg:$0x16]  }
0x50: {  	[spmem:s0] =	stream.linear.scatter [tilespmem:s6], [sflag:$0xD], $0x2800, $0x38;
	[tilespmem:$0x1E400] =	vst v63  }
0x51: {  	_ =	swait.ge [sflag:s16], $0x2800  }
0x52: {  	[sflag:s16] =	ssyncset.done $0x0  }
0x53: {  	s2 =	rddreg [dreg:$0x17];
	[sflag:s16] =	ssyncadd.s32 $0xFFFFD800  }
0x54: {  	[spmem:s2] =	stream.linear.scatter [tilespmem:s6], [sflag:$0xD], $0x2800, $0x38;
	[tilespmem:$0x1E400] =	vst v63  }
0x55: {  	_ =	swait.ge [sflag:s16], $0x2800  }
0x56: {  	[sflag:s16] =	ssyncset.done $0x0  }
0x57: {  	s11 =	rddreg [dreg:$0x18];
	[sflag:s16] =	ssyncadd.s32 $0xFFFFD800  }
0x58: {  	[spmem:s11] =	stream.linear.scatter [tilespmem:s6], [sflag:$0xD], $0x2800, $0x38;
	[tilespmem:$0x1E400] =	vst v63  }
0x59: {  	_ =	swait.ge [sflag:s16], $0x2800  }
0x5a: {  	[sflag:s16] =	ssyncset.done $0x0  }
0x5b: {  	s12 =	rddreg [dreg:$0x19];
	[sflag:s16] =	ssyncadd.s32 $0xFFFFD800  }
0x5c: {  	[spmem:s12] =	stream.linear.scatter [tilespmem:s6], [sflag:$0xD], $0x2800, $0x38;
	[tilespmem:$0x1E400] =	vst v63  }
0x5d: {  	_ =	swait.ge [sflag:s16], $0x2800  }
0x5e: {  	[sflag:s16] =	ssyncset.done $0x0  }
0x5f: {  	s2 =	rddreg [dreg:$0x1a];
	[sflag:s16] =	ssyncadd.s32 $0xFFFFD800  }
0x60: {  	[spmem:s2] =	stream.linear.scatter [tilespmem:s6], [sflag:$0xD], $0x2800, $0x38;
	[tilespmem:$0x1E400] =	vst v63  }
0x61: {  	_ =	swait.ge [sflag:s16], $0x2800  }
0x62: {  	[sflag:s16] =	ssyncset.done $0x0  }
0x63: {  	s11 =	rddreg [dreg:$0x1b];
	[sflag:s16] =	ssyncadd.s32 $0xFFFFD800  }
0x64: {  	[spmem:s11] =	stream.linear.scatter [tilespmem:s6], [sflag:$0xD], $0x2800, $0x38;
	[tilespmem:$0x1E400] =	vst v63  }
0x65: {  	_ =	swait.ge [sflag:s16], $0x2800  }
0x66: {  	[sflag:s16] =	ssyncset.done $0x0  }
0x67: {  	s12 =	rddreg [dreg:$0x1c];
	[sflag:s16] =	ssyncadd.s32 $0xFFFFD800  }
0x68: {  	[spmem:s12] =	stream.linear.scatter [tilespmem:s6], [sflag:$0xD], $0x2800, $0x38;
	[tilespmem:$0x1E400] =	vst v63  }
0x69: {  	_ =	swait.ge [sflag:s16], $0x2800  }
0x6a: {  	[sflag:s16] =	ssyncset.done $0x0  }
0x6b: {  	[sflag:s16] =	ssyncadd.s32 $0xFFFFD800  }
0x6c: {  	[spmem:s17] =	stream.linear.scatter [tilespmem:s6], [sflag:$0xD], $0x2800, $0x38;
	[tilespmem:$0x1E400] =	vst v63  }
0x6d: {  	_ =	swait.ge [sflag:s16], $0x2800  }
0x6e: {  	[sflag:s16] =	ssyncset.done $0x0  }
0x6f: {  	[sflag:s16] =	ssyncadd.s32 $0xFFFFD800  }
0x70: {  	[bflag:$0x0] =	sbarrier.arrive $0xFFFF  }
0x71: {  	s2 =	sld [smem:$0x7F3];
	_ =	sdelay $0x1  }
0x72: {  	s11 =	simm.s32 $0x0;
	s12 =	sld [smem:$0x7F4]  }
0x73: {  	[tilespmem:s11], [sflag:$0x1] =	stream.linear.gather [hbm4b:s2+s11], $0x50, $0x38;
	[tilespmem:$0x1E400] =	vst v63  }
0x74: {  	s16 =	simm.s32 $0x200;
	s17 =	rddreg [dreg:$0x1e]  }
0x75: {  	[tilespmem:s16], [sflag:$0x1] =	stream.linear.gather [hbm4b:s12+s11], $0x50, $0x38;
	[tilespmem:$0x1E400] =	vst v63  }
0x76: {  	s2 =	rddreg [dreg:$0x1f]  }
0x77: {  	[tilespmem:s26], [sflag:$0x2] =	stream.linear.gather [hbm4b:s17+s11], $0x50, $0x38;
	[tilespmem:$0x1E400] =	vst v63  }
0x78: {  	s12 =	sld [smem:$0x7F1]  }
0x79: {  	[tilespmem:s14], [sflag:$0x2] =	stream.linear.gather [hbm4b:s2+s11], $0x50, $0x38;
	[tilespmem:$0x1E400] =	vst v63  }
0x7a: {  	s17 =	sld [smem:$0x7F2]  }
0x7b: {  	[tilespmem:s21], [sflag:$0x3] =	stream.linear.gather [hbm4b:s12+s11], $0x50, $0x38;
	[tilespmem:$0x1E400] =	vst v63  }
0x7c: {  	s2 =	simm.s32 $0x300;
	s12 =	sld [smem:$0x7F5]  }
0x7d: {  	[tilespmem:s2], [sflag:$0x3] =	stream.linear.gather [hbm4b:s17+s11], $0x50, $0x38;
	[tilespmem:$0x1E400] =	vst v63  }
0x7e: {  	s17 =	sld [smem:$0x7F6]  }
0x7f: {  	[tilespmem:s1], [sflag:$0x4] =	stream.linear.gather [hbm4b:s12+s11], $0x50, $0x38;
	[tilespmem:$0x1E400] =	vst v63  }
0x80: {  	s12 =	simm.s32 $0x380  }
0x81: {  	[tilespmem:s12], [sflag:$0x4] =	stream.linear.gather [hbm4b:s17+s11], $0x50, $0x38;
	[tilespmem:$0x1E400] =	vst v63  }
0x82: {  	s17 =	simm.s32 $0x1  }
0x83: {  	_ =	swait.ge [sflag:s17], $0x50  }
0x84: {  	[sflag:s17] =	ssyncset.done $0x0  }
0x85: {  	[sflag:s17] =	ssyncadd.s32 $0xFFFFFFB0  }
0x86: {  	_ =	swait.ge [sflag:s17], $0x50  }
0x87: {  	[sflag:s17] =	ssyncset.done $0x0  }
0x88: {  	[sflag:s17] =	ssyncadd.s32 $0xFFFFFFB0  }
0x89: {  	[tilespmem:s6], [sflag:$0x5] =	stream.indirect.gather [hbm4b:s30+s5], $0x80, s16, s5, $0xb8;
	[tilespmem:$0x1E400] =	vst v63  }
0x8a: {  	s12 =	rddreg [dreg:$0x13]  }
0x8b: {  	[tilespmem:s8], [sflag:$0x7] =	stream.linear.gather [hbm4b:s12+s11], $0x2800, $0x38;
	[tilespmem:$0x1E400] =	vst v63  }
0x8c: {  	_ =	swait.ge [sflag:s7], $0x50  }
0x8d: {  	[sflag:s7] =	ssyncset.done $0x0  }
0x8e: {  	[sflag:s7] =	ssyncadd.s32 $0xFFFFFFB0  }
0x8f: {  	_ =	swait.ge [sflag:s7], $0x50  }
0x90: {  	[sflag:s7] =	ssyncset.done $0x0  }
0x91: {  	[sflag:s7] =	ssyncadd.s32 $0xFFFFFFB0  }
0x92: {  	[tilespmem:s9], [sflag:$0x6] =	stream.indirect.gather [hbm4b:s30+s5], $0x80, s14, s5, $0xb8;
	[tilespmem:$0x1E400] =	vst v63  }
0x93: {  	s17 =	rddreg [dreg:$0x14]  }
0x94: {  	[tilespmem:s15], [sflag:$0x8] =	stream.linear.gather [hbm4b:s17+s11], $0x2800, $0x38;
	[tilespmem:$0x1E400] =	vst v63  }
0x95: {  	_ =	swait.ge [sflag:s10], $0x2800  }
0x96: {  	[sflag:s10] =	ssyncset.done $0x0  }
0x97: {  	[sflag:s10] =	ssyncadd.s32 $0xFFFFD800  }
0x98: {  	_ =	swait.ge [sflag:s18], $0x2800  }
0x99: {  	[sflag:s18] =	ssyncset.done $0x0  }
0x9a: {  	[sflag:s18] =	ssyncadd.s32 $0xFFFFD800  }
0x9b: {  	[spmem:s3] =	stream.indirect.scatter.add.f32 [tilespmem:s6], [sflag:$0x9], $0x80, s4, s5, $0xb8;
	[tilespmem:$0x1E400] =	vst v63  }
0x9c: {  	_ = 	snop  }
0x9d: {  	[spmem:s3] =	stream.indirect.scatter.add.f32 [tilespmem:s8], [sflag:$0xB], $0x80, s4, s5, $0xb8;
	[tilespmem:$0x1E400] =	vst v63  }
0x9e: {  	_ =	swait.ge [sflag:s19], $0x2800  }
0x9f: {  	[sflag:s19] =	ssyncset.done $0x0  }
0xa0: {  	[sflag:s19] =	ssyncadd.s32 $0xFFFFD800  }
0xa1: {  	_ =	swait.ge [sflag:s20], $0x2800  }
0xa2: {  	s17 =	sld [smem:$0x7FD];
	_ =	sdelay $0x2  }
0xa3: {  	[sflag:s20] =	ssyncset.done $0x0;
	s11 =	sshrl.u32 s17, $0x3  }
0xa4: {  	[sflag:s20] =	ssyncadd.s32 $0xFFFFD800;
	s0 =	sadd.s32 s28, s11  }
0xa5: {  	[tilespmem:s4], [sflag:$0x1] =	stream.linear.gather [hbm4b:s0+s4], $0x50, $0x38;
	[tilespmem:$0x1E400] =	vst v63  }
0xa6: {  	s11 =	sadd.s32 s31, s11  }
0xa7: {  	[tilespmem:s16], [sflag:$0x1] =	stream.linear.gather [hbm4b:s11+s4], $0x50, $0x38;
	[tilespmem:$0x1E400] =	vst v63  }
0xa8: {  	_ =	swait.ge [sflag:s22], $0x50  }
0xa9: {  	[sflag:s22] =	ssyncset.done $0x0  }
0xaa: {  	[sflag:s22] =	ssyncadd.s32 $0xFFFFFFB0  }
0xab: {  	_ =	swait.ge [sflag:s22], $0x50  }
0xac: {  	[sflag:s22] =	ssyncset.done $0x0;
	s0 =	sld [smem:$0x7FC]  }
0xad: {  	[sflag:s22] =	ssyncadd.s32 $0xFFFFFFB0  }
0xae: {  	[tilespmem:s6], [sflag:$0x5] =	stream.indirect.gather [hbm4b:s30+s5], $0x80, s2, s5, $0xb8;
	[tilespmem:$0x1E400] =	vst v63  }
0xaf: {  	s31 =	sadd.s32 $0xFFFFFB00, s0  }
0xb0: {  	[tilespmem:s8], [sflag:$0x7] =	stream.linear.gather [hbm4b:s31+s4], $0x2800, $0x38;
	[tilespmem:$0x1E400] =	vst v63  }
0xb1: {  	_ =	swait.ge [sflag:s23], $0x2800  }
0xb2: {  	[sflag:s23] =	ssyncset.done $0x0  }
0xb3: {  	[sflag:s23] =	ssyncadd.s32 $0xFFFFD800  }
0xb4: {  	_ =	swait.ge [sflag:s24], $0x2800  }
0xb5: {  	[sflag:s24] =	ssyncset.done $0x0  }
0xb6: {  	[sflag:s24] =	ssyncadd.s32 $0xFFFFD800  }
0xb7: {  	[spmem:s3] =	stream.indirect.scatter.add.f32 [tilespmem:s9], [sflag:$0xA], $0x80, s26, s5, $0xb8;
	[tilespmem:$0x1E400] =	vst v63  }
0xb8: {  	_ = 	snop  }
0xb9: {  	[spmem:s3] =	stream.indirect.scatter.add.f32 [tilespmem:s15], [sflag:$0xC], $0x80, s26, s5, $0xb8;
	[tilespmem:$0x1E400] =	vst v63  }
0xba: {  	_ =	swait.ge [sflag:s25], $0x2800  }
0xbb: {  	[sflag:s25] =	ssyncset.done $0x0  }
0xbc: {  	[sflag:s25] =	ssyncadd.s32 $0xFFFFD800  }
0xbd: {  	_ =	swait.ge [sflag:s13], $0x2800  }
0xbe: {  	s12 =	rddreg [dreg:$0x9];
	[sflag:s13] =	ssyncset.done $0x0  }
0xbf: {  	s31 =	rddreg [dreg:$0x8];
	[sflag:s13] =	ssyncadd.s32 $0xFFFFD800;
	s11 =	sadd.s32 $0x0, s12  }
0xc0: {  	[tilespmem:s26], [sflag:$0x2] =	stream.linear.gather [hbm4b:s11+s4], $0x50, $0x38;
	[tilespmem:$0x1E400] =	vst v63  }
0xc1: {  	s26 =	sadd.s32 $0x0, s31  }
0xc2: {  	[tilespmem:s14], [sflag:$0x2] =	stream.linear.gather [hbm4b:s26+s4], $0x50, $0x38;
	[tilespmem:$0x1E400] =	vst v63  }
0xc3: {  	_ =	swait.ge [sflag:s29], $0x50  }
0xc4: {  	[sflag:s29] =	ssyncset.done $0x0  }
0xc5: {  	[sflag:s29] =	ssyncadd.s32 $0xFFFFFFB0  }
0xc6: {  	_ =	swait.ge [sflag:s29], $0x50  }
0xc7: {  	[sflag:s29] =	ssyncset.done $0x0  }
0xc8: {  	s26 =	simm.s32 $0x380;
	[sflag:s29] =	ssyncadd.s32 $0xFFFFFFB0  }
0xc9: {  	[tilespmem:s9], [sflag:$0x6] =	stream.indirect.gather [hbm4b:s30+s5], $0x80, s26, s5, $0xb8;
	[tilespmem:$0x1E400] =	vst v63  }
0xca: {  	_ = 	snop  }
0xcb: {  	[tilespmem:s15], [sflag:$0x8] =	stream.linear.gather [hbm4b:s0+s4], $0x2800, $0x38;
	[tilespmem:$0x1E400] =	vst v63  }
0xcc: {  	_ =	swait.ge [sflag:s10], $0x2800  }
0xcd: {  	[sflag:s10] =	ssyncset.done $0x0  }
0xce: {  	[sflag:s10] =	ssyncadd.s32 $0xFFFFD800  }
0xcf: {  	_ =	swait.ge [sflag:s18], $0x2800  }
0xd0: {  	[sflag:s18] =	ssyncset.done $0x0  }
0xd1: {  	[sflag:s18] =	ssyncadd.s32 $0xFFFFD800  }
0xd2: {  	[spmem:s3] =	stream.indirect.scatter.add.f32 [tilespmem:s6], [sflag:$0x9], $0x80, s21, s5, $0xb8;
	[tilespmem:$0x1E400] =	vst v63  }
0xd3: {  	_ = 	snop  }
0xd4: {  	[spmem:s3] =	stream.indirect.scatter.add.f32 [tilespmem:s8], [sflag:$0xB], $0x80, s21, s5, $0xb8;
	[tilespmem:$0x1E400] =	vst v63  }
0xd5: {  	_ =	swait.ge [sflag:s19], $0x2800  }
0xd6: {  	[sflag:s19] =	ssyncset.done $0x0  }
0xd7: {  	[sflag:s19] =	ssyncadd.s32 $0xFFFFD800  }
0xd8: {  	_ =	swait.ge [sflag:s20], $0x2800  }
0xd9: {  	s31 =	rddreg [dreg:$0x7];
	[sflag:s20] =	ssyncset.done $0x0  }
0xda: {  	s10 =	rddreg [dreg:$0x6];
	[sflag:s20] =	ssyncadd.s32 $0xFFFFD800;
	s11 =	sadd.s32 $0x0, s31  }
0xdb: {  	[tilespmem:s21], [sflag:$0x3] =	stream.linear.gather [hbm4b:s11+s4], $0x50, $0x38;
	[tilespmem:$0x1E400] =	vst v63  }
0xdc: {  	s18 =	simm.s32 $0x1;
	s12 =	sadd.s32 $0x0, s10  }
0xdd: {  	[tilespmem:s2], [sflag:$0x3] =	stream.linear.gather [hbm4b:s12+s4], $0x50, $0x38;
	[tilespmem:$0x1E400] =	vst v63  }
0xde: {  	_ =	swait.ge [sflag:s18], $0x50  }
0xdf: {  	[sflag:s18] =	ssyncset.done $0x0  }
0xe0: {  	[sflag:s18] =	ssyncadd.s32 $0xFFFFFFB0  }
0xe1: {  	_ =	swait.ge [sflag:s18], $0x50  }
0xe2: {  	[sflag:s18] =	ssyncset.done $0x0  }
0xe3: {  	[sflag:s18] =	ssyncadd.s32 $0xFFFFFFB0  }
0xe4: {  	[tilespmem:s6], [sflag:$0x5] =	stream.indirect.gather [hbm4b:s30+s5], $0x80, s16, s5, $0xb8;
	[tilespmem:$0x1E400] =	vst v63  }
0xe5: {  	s19 =	sadd.s32 $0x500, s0  }
0xe6: {  	[tilespmem:s8], [sflag:$0x7] =	stream.linear.gather [hbm4b:s19+s4], $0x2800, $0x38;
	[tilespmem:$0x1E400] =	vst v63  }
0xe7: {  	_ =	swait.ge [sflag:s23], $0x2800  }
0xe8: {  	[sflag:s23] =	ssyncset.done $0x0  }
0xe9: {  	[sflag:s23] =	ssyncadd.s32 $0xFFFFD800  }
0xea: {  	_ =	swait.ge [sflag:s24], $0x2800  }
0xeb: {  	[sflag:s24] =	ssyncset.done $0x0  }
0xec: {  	[sflag:s24] =	ssyncadd.s32 $0xFFFFD800  }
0xed: {  	[spmem:s3] =	stream.indirect.scatter.add.f32 [tilespmem:s9], [sflag:$0xA], $0x80, s1, s5, $0xb8;
	[tilespmem:$0x1E400] =	vst v63  }
0xee: {  	_ = 	snop  }
0xef: {  	[spmem:s3] =	stream.indirect.scatter.add.f32 [tilespmem:s15], [sflag:$0xC], $0x80, s1, s5, $0xb8;
	[tilespmem:$0x1E400] =	vst v63  }
0xf0: {  	_ =	swait.ge [sflag:s25], $0x2800  }
0xf1: {  	[sflag:s25] =	ssyncset.done $0x0  }
0xf2: {  	[sflag:s25] =	ssyncadd.s32 $0xFFFFD800  }
0xf3: {  	_ =	swait.ge [sflag:s13], $0x2800  }
0xf4: {  	s20 =	rddreg [dreg:$0x5];
	[sflag:s13] =	ssyncset.done $0x0  }
0xf5: {  	s21 =	rddreg [dreg:$0x4];
	[sflag:s13] =	ssyncadd.s32 $0xFFFFD800;
	s11 =	sadd.s32 $0x0, s20  }
0xf6: {  	[tilespmem:s1], [sflag:$0x4] =	stream.linear.gather [hbm4b:s11+s4], $0x50, $0x38;
	[tilespmem:$0x1E400] =	vst v63  }
0xf7: {  	s31 =	sadd.s32 $0x0, s21  }
0xf8: {  	[tilespmem:s26], [sflag:$0x4] =	stream.linear.gather [hbm4b:s31+s4], $0x50, $0x38;
	[tilespmem:$0x1E400] =	vst v63  }
0xf9: {  	s10 =	simm.s32 $0x2;
	_ =	swait.ge [sflag:s7], $0x50  }
0xfa: {  	s12 =	simm.s32 $0x28;
	s18 =	simm.s32 $0x5;
	[sflag:s7] =	ssyncset.done $0x0  }
0xfb: {  	s6 =	simm.s32 $0x400;
	s16 =	sadd.s32 $0x1400, s0;
	[sflag:s7] =	ssyncadd.s32 $0xFFFFFFB0  }
0xfc: {  	s8 =	simm.s32 $0x5400;
	s19 =	simm.s32 $0x7;
	_ =	swait.ge [sflag:s7], $0x50  }
0xfd: {  	s15 =	smov.u32 s30;
	s21 =	simm.s32 $0xB;
	[sflag:s7] =	ssyncset.done $0x0  }
0xfe: {  	s20 =	simm.s32 $0x9;
	s11 =	sadd.s32 $0x140, s17;
	[sflag:s7] =	ssyncadd.s32 $0xFFFFFFB0  }
0xff: {  	[tilespmem:s9], [sflag:$0x6] =	stream.indirect.gather [hbm4b:s30+s5], $0x80, s14, s5, $0xb8;
	[tilespmem:$0x1E400] =	vst v63  }
0x100: {  	s26 =	simm.s32 $0x7C00;
	s9 =	simm.s32 $0x2C00;
	s14 =	sadd.s32 $0xA00, s0  }
.LBB2_4:
0x101: {  	[tilespmem:s26], [sflag:$0x8] =	stream.linear.gather [hbm4b:s14+s4], $0x2800, $0x38;
	[tilespmem:$0x1E400] =	vst v63  }
0x102: {  	_ =	swait.ge [sflag:s18], $0x2800  }
0x103: {  	[sflag:s18] =	ssyncset.done $0x0  }
0x104: {  	[sflag:s18] =	ssyncadd.s32 $0xFFFFD800  }
0x105: {  	_ =	swait.ge [sflag:s19], $0x2800  }
0x106: {  	[sflag:s19] =	ssyncset.done $0x0  }
0x107: {  	[sflag:s19] =	ssyncadd.s32 $0xFFFFD800  }
0x108: {  	[spmem:s3] =	stream.indirect.scatter.add.f32 [tilespmem:s6], [sflag:$0x9], $0x80, s4, s5, $0xb8;
	[tilespmem:$0x1E400] =	vst v63  }
0x109: {  	_ = 	snop  }
0x10a: {  	[spmem:s3] =	stream.indirect.scatter.add.f32 [tilespmem:s8], [sflag:$0xB], $0x80, s4, s5, $0xb8;
	[tilespmem:$0x1E400] =	vst v63  }
0x10b: {  	_ =	swait.ge [sflag:s20], $0x2800  }
0x10c: {  	[sflag:s20] =	ssyncset.done $0x0  }
0x10d: {  	[sflag:s20] =	ssyncadd.s32 $0xFFFFD800  }
0x10e: {  	_ =	swait.ge [sflag:s21], $0x2800  }
0x10f: {  	s17 =	sshrl.u32 s11, $0x3;
	s0 =	smov.u32 s28;
	[sflag:s21] =	ssyncset.done $0x0  }
0x110: {  	s28 =	sadd.s32 s28, s17;
	s1 =	rddreg [dreg:$0xa];
	[sflag:s21] =	ssyncadd.s32 $0xFFFFD800  }
0x111: {  	[tilespmem:s4], [sflag:$0x1] =	stream.linear.gather [hbm4b:s28+s4], $0x50, $0x38;
	[tilespmem:$0x1E400] =	vst v63  }
0x112: {  	s30 =	simm.s32 $0x200;
	s17 =	sadd.s32 s1, s17  }
0x113: {  	[tilespmem:s30], [sflag:$0x1] =	stream.linear.gather [hbm4b:s17+s4], $0x50, $0x38;
	[tilespmem:$0x1E400] =	vst v63  }
0x114: {  	_ =	swait.ge [sflag:s22], $0x50  }
0x115: {  	[sflag:s22] =	ssyncset.done $0x0  }
0x116: {  	[sflag:s22] =	ssyncadd.s32 $0xFFFFFFB0  }
0x117: {  	_ =	swait.ge [sflag:s22], $0x50  }
0x118: {  	[sflag:s22] =	ssyncset.done $0x0  }
0x119: {  	s2 =	simm.s32 $0x300;
	[sflag:s22] =	ssyncadd.s32 $0xFFFFFFB0  }
0x11a: {  	[tilespmem:s6], [sflag:$0x5] =	stream.indirect.gather [hbm4b:s15+s5], $0x80, s2, s5, $0xb8;
	[tilespmem:$0x1E400] =	vst v63  }
0x11b: {  	s1 =	sadd.s32 $0xFFFFFB00, s16  }
0x11c: {  	[tilespmem:s8], [sflag:$0x7] =	stream.linear.gather [hbm4b:s1+s4], $0x2800, $0x38;
	[tilespmem:$0x1E400] =	vst v63  }
0x11d: {  	_ =	swait.ge [sflag:s23], $0x2800  }
0x11e: {  	[sflag:s23] =	ssyncset.done $0x0  }
0x11f: {  	[sflag:s23] =	ssyncadd.s32 $0xFFFFD800  }
0x120: {  	_ =	swait.ge [sflag:s24], $0x2800  }
0x121: {  	[sflag:s24] =	ssyncset.done $0x0  }
0x122: {  	s1 =	simm.s32 $0x80;
	[sflag:s24] =	ssyncadd.s32 $0xFFFFD800  }
0x123: {  	[spmem:s3] =	stream.indirect.scatter.add.f32 [tilespmem:s9], [sflag:$0xA], $0x80, s1, s5, $0xb8;
	[tilespmem:$0x1E400] =	vst v63  }
0x124: {  	_ = 	snop  }
0x125: {  	[spmem:s3] =	stream.indirect.scatter.add.f32 [tilespmem:s26], [sflag:$0xC], $0x80, s1, s5, $0xb8;
	[tilespmem:$0x1E400] =	vst v63  }
0x126: {  	_ =	swait.ge [sflag:s25], $0x2800  }
0x127: {  	[sflag:s25] =	ssyncset.done $0x0  }
0x128: {  	[sflag:s25] =	ssyncadd.s32 $0xFFFFD800  }
0x129: {  	_ =	swait.ge [sflag:s13], $0x2800  }
0x12a: {  	s14 =	smov.u32 s12;
	s7 =	rddreg [dreg:$0x9];
	[sflag:s13] =	ssyncset.done $0x0  }
0x12b: {  	s28 =	rddreg [dreg:$0x8];
	[sflag:s13] =	ssyncadd.s32 $0xFFFFD800;
	s17 =	sadd.s32 s14, s7  }
0x12c: {  	[tilespmem:s1], [sflag:$0x2] =	stream.linear.gather [hbm4b:s17+s4], $0x50, $0x38;
	[tilespmem:$0x1E400] =	vst v63  }
0x12d: {  	s7 =	simm.s32 $0x280;
	s1 =	sadd.s32 s14, s28  }
0x12e: {  	[tilespmem:s7], [sflag:$0x2] =	stream.linear.gather [hbm4b:s1+s4], $0x50, $0x38;
	[tilespmem:$0x1E400] =	vst v63  }
0x12f: {  	_ =	swait.ge [sflag:s29], $0x50  }
0x130: {  	[sflag:s29] =	ssyncset.done $0x0  }
0x131: {  	[sflag:s29] =	ssyncadd.s32 $0xFFFFFFB0  }
0x132: {  	_ =	swait.ge [sflag:s29], $0x50  }
0x133: {  	[sflag:s29] =	ssyncset.done $0x0  }
0x134: {  	s1 =	simm.s32 $0x380;
	[sflag:s29] =	ssyncadd.s32 $0xFFFFFFB0  }
0x135: {  	[tilespmem:s9], [sflag:$0x6] =	stream.indirect.gather [hbm4b:s15+s5], $0x80, s1, s5, $0xb8;
	[tilespmem:$0x1E400] =	vst v63  }
0x136: {  	_ = 	snop  }
0x137: {  	[tilespmem:s26], [sflag:$0x8] =	stream.linear.gather [hbm4b:s16+s4], $0x2800, $0x38;
	[tilespmem:$0x1E400] =	vst v63  }
0x138: {  	_ =	swait.ge [sflag:s18], $0x2800  }
0x139: {  	[sflag:s18] =	ssyncset.done $0x0  }
0x13a: {  	[sflag:s18] =	ssyncadd.s32 $0xFFFFD800  }
0x13b: {  	_ =	swait.ge [sflag:s19], $0x2800  }
0x13c: {  	[sflag:s19] =	ssyncset.done $0x0  }
0x13d: {  	s31 =	simm.s32 $0x100;
	[sflag:s19] =	ssyncadd.s32 $0xFFFFD800  }
0x13e: {  	[spmem:s3] =	stream.indirect.scatter.add.f32 [tilespmem:s6], [sflag:$0x9], $0x80, s31, s5, $0xb8;
	[tilespmem:$0x1E400] =	vst v63  }
0x13f: {  	_ = 	snop  }
0x140: {  	[spmem:s3] =	stream.indirect.scatter.add.f32 [tilespmem:s8], [sflag:$0xB], $0x80, s31, s5, $0xb8;
	[tilespmem:$0x1E400] =	vst v63  }
0x141: {  	_ =	swait.ge [sflag:s20], $0x2800  }
0x142: {  	[sflag:s20] =	ssyncset.done $0x0  }
0x143: {  	[sflag:s20] =	ssyncadd.s32 $0xFFFFD800  }
0x144: {  	_ =	swait.ge [sflag:s21], $0x2800  }
0x145: {  	s17 =	rddreg [dreg:$0x7];
	[sflag:s21] =	ssyncset.done $0x0  }
0x146: {  	s28 =	rddreg [dreg:$0x6];
	[sflag:s21] =	ssyncadd.s32 $0xFFFFD800;
	s17 =	sadd.s32 s14, s17  }
0x147: {  	[tilespmem:s31], [sflag:$0x3] =	stream.linear.gather [hbm4b:s17+s4], $0x50, $0x38;
	[tilespmem:$0x1E400] =	vst v63  }
0x148: {  	s17 =	sadd.s32 s14, s28  }
0x149: {  	[tilespmem:s2], [sflag:$0x3] =	stream.linear.gather [hbm4b:s17+s4], $0x50, $0x38;
	[tilespmem:$0x1E400] =	vst v63  }
0x14a: {  	s2 =	simm.s32 $0x1  }
0x14b: {  	_ =	swait.ge [sflag:s2], $0x50  }
0x14c: {  	[sflag:s2] =	ssyncset.done $0x0  }
0x14d: {  	[sflag:s2] =	ssyncadd.s32 $0xFFFFFFB0  }
0x14e: {  	_ =	swait.ge [sflag:s2], $0x50  }
0x14f: {  	[sflag:s2] =	ssyncset.done $0x0  }
0x150: {  	[sflag:s2] =	ssyncadd.s32 $0xFFFFFFB0  }
0x151: {  	[tilespmem:s6], [sflag:$0x5] =	stream.indirect.gather [hbm4b:s15+s5], $0x80, s30, s5, $0xb8;
	[tilespmem:$0x1E400] =	vst v63  }
0x152: {  	s30 =	sadd.s32 $0x500, s16  }
0x153: {  	[tilespmem:s8], [sflag:$0x7] =	stream.linear.gather [hbm4b:s30+s4], $0x2800, $0x38;
	[tilespmem:$0x1E400] =	vst v63  }
0x154: {  	_ =	swait.ge [sflag:s23], $0x2800  }
0x155: {  	[sflag:s23] =	ssyncset.done $0x0  }
0x156: {  	[sflag:s23] =	ssyncadd.s32 $0xFFFFD800  }
0x157: {  	_ =	swait.ge [sflag:s24], $0x2800  }
0x158: {  	[sflag:s24] =	ssyncset.done $0x0  }
0x159: {  	s30 =	simm.s32 $0x180;
	[sflag:s24] =	ssyncadd.s32 $0xFFFFD800  }
0x15a: {  	[spmem:s3] =	stream.indirect.scatter.add.f32 [tilespmem:s9], [sflag:$0xA], $0x80, s30, s5, $0xb8;
	[tilespmem:$0x1E400] =	vst v63  }
0x15b: {  	_ = 	snop  }
0x15c: {  	[spmem:s3] =	stream.indirect.scatter.add.f32 [tilespmem:s26], [sflag:$0xC], $0x80, s30, s5, $0xb8;
	[tilespmem:$0x1E400] =	vst v63  }
0x15d: {  	_ =	swait.ge [sflag:s25], $0x2800  }
0x15e: {  	[sflag:s25] =	ssyncset.done $0x0  }
0x15f: {  	[sflag:s25] =	ssyncadd.s32 $0xFFFFD800  }
0x160: {  	_ =	swait.ge [sflag:s13], $0x2800  }
0x161: {  	s17 =	rddreg [dreg:$0x5];
	[sflag:s13] =	ssyncset.done $0x0  }
0x162: {  	s28 =	rddreg [dreg:$0x4];
	[sflag:s13] =	ssyncadd.s32 $0xFFFFD800;
	s17 =	sadd.s32 s14, s17  }
0x163: {  	[tilespmem:s30], [sflag:$0x4] =	stream.linear.gather [hbm4b:s17+s4], $0x50, $0x38;
	[tilespmem:$0x1E400] =	vst v63  }
0x164: {  	s14 =	sadd.s32 s14, s28  }
0x165: {  	[tilespmem:s1], [sflag:$0x4] =	stream.linear.gather [hbm4b:s14+s4], $0x50, $0x38;
	[tilespmem:$0x1E400] =	vst v63  }
0x166: {  	_ =	swait.ge [sflag:s10], $0x50  }
0x167: {  	p0 =	sne.s32 s12, $0x488;
	[sflag:s10] =	ssyncset.done $0x0  }
.Ltmp1:
0x168: {  	s12 =	sadd.s32 $0x28, s12;
	[sflag:s10] =	ssyncadd.s32 $0xFFFFFFB0;
	(pc) =	sbr.rel @p0 .LBB2_4-.Ltmp1, $4  }
0x169: {  	s11 =	sadd.s32 $0x140, s11;
	s31 =	simm.s32 $0x300;
	_ =	swait.ge [sflag:s10], $0x50  }
0x16a: {  	s28 =	smov.u32 s0;
	s17 =	simm.s32 $0x380;
	[sflag:s10] =	ssyncset.done $0x0  }
0x16b: {  	s14 =	sadd.s32 $0xA00, s16;
	s16 =	sadd.s32 $0x1400, s16;
	[sflag:s10] =	ssyncadd.s32 $0xFFFFFFB0  }
0x16c: {  	[tilespmem:s9], [sflag:$0x6] =	stream.indirect.gather [hbm4b:s15+s5], $0x80, s7, s5, $0xb8;
	[tilespmem:$0x1E400] =	vst v63  }
0x16d: {  	[tilespmem:s26], [sflag:$0x8] =	stream.linear.gather [hbm4b:s14+s4], $0x2800, $0x38;
	[tilespmem:$0x1E400] =	vst v63  }
0x16e: {  	_ =	swait.ge [sflag:s18], $0x2800  }
0x16f: {  	[sflag:s18] =	ssyncset.done $0x0  }
0x170: {  	[sflag:s18] =	ssyncadd.s32 $0xFFFFD800  }
0x171: {  	_ =	swait.ge [sflag:s19], $0x2800  }
0x172: {  	[sflag:s19] =	ssyncset.done $0x0  }
0x173: {  	[sflag:s19] =	ssyncadd.s32 $0xFFFFD800  }
0x174: {  	[spmem:s3] =	stream.indirect.scatter.add.f32 [tilespmem:s6], [sflag:$0x9], $0x80, s4, s5, $0xb8;
	[tilespmem:$0x1E400] =	vst v63  }
0x175: {  	_ = 	snop  }
0x176: {  	[spmem:s3] =	stream.indirect.scatter.add.f32 [tilespmem:s8], [sflag:$0xB], $0x80, s4, s5, $0xb8;
	[tilespmem:$0x1E400] =	vst v63  }
0x177: {  	_ =	swait.ge [sflag:s20], $0x2800  }
0x178: {  	[sflag:s20] =	ssyncset.done $0x0  }
0x179: {  	[sflag:s20] =	ssyncadd.s32 $0xFFFFD800  }
0x17a: {  	_ =	swait.ge [sflag:s21], $0x2800  }
0x17b: {  	s0 =	sld [smem:$0x7F7]  }
0x17c: {  	[sflag:s21] =	ssyncset.done $0x0  }
0x17d: {  	s12 =	sld [smem:$0x7F8];
	[sflag:s21] =	ssyncadd.s32 $0xFFFFD800  }
0x17e: {  	[tilespmem:s4], [sflag:$0x1] =	stream.linear.gather [hbm4b:s0+s4], $0x50, $0x38;
	[tilespmem:$0x1E400] =	vst v63  }
0x17f: {  	s11 =	simm.s32 $0x200  }
0x180: {  	[tilespmem:s11], [sflag:$0x1] =	stream.linear.gather [hbm4b:s12+s4], $0x50, $0x38;
	[tilespmem:$0x1E400] =	vst v63  }
0x181: {  	_ =	swait.ge [sflag:s22], $0x50  }
0x182: {  	[sflag:s22] =	ssyncset.done $0x0  }
0x183: {  	[sflag:s22] =	ssyncadd.s32 $0xFFFFFFB0  }
0x184: {  	_ =	swait.ge [sflag:s22], $0x50  }
0x185: {  	[sflag:s22] =	ssyncset.done $0x0  }
0x186: {  	s14 =	sld [smem:$0x7F9];
	[sflag:s22] =	ssyncadd.s32 $0xFFFFFFB0  }
0x187: {  	[tilespmem:s6], [sflag:$0x5] =	stream.indirect.gather [hbm4b:s15+s5], $0x80, s31, s5, $0xb8;
	[tilespmem:$0x1E400] =	vst v63  }
0x188: {  	_ = 	snop  }
0x189: {  	[tilespmem:s8], [sflag:$0x7] =	stream.linear.gather [hbm4b:s14+s4], $0x2800, $0x38;
	[tilespmem:$0x1E400] =	vst v63  }
0x18a: {  	_ =	swait.ge [sflag:s23], $0x2800  }
0x18b: {  	[sflag:s23] =	ssyncset.done $0x0  }
0x18c: {  	[sflag:s23] =	ssyncadd.s32 $0xFFFFD800  }
0x18d: {  	_ =	swait.ge [sflag:s24], $0x2800  }
0x18e: {  	[sflag:s24] =	ssyncset.done $0x0  }
0x18f: {  	s16 =	simm.s32 $0x80;
	[sflag:s24] =	ssyncadd.s32 $0xFFFFD800  }
0x190: {  	[spmem:s3] =	stream.indirect.scatter.add.f32 [tilespmem:s9], [sflag:$0xA], $0x80, s16, s5, $0xb8;
	[tilespmem:$0x1E400] =	vst v63  }
0x191: {  	_ = 	snop  }
0x192: {  	[spmem:s3] =	stream.indirect.scatter.add.f32 [tilespmem:s26], [sflag:$0xC], $0x80, s16, s5, $0xb8;
	[tilespmem:$0x1E400] =	vst v63  }
0x193: {  	_ =	swait.ge [sflag:s25], $0x2800  }
0x194: {  	[sflag:s25] =	ssyncset.done $0x0  }
0x195: {  	[sflag:s25] =	ssyncadd.s32 $0xFFFFD800  }
0x196: {  	_ =	swait.ge [sflag:s13], $0x2800  }
0x197: {  	[sflag:s13] =	ssyncset.done $0x0  }
0x198: {  	[sflag:s13] =	ssyncadd.s32 $0xFFFFD800  }
0x199: {  	_ =	swait.ge [sflag:s29], $0x50  }
0x19a: {  	[sflag:s29] =	ssyncset.done $0x0  }
0x19b: {  	[sflag:s29] =	ssyncadd.s32 $0xFFFFFFB0  }
0x19c: {  	_ =	swait.ge [sflag:s29], $0x50  }
0x19d: {  	[sflag:s29] =	ssyncset.done $0x0  }
0x19e: {  	[sflag:s29] =	ssyncadd.s32 $0xFFFFFFB0  }
0x19f: {  	[tilespmem:s9], [sflag:$0x6] =	stream.indirect.gather [hbm4b:s15+s5], $0x80, s17, s5, $0xb8;
	[tilespmem:$0x1E400] =	vst v63  }
0x1a0: {  	s17 =	sld [smem:$0x7FA];
	_ =	sdelay $0x2  }
0x1a1: {  	[tilespmem:s26], [sflag:$0x8] =	stream.linear.gather [hbm4b:s17+s4], $0x2800, $0x38;
	[tilespmem:$0x1E400] =	vst v63  }
0x1a2: {  	_ =	swait.ge [sflag:s18], $0x2800  }
0x1a3: {  	[sflag:s18] =	ssyncset.done $0x0  }
0x1a4: {  	[sflag:s18] =	ssyncadd.s32 $0xFFFFD800  }
0x1a5: {  	_ =	swait.ge [sflag:s19], $0x2800  }
0x1a6: {  	[sflag:s19] =	ssyncset.done $0x0  }
0x1a7: {  	s1 =	simm.s32 $0x100;
	[sflag:s19] =	ssyncadd.s32 $0xFFFFD800  }
0x1a8: {  	[spmem:s3] =	stream.indirect.scatter.add.f32 [tilespmem:s6], [sflag:$0x9], $0x80, s1, s5, $0xb8;
	[tilespmem:$0x1E400] =	vst v63  }
0x1a9: {  	_ = 	snop  }
0x1aa: {  	[spmem:s3] =	stream.indirect.scatter.add.f32 [tilespmem:s8], [sflag:$0xB], $0x80, s1, s5, $0xb8;
	[tilespmem:$0x1E400] =	vst v63  }
0x1ab: {  	_ =	swait.ge [sflag:s20], $0x2800  }
0x1ac: {  	[sflag:s20] =	ssyncset.done $0x0  }
0x1ad: {  	[sflag:s20] =	ssyncadd.s32 $0xFFFFD800  }
0x1ae: {  	_ =	swait.ge [sflag:s21], $0x2800  }
0x1af: {  	[sflag:s21] =	ssyncset.done $0x0  }
0x1b0: {  	[sflag:s21] =	ssyncadd.s32 $0xFFFFD800  }
0x1b1: {  	_ =	swait.ge [sflag:s2], $0x50  }
0x1b2: {  	[sflag:s2] =	ssyncset.done $0x0  }
0x1b3: {  	[sflag:s2] =	ssyncadd.s32 $0xFFFFFFB0  }
0x1b4: {  	_ =	swait.ge [sflag:s2], $0x50  }
0x1b5: {  	[sflag:s2] =	ssyncset.done $0x0  }
0x1b6: {  	[sflag:s2] =	ssyncadd.s32 $0xFFFFFFB0  }
0x1b7: {  	[tilespmem:s6], [sflag:$0x5] =	stream.indirect.gather [hbm4b:s15+s5], $0x80, s11, s5, $0xb8;
	[tilespmem:$0x1E400] =	vst v63  }
0x1b8: {  	s2 =	rddreg [dreg:$0x15]  }
0x1b9: {  	[tilespmem:s8], [sflag:$0x7] =	stream.linear.gather [hbm4b:s2+s4], $0x2800, $0x38;
	[tilespmem:$0x1E400] =	vst v63  }
0x1ba: {  	_ =	swait.ge [sflag:s23], $0x2800  }
0x1bb: {  	[sflag:s23] =	ssyncset.done $0x0  }
0x1bc: {  	[sflag:s23] =	ssyncadd.s32 $0xFFFFD800  }
0x1bd: {  	_ =	swait.ge [sflag:s24], $0x2800  }
0x1be: {  	[sflag:s24] =	ssyncset.done $0x0  }
0x1bf: {  	s7 =	simm.s32 $0x180;
	[sflag:s24] =	ssyncadd.s32 $0xFFFFD800  }
0x1c0: {  	[spmem:s3] =	stream.indirect.scatter.add.f32 [tilespmem:s9], [sflag:$0xA], $0x80, s7, s5, $0xb8;
	[tilespmem:$0x1E400] =	vst v63  }
0x1c1: {  	_ = 	snop  }
0x1c2: {  	[spmem:s3] =	stream.indirect.scatter.add.f32 [tilespmem:s26], [sflag:$0xC], $0x80, s7, s5, $0xb8;
	[tilespmem:$0x1E400] =	vst v63  }
0x1c3: {  	_ =	swait.ge [sflag:s25], $0x2800  }
0x1c4: {  	[sflag:s25] =	ssyncset.done $0x0  }
0x1c5: {  	[sflag:s25] =	ssyncadd.s32 $0xFFFFD800  }
0x1c6: {  	_ =	swait.ge [sflag:s13], $0x2800  }
0x1c7: {  	[sflag:s13] =	ssyncset.done $0x0  }
0x1c8: {  	[sflag:s13] =	ssyncadd.s32 $0xFFFFD800  }
0x1c9: {  	_ =	swait.ge [sflag:s18], $0x2800  }
0x1ca: {  	[sflag:s18] =	ssyncset.done $0x0  }
0x1cb: {  	[sflag:s18] =	ssyncadd.s32 $0xFFFFD800  }
0x1cc: {  	_ =	swait.ge [sflag:s19], $0x2800  }
0x1cd: {  	[sflag:s19] =	ssyncset.done $0x0  }
0x1ce: {  	[sflag:s19] =	ssyncadd.s32 $0xFFFFD800  }
0x1cf: {  	[spmem:s3] =	stream.indirect.scatter.add.f32 [tilespmem:s6], [sflag:$0x9], $0x80, s4, s5, $0xb8;
	[tilespmem:$0x1E400] =	vst v63  }
0x1d0: {  	_ = 	snop  }
0x1d1: {  	[spmem:s3] =	stream.indirect.scatter.add.f32 [tilespmem:s8], [sflag:$0xB], $0x80, s4, s5, $0xb8;
	[tilespmem:$0x1E400] =	vst v63  }
0x1d2: {  	_ =	swait.ge [sflag:s20], $0x2800  }
0x1d3: {  	[sflag:s20] =	ssyncset.done $0x0  }
0x1d4: {  	[sflag:s20] =	ssyncadd.s32 $0xFFFFD800  }
0x1d5: {  	_ =	swait.ge [sflag:s21], $0x2800  }
0x1d6: {  	[sflag:s21] =	ssyncset.done $0x0  }
0x1d7: {  	[sflag:s21] =	ssyncadd.s32 $0xFFFFD800  }
0x1d8: {  	s8 =	stileid.u32;
	[bflag:$0x0] =	sbarrier.arrive $0xFFFF  }
0x1d9: {  	s16 =	simm.s32 $0xD;
	s11 =	sshll.u32 s8, $0x6;
	s9 =	rddreg [dreg:$0x16]  }
0x1da: {  	s11 =	sor.u32 $0x1C0D, s11;
	s10 =	rddreg [dreg:$0xb];
	s12 =	sshrl.u32 s9, $0x3  }
0x1db: {  	[hbm:s10], [sflag:s11] =	dma.local [spmem:s12], $0x500  }
0x1dc: {  	_ =	swait.ge [sflag:s16], $0x500  }
0x1dd: {  	[sflag:s16] =	ssyncset.done $0x0;
	s14 =	rddreg [dreg:$0x17]  }
0x1de: {  	s18 =	rddreg [dreg:$0xc];
	[sflag:s16] =	ssyncadd.s32 $0xFFFFFB00;
	s17 =	sshrl.u32 s14, $0x3  }
0x1df: {  	[hbm:s18], [sflag:s11] =	dma.local [spmem:s17], $0x500  }
0x1e0: {  	_ =	swait.ge [sflag:s16], $0x500  }
0x1e1: {  	[sflag:s16] =	ssyncset.done $0x0;
	s19 =	rddreg [dreg:$0x18]  }
0x1e2: {  	s21 =	rddreg [dreg:$0xd];
	[sflag:s16] =	ssyncadd.s32 $0xFFFFFB00;
	s20 =	sshrl.u32 s19, $0x3  }
0x1e3: {  	[hbm:s21], [sflag:s11] =	dma.local [spmem:s20], $0x500  }
0x1e4: {  	_ =	swait.ge [sflag:s16], $0x500  }
0x1e5: {  	[sflag:s16] =	ssyncset.done $0x0;
	s26 =	rddreg [dreg:$0x19]  }
0x1e6: {  	s1 =	rddreg [dreg:$0xe];
	[sflag:s16] =	ssyncadd.s32 $0xFFFFFB00;
	s0 =	sshrl.u32 s26, $0x3  }
0x1e7: {  	[hbm:s1], [sflag:s11] =	dma.local [spmem:s0], $0x500  }
0x1e8: {  	_ =	swait.ge [sflag:s16], $0x500  }
0x1e9: {  	[sflag:s16] =	ssyncset.done $0x0;
	s2 =	rddreg [dreg:$0x1a]  }
0x1ea: {  	s7 =	rddreg [dreg:$0xf];
	[sflag:s16] =	ssyncadd.s32 $0xFFFFFB00;
	s6 =	sshrl.u32 s2, $0x3  }
0x1eb: {  	[hbm:s7], [sflag:s11] =	dma.local [spmem:s6], $0x500  }
0x1ec: {  	_ =	swait.ge [sflag:s16], $0x500  }
0x1ed: {  	[sflag:s16] =	ssyncset.done $0x0;
	s8 =	rddreg [dreg:$0x1b]  }
0x1ee: {  	s10 =	rddreg [dreg:$0x10];
	[sflag:s16] =	ssyncadd.s32 $0xFFFFFB00;
	s9 =	sshrl.u32 s8, $0x3  }
0x1ef: {  	[hbm:s10], [sflag:s11] =	dma.local [spmem:s9], $0x500  }
0x1f0: {  	_ =	swait.ge [sflag:s16], $0x500  }
0x1f1: {  	[sflag:s16] =	ssyncset.done $0x0;
	s14 =	rddreg [dreg:$0x1c]  }
0x1f2: {  	s18 =	rddreg [dreg:$0x11];
	[sflag:s16] =	ssyncadd.s32 $0xFFFFFB00;
	s17 =	sshrl.u32 s14, $0x3  }
0x1f3: {  	[hbm:s18], [sflag:s11] =	dma.local [spmem:s17], $0x500  }
0x1f4: {  	_ =	swait.ge [sflag:s16], $0x500  }
0x1f5: {  	[sflag:s16] =	ssyncset.done $0x0;
	s17 =	rddreg [dreg:$0x1d]  }
0x1f6: {  	s20 =	rddreg [dreg:$0x12];
	[sflag:s16] =	ssyncadd.s32 $0xFFFFFB00;
	s19 =	sshrl.u32 s17, $0x3  }
0x1f7: {  	[hbm:s20], [sflag:s11] =	dma.local [spmem:s19], $0x500  }
0x1f8: {  	_ =	swait.ge [sflag:s16], $0x500  }
0x1f9: {  	s21 =	sld [smem:$0x7F0]  }
0x1fa: {  	s26 =	sld [smem:$0x7FB];
	_ =	sdelay $0x1  }
0x1fb: {  	s30 =	smov.u32 s15;
	s11 =	sadd.s32 $0x1, s21  }
0x1fc: {  	s15 =	simm.s32 $0x7C00;
	s1 =	simm.s32 $0x180;
	p0 =	sne.s32 s11, s26  }
.Ltmp2:
0x1fd: {  	s6 =	simm.s32 $0x400;
	s7 =	simm.s32 $0x2;
	(pc) =	sbr.rel @p0 .LBB2_1-.Ltmp2, $4  }
0x1fe: {  	s8 =	simm.s32 $0x5400;
	s9 =	simm.s32 $0x2C00;
	s10 =	simm.s32 $0x5  }
0x1ff: {  	s14 =	simm.s32 $0x280;
	s18 =	simm.s32 $0x7;
	s19 =	simm.s32 $0x9  }
0x200: {  	s20 =	simm.s32 $0xB;
	[sflag:s16] =	ssyncset.done $0x0;
	s31 =	rddreg [dreg:$0xa]  }
0x201: {  	[sflag:s16] =	ssyncadd.s32 $0xFFFFFB00;
	s21 =	simm.s32 $0x100;
	s26 =	simm.s32 $0x80  }
0x202: {  	_ =	sfence.sel $0x180000  }
0x203: {  	[bflag:$0x0] =	sbarrier.arrive $0xFFFF  }
0x204: {  	_ =	strace $0x90000047  }
0x205: {  	s0 =	stileid.u32;
	[bflag:$0x2] =	sbarrier.arrive $0xFFFF  }
0x206: {  	p0 =	sne.s32 s0, $0x0;
	s0 =	rddreg [dreg:$0x3]  }
0x207: {  	s0 =	sadd.s32 @!p0 $0x100000, s0  }
0x208: {  	[sflag:s0] =	ssyncadd.tile.s32 @!p0 $0x1;
	_ =	shalt  }
.Lfunc_end2:
_tile_overlayer_lowered:
.L_overlay_start_2:
0x209: {  	(tag) =	ssettag $0x2  }
0x20a: {  	s0 =	rddreg [dreg:$0x0];
	s2 =	stileid.u32  }
0x20b: {  	s1 =	rddreg [dreg:$0x1];
	p0 =	sne.s32 s2, $0x0  }
0x20c: {  	s3 =	rddreg [dreg:$0x2];
	[bflag:$0x3] =	sbarrier.arrive $0xFFFF;
	s2 =	simm.s32 @!p0 $0x1C0D  }
0x20d: {  	[timem:s3], [sflag:s2] =	dma.local @!p0 [hbm:s0], s1  }
0x20e: {  	s0 =	simm.s32 @!p0 $0xD  }
0x20f: {  	_ =	swait.ge @!p0 [sflag:s0], s1  }
0x210: {  	s1 =	ssub.s32 @!p0 $0x0, s1;
	[sflag:s0] =	ssyncset.done @!p0 $0x0  }
0x211: {  	[sflag:s0] =	ssyncadd.s32 @!p0 s1  }
0x212: {  	[bflag:$0x3] =	sbarrier.arrive $0xFFFF  }
0x213: {  	_ =	shalt  }

</sc_bundles>
